<compile_context>
chip_gen: v7x
topology: tpu7x:2x2x1
jax: 0.10.2.dev20260603
libtpu: 0.0.44.dev20260713+nightly
codegen_flags: <defaults>
</compile_context>

<pallas_src>
import jax
import jax.numpy as jnp
from jax import lax
from jax.experimental import pallas as pl
from jax.experimental.pallas import tpu as pltpu, tpu_sc as plsc

N_M = 10000
N_D = 10000
E = 320000
D = 128
L = 100000

NC = 2
NS = 16
NW = NC * NS
CHUNK = 128
CH_E = 80
CH_H = CH_E // 2
EPAD = NW * CH_E * CHUNK
NDP = 10240
RPT = NDP // NS
CH_L = 25
LPAD = NW * CH_L * CHUNK

_MESH = dict(core_axis_name="c", subcore_axis_name="s",
             num_cores=NC, num_subcores=NS)



def _seg_sum_body(x_hbm, isrc_hbm, idst_hbm, zrow_hbm, sums_out,
                  idx_s, idx_d, rows, sem, acc):
    c = lax.axis_index("c")
    s = lax.axis_index("s")
    wid = s * NC + c
    pltpu.sync_copy(zrow_hbm, rows)
    for r in range(RPT // CHUNK):
        pltpu.sync_copy(rows, acc.at[pl.ds(s * RPT + r * CHUNK, CHUNK)])
    plsc.subcore_barrier()

    def body(j, carry):
        pltpu.async_copy(x_hbm.at[idx_s.at[j]], rows, sem).wait()
        pltpu.sync_copy(rows, acc.at[idx_d.at[j]], add=True)
        return carry

    for h in range(2):
        pltpu.sync_copy(isrc_hbm.at[wid * 2 + h], idx_s)
        pltpu.sync_copy(idst_hbm.at[wid * 2 + h], idx_d)
        lax.fori_loop(0, CH_H, body, 0)
    plsc.subcore_barrier()
    base = c * NDP + s * RPT
    for r in range(RPT // CHUNK):
        pltpu.sync_copy(acc.at[pl.ds(s * RPT + r * CHUNK, CHUNK)], rows)
        pltpu.sync_copy(rows, sums_out.at[pl.ds(base + r * CHUNK, CHUNK)])


_seg_sum = pl.kernel(
    _seg_sum_body,
    out_type=(jax.ShapeDtypeStruct((NC * NDP, D), jnp.float32),),
    mesh=plsc.VectorSubcoreMesh(**_MESH),
    scratch_types=[
        pltpu.VMEM((CH_H, CHUNK), jnp.int32),
        pltpu.VMEM((CH_H, CHUNK), jnp.int32),
        pltpu.VMEM((CHUNK, D), jnp.float32),
        pltpu.SemaphoreType.DMA,
        pltpu.VMEM_SHARED((NDP, D), jnp.float32),
    ],
    name="seg_sum_sc")


def _cnt_body(idst_hbm, ones_hbm, zrow_hbm, cnts_out, idx_d, rows, acc):
    c = lax.axis_index("c")
    s = lax.axis_index("s")
    wid = s * NC + c
    pltpu.sync_copy(zrow_hbm, rows)
    for r in range(RPT // CHUNK):
        pltpu.sync_copy(rows, acc.at[pl.ds(s * RPT + r * CHUNK, CHUNK)])
    pltpu.sync_copy(ones_hbm, rows)
    plsc.subcore_barrier()

    def body(j, carry):
        pltpu.sync_copy(rows, acc.at[idx_d.at[j]], add=True)
        return carry

    for h in range(2):
        pltpu.sync_copy(idst_hbm.at[wid * 2 + h], idx_d)
        lax.fori_loop(0, CH_H, body, 0)
    plsc.subcore_barrier()
    base = c * NDP + s * RPT
    for r in range(RPT // CHUNK):
        pltpu.sync_copy(acc.at[pl.ds(s * RPT + r * CHUNK, CHUNK)], rows)
        pltpu.sync_copy(rows, cnts_out.at[pl.ds(base + r * CHUNK, CHUNK)])


_cnt_sum = pl.kernel(
    _cnt_body,
    out_type=(jax.ShapeDtypeStruct((NC * NDP, D), jnp.float32),),
    mesh=plsc.VectorSubcoreMesh(**_MESH),
    scratch_types=[
        pltpu.VMEM((CH_H, CHUNK), jnp.int32),
        pltpu.VMEM((CHUNK, D), jnp.float32),
        pltpu.VMEM_SHARED((NDP, D), jnp.float32),
    ],
    name="cnt_sum_sc")


def _gather_body(zm_hbm, zd_hbm, im_hbm, id_hbm, gm_out, gd_out,
                 idx_v, rows, sem):
    c = lax.axis_index("c")
    s = lax.axis_index("s")
    wid = s * NC + c
    for z_hbm, i_hbm, out in ((zm_hbm, im_hbm, gm_out), (zd_hbm, id_hbm, gd_out)):
        pltpu.sync_copy(i_hbm.at[wid], idx_v)

        def body(j, carry):
            pltpu.async_copy(z_hbm.at[idx_v.at[j]], rows, sem).wait()
            pltpu.sync_copy(
                rows, out.at[pl.ds(wid * (CH_L * CHUNK) + j * CHUNK, CHUNK)])
            return carry

        lax.fori_loop(0, CH_L, body, 0)


_gather_pairs = pl.kernel(
    _gather_body,
    out_type=(jax.ShapeDtypeStruct((LPAD, D), jnp.float32),
              jax.ShapeDtypeStruct((LPAD, D), jnp.float32)),
    mesh=plsc.VectorSubcoreMesh(**_MESH),
    scratch_types=[
        pltpu.VMEM((CH_L, CHUNK), jnp.int32),
        pltpu.VMEM((CHUNK, D), jnp.float32),
        pltpu.SemaphoreType.DMA,
    ],
    name="gather_pairs_sc")



_RB = 1000


def _sage_dense_relu_body(p_ref, c_ref, x_ref, wl_ref, wr_ref, b_ref, o_ref):
    _sage_dense_common(True, p_ref, c_ref, x_ref, wl_ref, wr_ref, b_ref, o_ref)


def _sage_dense_lin_body(p_ref, c_ref, x_ref, wl_ref, wr_ref, b_ref, o_ref):
    _sage_dense_common(False, p_ref, c_ref, x_ref, wl_ref, wr_ref, b_ref, o_ref)


def _sage_dense_common(relu, p_ref, c_ref, x_ref, wl_ref, wr_ref, b_ref, o_ref):
    ps = p_ref[0] + p_ref[1]
    cnt = (c_ref[0] + c_ref[1])[:, 0:1]
    mean = ps / jnp.maximum(cnt, 1.0)
    acc = jnp.dot(mean, wl_ref[...], preferred_element_type=jnp.float32)
    acc = acc + jnp.dot(x_ref[...], wr_ref[...], preferred_element_type=jnp.float32)
    acc = acc + b_ref[...]
    o_ref[...] = jnp.maximum(acc, 0.0) if relu else acc


def _sage_dense(p, cnt, x, w_l, b_l, w_r, relu):
    n = x.shape[0]
    grid = n // _RB
    return pl.pallas_call(
        _sage_dense_relu_body if relu else _sage_dense_lin_body,
        grid=(grid,),
        in_specs=[
            pl.BlockSpec((NC, _RB, D), lambda i: (0, i, 0)),
            pl.BlockSpec((NC, _RB, D), lambda i: (0, i, 0)),
            pl.BlockSpec((_RB, D), lambda i: (i, 0)),
            pl.BlockSpec((D, D), lambda i: (0, 0)),
            pl.BlockSpec((D, D), lambda i: (0, 0)),
            pl.BlockSpec((1, D), lambda i: (0, 0)),
        ],
        out_specs=pl.BlockSpec((_RB, D), lambda i: (i, 0)),
        out_shape=jax.ShapeDtypeStruct((n, D), jnp.float32),
    )(p, cnt, x, w_l, w_r, b_l)


_DB = 2048


def _decoder_body(gm_ref, gd_ref, w1_ref, b1_ref, w2_ref, b2_ref, o_ref):
    z = jnp.dot(gm_ref[...], w1_ref[0:D, :], preferred_element_type=jnp.float32)
    z = z + jnp.dot(gd_ref[...], w1_ref[D:2 * D, :],
                    preferred_element_type=jnp.float32)
    z = jnp.maximum(z + b1_ref[...], 0.0)
    o_ref[...] = jnp.dot(z, w2_ref[...], preferred_element_type=jnp.float32) \
        + b2_ref[...]


def _decoder(gm, gd, w1, b1, w2, b2):
    grid = LPAD // _DB
    return pl.pallas_call(
        _decoder_body,
        grid=(grid,),
        in_specs=[
            pl.BlockSpec((_DB, D), lambda i: (i, 0)),
            pl.BlockSpec((_DB, D), lambda i: (i, 0)),
            pl.BlockSpec((2 * D, D), lambda i: (0, 0)),
            pl.BlockSpec((1, D), lambda i: (0, 0)),
            pl.BlockSpec((D, 1), lambda i: (0, 0)),
            pl.BlockSpec((1, 1), lambda i: (0, 0)),
        ],
        out_specs=pl.BlockSpec((_DB, 1), lambda i: (i, 0)),
        out_shape=jax.ShapeDtypeStruct((LPAD, 1), jnp.float32),
    )(gm, gd, w1, b1, w2, b2)



def _pad_edge_idx(idx, n_pad, pad_val_base):
    npad = n_pad - idx.shape[0]
    pad = pad_val_base + (jnp.arange(npad, dtype=jnp.int32) % (NDP - N_D))
    return jnp.concatenate([idx.astype(jnp.int32), pad]).reshape(NW, -1, CHUNK)


def kernel(x_microbes, x_diseases, edge_index_m2d, edge_index_d2m,
           edge_label_index,
           W1_l_m2d, b1_m2d, W1_r_m2d, W1_l_d2m, b1_d2m, W1_r_d2m,
           W2_l_m2d, b2_m2d, W2_r_m2d, W2_l_d2m, b2_d2m, W2_r_d2m,
           Wd1, bd1, Wd2, bd2):
    zrow = jnp.zeros((CHUNK, D), jnp.float32)
    ones_blk = jnp.ones((CHUNK, D), jnp.float32)

    src_m2d = _pad_edge_idx(edge_index_m2d[0], EPAD, 0).reshape(NW * 2, CH_H, CHUNK)
    dst_m2d = _pad_edge_idx(edge_index_m2d[1], EPAD, N_D).reshape(NW * 2, CH_H, CHUNK)
    src_d2m = _pad_edge_idx(edge_index_d2m[0], EPAD, 0).reshape(NW * 2, CH_H, CHUNK)
    dst_d2m = _pad_edge_idx(edge_index_d2m[1], EPAD, N_M).reshape(NW * 2, CH_H, CHUNK)
    row_lbl = _pad_edge_idx(edge_label_index[0], LPAD, 0)
    col_lbl = _pad_edge_idx(edge_label_index[1], LPAD, 0)

    b1_m2d_2 = b1_m2d.reshape(1, D)
    b1_d2m_2 = b1_d2m.reshape(1, D)
    b2_m2d_2 = b2_m2d.reshape(1, D)
    b2_d2m_2 = b2_d2m.reshape(1, D)

    (p_d,) = _seg_sum(x_microbes, src_m2d, dst_m2d, zrow)
    (p_m,) = _seg_sum(x_diseases, src_d2m, dst_d2m, zrow)
    (c_d,) = _cnt_sum(dst_m2d, ones_blk, zrow)
    (c_m,) = _cnt_sum(dst_d2m, ones_blk, zrow)
    p_d = p_d.reshape(NC, NDP, D)
    p_m = p_m.reshape(NC, NDP, D)
    c_d = c_d.reshape(NC, NDP, D)
    c_m = c_m.reshape(NC, NDP, D)
    h_d = _sage_dense(p_d, c_d, x_diseases, W1_l_m2d, b1_m2d_2, W1_r_m2d, True)
    h_m = _sage_dense(p_m, c_m, x_microbes, W1_l_d2m, b1_d2m_2, W1_r_d2m, True)

    (q_d,) = _seg_sum(h_m, src_m2d, dst_m2d, zrow)
    (q_m,) = _seg_sum(h_d, src_d2m, dst_d2m, zrow)
    q_d = q_d.reshape(NC, NDP, D)
    q_m = q_m.reshape(NC, NDP, D)
    z_d = _sage_dense(q_d, c_d, h_d, W2_l_m2d, b2_m2d_2, W2_r_m2d, False)
    z_m = _sage_dense(q_m, c_m, h_m, W2_l_d2m, b2_d2m_2, W2_r_d2m, False)

    g_m, g_d = _gather_pairs(z_m, z_d, row_lbl, col_lbl)
    out = _decoder(g_m, g_d, Wd1, bd1.reshape(1, D), Wd2, bd2.reshape(1, 1))
    return out[:L]

# --- scband reference (transcript-rebuilt; emitter-appended) ---
"""Pipeline reference for scband-model-32186484916770 (READ-ONLY COPY).

The authoritative reference and input builder live on the scoring server;
editing this copy changes nothing except your own understanding.
"""

import jax, jax.numpy as jnp
import numpy as np

N_M = 10000  # microbes
N_D = 10000  # diseases
E = 320000   # edges per directed edge type
D = 128      # input feature dim
H = 128      # hidden_channels
L = 100000   # labeled edges


def _sage_conv(x_src, x_dst, edge_index, W_l, b_l, W_r):
    # PyG SAGEConv bipartite, aggr='mean', root_weight=True, lin_l has bias, lin_r no bias
    src = edge_index[0]
    dst = edge_index[1]
    msgs = jnp.take(x_src, src, axis=0)
    summed = jax.ops.segment_sum(msgs, dst, num_segments=x_dst.shape[0])
    cnt = jax.ops.segment_sum(jnp.ones((src.shape[0], 1), dtype=x_src.dtype), dst, num_segments=x_dst.shape[0])
    mean = summed / jnp.clip(cnt, 1.0, None)
    return mean @ W_l + b_l + x_dst @ W_r


def setup_inputs(seed: int = 0) -> dict:
    key = jax.random.key(seed)
    ks = jax.random.split(key, 24)
    inp = {}
    inp['x_microbes'] = jax.random.normal(ks[0], (N_M, D), dtype=jnp.float32)
    inp['x_diseases'] = jax.random.normal(ks[1], (N_D, D), dtype=jnp.float32)
    inp['edge_index_m2d'] = jnp.stack([
        jax.random.randint(ks[2], (E,), 0, N_M),
        jax.random.randint(ks[3], (E,), 0, N_D)])
    inp['edge_index_d2m'] = jnp.stack([
        jax.random.randint(ks[4], (E,), 0, N_D),
        jax.random.randint(ks[5], (E,), 0, N_M)])
    inp['edge_label_index'] = jnp.stack([
        jax.random.randint(ks[6], (L,), 0, N_M),
        jax.random.randint(ks[7], (L,), 0, N_D)])

    def lin(k, fi, fo):
        return (jax.random.normal(k, (fi, fo), dtype=jnp.float32) / np.sqrt(fi)).astype(jnp.float32)

    # to_hetero duplicates SAGEConv per edge type; layer 1
    inp['W1_l_m2d'] = lin(ks[8], D, H);  inp['b1_m2d'] = jnp.zeros((H,), jnp.float32); inp['W1_r_m2d'] = lin(ks[9], D, H)
    inp['W1_l_d2m'] = lin(ks[10], D, H); inp['b1_d2m'] = jnp.zeros((H,), jnp.float32); inp['W1_r_d2m'] = lin(ks[11], D, H)
    # layer 2
    inp['W2_l_m2d'] = lin(ks[12], H, H); inp['b2_m2d'] = jnp.zeros((H,), jnp.float32); inp['W2_r_m2d'] = lin(ks[13], H, H)
    inp['W2_l_d2m'] = lin(ks[14], H, H); inp['b2_d2m'] = jnp.zeros((H,), jnp.float32); inp['W2_r_d2m'] = lin(ks[15], H, H)
    # EdgeDecoder
    inp['Wd1'] = lin(ks[16], 2 * H, H); inp['bd1'] = jnp.zeros((H,), jnp.float32)
    inp['Wd2'] = lin(ks[17], H, 1);     inp['bd2'] = jnp.zeros((1,), jnp.float32)
    return inp


def reference(x_microbes, x_diseases, edge_index_m2d, edge_index_d2m, edge_label_index,
              W1_l_m2d, b1_m2d, W1_r_m2d, W1_l_d2m, b1_d2m, W1_r_d2m,
              W2_l_m2d, b2_m2d, W2_r_m2d, W2_l_d2m, b2_d2m, W2_r_d2m,
              Wd1, bd1, Wd2, bd2):
    # GNNEncoder via to_hetero(aggr='sum'); each node type has one incoming edge type
    h_d = jax.nn.relu(_sage_conv(x_microbes, x_diseases, edge_index_m2d, W1_l_m2d, b1_m2d, W1_r_m2d))
    h_m = jax.nn.relu(_sage_conv(x_diseases, x_microbes, edge_index_d2m, W1_l_d2m, b1_d2m, W1_r_d2m))
    z_d = _sage_conv(h_m, h_d, edge_index_m2d, W2_l_m2d, b2_m2d, W2_r_m2d)
    z_m = _sage_conv(h_d, h_m, edge_index_d2m, W2_l_d2m, b2_d2m, W2_r_d2m)
    # EdgeDecoder
    row = edge_label_index[0]
    col = edge_label_index[1]
    z = jnp.concatenate([jnp.take(z_m, row, axis=0), jnp.take(z_d, col, axis=0)], axis=-1)
    z = jax.nn.relu(z @ Wd1 + bd1)
    z = z @ Wd2 + bd2
    return z

if __name__ == "__main__":
    import jax
    _d = setup_inputs()
    print(jax.jit(kernel)(*tuple(_d.values())))

</pallas_src>

<mosaic_0001>
#map = affine_map<(d0, d1) -> (0, 0, 0)>
#map1 = affine_map<(d0, d1) -> (0, 0)>
module attributes {stable_mosaic.version = 14 : i64} {
  func.func @cnt_sum_sc(%arg0: i32, %arg1: i32, %arg2: memref<64x40x128xi32, #tpu.memory_space<hbm>>, %arg3: memref<128x128xf32, #tpu.memory_space<hbm>>, %arg4: memref<128x128xf32, #tpu.memory_space<hbm>>, %arg5: memref<20480x128xf32, #tpu.memory_space<hbm>>, %arg6: memref<40x128xi32, #tpu.memory_space<vmem>>, %arg7: memref<128x128xf32, #tpu.memory_space<vmem>>, %arg8: memref<10240x128xf32, #tpu.memory_space<vmem_shared>>) attributes {dimension_semantics = [#tpu.dimension_semantics<core_parallel>, #tpu.dimension_semantics<subcore_parallel>], iteration_bounds = array<i64: 2, 16>, scalar_prefetch = 0 : i64, scratch_operands = 3 : i64, tpu.core_type = #tpu.core_type<sc_vector_subcore>, window_params = [{transform_indices = #map}, {transform_indices = #map1}, {transform_indices = #map1}, {transform_indices = #map1}]} {
    %mul3A = arith.constant 2 : i32
    %mul3A_0 = arith.muli %arg1, %mul3A : i32
    %add3A = arith.addi %mul3A_0, %arg0 : i32
    "tpu.region"() ({
      %run_scoped3A = tpu.sem_alloc : memref<!tpu.dma_semaphore, #tpu.memory_space<semaphore_mem>>
      tpu.enqueue_dma source(%arg4 : memref<128x128xf32, #tpu.memory_space<hbm>>) target(%arg7 : memref<128x128xf32, #tpu.memory_space<vmem>>) target_semaphore(%run_scoped3A : memref<!tpu.dma_semaphore, #tpu.memory_space<semaphore_mem>>)
      tpu.wait_dma2 semaphore(%run_scoped3A : memref<!tpu.dma_semaphore, #tpu.memory_space<semaphore_mem>>) src(%arg4 : memref<128x128xf32, #tpu.memory_space<hbm>>) dst(%arg7 : memref<128x128xf32, #tpu.memory_space<vmem>>)
      tpu.yield
    }) : () -> ()
    %mul3A_1 = arith.constant 640 : i32
    %mul3A_2 = arith.muli %arg1, %mul3A_1 : i32
    %add3A_3 = arith.constant 0 : i32
    %add3A_4 = arith.addi %mul3A_2, %add3A_3 : i32
    "tpu.region"() ({
      %run_scoped3A = tpu.sem_alloc : memref<!tpu.dma_semaphore, #tpu.memory_space<semaphore_mem>>
      %dma_start3A = arith.constant 0 : i32
      %dma_start3A_76 = tpu.memref_slice %arg8[%add3A_4, %dma_start3A] : memref<10240x128xf32, #tpu.memory_space<vmem_shared>> -> memref<128x128xf32, #tpu.memory_space<vmem_shared>>
      %dma_start3A_77 = arith.constant 0 : i32
      %dma_start3A_78 = tpu.memref_slice %arg8[%add3A_4, %dma_start3A_77] : memref<10240x128xf32, #tpu.memory_space<vmem_shared>> -> memref<128x128xf32, #tpu.memory_space<vmem_shared>>
      tpu.enqueue_dma source(%arg7 : memref<128x128xf32, #tpu.memory_space<vmem>>) target(%dma_start3A_78 : memref<128x128xf32, #tpu.memory_space<vmem_shared>>) target_semaphore(%run_scoped3A : memref<!tpu.dma_semaphore, #tpu.memory_space<semaphore_mem>>)
      %dma_wait3A = arith.constant 0 : i32
      %dma_wait3A_79 = tpu.memref_slice %arg8[%add3A_4, %dma_wait3A] : memref<10240x128xf32, #tpu.memory_space<vmem_shared>> -> memref<128x128xf32, #tpu.memory_space<vmem_shared>>
      %dma_wait3A_80 = arith.constant 0 : i32
      %dma_wait3A_81 = tpu.memref_slice %arg8[%add3A_4, %dma_wait3A_80] : memref<10240x128xf32, #tpu.memory_space<vmem_shared>> -> memref<128x128xf32, #tpu.memory_space<vmem_shared>>
      tpu.wait_dma2 semaphore(%run_scoped3A : memref<!tpu.dma_semaphore, #tpu.memory_space<semaphore_mem>>) src(%arg7 : memref<128x128xf32, #tpu.memory_space<vmem>>) dst(%dma_wait3A_81 : memref<128x128xf32, #tpu.memory_space<vmem_shared>>)
      tpu.yield
    }) : () -> ()
    %mul3A_5 = arith.constant 640 : i32
    %mul3A_6 = arith.muli %arg1, %mul3A_5 : i32
    %add3A_7 = arith.constant 128 : i32
    %add3A_8 = arith.addi %mul3A_6, %add3A_7 : i32
    "tpu.region"() ({
      %run_scoped3A = tpu.sem_alloc : memref<!tpu.dma_semaphore, #tpu.memory_space<semaphore_mem>>
      %dma_start3A = arith.constant 0 : i32
      %dma_start3A_76 = tpu.memref_slice %arg8[%add3A_8, %dma_start3A] : memref<10240x128xf32, #tpu.memory_space<vmem_shared>> -> memref<128x128xf32, #tpu.memory_space<vmem_shared>>
      %dma_start3A_77 = arith.constant 0 : i32
      %dma_start3A_78 = tpu.memref_slice %arg8[%add3A_8, %dma_start3A_77] : memref<10240x128xf32, #tpu.memory_space<vmem_shared>> -> memref<128x128xf32, #tpu.memory_space<vmem_shared>>
      tpu.enqueue_dma source(%arg7 : memref<128x128xf32, #tpu.memory_space<vmem>>) target(%dma_start3A_78 : memref<128x128xf32, #tpu.memory_space<vmem_shared>>) target_semaphore(%run_scoped3A : memref<!tpu.dma_semaphore, #tpu.memory_space<semaphore_mem>>)
      %dma_wait3A = arith.constant 0 : i32
      %dma_wait3A_79 = tpu.memref_slice %arg8[%add3A_8, %dma_wait3A] : memref<10240x128xf32, #tpu.memory_space<vmem_shared>> -> memref<128x128xf32, #tpu.memory_space<vmem_shared>>
      %dma_wait3A_80 = arith.constant 0 : i32
      %dma_wait3A_81 = tpu.memref_slice %arg8[%add3A_8, %dma_wait3A_80] : memref<10240x128xf32, #tpu.memory_space<vmem_shared>> -> memref<128x128xf32, #tpu.memory_space<vmem_shared>>
      tpu.wait_dma2 semaphore(%run_scoped3A : memref<!tpu.dma_semaphore, #tpu.memory_space<semaphore_mem>>) src(%arg7 : memref<128x128xf32, #tpu.memory_space<vmem>>) dst(%dma_wait3A_81 : memref<128x128xf32, #tpu.memory_space<vmem_shared>>)
      tpu.yield
    }) : () -> ()
    %mul3A_9 = arith.constant 640 : i32
    %mul3A_10 = arith.muli %arg1, %mul3A_9 : i32
    %add3A_11 = arith.constant 256 : i32
    %add3A_12 = arith.addi %mul3A_10, %add3A_11 : i32
    "tpu.region"() ({
      %run_scoped3A = tpu.sem_alloc : memref<!tpu.dma_semaphore, #tpu.memory_space<semaphore_mem>>
      %dma_start3A = arith.constant 0 : i32
      %dma_start3A_76 = tpu.memref_slice %arg8[%add3A_12, %dma_start3A] : memref<10240x128xf32, #tpu.memory_space<vmem_shared>> -> memref<128x128xf32, #tpu.memory_space<vmem_shared>>
      %dma_start3A_77 = arith.constant 0 : i32
      %dma_start3A_78 = tpu.memref_slice %arg8[%add3A_12, %dma_start3A_77] : memref<10240x128xf32, #tpu.memory_space<vmem_shared>> -> memref<128x128xf32, #tpu.memory_space<vmem_shared>>
      tpu.enqueue_dma source(%arg7 : memref<128x128xf32, #tpu.memory_space<vmem>>) target(%dma_start3A_78 : memref<128x128xf32, #tpu.memory_space<vmem_shared>>) target_semaphore(%run_scoped3A : memref<!tpu.dma_semaphore, #tpu.memory_space<semaphore_mem>>)
      %dma_wait3A = arith.constant 0 : i32
      %dma_wait3A_79 = tpu.memref_slice %arg8[%add3A_12, %dma_wait3A] : memref<10240x128xf32, #tpu.memory_space<vmem_shared>> -> memref<128x128xf32, #tpu.memory_space<vmem_shared>>
      %dma_wait3A_80 = arith.constant 0 : i32
      %dma_wait3A_81 = tpu.memref_slice %arg8[%add3A_12, %dma_wait3A_80] : memref<10240x128xf32, #tpu.memory_space<vmem_shared>> -> memref<128x128xf32, #tpu.memory_space<vmem_shared>>
      tpu.wait_dma2 semaphore(%run_scoped3A : memref<!tpu.dma_semaphore, #tpu.memory_space<semaphore_mem>>) src(%arg7 : memref<128x128xf32, #tpu.memory_space<vmem>>) dst(%dma_wait3A_81 : memref<128x128xf32, #tpu.memory_space<vmem_shared>>)
      tpu.yield
    }) : () -> ()
    %mul3A_13 = arith.constant 640 : i32
    %mul3A_14 = arith.muli %arg1, %mul3A_13 : i32
    %add3A_15 = arith.constant 384 : i32
    %add3A_16 = arith.addi %mul3A_14, %add3A_15 : i32
    "tpu.region"() ({
      %run_scoped3A = tpu.sem_alloc : memref<!tpu.dma_semaphore, #tpu.memory_space<semaphore_mem>>
      %dma_start3A = arith.constant 0 : i32
      %dma_start3A_76 = tpu.memref_slice %arg8[%add3A_16, %dma_start3A] : memref<10240x128xf32, #tpu.memory_space<vmem_shared>> -> memref<128x128xf32, #tpu.memory_space<vmem_shared>>
      %dma_start3A_77 = arith.constant 0 : i32
      %dma_start3A_78 = tpu.memref_slice %arg8[%add3A_16, %dma_start3A_77] : memref<10240x128xf32, #tpu.memory_space<vmem_shared>> -> memref<128x128xf32, #tpu.memory_space<vmem_shared>>
      tpu.enqueue_dma source(%arg7 : memref<128x128xf32, #tpu.memory_space<vmem>>) target(%dma_start3A_78 : memref<128x128xf32, #tpu.memory_space<vmem_shared>>) target_semaphore(%run_scoped3A : memref<!tpu.dma_semaphore, #tpu.memory_space<semaphore_mem>>)
      %dma_wait3A = arith.constant 0 : i32
      %dma_wait3A_79 = tpu.memref_slice %arg8[%add3A_16, %dma_wait3A] : memref<10240x128xf32, #tpu.memory_space<vmem_shared>> -> memref<128x128xf32, #tpu.memory_space<vmem_shared>>
      %dma_wait3A_80 = arith.constant 0 : i32
      %dma_wait3A_81 = tpu.memref_slice %arg8[%add3A_16, %dma_wait3A_80] : memref<10240x128xf32, #tpu.memory_space<vmem_shared>> -> memref<128x128xf32, #tpu.memory_space<vmem_shared>>
      tpu.wait_dma2 semaphore(%run_scoped3A : memref<!tpu.dma_semaphore, #tpu.memory_space<semaphore_mem>>) src(%arg7 : memref<128x128xf32, #tpu.memory_space<vmem>>) dst(%dma_wait3A_81 : memref<128x128xf32, #tpu.memory_space<vmem_shared>>)
      tpu.yield
    }) : () -> ()
    %mul3A_17 = arith.constant 640 : i32
    %mul3A_18 = arith.muli %arg1, %mul3A_17 : i32
    %add3A_19 = arith.constant 512 : i32
    %add3A_20 = arith.addi %mul3A_18, %add3A_19 : i32
    "tpu.region"() ({
      %run_scoped3A = tpu.sem_alloc : memref<!tpu.dma_semaphore, #tpu.memory_space<semaphore_mem>>
      %dma_start3A = arith.constant 0 : i32
      %dma_start3A_76 = tpu.memref_slice %arg8[%add3A_20, %dma_start3A] : memref<10240x128xf32, #tpu.memory_space<vmem_shared>> -> memref<128x128xf32, #tpu.memory_space<vmem_shared>>
      %dma_start3A_77 = arith.constant 0 : i32
      %dma_start3A_78 = tpu.memref_slice %arg8[%add3A_20, %dma_start3A_77] : memref<10240x128xf32, #tpu.memory_space<vmem_shared>> -> memref<128x128xf32, #tpu.memory_space<vmem_shared>>
      tpu.enqueue_dma source(%arg7 : memref<128x128xf32, #tpu.memory_space<vmem>>) target(%dma_start3A_78 : memref<128x128xf32, #tpu.memory_space<vmem_shared>>) target_semaphore(%run_scoped3A : memref<!tpu.dma_semaphore, #tpu.memory_space<semaphore_mem>>)
      %dma_wait3A = arith.constant 0 : i32
      %dma_wait3A_79 = tpu.memref_slice %arg8[%add3A_20, %dma_wait3A] : memref<10240x128xf32, #tpu.memory_space<vmem_shared>> -> memref<128x128xf32, #tpu.memory_space<vmem_shared>>
      %dma_wait3A_80 = arith.constant 0 : i32
      %dma_wait3A_81 = tpu.memref_slice %arg8[%add3A_20, %dma_wait3A_80] : memref<10240x128xf32, #tpu.memory_space<vmem_shared>> -> memref<128x128xf32, #tpu.memory_space<vmem_shared>>
      tpu.wait_dma2 semaphore(%run_scoped3A : memref<!tpu.dma_semaphore, #tpu.memory_space<semaphore_mem>>) src(%arg7 : memref<128x128xf32, #tpu.memory_space<vmem>>) dst(%dma_wait3A_81 : memref<128x128xf32, #tpu.memory_space<vmem_shared>>)
      tpu.yield
    }) : () -> ()
    "tpu.region"() ({
      %run_scoped3A = tpu.sem_alloc : memref<!tpu.dma_semaphore, #tpu.memory_space<semaphore_mem>>
      tpu.enqueue_dma source(%arg3 : memref<128x128xf32, #tpu.memory_space<hbm>>) target(%arg7 : memref<128x128xf32, #tpu.memory_space<vmem>>) target_semaphore(%run_scoped3A : memref<!tpu.dma_semaphore, #tpu.memory_space<semaphore_mem>>)
      tpu.wait_dma2 semaphore(%run_scoped3A : memref<!tpu.dma_semaphore, #tpu.memory_space<semaphore_mem>>) src(%arg3 : memref<128x128xf32, #tpu.memory_space<hbm>>) dst(%arg7 : memref<128x128xf32, #tpu.memory_space<vmem>>)
      tpu.yield
    }) : () -> ()
    %barrier3A = arith.constant 0 : index
    tpu.barrier barrier_id(%barrier3A)
    %mul3A_21 = arith.constant 2 : i32
    %mul3A_22 = arith.muli %add3A, %mul3A_21 : i32
    %add3A_23 = arith.constant 0 : i32
    %add3A_24 = arith.addi %mul3A_22, %add3A_23 : i32
    "tpu.region"() ({
      %run_scoped3A = tpu.sem_alloc : memref<!tpu.dma_semaphore, #tpu.memory_space<semaphore_mem>>
      %dma_start3A = arith.constant 0 : i32
      %dma_start3A_76 = arith.constant 0 : i32
      %dma_start3A_77 = tpu.memref_slice %arg2[%add3A_24, %dma_start3A, %dma_start3A_76] : memref<64x40x128xi32, #tpu.memory_space<hbm>> -> memref<1x40x128xi32, #tpu.memory_space<hbm>>
      %dma_start3A_78 = tpu.memref_squeeze %dma_start3A_77 : memref<1x40x128xi32, #tpu.memory_space<hbm>> -> memref<40x128xi32, #tpu.memory_space<hbm>>
      %dma_start3A_79 = arith.constant 0 : i32
      %dma_start3A_80 = arith.constant 0 : i32
      %dma_start3A_81 = tpu.memref_slice %arg2[%add3A_24, %dma_start3A_79, %dma_start3A_80] : memref<64x40x128xi32, #tpu.memory_space<hbm>> -> memref<1x40x128xi32, #tpu.memory_space<hbm>>
      %dma_start3A_82 = tpu.memref_squeeze %dma_start3A_81 : memref<1x40x128xi32, #tpu.memory_space<hbm>> -> memref<40x128xi32, #tpu.memory_space<hbm>>
      tpu.enqueue_dma source(%dma_start3A_82 : memref<40x128xi32, #tpu.memory_space<hbm>>) target(%arg6 : memref<40x128xi32, #tpu.memory_space<vmem>>) target_semaphore(%run_scoped3A : memref<!tpu.dma_semaphore, #tpu.memory_space<semaphore_mem>>)
      %dma_wait3A = arith.constant 0 : i32
      %dma_wait3A_83 = arith.constant 0 : i32
      %dma_wait3A_84 = tpu.memref_slice %arg2[%add3A_24, %dma_wait3A, %dma_wait3A_83] : memref<64x40x128xi32, #tpu.memory_space<hbm>> -> memref<1x40x128xi32, #tpu.memory_space<hbm>>
      %dma_wait3A_85 = tpu.memref_squeeze %dma_wait3A_84 : memref<1x40x128xi32, #tpu.memory_space<hbm>> -> memref<40x128xi32, #tpu.memory_space<hbm>>
      %dma_wait3A_86 = arith.constant 0 : i32
      %dma_wait3A_87 = arith.constant 0 : i32
      %dma_wait3A_88 = tpu.memref_slice %arg2[%add3A_24, %dma_wait3A_86, %dma_wait3A_87] : memref<64x40x128xi32, #tpu.memory_space<hbm>> -> memref<1x40x128xi32, #tpu.memory_space<hbm>>
      %dma_wait3A_89 = tpu.memref_squeeze %dma_wait3A_88 : memref<1x40x128xi32, #tpu.memory_space<hbm>> -> memref<40x128xi32, #tpu.memory_space<hbm>>
      tpu.wait_dma2 semaphore(%run_scoped3A : memref<!tpu.dma_semaphore, #tpu.memory_space<semaphore_mem>>) src(%dma_wait3A_89 : memref<40x128xi32, #tpu.memory_space<hbm>>) dst(%arg6 : memref<40x128xi32, #tpu.memory_space<vmem>>)
      tpu.yield
    }) : () -> ()
    %scan3A = arith.constant 0 : i32
    %scan3A_25 = arith.constant 0 : i32
    %scan3A_26 = arith.constant 40 : i32
    %scan3A_27 = arith.addi %scan3A_25, %scan3A_26 : i32
    %scan3A_28 = arith.constant 1 : i32
    scf.for %scan3A_76 = %scan3A_25 to %scan3A_27 step %scan3A_28  : i32 {
      "tpu.region"() ({
        %run_scoped3A = tpu.sem_alloc : memref<!tpu.dma_semaphore, #tpu.memory_space<semaphore_mem>>
        %dma_start3A = arith.constant 0 : i32
        %dma_start3A_77 = tpu.memref_slice %arg6[%scan3A_76, %dma_start3A] : memref<40x128xi32, #tpu.memory_space<vmem>> -> memref<1x128xi32, #tpu.memory_space<vmem>>
        %dma_start3A_78 = tpu.memref_squeeze %dma_start3A_77 : memref<1x128xi32, #tpu.memory_space<vmem>> -> memref<128xi32, #tpu.memory_space<vmem>>
        %dma_start3A_79 = arith.constant 0 : i32
        %dma_start3A_80 = arith.constant 0 : i32
        %dma_start3A_81 = tpu.memref_slice %arg8[%dma_start3A_79, %dma_start3A_80] : memref<10240x128xf32, #tpu.memory_space<vmem_shared>> -> memref<10240x128xf32, #tpu.memory_space<vmem_shared>>
        tpu.enqueue_indirect_dma source(%arg7 : memref<128x128xf32, #tpu.memory_space<vmem>>) target(%dma_start3A_81 : memref<10240x128xf32, #tpu.memory_space<vmem_shared>>) offsets(%dma_start3A_78 : memref<128xi32, #tpu.memory_space<vmem>>) semaphore(%run_scoped3A : memref<!tpu.dma_semaphore, #tpu.memory_space<semaphore_mem>>) {add = true}
        %dma_wait3A = arith.constant 0 : i32
        %dma_wait3A_82 = tpu.memref_slice %arg6[%scan3A_76, %dma_wait3A] : memref<40x128xi32, #tpu.memory_space<vmem>> -> memref<1x128xi32, #tpu.memory_space<vmem>>
        %dma_wait3A_83 = tpu.memref_squeeze %dma_wait3A_82 : memref<1x128xi32, #tpu.memory_space<vmem>> -> memref<128xi32, #tpu.memory_space<vmem>>
        %dma_wait3A_84 = arith.constant 0 : i32
        %dma_wait3A_85 = arith.constant 0 : i32
        %dma_wait3A_86 = tpu.memref_slice %arg8[%dma_wait3A_84, %dma_wait3A_85] : memref<10240x128xf32, #tpu.memory_space<vmem_shared>> -> memref<10240x128xf32, #tpu.memory_space<vmem_shared>>
        tpu.wait_indirect_dma semaphore(%run_scoped3A : memref<!tpu.dma_semaphore, #tpu.memory_space<semaphore_mem>>) src(%arg7 : memref<128x128xf32, #tpu.memory_space<vmem>>) dst(%dma_wait3A_86 : memref<10240x128xf32, #tpu.memory_space<vmem_shared>>)
        tpu.yield
      }) : () -> ()
    }
    %scan3A_29 = arith.constant 40 : i32
    %mul3A_30 = arith.constant 2 : i32
    %mul3A_31 = arith.muli %add3A, %mul3A_30 : i32
    %add3A_32 = arith.constant 1 : i32
    %add3A_33 = arith.addi %mul3A_31, %add3A_32 : i32
    "tpu.region"() ({
      %run_scoped3A = tpu.sem_alloc : memref<!tpu.dma_semaphore, #tpu.memory_space<semaphore_mem>>
      %dma_start3A = arith.constant 0 : i32
      %dma_start3A_76 = arith.constant 0 : i32
      %dma_start3A_77 = tpu.memref_slice %arg2[%add3A_33, %dma_start3A, %dma_start3A_76] : memref<64x40x128xi32, #tpu.memory_space<hbm>> -> memref<1x40x128xi32, #tpu.memory_space<hbm>>
      %dma_start3A_78 = tpu.memref_squeeze %dma_start3A_77 : memref<1x40x128xi32, #tpu.memory_space<hbm>> -> memref<40x128xi32, #tpu.memory_space<hbm>>
      %dma_start3A_79 = arith.constant 0 : i32
      %dma_start3A_80 = arith.constant 0 : i32
      %dma_start3A_81 = tpu.memref_slice %arg2[%add3A_33, %dma_start3A_79, %dma_start3A_80] : memref<64x40x128xi32, #tpu.memory_space<hbm>> -> memref<1x40x128xi32, #tpu.memory_space<hbm>>
      %dma_start3A_82 = tpu.memref_squeeze %dma_start3A_81 : memref<1x40x128xi32, #tpu.memory_space<hbm>> -> memref<40x128xi32, #tpu.memory_space<hbm>>
      tpu.enqueue_dma source(%dma_start3A_82 : memref<40x128xi32, #tpu.memory_space<hbm>>) target(%arg6 : memref<40x128xi32, #tpu.memory_space<vmem>>) target_semaphore(%run_scoped3A : memref<!tpu.dma_semaphore, #tpu.memory_space<semaphore_mem>>)
      %dma_wait3A = arith.constant 0 : i32
      %dma_wait3A_83 = arith.constant 0 : i32
      %dma_wait3A_84 = tpu.memref_slice %arg2[%add3A_33, %dma_wait3A, %dma_wait3A_83] : memref<64x40x128xi32, #tpu.memory_space<hbm>> -> memref<1x40x128xi32, #tpu.memory_space<hbm>>
      %dma_wait3A_85 = tpu.memref_squeeze %dma_wait3A_84 : memref<1x40x128xi32, #tpu.memory_space<hbm>> -> memref<40x128xi32, #tpu.memory_space<hbm>>
      %dma_wait3A_86 = arith.constant 0 : i32
      %dma_wait3A_87 = arith.constant 0 : i32
      %dma_wait3A_88 = tpu.memref_slice %arg2[%add3A_33, %dma_wait3A_86, %dma_wait3A_87] : memref<64x40x128xi32, #tpu.memory_space<hbm>> -> memref<1x40x128xi32, #tpu.memory_space<hbm>>
      %dma_wait3A_89 = tpu.memref_squeeze %dma_wait3A_88 : memref<1x40x128xi32, #tpu.memory_space<hbm>> -> memref<40x128xi32, #tpu.memory_space<hbm>>
      tpu.wait_dma2 semaphore(%run_scoped3A : memref<!tpu.dma_semaphore, #tpu.memory_space<semaphore_mem>>) src(%dma_wait3A_89 : memref<40x128xi32, #tpu.memory_space<hbm>>) dst(%arg6 : memref<40x128xi32, #tpu.memory_space<vmem>>)
      tpu.yield
    }) : () -> ()
    %scan3A_34 = arith.constant 0 : i32
    %scan3A_35 = arith.constant 0 : i32
    %scan3A_36 = arith.constant 40 : i32
    %scan3A_37 = arith.addi %scan3A_35, %scan3A_36 : i32
    %scan3A_38 = arith.constant 1 : i32
    scf.for %scan3A_76 = %scan3A_35 to %scan3A_37 step %scan3A_38  : i32 {
      "tpu.region"() ({
        %run_scoped3A = tpu.sem_alloc : memref<!tpu.dma_semaphore, #tpu.memory_space<semaphore_mem>>
        %dma_start3A = arith.constant 0 : i32
        %dma_start3A_77 = tpu.memref_slice %arg6[%scan3A_76, %dma_start3A] : memref<40x128xi32, #tpu.memory_space<vmem>> -> memref<1x128xi32, #tpu.memory_space<vmem>>
        %dma_start3A_78 = tpu.memref_squeeze %dma_start3A_77 : memref<1x128xi32, #tpu.memory_space<vmem>> -> memref<128xi32, #tpu.memory_space<vmem>>
        %dma_start3A_79 = arith.constant 0 : i32
        %dma_start3A_80 = arith.constant 0 : i32
        %dma_start3A_81 = tpu.memref_slice %arg8[%dma_start3A_79, %dma_start3A_80] : memref<10240x128xf32, #tpu.memory_space<vmem_shared>> -> memref<10240x128xf32, #tpu.memory_space<vmem_shared>>
        tpu.enqueue_indirect_dma source(%arg7 : memref<128x128xf32, #tpu.memory_space<vmem>>) target(%dma_start3A_81 : memref<10240x128xf32, #tpu.memory_space<vmem_shared>>) offsets(%dma_start3A_78 : memref<128xi32, #tpu.memory_space<vmem>>) semaphore(%run_scoped3A : memref<!tpu.dma_semaphore, #tpu.memory_space<semaphore_mem>>) {add = true}
        %dma_wait3A = arith.constant 0 : i32
        %dma_wait3A_82 = tpu.memref_slice %arg6[%scan3A_76, %dma_wait3A] : memref<40x128xi32, #tpu.memory_space<vmem>> -> memref<1x128xi32, #tpu.memory_space<vmem>>
        %dma_wait3A_83 = tpu.memref_squeeze %dma_wait3A_82 : memref<1x128xi32, #tpu.memory_space<vmem>> -> memref<128xi32, #tpu.memory_space<vmem>>
        %dma_wait3A_84 = arith.constant 0 : i32
        %dma_wait3A_85 = arith.constant 0 : i32
        %dma_wait3A_86 = tpu.memref_slice %arg8[%dma_wait3A_84, %dma_wait3A_85] : memref<10240x128xf32, #tpu.memory_space<vmem_shared>> -> memref<10240x128xf32, #tpu.memory_space<vmem_shared>>
        tpu.wait_indirect_dma semaphore(%run_scoped3A : memref<!tpu.dma_semaphore, #tpu.memory_space<semaphore_mem>>) src(%arg7 : memref<128x128xf32, #tpu.memory_space<vmem>>) dst(%dma_wait3A_86 : memref<10240x128xf32, #tpu.memory_space<vmem_shared>>)
        tpu.yield
      }) : () -> ()
    }
    %scan3A_39 = arith.constant 40 : i32
    %barrier3A_40 = arith.constant 0 : index
    tpu.barrier barrier_id(%barrier3A_40)
    %mul3A_41 = arith.constant 10240 : i32
    %mul3A_42 = arith.muli %arg0, %mul3A_41 : i32
    %mul3A_43 = arith.constant 640 : i32
    %mul3A_44 = arith.muli %arg1, %mul3A_43 : i32
    %add3A_45 = arith.addi %mul3A_42, %mul3A_44 : i32
    %mul3A_46 = arith.constant 640 : i32
    %mul3A_47 = arith.muli %arg1, %mul3A_46 : i32
    %add3A_48 = arith.constant 0 : i32
    %add3A_49 = arith.addi %mul3A_47, %add3A_48 : i32
    "tpu.region"() ({
      %run_scoped3A = tpu.sem_alloc : memref<!tpu.dma_semaphore, #tpu.memory_space<semaphore_mem>>
      %dma_start3A = arith.constant 0 : i32
      %dma_start3A_76 = tpu.memref_slice %arg8[%add3A_49, %dma_start3A] : memref<10240x128xf32, #tpu.memory_space<vmem_shared>> -> memref<128x128xf32, #tpu.memory_space<vmem_shared>>
      %dma_start3A_77 = arith.constant 0 : i32
      %dma_start3A_78 = tpu.memref_slice %arg8[%add3A_49, %dma_start3A_77] : memref<10240x128xf32, #tpu.memory_space<vmem_shared>> -> memref<128x128xf32, #tpu.memory_space<vmem_shared>>
      tpu.enqueue_dma source(%dma_start3A_78 : memref<128x128xf32, #tpu.memory_space<vmem_shared>>) target(%arg7 : memref<128x128xf32, #tpu.memory_space<vmem>>) target_semaphore(%run_scoped3A : memref<!tpu.dma_semaphore, #tpu.memory_space<semaphore_mem>>)
      %dma_wait3A = arith.constant 0 : i32
      %dma_wait3A_79 = tpu.memref_slice %arg8[%add3A_49, %dma_wait3A] : memref<10240x128xf32, #tpu.memory_space<vmem_shared>> -> memref<128x128xf32, #tpu.memory_space<vmem_shared>>
      %dma_wait3A_80 = arith.constant 0 : i32
      %dma_wait3A_81 = tpu.memref_slice %arg8[%add3A_49, %dma_wait3A_80] : memref<10240x128xf32, #tpu.memory_space<vmem_shared>> -> memref<128x128xf32, #tpu.memory_space<vmem_shared>>
      tpu.wait_dma2 semaphore(%run_scoped3A : memref<!tpu.dma_semaphore, #tpu.memory_space<semaphore_mem>>) src(%dma_wait3A_81 : memref<128x128xf32, #tpu.memory_space<vmem_shared>>) dst(%arg7 : memref<128x128xf32, #tpu.memory_space<vmem>>)
      tpu.yield
    }) : () -> ()
    %add3A_50 = arith.constant 0 : i32
    %add3A_51 = arith.addi %add3A_45, %add3A_50 : i32
    "tpu.region"() ({
      %run_scoped3A = tpu.sem_alloc : memref<!tpu.dma_semaphore, #tpu.memory_space<semaphore_mem>>
      %dma_start3A = arith.constant 0 : i32
      %dma_start3A_76 = tpu.memref_slice %arg5[%add3A_51, %dma_start3A] : memref<20480x128xf32, #tpu.memory_space<hbm>> -> memref<128x128xf32, #tpu.memory_space<hbm>>
      %dma_start3A_77 = arith.constant 0 : i32
      %dma_start3A_78 = tpu.memref_slice %arg5[%add3A_51, %dma_start3A_77] : memref<20480x128xf32, #tpu.memory_space<hbm>> -> memref<128x128xf32, #tpu.memory_space<hbm>>
      tpu.enqueue_dma source(%arg7 : memref<128x128xf32, #tpu.memory_space<vmem>>) target(%dma_start3A_78 : memref<128x128xf32, #tpu.memory_space<hbm>>) target_semaphore(%run_scoped3A : memref<!tpu.dma_semaphore, #tpu.memory_space<semaphore_mem>>)
      %dma_wait3A = arith.constant 0 : i32
      %dma_wait3A_79 = tpu.memref_slice %arg5[%add3A_51, %dma_wait3A] : memref<20480x128xf32, #tpu.memory_space<hbm>> -> memref<128x128xf32, #tpu.memory_space<hbm>>
      %dma_wait3A_80 = arith.constant 0 : i32
      %dma_wait3A_81 = tpu.memref_slice %arg5[%add3A_51, %dma_wait3A_80] : memref<20480x128xf32, #tpu.memory_space<hbm>> -> memref<128x128xf32, #tpu.memory_space<hbm>>
      tpu.wait_dma2 semaphore(%run_scoped3A : memref<!tpu.dma_semaphore, #tpu.memory_space<semaphore_mem>>) src(%arg7 : memref<128x128xf32, #tpu.memory_space<vmem>>) dst(%dma_wait3A_81 : memref<128x128xf32, #tpu.memory_space<hbm>>)
      tpu.yield
    }) : () -> ()
    %mul3A_52 = arith.constant 640 : i32
    %mul3A_53 = arith.muli %arg1, %mul3A_52 : i32
    %add3A_54 = arith.constant 128 : i32
    %add3A_55 = arith.addi %mul3A_53, %add3A_54 : i32
    "tpu.region"() ({
      %run_scoped3A = tpu.sem_alloc : memref<!tpu.dma_semaphore, #tpu.memory_space<semaphore_mem>>
      %dma_start3A = arith.constant 0 : i32
      %dma_start3A_76 = tpu.memref_slice %arg8[%add3A_55, %dma_start3A] : memref<10240x128xf32, #tpu.memory_space<vmem_shared>> -> memref<128x128xf32, #tpu.memory_space<vmem_shared>>
      %dma_start3A_77 = arith.constant 0 : i32
      %dma_start3A_78 = tpu.memref_slice %arg8[%add3A_55, %dma_start3A_77] : memref<10240x128xf32, #tpu.memory_space<vmem_shared>> -> memref<128x128xf32, #tpu.memory_space<vmem_shared>>
      tpu.enqueue_dma source(%dma_start3A_78 : memref<128x128xf32, #tpu.memory_space<vmem_shared>>) target(%arg7 : memref<128x128xf32, #tpu.memory_space<vmem>>) target_semaphore(%run_scoped3A : memref<!tpu.dma_semaphore, #tpu.memory_space<semaphore_mem>>)
      %dma_wait3A = arith.constant 0 : i32
      %dma_wait3A_79 = tpu.memref_slice %arg8[%add3A_55, %dma_wait3A] : memref<10240x128xf32, #tpu.memory_space<vmem_shared>> -> memref<128x128xf32, #tpu.memory_space<vmem_shared>>
      %dma_wait3A_80 = arith.constant 0 : i32
      %dma_wait3A_81 = tpu.memref_slice %arg8[%add3A_55, %dma_wait3A_80] : memref<10240x128xf32, #tpu.memory_space<vmem_shared>> -> memref<128x128xf32, #tpu.memory_space<vmem_shared>>
      tpu.wait_dma2 semaphore(%run_scoped3A : memref<!tpu.dma_semaphore, #tpu.memory_space<semaphore_mem>>) src(%dma_wait3A_81 : memref<128x128xf32, #tpu.memory_space<vmem_shared>>) dst(%arg7 : memref<128x128xf32, #tpu.memory_space<vmem>>)
      tpu.yield
    }) : () -> ()
    %add3A_56 = arith.constant 128 : i32
    %add3A_57 = arith.addi %add3A_45, %add3A_56 : i32
    "tpu.region"() ({
      %run_scoped3A = tpu.sem_alloc : memref<!tpu.dma_semaphore, #tpu.memory_space<semaphore_mem>>
      %dma_start3A = arith.constant 0 : i32
      %dma_start3A_76 = tpu.memref_slice %arg5[%add3A_57, %dma_start3A] : memref<20480x128xf32, #tpu.memory_space<hbm>> -> memref<128x128xf32, #tpu.memory_space<hbm>>
      %dma_start3A_77 = arith.constant 0 : i32
      %dma_start3A_78 = tpu.memref_slice %arg5[%add3A_57, %dma_start3A_77] : memref<20480x128xf32, #tpu.memory_space<hbm>> -> memref<128x128xf32, #tpu.memory_space<hbm>>
      tpu.enqueue_dma source(%arg7 : memref<128x128xf32, #tpu.memory_space<vmem>>) target(%dma_start3A_78 : memref<128x128xf32, #tpu.memory_space<hbm>>) target_semaphore(%run_scoped3A : memref<!tpu.dma_semaphore, #tpu.memory_space<semaphore_mem>>)
      %dma_wait3A = arith.constant 0 : i32
      %dma_wait3A_79 = tpu.memref_slice %arg5[%add3A_57, %dma_wait3A] : memref<20480x128xf32, #tpu.memory_space<hbm>> -> memref<128x128xf32, #tpu.memory_space<hbm>>
      %dma_wait3A_80 = arith.constant 0 : i32
      %dma_wait3A_81 = tpu.memref_slice %arg5[%add3A_57, %dma_wait3A_80] : memref<20480x128xf32, #tpu.memory_space<hbm>> -> memref<128x128xf32, #tpu.memory_space<hbm>>
      tpu.wait_dma2 semaphore(%run_scoped3A : memref<!tpu.dma_semaphore, #tpu.memory_space<semaphore_mem>>) src(%arg7 : memref<128x128xf32, #tpu.memory_space<vmem>>) dst(%dma_wait3A_81 : memref<128x128xf32, #tpu.memory_space<hbm>>)
      tpu.yield
    }) : () -> ()
    %mul3A_58 = arith.constant 640 : i32
    %mul3A_59 = arith.muli %arg1, %mul3A_58 : i32
    %add3A_60 = arith.constant 256 : i32
    %add3A_61 = arith.addi %mul3A_59, %add3A_60 : i32
    "tpu.region"() ({
      %run_scoped3A = tpu.sem_alloc : memref<!tpu.dma_semaphore, #tpu.memory_space<semaphore_mem>>
      %dma_start3A = arith.constant 0 : i32
      %dma_start3A_76 = tpu.memref_slice %arg8[%add3A_61, %dma_start3A] : memref<10240x128xf32, #tpu.memory_space<vmem_shared>> -> memref<128x128xf32, #tpu.memory_space<vmem_shared>>
      %dma_start3A_77 = arith.constant 0 : i32
      %dma_start3A_78 = tpu.memref_slice %arg8[%add3A_61, %dma_start3A_77] : memref<10240x128xf32, #tpu.memory_space<vmem_shared>> -> memref<128x128xf32, #tpu.memory_space<vmem_shared>>
      tpu.enqueue_dma source(%dma_start3A_78 : memref<128x128xf32, #tpu.memory_space<vmem_shared>>) target(%arg7 : memref<128x128xf32, #tpu.memory_space<vmem>>) target_semaphore(%run_scoped3A : memref<!tpu.dma_semaphore, #tpu.memory_space<semaphore_mem>>)
      %dma_wait3A = arith.constant 0 : i32
      %dma_wait3A_79 = tpu.memref_slice %arg8[%add3A_61, %dma_wait3A] : memref<10240x128xf32, #tpu.memory_space<vmem_shared>> -> memref<128x128xf32, #tpu.memory_space<vmem_shared>>
      %dma_wait3A_80 = arith.constant 0 : i32
      %dma_wait3A_81 = tpu.memref_slice %arg8[%add3A_61, %dma_wait3A_80] : memref<10240x128xf32, #tpu.memory_space<vmem_shared>> -> memref<128x128xf32, #tpu.memory_space<vmem_shared>>
      tpu.wait_dma2 semaphore(%run_scoped3A : memref<!tpu.dma_semaphore, #tpu.memory_space<semaphore_mem>>) src(%dma_wait3A_81 : memref<128x128xf32, #tpu.memory_space<vmem_shared>>) dst(%arg7 : memref<128x128xf32, #tpu.memory_space<vmem>>)
      tpu.yield
    }) : () -> ()
    %add3A_62 = arith.constant 256 : i32
    %add3A_63 = arith.addi %add3A_45, %add3A_62 : i32
    "tpu.region"() ({
      %run_scoped3A = tpu.sem_alloc : memref<!tpu.dma_semaphore, #tpu.memory_space<semaphore_mem>>
      %dma_start3A = arith.constant 0 : i32
      %dma_start3A_76 = tpu.memref_slice %arg5[%add3A_63, %dma_start3A] : memref<20480x128xf32, #tpu.memory_space<hbm>> -> memref<128x128xf32, #tpu.memory_space<hbm>>
      %dma_start3A_77 = arith.constant 0 : i32
      %dma_start3A_78 = tpu.memref_slice %arg5[%add3A_63, %dma_start3A_77] : memref<20480x128xf32, #tpu.memory_space<hbm>> -> memref<128x128xf32, #tpu.memory_space<hbm>>
      tpu.enqueue_dma source(%arg7 : memref<128x128xf32, #tpu.memory_space<vmem>>) target(%dma_start3A_78 : memref<128x128xf32, #tpu.memory_space<hbm>>) target_semaphore(%run_scoped3A : memref<!tpu.dma_semaphore, #tpu.memory_space<semaphore_mem>>)
      %dma_wait3A = arith.constant 0 : i32
      %dma_wait3A_79 = tpu.memref_slice %arg5[%add3A_63, %dma_wait3A] : memref<20480x128xf32, #tpu.memory_space<hbm>> -> memref<128x128xf32, #tpu.memory_space<hbm>>
      %dma_wait3A_80 = arith.constant 0 : i32
      %dma_wait3A_81 = tpu.memref_slice %arg5[%add3A_63, %dma_wait3A_80] : memref<20480x128xf32, #tpu.memory_space<hbm>> -> memref<128x128xf32, #tpu.memory_space<hbm>>
      tpu.wait_dma2 semaphore(%run_scoped3A : memref<!tpu.dma_semaphore, #tpu.memory_space<semaphore_mem>>) src(%arg7 : memref<128x128xf32, #tpu.memory_space<vmem>>) dst(%dma_wait3A_81 : memref<128x128xf32, #tpu.memory_space<hbm>>)
      tpu.yield
    }) : () -> ()
    %mul3A_64 = arith.constant 640 : i32
    %mul3A_65 = arith.muli %arg1, %mul3A_64 : i32
    %add3A_66 = arith.constant 384 : i32
    %add3A_67 = arith.addi %mul3A_65, %add3A_66 : i32
    "tpu.region"() ({
      %run_scoped3A = tpu.sem_alloc : memref<!tpu.dma_semaphore, #tpu.memory_space<semaphore_mem>>
      %dma_start3A = arith.constant 0 : i32
      %dma_start3A_76 = tpu.memref_slice %arg8[%add3A_67, %dma_start3A] : memref<10240x128xf32, #tpu.memory_space<vmem_shared>> -> memref<128x128xf32, #tpu.memory_space<vmem_shared>>
      %dma_start3A_77 = arith.constant 0 : i32
      %dma_start3A_78 = tpu.memref_slice %arg8[%add3A_67, %dma_start3A_77] : memref<10240x128xf32, #tpu.memory_space<vmem_shared>> -> memref<128x128xf32, #tpu.memory_space<vmem_shared>>
      tpu.enqueue_dma source(%dma_start3A_78 : memref<128x128xf32, #tpu.memory_space<vmem_shared>>) target(%arg7 : memref<128x128xf32, #tpu.memory_space<vmem>>) target_semaphore(%run_scoped3A : memref<!tpu.dma_semaphore, #tpu.memory_space<semaphore_mem>>)
      %dma_wait3A = arith.constant 0 : i32
      %dma_wait3A_79 = tpu.memref_slice %arg8[%add3A_67, %dma_wait3A] : memref<10240x128xf32, #tpu.memory_space<vmem_shared>> -> memref<128x128xf32, #tpu.memory_space<vmem_shared>>
      %dma_wait3A_80 = arith.constant 0 : i32
      %dma_wait3A_81 = tpu.memref_slice %arg8[%add3A_67, %dma_wait3A_80] : memref<10240x128xf32, #tpu.memory_space<vmem_shared>> -> memref<128x128xf32, #tpu.memory_space<vmem_shared>>
      tpu.wait_dma2 semaphore(%run_scoped3A : memref<!tpu.dma_semaphore, #tpu.memory_space<semaphore_mem>>) src(%dma_wait3A_81 : memref<128x128xf32, #tpu.memory_space<vmem_shared>>) dst(%arg7 : memref<128x128xf32, #tpu.memory_space<vmem>>)
      tpu.yield
    }) : () -> ()
    %add3A_68 = arith.constant 384 : i32
    %add3A_69 = arith.addi %add3A_45, %add3A_68 : i32
    "tpu.region"() ({
      %run_scoped3A = tpu.sem_alloc : memref<!tpu.dma_semaphore, #tpu.memory_space<semaphore_mem>>
      %dma_start3A = arith.constant 0 : i32
      %dma_start3A_76 = tpu.memref_slice %arg5[%add3A_69, %dma_start3A] : memref<20480x128xf32, #tpu.memory_space<hbm>> -> memref<128x128xf32, #tpu.memory_space<hbm>>
      %dma_start3A_77 = arith.constant 0 : i32
      %dma_start3A_78 = tpu.memref_slice %arg5[%add3A_69, %dma_start3A_77] : memref<20480x128xf32, #tpu.memory_space<hbm>> -> memref<128x128xf32, #tpu.memory_space<hbm>>
      tpu.enqueue_dma source(%arg7 : memref<128x128xf32, #tpu.memory_space<vmem>>) target(%dma_start3A_78 : memref<128x128xf32, #tpu.memory_space<hbm>>) target_semaphore(%run_scoped3A : memref<!tpu.dma_semaphore, #tpu.memory_space<semaphore_mem>>)
      %dma_wait3A = arith.constant 0 : i32
      %dma_wait3A_79 = tpu.memref_slice %arg5[%add3A_69, %dma_wait3A] : memref<20480x128xf32, #tpu.memory_space<hbm>> -> memref<128x128xf32, #tpu.memory_space<hbm>>
      %dma_wait3A_80 = arith.constant 0 : i32
      %dma_wait3A_81 = tpu.memref_slice %arg5[%add3A_69, %dma_wait3A_80] : memref<20480x128xf32, #tpu.memory_space<hbm>> -> memref<128x128xf32, #tpu.memory_space<hbm>>
      tpu.wait_dma2 semaphore(%run_scoped3A : memref<!tpu.dma_semaphore, #tpu.memory_space<semaphore_mem>>) src(%arg7 : memref<128x128xf32, #tpu.memory_space<vmem>>) dst(%dma_wait3A_81 : memref<128x128xf32, #tpu.memory_space<hbm>>)
      tpu.yield
    }) : () -> ()
    %mul3A_70 = arith.constant 640 : i32
    %mul3A_71 = arith.muli %arg1, %mul3A_70 : i32
    %add3A_72 = arith.constant 512 : i32
    %add3A_73 = arith.addi %mul3A_71, %add3A_72 : i32
    "tpu.region"() ({
      %run_scoped3A = tpu.sem_alloc : memref<!tpu.dma_semaphore, #tpu.memory_space<semaphore_mem>>
      %dma_start3A = arith.constant 0 : i32
      %dma_start3A_76 = tpu.memref_slice %arg8[%add3A_73, %dma_start3A] : memref<10240x128xf32, #tpu.memory_space<vmem_shared>> -> memref<128x128xf32, #tpu.memory_space<vmem_shared>>
      %dma_start3A_77 = arith.constant 0 : i32
      %dma_start3A_78 = tpu.memref_slice %arg8[%add3A_73, %dma_start3A_77] : memref<10240x128xf32, #tpu.memory_space<vmem_shared>> -> memref<128x128xf32, #tpu.memory_space<vmem_shared>>
      tpu.enqueue_dma source(%dma_start3A_78 : memref<128x128xf32, #tpu.memory_space<vmem_shared>>) target(%arg7 : memref<128x128xf32, #tpu.memory_space<vmem>>) target_semaphore(%run_scoped3A : memref<!tpu.dma_semaphore, #tpu.memory_space<semaphore_mem>>)
      %dma_wait3A = arith.constant 0 : i32
      %dma_wait3A_79 = tpu.memref_slice %arg8[%add3A_73, %dma_wait3A] : memref<10240x128xf32, #tpu.memory_space<vmem_shared>> -> memref<128x128xf32, #tpu.memory_space<vmem_shared>>
      %dma_wait3A_80 = arith.constant 0 : i32
      %dma_wait3A_81 = tpu.memref_slice %arg8[%add3A_73, %dma_wait3A_80] : memref<10240x128xf32, #tpu.memory_space<vmem_shared>> -> memref<128x128xf32, #tpu.memory_space<vmem_shared>>
      tpu.wait_dma2 semaphore(%run_scoped3A : memref<!tpu.dma_semaphore, #tpu.memory_space<semaphore_mem>>) src(%dma_wait3A_81 : memref<128x128xf32, #tpu.memory_space<vmem_shared>>) dst(%arg7 : memref<128x128xf32, #tpu.memory_space<vmem>>)
      tpu.yield
    }) : () -> ()
    %add3A_74 = arith.constant 512 : i32
    %add3A_75 = arith.addi %add3A_45, %add3A_74 : i32
    "tpu.region"() ({
      %run_scoped3A = tpu.sem_alloc : memref<!tpu.dma_semaphore, #tpu.memory_space<semaphore_mem>>
      %dma_start3A = arith.constant 0 : i32
      %dma_start3A_76 = tpu.memref_slice %arg5[%add3A_75, %dma_start3A] : memref<20480x128xf32, #tpu.memory_space<hbm>> -> memref<128x128xf32, #tpu.memory_space<hbm>>
      %dma_start3A_77 = arith.constant 0 : i32
      %dma_start3A_78 = tpu.memref_slice %arg5[%add3A_75, %dma_start3A_77] : memref<20480x128xf32, #tpu.memory_space<hbm>> -> memref<128x128xf32, #tpu.memory_space<hbm>>
      tpu.enqueue_dma source(%arg7 : memref<128x128xf32, #tpu.memory_space<vmem>>) target(%dma_start3A_78 : memref<128x128xf32, #tpu.memory_space<hbm>>) target_semaphore(%run_scoped3A : memref<!tpu.dma_semaphore, #tpu.memory_space<semaphore_mem>>)
      %dma_wait3A = arith.constant 0 : i32
      %dma_wait3A_79 = tpu.memref_slice %arg5[%add3A_75, %dma_wait3A] : memref<20480x128xf32, #tpu.memory_space<hbm>> -> memref<128x128xf32, #tpu.memory_space<hbm>>
      %dma_wait3A_80 = arith.constant 0 : i32
      %dma_wait3A_81 = tpu.memref_slice %arg5[%add3A_75, %dma_wait3A_80] : memref<20480x128xf32, #tpu.memory_space<hbm>> -> memref<128x128xf32, #tpu.memory_space<hbm>>
      tpu.wait_dma2 semaphore(%run_scoped3A : memref<!tpu.dma_semaphore, #tpu.memory_space<semaphore_mem>>) src(%arg7 : memref<128x128xf32, #tpu.memory_space<vmem>>) dst(%dma_wait3A_81 : memref<128x128xf32, #tpu.memory_space<hbm>>)
      tpu.yield
    }) : () -> ()
    return
  }
}

#map = affine_map<(d0, d1) -> (0, 0)>
#map1 = affine_map<(d0, d1) -> (0, 0, 0)>
module attributes {stable_mosaic.version = 14 : i64} {
  func.func @seg_sum_sc(%arg0: i32, %arg1: i32, %arg2: memref<10000x128xf32, #tpu.memory_space<hbm>>, %arg3: memref<64x40x128xi32, #tpu.memory_space<hbm>>, %arg4: memref<64x40x128xi32, #tpu.memory_space<hbm>>, %arg5: memref<128x128xf32, #tpu.memory_space<hbm>>, %arg6: memref<20480x128xf32, #tpu.memory_space<hbm>>, %arg7: memref<40x128xi32, #tpu.memory_space<vmem>>, %arg8: memref<40x128xi32, #tpu.memory_space<vmem>>, %arg9: memref<128x128xf32, #tpu.memory_space<vmem>>, %arg10: memref<!tpu.dma_semaphore, #tpu.memory_space<semaphore_mem>>, %arg11: memref<10240x128xf32, #tpu.memory_space<vmem_shared>>) attributes {dimension_semantics = [#tpu.dimension_semantics<core_parallel>, #tpu.dimension_semantics<subcore_parallel>], iteration_bounds = array<i64: 2, 16>, scalar_prefetch = 0 : i64, scratch_operands = 5 : i64, tpu.core_type = #tpu.core_type<sc_vector_subcore>, window_params = [{transform_indices = #map}, {transform_indices = #map1}, {transform_indices = #map1}, {transform_indices = #map}, {transform_indices = #map}]} {
    %mul3A = arith.constant 2 : i32
    %mul3A_0 = arith.muli %arg1, %mul3A : i32
    %add3A = arith.addi %mul3A_0, %arg0 : i32
    "tpu.region"() ({
      %run_scoped3A = tpu.sem_alloc : memref<!tpu.dma_semaphore, #tpu.memory_space<semaphore_mem>>
      tpu.enqueue_dma source(%arg5 : memref<128x128xf32, #tpu.memory_space<hbm>>) target(%arg9 : memref<128x128xf32, #tpu.memory_space<vmem>>) target_semaphore(%run_scoped3A : memref<!tpu.dma_semaphore, #tpu.memory_space<semaphore_mem>>)
      tpu.wait_dma2 semaphore(%run_scoped3A : memref<!tpu.dma_semaphore, #tpu.memory_space<semaphore_mem>>) src(%arg5 : memref<128x128xf32, #tpu.memory_space<hbm>>) dst(%arg9 : memref<128x128xf32, #tpu.memory_space<vmem>>)
      tpu.yield
    }) : () -> ()
    %mul3A_1 = arith.constant 640 : i32
    %mul3A_2 = arith.muli %arg1, %mul3A_1 : i32
    %add3A_3 = arith.constant 0 : i32
    %add3A_4 = arith.addi %mul3A_2, %add3A_3 : i32
    "tpu.region"() ({
      %run_scoped3A = tpu.sem_alloc : memref<!tpu.dma_semaphore, #tpu.memory_space<semaphore_mem>>
      %dma_start3A = arith.constant 0 : i32
      %dma_start3A_84 = tpu.memref_slice %arg11[%add3A_4, %dma_start3A] : memref<10240x128xf32, #tpu.memory_space<vmem_shared>> -> memref<128x128xf32, #tpu.memory_space<vmem_shared>>
      %dma_start3A_85 = arith.constant 0 : i32
      %dma_start3A_86 = tpu.memref_slice %arg11[%add3A_4, %dma_start3A_85] : memref<10240x128xf32, #tpu.memory_space<vmem_shared>> -> memref<128x128xf32, #tpu.memory_space<vmem_shared>>
      tpu.enqueue_dma source(%arg9 : memref<128x128xf32, #tpu.memory_space<vmem>>) target(%dma_start3A_86 : memref<128x128xf32, #tpu.memory_space<vmem_shared>>) target_semaphore(%run_scoped3A : memref<!tpu.dma_semaphore, #tpu.memory_space<semaphore_mem>>)
      %dma_wait3A = arith.constant 0 : i32
      %dma_wait3A_87 = tpu.memref_slice %arg11[%add3A_4, %dma_wait3A] : memref<10240x128xf32, #tpu.memory_space<vmem_shared>> -> memref<128x128xf32, #tpu.memory_space<vmem_shared>>
      %dma_wait3A_88 = arith.constant 0 : i32
      %dma_wait3A_89 = tpu.memref_slice %arg11[%add3A_4, %dma_wait3A_88] : memref<10240x128xf32, #tpu.memory_space<vmem_shared>> -> memref<128x128xf32, #tpu.memory_space<vmem_shared>>
      tpu.wait_dma2 semaphore(%run_scoped3A : memref<!tpu.dma_semaphore, #tpu.memory_space<semaphore_mem>>) src(%arg9 : memref<128x128xf32, #tpu.memory_space<vmem>>) dst(%dma_wait3A_89 : memref<128x128xf32, #tpu.memory_space<vmem_shared>>)
      tpu.yield
    }) : () -> ()
    %mul3A_5 = arith.constant 640 : i32
    %mul3A_6 = arith.muli %arg1, %mul3A_5 : i32
    %add3A_7 = arith.constant 128 : i32
    %add3A_8 = arith.addi %mul3A_6, %add3A_7 : i32
    "tpu.region"() ({
      %run_scoped3A = tpu.sem_alloc : memref<!tpu.dma_semaphore, #tpu.memory_space<semaphore_mem>>
      %dma_start3A = arith.constant 0 : i32
      %dma_start3A_84 = tpu.memref_slice %arg11[%add3A_8, %dma_start3A] : memref<10240x128xf32, #tpu.memory_space<vmem_shared>> -> memref<128x128xf32, #tpu.memory_space<vmem_shared>>
      %dma_start3A_85 = arith.constant 0 : i32
      %dma_start3A_86 = tpu.memref_slice %arg11[%add3A_8, %dma_start3A_85] : memref<10240x128xf32, #tpu.memory_space<vmem_shared>> -> memref<128x128xf32, #tpu.memory_space<vmem_shared>>
      tpu.enqueue_dma source(%arg9 : memref<128x128xf32, #tpu.memory_space<vmem>>) target(%dma_start3A_86 : memref<128x128xf32, #tpu.memory_space<vmem_shared>>) target_semaphore(%run_scoped3A : memref<!tpu.dma_semaphore, #tpu.memory_space<semaphore_mem>>)
      %dma_wait3A = arith.constant 0 : i32
      %dma_wait3A_87 = tpu.memref_slice %arg11[%add3A_8, %dma_wait3A] : memref<10240x128xf32, #tpu.memory_space<vmem_shared>> -> memref<128x128xf32, #tpu.memory_space<vmem_shared>>
      %dma_wait3A_88 = arith.constant 0 : i32
      %dma_wait3A_89 = tpu.memref_slice %arg11[%add3A_8, %dma_wait3A_88] : memref<10240x128xf32, #tpu.memory_space<vmem_shared>> -> memref<128x128xf32, #tpu.memory_space<vmem_shared>>
      tpu.wait_dma2 semaphore(%run_scoped3A : memref<!tpu.dma_semaphore, #tpu.memory_space<semaphore_mem>>) src(%arg9 : memref<128x128xf32, #tpu.memory_space<vmem>>) dst(%dma_wait3A_89 : memref<128x128xf32, #tpu.memory_space<vmem_shared>>)
      tpu.yield
    }) : () -> ()
    %mul3A_9 = arith.constant 640 : i32
    %mul3A_10 = arith.muli %arg1, %mul3A_9 : i32
    %add3A_11 = arith.constant 256 : i32
    %add3A_12 = arith.addi %mul3A_10, %add3A_11 : i32
    "tpu.region"() ({
      %run_scoped3A = tpu.sem_alloc : memref<!tpu.dma_semaphore, #tpu.memory_space<semaphore_mem>>
      %dma_start3A = arith.constant 0 : i32
      %dma_start3A_84 = tpu.memref_slice %arg11[%add3A_12, %dma_start3A] : memref<10240x128xf32, #tpu.memory_space<vmem_shared>> -> memref<128x128xf32, #tpu.memory_space<vmem_shared>>
      %dma_start3A_85 = arith.constant 0 : i32
      %dma_start3A_86 = tpu.memref_slice %arg11[%add3A_12, %dma_start3A_85] : memref<10240x128xf32, #tpu.memory_space<vmem_shared>> -> memref<128x128xf32, #tpu.memory_space<vmem_shared>>
      tpu.enqueue_dma source(%arg9 : memref<128x128xf32, #tpu.memory_space<vmem>>) target(%dma_start3A_86 : memref<128x128xf32, #tpu.memory_space<vmem_shared>>) target_semaphore(%run_scoped3A : memref<!tpu.dma_semaphore, #tpu.memory_space<semaphore_mem>>)
      %dma_wait3A = arith.constant 0 : i32
      %dma_wait3A_87 = tpu.memref_slice %arg11[%add3A_12, %dma_wait3A] : memref<10240x128xf32, #tpu.memory_space<vmem_shared>> -> memref<128x128xf32, #tpu.memory_space<vmem_shared>>
      %dma_wait3A_88 = arith.constant 0 : i32
      %dma_wait3A_89 = tpu.memref_slice %arg11[%add3A_12, %dma_wait3A_88] : memref<10240x128xf32, #tpu.memory_space<vmem_shared>> -> memref<128x128xf32, #tpu.memory_space<vmem_shared>>
      tpu.wait_dma2 semaphore(%run_scoped3A : memref<!tpu.dma_semaphore, #tpu.memory_space<semaphore_mem>>) src(%arg9 : memref<128x128xf32, #tpu.memory_space<vmem>>) dst(%dma_wait3A_89 : memref<128x128xf32, #tpu.memory_space<vmem_shared>>)
      tpu.yield
    }) : () -> ()
    %mul3A_13 = arith.constant 640 : i32
    %mul3A_14 = arith.muli %arg1, %mul3A_13 : i32
    %add3A_15 = arith.constant 384 : i32
    %add3A_16 = arith.addi %mul3A_14, %add3A_15 : i32
    "tpu.region"() ({
      %run_scoped3A = tpu.sem_alloc : memref<!tpu.dma_semaphore, #tpu.memory_space<semaphore_mem>>
      %dma_start3A = arith.constant 0 : i32
      %dma_start3A_84 = tpu.memref_slice %arg11[%add3A_16, %dma_start3A] : memref<10240x128xf32, #tpu.memory_space<vmem_shared>> -> memref<128x128xf32, #tpu.memory_space<vmem_shared>>
      %dma_start3A_85 = arith.constant 0 : i32
      %dma_start3A_86 = tpu.memref_slice %arg11[%add3A_16, %dma_start3A_85] : memref<10240x128xf32, #tpu.memory_space<vmem_shared>> -> memref<128x128xf32, #tpu.memory_space<vmem_shared>>
      tpu.enqueue_dma source(%arg9 : memref<128x128xf32, #tpu.memory_space<vmem>>) target(%dma_start3A_86 : memref<128x128xf32, #tpu.memory_space<vmem_shared>>) target_semaphore(%run_scoped3A : memref<!tpu.dma_semaphore, #tpu.memory_space<semaphore_mem>>)
      %dma_wait3A = arith.constant 0 : i32
      %dma_wait3A_87 = tpu.memref_slice %arg11[%add3A_16, %dma_wait3A] : memref<10240x128xf32, #tpu.memory_space<vmem_shared>> -> memref<128x128xf32, #tpu.memory_space<vmem_shared>>
      %dma_wait3A_88 = arith.constant 0 : i32
      %dma_wait3A_89 = tpu.memref_slice %arg11[%add3A_16, %dma_wait3A_88] : memref<10240x128xf32, #tpu.memory_space<vmem_shared>> -> memref<128x128xf32, #tpu.memory_space<vmem_shared>>
      tpu.wait_dma2 semaphore(%run_scoped3A : memref<!tpu.dma_semaphore, #tpu.memory_space<semaphore_mem>>) src(%arg9 : memref<128x128xf32, #tpu.memory_space<vmem>>) dst(%dma_wait3A_89 : memref<128x128xf32, #tpu.memory_space<vmem_shared>>)
      tpu.yield
    }) : () -> ()
    %mul3A_17 = arith.constant 640 : i32
    %mul3A_18 = arith.muli %arg1, %mul3A_17 : i32
    %add3A_19 = arith.constant 512 : i32
    %add3A_20 = arith.addi %mul3A_18, %add3A_19 : i32
    "tpu.region"() ({
      %run_scoped3A = tpu.sem_alloc : memref<!tpu.dma_semaphore, #tpu.memory_space<semaphore_mem>>
      %dma_start3A = arith.constant 0 : i32
      %dma_start3A_84 = tpu.memref_slice %arg11[%add3A_20, %dma_start3A] : memref<10240x128xf32, #tpu.memory_space<vmem_shared>> -> memref<128x128xf32, #tpu.memory_space<vmem_shared>>
      %dma_start3A_85 = arith.constant 0 : i32
      %dma_start3A_86 = tpu.memref_slice %arg11[%add3A_20, %dma_start3A_85] : memref<10240x128xf32, #tpu.memory_space<vmem_shared>> -> memref<128x128xf32, #tpu.memory_space<vmem_shared>>
      tpu.enqueue_dma source(%arg9 : memref<128x128xf32, #tpu.memory_space<vmem>>) target(%dma_start3A_86 : memref<128x128xf32, #tpu.memory_space<vmem_shared>>) target_semaphore(%run_scoped3A : memref<!tpu.dma_semaphore, #tpu.memory_space<semaphore_mem>>)
      %dma_wait3A = arith.constant 0 : i32
      %dma_wait3A_87 = tpu.memref_slice %arg11[%add3A_20, %dma_wait3A] : memref<10240x128xf32, #tpu.memory_space<vmem_shared>> -> memref<128x128xf32, #tpu.memory_space<vmem_shared>>
      %dma_wait3A_88 = arith.constant 0 : i32
      %dma_wait3A_89 = tpu.memref_slice %arg11[%add3A_20, %dma_wait3A_88] : memref<10240x128xf32, #tpu.memory_space<vmem_shared>> -> memref<128x128xf32, #tpu.memory_space<vmem_shared>>
      tpu.wait_dma2 semaphore(%run_scoped3A : memref<!tpu.dma_semaphore, #tpu.memory_space<semaphore_mem>>) src(%arg9 : memref<128x128xf32, #tpu.memory_space<vmem>>) dst(%dma_wait3A_89 : memref<128x128xf32, #tpu.memory_space<vmem_shared>>)
      tpu.yield
    }) : () -> ()
    %barrier3A = arith.constant 0 : index
    tpu.barrier barrier_id(%barrier3A)
    %mul3A_21 = arith.constant 2 : i32
    %mul3A_22 = arith.muli %add3A, %mul3A_21 : i32
    %add3A_23 = arith.constant 0 : i32
    %add3A_24 = arith.addi %mul3A_22, %add3A_23 : i32
    "tpu.region"() ({
      %run_scoped3A = tpu.sem_alloc : memref<!tpu.dma_semaphore, #tpu.memory_space<semaphore_mem>>
      %dma_start3A = arith.constant 0 : i32
      %dma_start3A_84 = arith.constant 0 : i32
      %dma_start3A_85 = tpu.memref_slice %arg3[%add3A_24, %dma_start3A, %dma_start3A_84] : memref<64x40x128xi32, #tpu.memory_space<hbm>> -> memref<1x40x128xi32, #tpu.memory_space<hbm>>
      %dma_start3A_86 = tpu.memref_squeeze %dma_start3A_85 : memref<1x40x128xi32, #tpu.memory_space<hbm>> -> memref<40x128xi32, #tpu.memory_space<hbm>>
      %dma_start3A_87 = arith.constant 0 : i32
      %dma_start3A_88 = arith.constant 0 : i32
      %dma_start3A_89 = tpu.memref_slice %arg3[%add3A_24, %dma_start3A_87, %dma_start3A_88] : memref<64x40x128xi32, #tpu.memory_space<hbm>> -> memref<1x40x128xi32, #tpu.memory_space<hbm>>
      %dma_start3A_90 = tpu.memref_squeeze %dma_start3A_89 : memref<1x40x128xi32, #tpu.memory_space<hbm>> -> memref<40x128xi32, #tpu.memory_space<hbm>>
      tpu.enqueue_dma source(%dma_start3A_90 : memref<40x128xi32, #tpu.memory_space<hbm>>) target(%arg7 : memref<40x128xi32, #tpu.memory_space<vmem>>) target_semaphore(%run_scoped3A : memref<!tpu.dma_semaphore, #tpu.memory_space<semaphore_mem>>)
      %dma_wait3A = arith.constant 0 : i32
      %dma_wait3A_91 = arith.constant 0 : i32
      %dma_wait3A_92 = tpu.memref_slice %arg3[%add3A_24, %dma_wait3A, %dma_wait3A_91] : memref<64x40x128xi32, #tpu.memory_space<hbm>> -> memref<1x40x128xi32, #tpu.memory_space<hbm>>
      %dma_wait3A_93 = tpu.memref_squeeze %dma_wait3A_92 : memref<1x40x128xi32, #tpu.memory_space<hbm>> -> memref<40x128xi32, #tpu.memory_space<hbm>>
      %dma_wait3A_94 = arith.constant 0 : i32
      %dma_wait3A_95 = arith.constant 0 : i32
      %dma_wait3A_96 = tpu.memref_slice %arg3[%add3A_24, %dma_wait3A_94, %dma_wait3A_95] : memref<64x40x128xi32, #tpu.memory_space<hbm>> -> memref<1x40x128xi32, #tpu.memory_space<hbm>>
      %dma_wait3A_97 = tpu.memref_squeeze %dma_wait3A_96 : memref<1x40x128xi32, #tpu.memory_space<hbm>> -> memref<40x128xi32, #tpu.memory_space<hbm>>
      tpu.wait_dma2 semaphore(%run_scoped3A : memref<!tpu.dma_semaphore, #tpu.memory_space<semaphore_mem>>) src(%dma_wait3A_97 : memref<40x128xi32, #tpu.memory_space<hbm>>) dst(%arg7 : memref<40x128xi32, #tpu.memory_space<vmem>>)
      tpu.yield
    }) : () -> ()
    %mul3A_25 = arith.constant 2 : i32
    %mul3A_26 = arith.muli %add3A, %mul3A_25 : i32
    %add3A_27 = arith.constant 0 : i32
    %add3A_28 = arith.addi %mul3A_26, %add3A_27 : i32
    "tpu.region"() ({
      %run_scoped3A = tpu.sem_alloc : memref<!tpu.dma_semaphore, #tpu.memory_space<semaphore_mem>>
      %dma_start3A = arith.constant 0 : i32
      %dma_start3A_84 = arith.constant 0 : i32
      %dma_start3A_85 = tpu.memref_slice %arg4[%add3A_28, %dma_start3A, %dma_start3A_84] : memref<64x40x128xi32, #tpu.memory_space<hbm>> -> memref<1x40x128xi32, #tpu.memory_space<hbm>>
      %dma_start3A_86 = tpu.memref_squeeze %dma_start3A_85 : memref<1x40x128xi32, #tpu.memory_space<hbm>> -> memref<40x128xi32, #tpu.memory_space<hbm>>
      %dma_start3A_87 = arith.constant 0 : i32
      %dma_start3A_88 = arith.constant 0 : i32
      %dma_start3A_89 = tpu.memref_slice %arg4[%add3A_28, %dma_start3A_87, %dma_start3A_88] : memref<64x40x128xi32, #tpu.memory_space<hbm>> -> memref<1x40x128xi32, #tpu.memory_space<hbm>>
      %dma_start3A_90 = tpu.memref_squeeze %dma_start3A_89 : memref<1x40x128xi32, #tpu.memory_space<hbm>> -> memref<40x128xi32, #tpu.memory_space<hbm>>
      tpu.enqueue_dma source(%dma_start3A_90 : memref<40x128xi32, #tpu.memory_space<hbm>>) target(%arg8 : memref<40x128xi32, #tpu.memory_space<vmem>>) target_semaphore(%run_scoped3A : memref<!tpu.dma_semaphore, #tpu.memory_space<semaphore_mem>>)
      %dma_wait3A = arith.constant 0 : i32
      %dma_wait3A_91 = arith.constant 0 : i32
      %dma_wait3A_92 = tpu.memref_slice %arg4[%add3A_28, %dma_wait3A, %dma_wait3A_91] : memref<64x40x128xi32, #tpu.memory_space<hbm>> -> memref<1x40x128xi32, #tpu.memory_space<hbm>>
      %dma_wait3A_93 = tpu.memref_squeeze %dma_wait3A_92 : memref<1x40x128xi32, #tpu.memory_space<hbm>> -> memref<40x128xi32, #tpu.memory_space<hbm>>
      %dma_wait3A_94 = arith.constant 0 : i32
      %dma_wait3A_95 = arith.constant 0 : i32
      %dma_wait3A_96 = tpu.memref_slice %arg4[%add3A_28, %dma_wait3A_94, %dma_wait3A_95] : memref<64x40x128xi32, #tpu.memory_space<hbm>> -> memref<1x40x128xi32, #tpu.memory_space<hbm>>
      %dma_wait3A_97 = tpu.memref_squeeze %dma_wait3A_96 : memref<1x40x128xi32, #tpu.memory_space<hbm>> -> memref<40x128xi32, #tpu.memory_space<hbm>>
      tpu.wait_dma2 semaphore(%run_scoped3A : memref<!tpu.dma_semaphore, #tpu.memory_space<semaphore_mem>>) src(%dma_wait3A_97 : memref<40x128xi32, #tpu.memory_space<hbm>>) dst(%arg8 : memref<40x128xi32, #tpu.memory_space<vmem>>)
      tpu.yield
    }) : () -> ()
    %scan3A = arith.constant 0 : i32
    %scan3A_29 = arith.constant 0 : i32
    %scan3A_30 = arith.constant 40 : i32
    %scan3A_31 = arith.addi %scan3A_29, %scan3A_30 : i32
    %scan3A_32 = arith.constant 1 : i32
    scf.for %scan3A_84 = %scan3A_29 to %scan3A_31 step %scan3A_32  : i32 {
      %dma_start3A = arith.constant 0 : i32
      %dma_start3A_85 = tpu.memref_slice %arg7[%scan3A_84, %dma_start3A] : memref<40x128xi32, #tpu.memory_space<vmem>> -> memref<1x128xi32, #tpu.memory_space<vmem>>
      %dma_start3A_86 = tpu.memref_squeeze %dma_start3A_85 : memref<1x128xi32, #tpu.memory_space<vmem>> -> memref<128xi32, #tpu.memory_space<vmem>>
      %dma_start3A_87 = arith.constant 0 : i32
      %dma_start3A_88 = arith.constant 0 : i32
      %dma_start3A_89 = tpu.memref_slice %arg2[%dma_start3A_87, %dma_start3A_88] : memref<10000x128xf32, #tpu.memory_space<hbm>> -> memref<10000x128xf32, #tpu.memory_space<hbm>>
      tpu.enqueue_indirect_dma source(%dma_start3A_89 : memref<10000x128xf32, #tpu.memory_space<hbm>>) target(%arg9 : memref<128x128xf32, #tpu.memory_space<vmem>>) offsets(%dma_start3A_86 : memref<128xi32, #tpu.memory_space<vmem>>) semaphore(%arg10 : memref<!tpu.dma_semaphore, #tpu.memory_space<semaphore_mem>>)
      %dma_wait3A = arith.constant 0 : i32
      %dma_wait3A_90 = tpu.memref_slice %arg7[%scan3A_84, %dma_wait3A] : memref<40x128xi32, #tpu.memory_space<vmem>> -> memref<1x128xi32, #tpu.memory_space<vmem>>
      %dma_wait3A_91 = tpu.memref_squeeze %dma_wait3A_90 : memref<1x128xi32, #tpu.memory_space<vmem>> -> memref<128xi32, #tpu.memory_space<vmem>>
      %dma_wait3A_92 = arith.constant 0 : i32
      %dma_wait3A_93 = arith.constant 0 : i32
      %dma_wait3A_94 = tpu.memref_slice %arg2[%dma_wait3A_92, %dma_wait3A_93] : memref<10000x128xf32, #tpu.memory_space<hbm>> -> memref<10000x128xf32, #tpu.memory_space<hbm>>
      tpu.wait_indirect_dma semaphore(%arg10 : memref<!tpu.dma_semaphore, #tpu.memory_space<semaphore_mem>>) src(%dma_wait3A_94 : memref<10000x128xf32, #tpu.memory_space<hbm>>) dst(%arg9 : memref<128x128xf32, #tpu.memory_space<vmem>>)
      "tpu.region"() ({
        %run_scoped3A = tpu.sem_alloc : memref<!tpu.dma_semaphore, #tpu.memory_space<semaphore_mem>>
        %dma_start3A_95 = arith.constant 0 : i32
        %dma_start3A_96 = tpu.memref_slice %arg8[%scan3A_84, %dma_start3A_95] : memref<40x128xi32, #tpu.memory_space<vmem>> -> memref<1x128xi32, #tpu.memory_space<vmem>>
        %dma_start3A_97 = tpu.memref_squeeze %dma_start3A_96 : memref<1x128xi32, #tpu.memory_space<vmem>> -> memref<128xi32, #tpu.memory_space<vmem>>
        %dma_start3A_98 = arith.constant 0 : i32
        %dma_start3A_99 = arith.constant 0 : i32
        %dma_start3A_100 = tpu.memref_slice %arg11[%dma_start3A_98, %dma_start3A_99] : memref<10240x128xf32, #tpu.memory_space<vmem_shared>> -> memref<10240x128xf32, #tpu.memory_space<vmem_shared>>
        tpu.enqueue_indirect_dma source(%arg9 : memref<128x128xf32, #tpu.memory_space<vmem>>) target(%dma_start3A_100 : memref<10240x128xf32, #tpu.memory_space<vmem_shared>>) offsets(%dma_start3A_97 : memref<128xi32, #tpu.memory_space<vmem>>) semaphore(%run_scoped3A : memref<!tpu.dma_semaphore, #tpu.memory_space<semaphore_mem>>) {add = true}
        %dma_wait3A_101 = arith.constant 0 : i32
        %dma_wait3A_102 = tpu.memref_slice %arg8[%scan3A_84, %dma_wait3A_101] : memref<40x128xi32, #tpu.memory_space<vmem>> -> memref<1x128xi32, #tpu.memory_space<vmem>>
        %dma_wait3A_103 = tpu.memref_squeeze %dma_wait3A_102 : memref<1x128xi32, #tpu.memory_space<vmem>> -> memref<128xi32, #tpu.memory_space<vmem>>
        %dma_wait3A_104 = arith.constant 0 : i32
        %dma_wait3A_105 = arith.constant 0 : i32
        %dma_wait3A_106 = tpu.memref_slice %arg11[%dma_wait3A_104, %dma_wait3A_105] : memref<10240x128xf32, #tpu.memory_space<vmem_shared>> -> memref<10240x128xf32, #tpu.memory_space<vmem_shared>>
        tpu.wait_indirect_dma semaphore(%run_scoped3A : memref<!tpu.dma_semaphore, #tpu.memory_space<semaphore_mem>>) src(%arg9 : memref<128x128xf32, #tpu.memory_space<vmem>>) dst(%dma_wait3A_106 : memref<10240x128xf32, #tpu.memory_space<vmem_shared>>)
        tpu.yield
      }) : () -> ()
    }
    %scan3A_33 = arith.constant 40 : i32
    %mul3A_34 = arith.constant 2 : i32
    %mul3A_35 = arith.muli %add3A, %mul3A_34 : i32
    %add3A_36 = arith.constant 1 : i32
    %add3A_37 = arith.addi %mul3A_35, %add3A_36 : i32
    "tpu.region"() ({
      %run_scoped3A = tpu.sem_alloc : memref<!tpu.dma_semaphore, #tpu.memory_space<semaphore_mem>>
      %dma_start3A = arith.constant 0 : i32
      %dma_start3A_84 = arith.constant 0 : i32
      %dma_start3A_85 = tpu.memref_slice %arg3[%add3A_37, %dma_start3A, %dma_start3A_84] : memref<64x40x128xi32, #tpu.memory_space<hbm>> -> memref<1x40x128xi32, #tpu.memory_space<hbm>>
      %dma_start3A_86 = tpu.memref_squeeze %dma_start3A_85 : memref<1x40x128xi32, #tpu.memory_space<hbm>> -> memref<40x128xi32, #tpu.memory_space<hbm>>
      %dma_start3A_87 = arith.constant 0 : i32
      %dma_start3A_88 = arith.constant 0 : i32
      %dma_start3A_89 = tpu.memref_slice %arg3[%add3A_37, %dma_start3A_87, %dma_start3A_88] : memref<64x40x128xi32, #tpu.memory_space<hbm>> -> memref<1x40x128xi32, #tpu.memory_space<hbm>>
      %dma_start3A_90 = tpu.memref_squeeze %dma_start3A_89 : memref<1x40x128xi32, #tpu.memory_space<hbm>> -> memref<40x128xi32, #tpu.memory_space<hbm>>
      tpu.enqueue_dma source(%dma_start3A_90 : memref<40x128xi32, #tpu.memory_space<hbm>>) target(%arg7 : memref<40x128xi32, #tpu.memory_space<vmem>>) target_semaphore(%run_scoped3A : memref<!tpu.dma_semaphore, #tpu.memory_space<semaphore_mem>>)
      %dma_wait3A = arith.constant 0 : i32
      %dma_wait3A_91 = arith.constant 0 : i32
      %dma_wait3A_92 = tpu.memref_slice %arg3[%add3A_37, %dma_wait3A, %dma_wait3A_91] : memref<64x40x128xi32, #tpu.memory_space<hbm>> -> memref<1x40x128xi32, #tpu.memory_space<hbm>>
      %dma_wait3A_93 = tpu.memref_squeeze %dma_wait3A_92 : memref<1x40x128xi32, #tpu.memory_space<hbm>> -> memref<40x128xi32, #tpu.memory_space<hbm>>
      %dma_wait3A_94 = arith.constant 0 : i32
      %dma_wait3A_95 = arith.constant 0 : i32
      %dma_wait3A_96 = tpu.memref_slice %arg3[%add3A_37, %dma_wait3A_94, %dma_wait3A_95] : memref<64x40x128xi32, #tpu.memory_space<hbm>> -> memref<1x40x128xi32, #tpu.memory_space<hbm>>
      %dma_wait3A_97 = tpu.memref_squeeze %dma_wait3A_96 : memref<1x40x128xi32, #tpu.memory_space<hbm>> -> memref<40x128xi32, #tpu.memory_space<hbm>>
      tpu.wait_dma2 semaphore(%run_scoped3A : memref<!tpu.dma_semaphore, #tpu.memory_space<semaphore_mem>>) src(%dma_wait3A_97 : memref<40x128xi32, #tpu.memory_space<hbm>>) dst(%arg7 : memref<40x128xi32, #tpu.memory_space<vmem>>)
      tpu.yield
    }) : () -> ()
    %mul3A_38 = arith.constant 2 : i32
    %mul3A_39 = arith.muli %add3A, %mul3A_38 : i32
    %add3A_40 = arith.constant 1 : i32
    %add3A_41 = arith.addi %mul3A_39, %add3A_40 : i32
    "tpu.region"() ({
      %run_scoped3A = tpu.sem_alloc : memref<!tpu.dma_semaphore, #tpu.memory_space<semaphore_mem>>
      %dma_start3A = arith.constant 0 : i32
      %dma_start3A_84 = arith.constant 0 : i32
      %dma_start3A_85 = tpu.memref_slice %arg4[%add3A_41, %dma_start3A, %dma_start3A_84] : memref<64x40x128xi32, #tpu.memory_space<hbm>> -> memref<1x40x128xi32, #tpu.memory_space<hbm>>
      %dma_start3A_86 = tpu.memref_squeeze %dma_start3A_85 : memref<1x40x128xi32, #tpu.memory_space<hbm>> -> memref<40x128xi32, #tpu.memory_space<hbm>>
      %dma_start3A_87 = arith.constant 0 : i32
      %dma_start3A_88 = arith.constant 0 : i32
      %dma_start3A_89 = tpu.memref_slice %arg4[%add3A_41, %dma_start3A_87, %dma_start3A_88] : memref<64x40x128xi32, #tpu.memory_space<hbm>> -> memref<1x40x128xi32, #tpu.memory_space<hbm>>
      %dma_start3A_90 = tpu.memref_squeeze %dma_start3A_89 : memref<1x40x128xi32, #tpu.memory_space<hbm>> -> memref<40x128xi32, #tpu.memory_space<hbm>>
      tpu.enqueue_dma source(%dma_start3A_90 : memref<40x128xi32, #tpu.memory_space<hbm>>) target(%arg8 : memref<40x128xi32, #tpu.memory_space<vmem>>) target_semaphore(%run_scoped3A : memref<!tpu.dma_semaphore, #tpu.memory_space<semaphore_mem>>)
      %dma_wait3A = arith.constant 0 : i32
      %dma_wait3A_91 = arith.constant 0 : i32
      %dma_wait3A_92 = tpu.memref_slice %arg4[%add3A_41, %dma_wait3A, %dma_wait3A_91] : memref<64x40x128xi32, #tpu.memory_space<hbm>> -> memref<1x40x128xi32, #tpu.memory_space<hbm>>
      %dma_wait3A_93 = tpu.memref_squeeze %dma_wait3A_92 : memref<1x40x128xi32, #tpu.memory_space<hbm>> -> memref<40x128xi32, #tpu.memory_space<hbm>>
      %dma_wait3A_94 = arith.constant 0 : i32
      %dma_wait3A_95 = arith.constant 0 : i32
      %dma_wait3A_96 = tpu.memref_slice %arg4[%add3A_41, %dma_wait3A_94, %dma_wait3A_95] : memref<64x40x128xi32, #tpu.memory_space<hbm>> -> memref<1x40x128xi32, #tpu.memory_space<hbm>>
      %dma_wait3A_97 = tpu.memref_squeeze %dma_wait3A_96 : memref<1x40x128xi32, #tpu.memory_space<hbm>> -> memref<40x128xi32, #tpu.memory_space<hbm>>
      tpu.wait_dma2 semaphore(%run_scoped3A : memref<!tpu.dma_semaphore, #tpu.memory_space<semaphore_mem>>) src(%dma_wait3A_97 : memref<40x128xi32, #tpu.memory_space<hbm>>) dst(%arg8 : memref<40x128xi32, #tpu.memory_space<vmem>>)
      tpu.yield
    }) : () -> ()
    %scan3A_42 = arith.constant 0 : i32
    %scan3A_43 = arith.constant 0 : i32
    %scan3A_44 = arith.constant 40 : i32
    %scan3A_45 = arith.addi %scan3A_43, %scan3A_44 : i32
    %scan3A_46 = arith.constant 1 : i32
    scf.for %scan3A_84 = %scan3A_43 to %scan3A_45 step %scan3A_46  : i32 {
      %dma_start3A = arith.constant 0 : i32
      %dma_start3A_85 = tpu.memref_slice %arg7[%scan3A_84, %dma_start3A] : memref<40x128xi32, #tpu.memory_space<vmem>> -> memref<1x128xi32, #tpu.memory_space<vmem>>
      %dma_start3A_86 = tpu.memref_squeeze %dma_start3A_85 : memref<1x128xi32, #tpu.memory_space<vmem>> -> memref<128xi32, #tpu.memory_space<vmem>>
      %dma_start3A_87 = arith.constant 0 : i32
      %dma_start3A_88 = arith.constant 0 : i32
      %dma_start3A_89 = tpu.memref_slice %arg2[%dma_start3A_87, %dma_start3A_88] : memref<10000x128xf32, #tpu.memory_space<hbm>> -> memref<10000x128xf32, #tpu.memory_space<hbm>>
      tpu.enqueue_indirect_dma source(%dma_start3A_89 : memref<10000x128xf32, #tpu.memory_space<hbm>>) target(%arg9 : memref<128x128xf32, #tpu.memory_space<vmem>>) offsets(%dma_start3A_86 : memref<128xi32, #tpu.memory_space<vmem>>) semaphore(%arg10 : memref<!tpu.dma_semaphore, #tpu.memory_space<semaphore_mem>>)
      %dma_wait3A = arith.constant 0 : i32
      %dma_wait3A_90 = tpu.memref_slice %arg7[%scan3A_84, %dma_wait3A] : memref<40x128xi32, #tpu.memory_space<vmem>> -> memref<1x128xi32, #tpu.memory_space<vmem>>
      %dma_wait3A_91 = tpu.memref_squeeze %dma_wait3A_90 : memref<1x128xi32, #tpu.memory_space<vmem>> -> memref<128xi32, #tpu.memory_space<vmem>>
      %dma_wait3A_92 = arith.constant 0 : i32
      %dma_wait3A_93 = arith.constant 0 : i32
      %dma_wait3A_94 = tpu.memref_slice %arg2[%dma_wait3A_92, %dma_wait3A_93] : memref<10000x128xf32, #tpu.memory_space<hbm>> -> memref<10000x128xf32, #tpu.memory_space<hbm>>
      tpu.wait_indirect_dma semaphore(%arg10 : memref<!tpu.dma_semaphore, #tpu.memory_space<semaphore_mem>>) src(%dma_wait3A_94 : memref<10000x128xf32, #tpu.memory_space<hbm>>) dst(%arg9 : memref<128x128xf32, #tpu.memory_space<vmem>>)
      "tpu.region"() ({
        %run_scoped3A = tpu.sem_alloc : memref<!tpu.dma_semaphore, #tpu.memory_space<semaphore_mem>>
        %dma_start3A_95 = arith.constant 0 : i32
        %dma_start3A_96 = tpu.memref_slice %arg8[%scan3A_84, %dma_start3A_95] : memref<40x128xi32, #tpu.memory_space<vmem>> -> memref<1x128xi32, #tpu.memory_space<vmem>>
        %dma_start3A_97 = tpu.memref_squeeze %dma_start3A_96 : memref<1x128xi32, #tpu.memory_space<vmem>> -> memref<128xi32, #tpu.memory_space<vmem>>
        %dma_start3A_98 = arith.constant 0 : i32
        %dma_start3A_99 = arith.constant 0 : i32
        %dma_start3A_100 = tpu.memref_slice %arg11[%dma_start3A_98, %dma_start3A_99] : memref<10240x128xf32, #tpu.memory_space<vmem_shared>> -> memref<10240x128xf32, #tpu.memory_space<vmem_shared>>
        tpu.enqueue_indirect_dma source(%arg9 : memref<128x128xf32, #tpu.memory_space<vmem>>) target(%dma_start3A_100 : memref<10240x128xf32, #tpu.memory_space<vmem_shared>>) offsets(%dma_start3A_97 : memref<128xi32, #tpu.memory_space<vmem>>) semaphore(%run_scoped3A : memref<!tpu.dma_semaphore, #tpu.memory_space<semaphore_mem>>) {add = true}
        %dma_wait3A_101 = arith.constant 0 : i32
        %dma_wait3A_102 = tpu.memref_slice %arg8[%scan3A_84, %dma_wait3A_101] : memref<40x128xi32, #tpu.memory_space<vmem>> -> memref<1x128xi32, #tpu.memory_space<vmem>>
        %dma_wait3A_103 = tpu.memref_squeeze %dma_wait3A_102 : memref<1x128xi32, #tpu.memory_space<vmem>> -> memref<128xi32, #tpu.memory_space<vmem>>
        %dma_wait3A_104 = arith.constant 0 : i32
        %dma_wait3A_105 = arith.constant 0 : i32
        %dma_wait3A_106 = tpu.memref_slice %arg11[%dma_wait3A_104, %dma_wait3A_105] : memref<10240x128xf32, #tpu.memory_space<vmem_shared>> -> memref<10240x128xf32, #tpu.memory_space<vmem_shared>>
        tpu.wait_indirect_dma semaphore(%run_scoped3A : memref<!tpu.dma_semaphore, #tpu.memory_space<semaphore_mem>>) src(%arg9 : memref<128x128xf32, #tpu.memory_space<vmem>>) dst(%dma_wait3A_106 : memref<10240x128xf32, #tpu.memory_space<vmem_shared>>)
        tpu.yield
      }) : () -> ()
    }
    %scan3A_47 = arith.constant 40 : i32
    %barrier3A_48 = arith.constant 0 : index
    tpu.barrier barrier_id(%barrier3A_48)
    %mul3A_49 = arith.constant 10240 : i32
    %mul3A_50 = arith.muli %arg0, %mul3A_49 : i32
    %mul3A_51 = arith.constant 640 : i32
    %mul3A_52 = arith.muli %arg1, %mul3A_51 : i32
    %add3A_53 = arith.addi %mul3A_50, %mul3A_52 : i32
    %mul3A_54 = arith.constant 640 : i32
    %mul3A_55 = arith.muli %arg1, %mul3A_54 : i32
    %add3A_56 = arith.constant 0 : i32
    %add3A_57 = arith.addi %mul3A_55, %add3A_56 : i32
    "tpu.region"() ({
      %run_scoped3A = tpu.sem_alloc : memref<!tpu.dma_semaphore, #tpu.memory_space<semaphore_mem>>
      %dma_start3A = arith.constant 0 : i32
      %dma_start3A_84 = tpu.memref_slice %arg11[%add3A_57, %dma_start3A] : memref<10240x128xf32, #tpu.memory_space<vmem_shared>> -> memref<128x128xf32, #tpu.memory_space<vmem_shared>>
      %dma_start3A_85 = arith.constant 0 : i32
      %dma_start3A_86 = tpu.memref_slice %arg11[%add3A_57, %dma_start3A_85] : memref<10240x128xf32, #tpu.memory_space<vmem_shared>> -> memref<128x128xf32, #tpu.memory_space<vmem_shared>>
      tpu.enqueue_dma source(%dma_start3A_86 : memref<128x128xf32, #tpu.memory_space<vmem_shared>>) target(%arg9 : memref<128x128xf32, #tpu.memory_space<vmem>>) target_semaphore(%run_scoped3A : memref<!tpu.dma_semaphore, #tpu.memory_space<semaphore_mem>>)
      %dma_wait3A = arith.constant 0 : i32
      %dma_wait3A_87 = tpu.memref_slice %arg11[%add3A_57, %dma_wait3A] : memref<10240x128xf32, #tpu.memory_space<vmem_shared>> -> memref<128x128xf32, #tpu.memory_space<vmem_shared>>
      %dma_wait3A_88 = arith.constant 0 : i32
      %dma_wait3A_89 = tpu.memref_slice %arg11[%add3A_57, %dma_wait3A_88] : memref<10240x128xf32, #tpu.memory_space<vmem_shared>> -> memref<128x128xf32, #tpu.memory_space<vmem_shared>>
      tpu.wait_dma2 semaphore(%run_scoped3A : memref<!tpu.dma_semaphore, #tpu.memory_space<semaphore_mem>>) src(%dma_wait3A_89 : memref<128x128xf32, #tpu.memory_space<vmem_shared>>) dst(%arg9 : memref<128x128xf32, #tpu.memory_space<vmem>>)
      tpu.yield
    }) : () -> ()
    %add3A_58 = arith.constant 0 : i32
    %add3A_59 = arith.addi %add3A_53, %add3A_58 : i32
    "tpu.region"() ({
      %run_scoped3A = tpu.sem_alloc : memref<!tpu.dma_semaphore, #tpu.memory_space<semaphore_mem>>
      %dma_start3A = arith.constant 0 : i32
      %dma_start3A_84 = tpu.memref_slice %arg6[%add3A_59, %dma_start3A] : memref<20480x128xf32, #tpu.memory_space<hbm>> -> memref<128x128xf32, #tpu.memory_space<hbm>>
      %dma_start3A_85 = arith.constant 0 : i32
      %dma_start3A_86 = tpu.memref_slice %arg6[%add3A_59, %dma_start3A_85] : memref<20480x128xf32, #tpu.memory_space<hbm>> -> memref<128x128xf32, #tpu.memory_space<hbm>>
      tpu.enqueue_dma source(%arg9 : memref<128x128xf32, #tpu.memory_space<vmem>>) target(%dma_start3A_86 : memref<128x128xf32, #tpu.memory_space<hbm>>) target_semaphore(%run_scoped3A : memref<!tpu.dma_semaphore, #tpu.memory_space<semaphore_mem>>)
      %dma_wait3A = arith.constant 0 : i32
      %dma_wait3A_87 = tpu.memref_slice %arg6[%add3A_59, %dma_wait3A] : memref<20480x128xf32, #tpu.memory_space<hbm>> -> memref<128x128xf32, #tpu.memory_space<hbm>>
      %dma_wait3A_88 = arith.constant 0 : i32
      %dma_wait3A_89 = tpu.memref_slice %arg6[%add3A_59, %dma_wait3A_88] : memref<20480x128xf32, #tpu.memory_space<hbm>> -> memref<128x128xf32, #tpu.memory_space<hbm>>
      tpu.wait_dma2 semaphore(%run_scoped3A : memref<!tpu.dma_semaphore, #tpu.memory_space<semaphore_mem>>) src(%arg9 : memref<128x128xf32, #tpu.memory_space<vmem>>) dst(%dma_wait3A_89 : memref<128x128xf32, #tpu.memory_space<hbm>>)
      tpu.yield
    }) : () -> ()
    %mul3A_60 = arith.constant 640 : i32
    %mul3A_61 = arith.muli %arg1, %mul3A_60 : i32
    %add3A_62 = arith.constant 128 : i32
    %add3A_63 = arith.addi %mul3A_61, %add3A_62 : i32
    "tpu.region"() ({
      %run_scoped3A = tpu.sem_alloc : memref<!tpu.dma_semaphore, #tpu.memory_space<semaphore_mem>>
      %dma_start3A = arith.constant 0 : i32
      %dma_start3A_84 = tpu.memref_slice %arg11[%add3A_63, %dma_start3A] : memref<10240x128xf32, #tpu.memory_space<vmem_shared>> -> memref<128x128xf32, #tpu.memory_space<vmem_shared>>
      %dma_start3A_85 = arith.constant 0 : i32
      %dma_start3A_86 = tpu.memref_slice %arg11[%add3A_63, %dma_start3A_85] : memref<10240x128xf32, #tpu.memory_space<vmem_shared>> -> memref<128x128xf32, #tpu.memory_space<vmem_shared>>
      tpu.enqueue_dma source(%dma_start3A_86 : memref<128x128xf32, #tpu.memory_space<vmem_shared>>) target(%arg9 : memref<128x128xf32, #tpu.memory_space<vmem>>) target_semaphore(%run_scoped3A : memref<!tpu.dma_semaphore, #tpu.memory_space<semaphore_mem>>)
      %dma_wait3A = arith.constant 0 : i32
      %dma_wait3A_87 = tpu.memref_slice %arg11[%add3A_63, %dma_wait3A] : memref<10240x128xf32, #tpu.memory_space<vmem_shared>> -> memref<128x128xf32, #tpu.memory_space<vmem_shared>>
      %dma_wait3A_88 = arith.constant 0 : i32
      %dma_wait3A_89 = tpu.memref_slice %arg11[%add3A_63, %dma_wait3A_88] : memref<10240x128xf32, #tpu.memory_space<vmem_shared>> -> memref<128x128xf32, #tpu.memory_space<vmem_shared>>
      tpu.wait_dma2 semaphore(%run_scoped3A : memref<!tpu.dma_semaphore, #tpu.memory_space<semaphore_mem>>) src(%dma_wait3A_89 : memref<128x128xf32, #tpu.memory_space<vmem_shared>>) dst(%arg9 : memref<128x128xf32, #tpu.memory_space<vmem>>)
      tpu.yield
    }) : () -> ()
    %add3A_64 = arith.constant 128 : i32
    %add3A_65 = arith.addi %add3A_53, %add3A_64 : i32
    "tpu.region"() ({
      %run_scoped3A = tpu.sem_alloc : memref<!tpu.dma_semaphore, #tpu.memory_space<semaphore_mem>>
      %dma_start3A = arith.constant 0 : i32
      %dma_start3A_84 = tpu.memref_slice %arg6[%add3A_65, %dma_start3A] : memref<20480x128xf32, #tpu.memory_space<hbm>> -> memref<128x128xf32, #tpu.memory_space<hbm>>
      %dma_start3A_85 = arith.constant 0 : i32
      %dma_start3A_86 = tpu.memref_slice %arg6[%add3A_65, %dma_start3A_85] : memref<20480x128xf32, #tpu.memory_space<hbm>> -> memref<128x128xf32, #tpu.memory_space<hbm>>
      tpu.enqueue_dma source(%arg9 : memref<128x128xf32, #tpu.memory_space<vmem>>) target(%dma_start3A_86 : memref<128x128xf32, #tpu.memory_space<hbm>>) target_semaphore(%run_scoped3A : memref<!tpu.dma_semaphore, #tpu.memory_space<semaphore_mem>>)
      %dma_wait3A = arith.constant 0 : i32
      %dma_wait3A_87 = tpu.memref_slice %arg6[%add3A_65, %dma_wait3A] : memref<20480x128xf32, #tpu.memory_space<hbm>> -> memref<128x128xf32, #tpu.memory_space<hbm>>
      %dma_wait3A_88 = arith.constant 0 : i32
      %dma_wait3A_89 = tpu.memref_slice %arg6[%add3A_65, %dma_wait3A_88] : memref<20480x128xf32, #tpu.memory_space<hbm>> -> memref<128x128xf32, #tpu.memory_space<hbm>>
      tpu.wait_dma2 semaphore(%run_scoped3A : memref<!tpu.dma_semaphore, #tpu.memory_space<semaphore_mem>>) src(%arg9 : memref<128x128xf32, #tpu.memory_space<vmem>>) dst(%dma_wait3A_89 : memref<128x128xf32, #tpu.memory_space<hbm>>)
      tpu.yield
    }) : () -> ()
    %mul3A_66 = arith.constant 640 : i32
    %mul3A_67 = arith.muli %arg1, %mul3A_66 : i32
    %add3A_68 = arith.constant 256 : i32
    %add3A_69 = arith.addi %mul3A_67, %add3A_68 : i32
    "tpu.region"() ({
      %run_scoped3A = tpu.sem_alloc : memref<!tpu.dma_semaphore, #tpu.memory_space<semaphore_mem>>
      %dma_start3A = arith.constant 0 : i32
      %dma_start3A_84 = tpu.memref_slice %arg11[%add3A_69, %dma_start3A] : memref<10240x128xf32, #tpu.memory_space<vmem_shared>> -> memref<128x128xf32, #tpu.memory_space<vmem_shared>>
      %dma_start3A_85 = arith.constant 0 : i32
      %dma_start3A_86 = tpu.memref_slice %arg11[%add3A_69, %dma_start3A_85] : memref<10240x128xf32, #tpu.memory_space<vmem_shared>> -> memref<128x128xf32, #tpu.memory_space<vmem_shared>>
      tpu.enqueue_dma source(%dma_start3A_86 : memref<128x128xf32, #tpu.memory_space<vmem_shared>>) target(%arg9 : memref<128x128xf32, #tpu.memory_space<vmem>>) target_semaphore(%run_scoped3A : memref<!tpu.dma_semaphore, #tpu.memory_space<semaphore_mem>>)
      %dma_wait3A = arith.constant 0 : i32
      %dma_wait3A_87 = tpu.memref_slice %arg11[%add3A_69, %dma_wait3A] : memref<10240x128xf32, #tpu.memory_space<vmem_shared>> -> memref<128x128xf32, #tpu.memory_space<vmem_shared>>
      %dma_wait3A_88 = arith.constant 0 : i32
      %dma_wait3A_89 = tpu.memref_slice %arg11[%add3A_69, %dma_wait3A_88] : memref<10240x128xf32, #tpu.memory_space<vmem_shared>> -> memref<128x128xf32, #tpu.memory_space<vmem_shared>>
      tpu.wait_dma2 semaphore(%run_scoped3A : memref<!tpu.dma_semaphore, #tpu.memory_space<semaphore_mem>>) src(%dma_wait3A_89 : memref<128x128xf32, #tpu.memory_space<vmem_shared>>) dst(%arg9 : memref<128x128xf32, #tpu.memory_space<vmem>>)
      tpu.yield
    }) : () -> ()
    %add3A_70 = arith.constant 256 : i32
    %add3A_71 = arith.addi %add3A_53, %add3A_70 : i32
    "tpu.region"() ({
      %run_scoped3A = tpu.sem_alloc : memref<!tpu.dma_semaphore, #tpu.memory_space<semaphore_mem>>
      %dma_start3A = arith.constant 0 : i32
      %dma_start3A_84 = tpu.memref_slice %arg6[%add3A_71, %dma_start3A] : memref<20480x128xf32, #tpu.memory_space<hbm>> -> memref<128x128xf32, #tpu.memory_space<hbm>>
      %dma_start3A_85 = arith.constant 0 : i32
      %dma_start3A_86 = tpu.memref_slice %arg6[%add3A_71, %dma_start3A_85] : memref<20480x128xf32, #tpu.memory_space<hbm>> -> memref<128x128xf32, #tpu.memory_space<hbm>>
      tpu.enqueue_dma source(%arg9 : memref<128x128xf32, #tpu.memory_space<vmem>>) target(%dma_start3A_86 : memref<128x128xf32, #tpu.memory_space<hbm>>) target_semaphore(%run_scoped3A : memref<!tpu.dma_semaphore, #tpu.memory_space<semaphore_mem>>)
      %dma_wait3A = arith.constant 0 : i32
      %dma_wait3A_87 = tpu.memref_slice %arg6[%add3A_71, %dma_wait3A] : memref<20480x128xf32, #tpu.memory_space<hbm>> -> memref<128x128xf32, #tpu.memory_space<hbm>>
      %dma_wait3A_88 = arith.constant 0 : i32
      %dma_wait3A_89 = tpu.memref_slice %arg6[%add3A_71, %dma_wait3A_88] : memref<20480x128xf32, #tpu.memory_space<hbm>> -> memref<128x128xf32, #tpu.memory_space<hbm>>
      tpu.wait_dma2 semaphore(%run_scoped3A : memref<!tpu.dma_semaphore, #tpu.memory_space<semaphore_mem>>) src(%arg9 : memref<128x128xf32, #tpu.memory_space<vmem>>) dst(%dma_wait3A_89 : memref<128x128xf32, #tpu.memory_space<hbm>>)
      tpu.yield
    }) : () -> ()
    %mul3A_72 = arith.constant 640 : i32
    %mul3A_73 = arith.muli %arg1, %mul3A_72 : i32
    %add3A_74 = arith.constant 384 : i32
    %add3A_75 = arith.addi %mul3A_73, %add3A_74 : i32
    "tpu.region"() ({
      %run_scoped3A = tpu.sem_alloc : memref<!tpu.dma_semaphore, #tpu.memory_space<semaphore_mem>>
      %dma_start3A = arith.constant 0 : i32
      %dma_start3A_84 = tpu.memref_slice %arg11[%add3A_75, %dma_start3A] : memref<10240x128xf32, #tpu.memory_space<vmem_shared>> -> memref<128x128xf32, #tpu.memory_space<vmem_shared>>
      %dma_start3A_85 = arith.constant 0 : i32
      %dma_start3A_86 = tpu.memref_slice %arg11[%add3A_75, %dma_start3A_85] : memref<10240x128xf32, #tpu.memory_space<vmem_shared>> -> memref<128x128xf32, #tpu.memory_space<vmem_shared>>
      tpu.enqueue_dma source(%dma_start3A_86 : memref<128x128xf32, #tpu.memory_space<vmem_shared>>) target(%arg9 : memref<128x128xf32, #tpu.memory_space<vmem>>) target_semaphore(%run_scoped3A : memref<!tpu.dma_semaphore, #tpu.memory_space<semaphore_mem>>)
      %dma_wait3A = arith.constant 0 : i32
      %dma_wait3A_87 = tpu.memref_slice %arg11[%add3A_75, %dma_wait3A] : memref<10240x128xf32, #tpu.memory_space<vmem_shared>> -> memref<128x128xf32, #tpu.memory_space<vmem_shared>>
      %dma_wait3A_88 = arith.constant 0 : i32
      %dma_wait3A_89 = tpu.memref_slice %arg11[%add3A_75, %dma_wait3A_88] : memref<10240x128xf32, #tpu.memory_space<vmem_shared>> -> memref<128x128xf32, #tpu.memory_space<vmem_shared>>
      tpu.wait_dma2 semaphore(%run_scoped3A : memref<!tpu.dma_semaphore, #tpu.memory_space<semaphore_mem>>) src(%dma_wait3A_89 : memref<128x128xf32, #tpu.memory_space<vmem_shared>>) dst(%arg9 : memref<128x128xf32, #tpu.memory_space<vmem>>)
      tpu.yield
    }) : () -> ()
    %add3A_76 = arith.constant 384 : i32
    %add3A_77 = arith.addi %add3A_53, %add3A_76 : i32
    "tpu.region"() ({
      %run_scoped3A = tpu.sem_alloc : memref<!tpu.dma_semaphore, #tpu.memory_space<semaphore_mem>>
      %dma_start3A = arith.constant 0 : i32
      %dma_start3A_84 = tpu.memref_slice %arg6[%add3A_77, %dma_start3A] : memref<20480x128xf32, #tpu.memory_space<hbm>> -> memref<128x128xf32, #tpu.memory_space<hbm>>
      %dma_start3A_85 = arith.constant 0 : i32
      %dma_start3A_86 = tpu.memref_slice %arg6[%add3A_77, %dma_start3A_85] : memref<20480x128xf32, #tpu.memory_space<hbm>> -> memref<128x128xf32, #tpu.memory_space<hbm>>
      tpu.enqueue_dma source(%arg9 : memref<128x128xf32, #tpu.memory_space<vmem>>) target(%dma_start3A_86 : memref<128x128xf32, #tpu.memory_space<hbm>>) target_semaphore(%run_scoped3A : memref<!tpu.dma_semaphore, #tpu.memory_space<semaphore_mem>>)
      %dma_wait3A = arith.constant 0 : i32
      %dma_wait3A_87 = tpu.memref_slice %arg6[%add3A_77, %dma_wait3A] : memref<20480x128xf32, #tpu.memory_space<hbm>> -> memref<128x128xf32, #tpu.memory_space<hbm>>
      %dma_wait3A_88 = arith.constant 0 : i32
      %dma_wait3A_89 = tpu.memref_slice %arg6[%add3A_77, %dma_wait3A_88] : memref<20480x128xf32, #tpu.memory_space<hbm>> -> memref<128x128xf32, #tpu.memory_space<hbm>>
      tpu.wait_dma2 semaphore(%run_scoped3A : memref<!tpu.dma_semaphore, #tpu.memory_space<semaphore_mem>>) src(%arg9 : memref<128x128xf32, #tpu.memory_space<vmem>>) dst(%dma_wait3A_89 : memref<128x128xf32, #tpu.memory_space<hbm>>)
      tpu.yield
    }) : () -> ()
    %mul3A_78 = arith.constant 640 : i32
    %mul3A_79 = arith.muli %arg1, %mul3A_78 : i32
    %add3A_80 = arith.constant 512 : i32
    %add3A_81 = arith.addi %mul3A_79, %add3A_80 : i32
    "tpu.region"() ({
      %run_scoped3A = tpu.sem_alloc : memref<!tpu.dma_semaphore, #tpu.memory_space<semaphore_mem>>
      %dma_start3A = arith.constant 0 : i32
      %dma_start3A_84 = tpu.memref_slice %arg11[%add3A_81, %dma_start3A] : memref<10240x128xf32, #tpu.memory_space<vmem_shared>> -> memref<128x128xf32, #tpu.memory_space<vmem_shared>>
      %dma_start3A_85 = arith.constant 0 : i32
      %dma_start3A_86 = tpu.memref_slice %arg11[%add3A_81, %dma_start3A_85] : memref<10240x128xf32, #tpu.memory_space<vmem_shared>> -> memref<128x128xf32, #tpu.memory_space<vmem_shared>>
      tpu.enqueue_dma source(%dma_start3A_86 : memref<128x128xf32, #tpu.memory_space<vmem_shared>>) target(%arg9 : memref<128x128xf32, #tpu.memory_space<vmem>>) target_semaphore(%run_scoped3A : memref<!tpu.dma_semaphore, #tpu.memory_space<semaphore_mem>>)
      %dma_wait3A = arith.constant 0 : i32
      %dma_wait3A_87 = tpu.memref_slice %arg11[%add3A_81, %dma_wait3A] : memref<10240x128xf32, #tpu.memory_space<vmem_shared>> -> memref<128x128xf32, #tpu.memory_space<vmem_shared>>
      %dma_wait3A_88 = arith.constant 0 : i32
      %dma_wait3A_89 = tpu.memref_slice %arg11[%add3A_81, %dma_wait3A_88] : memref<10240x128xf32, #tpu.memory_space<vmem_shared>> -> memref<128x128xf32, #tpu.memory_space<vmem_shared>>
      tpu.wait_dma2 semaphore(%run_scoped3A : memref<!tpu.dma_semaphore, #tpu.memory_space<semaphore_mem>>) src(%dma_wait3A_89 : memref<128x128xf32, #tpu.memory_space<vmem_shared>>) dst(%arg9 : memref<128x128xf32, #tpu.memory_space<vmem>>)
      tpu.yield
    }) : () -> ()
    %add3A_82 = arith.constant 512 : i32
    %add3A_83 = arith.addi %add3A_53, %add3A_82 : i32
    "tpu.region"() ({
      %run_scoped3A = tpu.sem_alloc : memref<!tpu.dma_semaphore, #tpu.memory_space<semaphore_mem>>
      %dma_start3A = arith.constant 0 : i32
      %dma_start3A_84 = tpu.memref_slice %arg6[%add3A_83, %dma_start3A] : memref<20480x128xf32, #tpu.memory_space<hbm>> -> memref<128x128xf32, #tpu.memory_space<hbm>>
      %dma_start3A_85 = arith.constant 0 : i32
      %dma_start3A_86 = tpu.memref_slice %arg6[%add3A_83, %dma_start3A_85] : memref<20480x128xf32, #tpu.memory_space<hbm>> -> memref<128x128xf32, #tpu.memory_space<hbm>>
      tpu.enqueue_dma source(%arg9 : memref<128x128xf32, #tpu.memory_space<vmem>>) target(%dma_start3A_86 : memref<128x128xf32, #tpu.memory_space<hbm>>) target_semaphore(%run_scoped3A : memref<!tpu.dma_semaphore, #tpu.memory_space<semaphore_mem>>)
      %dma_wait3A = arith.constant 0 : i32
      %dma_wait3A_87 = tpu.memref_slice %arg6[%add3A_83, %dma_wait3A] : memref<20480x128xf32, #tpu.memory_space<hbm>> -> memref<128x128xf32, #tpu.memory_space<hbm>>
      %dma_wait3A_88 = arith.constant 0 : i32
      %dma_wait3A_89 = tpu.memref_slice %arg6[%add3A_83, %dma_wait3A_88] : memref<20480x128xf32, #tpu.memory_space<hbm>> -> memref<128x128xf32, #tpu.memory_space<hbm>>
      tpu.wait_dma2 semaphore(%run_scoped3A : memref<!tpu.dma_semaphore, #tpu.memory_space<semaphore_mem>>) src(%arg9 : memref<128x128xf32, #tpu.memory_space<vmem>>) dst(%dma_wait3A_89 : memref<128x128xf32, #tpu.memory_space<hbm>>)
      tpu.yield
    }) : () -> ()
    return
  }
}

#map = affine_map<(d0, d1) -> (0, 0)>
#map1 = affine_map<(d0, d1) -> (0, 0, 0)>
module attributes {stable_mosaic.version = 14 : i64} {
  func.func @seg_sum_sc(%arg0: i32, %arg1: i32, %arg2: memref<10000x128xf32, #tpu.memory_space<hbm>>, %arg3: memref<64x40x128xi32, #tpu.memory_space<hbm>>, %arg4: memref<64x40x128xi32, #tpu.memory_space<hbm>>, %arg5: memref<128x128xf32, #tpu.memory_space<hbm>>, %arg6: memref<20480x128xf32, #tpu.memory_space<hbm>>, %arg7: memref<40x128xi32, #tpu.memory_space<vmem>>, %arg8: memref<40x128xi32, #tpu.memory_space<vmem>>, %arg9: memref<128x128xf32, #tpu.memory_space<vmem>>, %arg10: memref<!tpu.dma_semaphore, #tpu.memory_space<semaphore_mem>>, %arg11: memref<10240x128xf32, #tpu.memory_space<vmem_shared>>) attributes {dimension_semantics = [#tpu.dimension_semantics<core_parallel>, #tpu.dimension_semantics<subcore_parallel>], iteration_bounds = array<i64: 2, 16>, scalar_prefetch = 0 : i64, scratch_operands = 5 : i64, tpu.core_type = #tpu.core_type<sc_vector_subcore>, window_params = [{transform_indices = #map}, {transform_indices = #map1}, {transform_indices = #map1}, {transform_indices = #map}, {transform_indices = #map}]} {
    %mul3A = arith.constant 2 : i32
    %mul3A_0 = arith.muli %arg1, %mul3A : i32
    %add3A = arith.addi %mul3A_0, %arg0 : i32
    "tpu.region"() ({
      %run_scoped3A = tpu.sem_alloc : memref<!tpu.dma_semaphore, #tpu.memory_space<semaphore_mem>>
      tpu.enqueue_dma source(%arg5 : memref<128x128xf32, #tpu.memory_space<hbm>>) target(%arg9 : memref<128x128xf32, #tpu.memory_space<vmem>>) target_semaphore(%run_scoped3A : memref<!tpu.dma_semaphore, #tpu.memory_space<semaphore_mem>>)
      tpu.wait_dma2 semaphore(%run_scoped3A : memref<!tpu.dma_semaphore, #tpu.memory_space<semaphore_mem>>) src(%arg5 : memref<128x128xf32, #tpu.memory_space<hbm>>) dst(%arg9 : memref<128x128xf32, #tpu.memory_space<vmem>>)
      tpu.yield
    }) : () -> ()
    %mul3A_1 = arith.constant 640 : i32
    %mul3A_2 = arith.muli %arg1, %mul3A_1 : i32
    %add3A_3 = arith.constant 0 : i32
    %add3A_4 = arith.addi %mul3A_2, %add3A_3 : i32
    "tpu.region"() ({
      %run_scoped3A = tpu.sem_alloc : memref<!tpu.dma_semaphore, #tpu.memory_space<semaphore_mem>>
      %dma_start3A = arith.constant 0 : i32
      %dma_start3A_84 = tpu.memref_slice %arg11[%add3A_4, %dma_start3A] : memref<10240x128xf32, #tpu.memory_space<vmem_shared>> -> memref<128x128xf32, #tpu.memory_space<vmem_shared>>
      %dma_start3A_85 = arith.constant 0 : i32
      %dma_start3A_86 = tpu.memref_slice %arg11[%add3A_4, %dma_start3A_85] : memref<10240x128xf32, #tpu.memory_space<vmem_shared>> -> memref<128x128xf32, #tpu.memory_space<vmem_shared>>
      tpu.enqueue_dma source(%arg9 : memref<128x128xf32, #tpu.memory_space<vmem>>) target(%dma_start3A_86 : memref<128x128xf32, #tpu.memory_space<vmem_shared>>) target_semaphore(%run_scoped3A : memref<!tpu.dma_semaphore, #tpu.memory_space<semaphore_mem>>)
      %dma_wait3A = arith.constant 0 : i32
      %dma_wait3A_87 = tpu.memref_slice %arg11[%add3A_4, %dma_wait3A] : memref<10240x128xf32, #tpu.memory_space<vmem_shared>> -> memref<128x128xf32, #tpu.memory_space<vmem_shared>>
      %dma_wait3A_88 = arith.constant 0 : i32
      %dma_wait3A_89 = tpu.memref_slice %arg11[%add3A_4, %dma_wait3A_88] : memref<10240x128xf32, #tpu.memory_space<vmem_shared>> -> memref<128x128xf32, #tpu.memory_space<vmem_shared>>
      tpu.wait_dma2 semaphore(%run_scoped3A : memref<!tpu.dma_semaphore, #tpu.memory_space<semaphore_mem>>) src(%arg9 : memref<128x128xf32, #tpu.memory_space<vmem>>) dst(%dma_wait3A_89 : memref<128x128xf32, #tpu.memory_space<vmem_shared>>)
      tpu.yield
    }) : () -> ()
    %mul3A_5 = arith.constant 640 : i32
    %mul3A_6 = arith.muli %arg1, %mul3A_5 : i32
    %add3A_7 = arith.constant 128 : i32
    %add3A_8 = arith.addi %mul3A_6, %add3A_7 : i32
    "tpu.region"() ({
      %run_scoped3A = tpu.sem_alloc : memref<!tpu.dma_semaphore, #tpu.memory_space<semaphore_mem>>
      %dma_start3A = arith.constant 0 : i32
      %dma_start3A_84 = tpu.memref_slice %arg11[%add3A_8, %dma_start3A] : memref<10240x128xf32, #tpu.memory_space<vmem_shared>> -> memref<128x128xf32, #tpu.memory_space<vmem_shared>>
      %dma_start3A_85 = arith.constant 0 : i32
      %dma_start3A_86 = tpu.memref_slice %arg11[%add3A_8, %dma_start3A_85] : memref<10240x128xf32, #tpu.memory_space<vmem_shared>> -> memref<128x128xf32, #tpu.memory_space<vmem_shared>>
      tpu.enqueue_dma source(%arg9 : memref<128x128xf32, #tpu.memory_space<vmem>>) target(%dma_start3A_86 : memref<128x128xf32, #tpu.memory_space<vmem_shared>>) target_semaphore(%run_scoped3A : memref<!tpu.dma_semaphore, #tpu.memory_space<semaphore_mem>>)
      %dma_wait3A = arith.constant 0 : i32
      %dma_wait3A_87 = tpu.memref_slice %arg11[%add3A_8, %dma_wait3A] : memref<10240x128xf32, #tpu.memory_space<vmem_shared>> -> memref<128x128xf32, #tpu.memory_space<vmem_shared>>
      %dma_wait3A_88 = arith.constant 0 : i32
      %dma_wait3A_89 = tpu.memref_slice %arg11[%add3A_8, %dma_wait3A_88] : memref<10240x128xf32, #tpu.memory_space<vmem_shared>> -> memref<128x128xf32, #tpu.memory_space<vmem_shared>>
      tpu.wait_dma2 semaphore(%run_scoped3A : memref<!tpu.dma_semaphore, #tpu.memory_space<semaphore_mem>>) src(%arg9 : memref<128x128xf32, #tpu.memory_space<vmem>>) dst(%dma_wait3A_89 : memref<128x128xf32, #tpu.memory_space<vmem_shared>>)
      tpu.yield
    }) : () -> ()
    %mul3A_9 = arith.constant 640 : i32
    %mul3A_10 = arith.muli %arg1, %mul3A_9 : i32
    %add3A_11 = arith.constant 256 : i32
    %add3A_12 = arith.addi %mul3A_10, %add3A_11 : i32
    "tpu.region"() ({
      %run_scoped3A = tpu.sem_alloc : memref<!tpu.dma_semaphore, #tpu.memory_space<semaphore_mem>>
      %dma_start3A = arith.constant 0 : i32
      %dma_start3A_84 = tpu.memref_slice %arg11[%add3A_12, %dma_start3A] : memref<10240x128xf32, #tpu.memory_space<vmem_shared>> -> memref<128x128xf32, #tpu.memory_space<vmem_shared>>
      %dma_start3A_85 = arith.constant 0 : i32
      %dma_start3A_86 = tpu.memref_slice %arg11[%add3A_12, %dma_start3A_85] : memref<10240x128xf32, #tpu.memory_space<vmem_shared>> -> memref<128x128xf32, #tpu.memory_space<vmem_shared>>
      tpu.enqueue_dma source(%arg9 : memref<128x128xf32, #tpu.memory_space<vmem>>) target(%dma_start3A_86 : memref<128x128xf32, #tpu.memory_space<vmem_shared>>) target_semaphore(%run_scoped3A : memref<!tpu.dma_semaphore, #tpu.memory_space<semaphore_mem>>)
      %dma_wait3A = arith.constant 0 : i32
      %dma_wait3A_87 = tpu.memref_slice %arg11[%add3A_12, %dma_wait3A] : memref<10240x128xf32, #tpu.memory_space<vmem_shared>> -> memref<128x128xf32, #tpu.memory_space<vmem_shared>>
      %dma_wait3A_88 = arith.constant 0 : i32
      %dma_wait3A_89 = tpu.memref_slice %arg11[%add3A_12, %dma_wait3A_88] : memref<10240x128xf32, #tpu.memory_space<vmem_shared>> -> memref<128x128xf32, #tpu.memory_space<vmem_shared>>
      tpu.wait_dma2 semaphore(%run_scoped3A : memref<!tpu.dma_semaphore, #tpu.memory_space<semaphore_mem>>) src(%arg9 : memref<128x128xf32, #tpu.memory_space<vmem>>) dst(%dma_wait3A_89 : memref<128x128xf32, #tpu.memory_space<vmem_shared>>)
      tpu.yield
    }) : () -> ()
    %mul3A_13 = arith.constant 640 : i32
    %mul3A_14 = arith.muli %arg1, %mul3A_13 : i32
    %add3A_15 = arith.constant 384 : i32
    %add3A_16 = arith.addi %mul3A_14, %add3A_15 : i32
    "tpu.region"() ({
      %run_scoped3A = tpu.sem_alloc : memref<!tpu.dma_semaphore, #tpu.memory_space<semaphore_mem>>
      %dma_start3A = arith.constant 0 : i32
      %dma_start3A_84 = tpu.memref_slice %arg11[%add3A_16, %dma_start3A] : memref<10240x128xf32, #tpu.memory_space<vmem_shared>> -> memref<128x128xf32, #tpu.memory_space<vmem_shared>>
      %dma_start3A_85 = arith.constant 0 : i32
      %dma_start3A_86 = tpu.memref_slice %arg11[%add3A_16, %dma_start3A_85] : memref<10240x128xf32, #tpu.memory_space<vmem_shared>> -> memref<128x128xf32, #tpu.memory_space<vmem_shared>>
      tpu.enqueue_dma source(%arg9 : memref<128x128xf32, #tpu.memory_space<vmem>>) target(%dma_start3A_86 : memref<128x128xf32, #tpu.memory_space<vmem_shared>>) target_semaphore(%run_scoped3A : memref<!tpu.dma_semaphore, #tpu.memory_space<semaphore_mem>>)
      %dma_wait3A = arith.constant 0 : i32
      %dma_wait3A_87 = tpu.memref_slice %arg11[%add3A_16, %dma_wait3A] : memref<10240x128xf32, #tpu.memory_space<vmem_shared>> -> memref<128x128xf32, #tpu.memory_space<vmem_shared>>
      %dma_wait3A_88 = arith.constant 0 : i32
      %dma_wait3A_89 = tpu.memref_slice %arg11[%add3A_16, %dma_wait3A_88] : memref<10240x128xf32, #tpu.memory_space<vmem_shared>> -> memref<128x128xf32, #tpu.memory_space<vmem_shared>>
      tpu.wait_dma2 semaphore(%run_scoped3A : memref<!tpu.dma_semaphore, #tpu.memory_space<semaphore_mem>>) src(%arg9 : memref<128x128xf32, #tpu.memory_space<vmem>>) dst(%dma_wait3A_89 : memref<128x128xf32, #tpu.memory_space<vmem_shared>>)
      tpu.yield
    }) : () -> ()
    %mul3A_17 = arith.constant 640 : i32
    %mul3A_18 = arith.muli %arg1, %mul3A_17 : i32
    %add3A_19 = arith.constant 512 : i32
    %add3A_20 = arith.addi %mul3A_18, %add3A_19 : i32
    "tpu.region"() ({
      %run_scoped3A = tpu.sem_alloc : memref<!tpu.dma_semaphore, #tpu.memory_space<semaphore_mem>>
      %dma_start3A = arith.constant 0 : i32
      %dma_start3A_84 = tpu.memref_slice %arg11[%add3A_20, %dma_start3A] : memref<10240x128xf32, #tpu.memory_space<vmem_shared>> -> memref<128x128xf32, #tpu.memory_space<vmem_shared>>
      %dma_start3A_85 = arith.constant 0 : i32
      %dma_start3A_86 = tpu.memref_slice %arg11[%add3A_20, %dma_start3A_85] : memref<10240x128xf32, #tpu.memory_space<vmem_shared>> -> memref<128x128xf32, #tpu.memory_space<vmem_shared>>
      tpu.enqueue_dma source(%arg9 : memref<128x128xf32, #tpu.memory_space<vmem>>) target(%dma_start3A_86 : memref<128x128xf32, #tpu.memory_space<vmem_shared>>) target_semaphore(%run_scoped3A : memref<!tpu.dma_semaphore, #tpu.memory_space<semaphore_mem>>)
      %dma_wait3A = arith.constant 0 : i32
      %dma_wait3A_87 = tpu.memref_slice %arg11[%add3A_20, %dma_wait3A] : memref<10240x128xf32, #tpu.memory_space<vmem_shared>> -> memref<128x128xf32, #tpu.memory_space<vmem_shared>>
      %dma_wait3A_88 = arith.constant 0 : i32
      %dma_wait3A_89 = tpu.memref_slice %arg11[%add3A_20, %dma_wait3A_88] : memref<10240x128xf32, #tpu.memory_space<vmem_shared>> -> memref<128x128xf32, #tpu.memory_space<vmem_shared>>
      tpu.wait_dma2 semaphore(%run_scoped3A : memref<!tpu.dma_semaphore, #tpu.memory_space<semaphore_mem>>) src(%arg9 : memref<128x128xf32, #tpu.memory_space<vmem>>) dst(%dma_wait3A_89 : memref<128x128xf32, #tpu.memory_space<vmem_shared>>)
      tpu.yield
    }) : () -> ()
    %barrier3A = arith.constant 0 : index
    tpu.barrier barrier_id(%barrier3A)
    %mul3A_21 = arith.constant 2 : i32
    %mul3A_22 = arith.muli %add3A, %mul3A_21 : i32
    %add3A_23 = arith.constant 0 : i32
    %add3A_24 = arith.addi %mul3A_22, %add3A_23 : i32
    "tpu.region"() ({
      %run_scoped3A = tpu.sem_alloc : memref<!tpu.dma_semaphore, #tpu.memory_space<semaphore_mem>>
      %dma_start3A = arith.constant 0 : i32
      %dma_start3A_84 = arith.constant 0 : i32
      %dma_start3A_85 = tpu.memref_slice %arg3[%add3A_24, %dma_start3A, %dma_start3A_84] : memref<64x40x128xi32, #tpu.memory_space<hbm>> -> memref<1x40x128xi32, #tpu.memory_space<hbm>>
      %dma_start3A_86 = tpu.memref_squeeze %dma_start3A_85 : memref<1x40x128xi32, #tpu.memory_space<hbm>> -> memref<40x128xi32, #tpu.memory_space<hbm>>
      %dma_start3A_87 = arith.constant 0 : i32
      %dma_start3A_88 = arith.constant 0 : i32
      %dma_start3A_89 = tpu.memref_slice %arg3[%add3A_24, %dma_start3A_87, %dma_start3A_88] : memref<64x40x128xi32, #tpu.memory_space<hbm>> -> memref<1x40x128xi32, #tpu.memory_space<hbm>>
      %dma_start3A_90 = tpu.memref_squeeze %dma_start3A_89 : memref<1x40x128xi32, #tpu.memory_space<hbm>> -> memref<40x128xi32, #tpu.memory_space<hbm>>
      tpu.enqueue_dma source(%dma_start3A_90 : memref<40x128xi32, #tpu.memory_space<hbm>>) target(%arg7 : memref<40x128xi32, #tpu.memory_space<vmem>>) target_semaphore(%run_scoped3A : memref<!tpu.dma_semaphore, #tpu.memory_space<semaphore_mem>>)
      %dma_wait3A = arith.constant 0 : i32
      %dma_wait3A_91 = arith.constant 0 : i32
      %dma_wait3A_92 = tpu.memref_slice %arg3[%add3A_24, %dma_wait3A, %dma_wait3A_91] : memref<64x40x128xi32, #tpu.memory_space<hbm>> -> memref<1x40x128xi32, #tpu.memory_space<hbm>>
      %dma_wait3A_93 = tpu.memref_squeeze %dma_wait3A_92 : memref<1x40x128xi32, #tpu.memory_space<hbm>> -> memref<40x128xi32, #tpu.memory_space<hbm>>
      %dma_wait3A_94 = arith.constant 0 : i32
      %dma_wait3A_95 = arith.constant 0 : i32
      %dma_wait3A_96 = tpu.memref_slice %arg3[%add3A_24, %dma_wait3A_94, %dma_wait3A_95] : memref<64x40x128xi32, #tpu.memory_space<hbm>> -> memref<1x40x128xi32, #tpu.memory_space<hbm>>
      %dma_wait3A_97 = tpu.memref_squeeze %dma_wait3A_96 : memref<1x40x128xi32, #tpu.memory_space<hbm>> -> memref<40x128xi32, #tpu.memory_space<hbm>>
      tpu.wait_dma2 semaphore(%run_scoped3A : memref<!tpu.dma_semaphore, #tpu.memory_space<semaphore_mem>>) src(%dma_wait3A_97 : memref<40x128xi32, #tpu.memory_space<hbm>>) dst(%arg7 : memref<40x128xi32, #tpu.memory_space<vmem>>)
      tpu.yield
    }) : () -> ()
    %mul3A_25 = arith.constant 2 : i32
    %mul3A_26 = arith.muli %add3A, %mul3A_25 : i32
    %add3A_27 = arith.constant 0 : i32
    %add3A_28 = arith.addi %mul3A_26, %add3A_27 : i32
    "tpu.region"() ({
      %run_scoped3A = tpu.sem_alloc : memref<!tpu.dma_semaphore, #tpu.memory_space<semaphore_mem>>
      %dma_start3A = arith.constant 0 : i32
      %dma_start3A_84 = arith.constant 0 : i32
      %dma_start3A_85 = tpu.memref_slice %arg4[%add3A_28, %dma_start3A, %dma_start3A_84] : memref<64x40x128xi32, #tpu.memory_space<hbm>> -> memref<1x40x128xi32, #tpu.memory_space<hbm>>
      %dma_start3A_86 = tpu.memref_squeeze %dma_start3A_85 : memref<1x40x128xi32, #tpu.memory_space<hbm>> -> memref<40x128xi32, #tpu.memory_space<hbm>>
      %dma_start3A_87 = arith.constant 0 : i32
      %dma_start3A_88 = arith.constant 0 : i32
      %dma_start3A_89 = tpu.memref_slice %arg4[%add3A_28, %dma_start3A_87, %dma_start3A_88] : memref<64x40x128xi32, #tpu.memory_space<hbm>> -> memref<1x40x128xi32, #tpu.memory_space<hbm>>
      %dma_start3A_90 = tpu.memref_squeeze %dma_start3A_89 : memref<1x40x128xi32, #tpu.memory_space<hbm>> -> memref<40x128xi32, #tpu.memory_space<hbm>>
      tpu.enqueue_dma source(%dma_start3A_90 : memref<40x128xi32, #tpu.memory_space<hbm>>) target(%arg8 : memref<40x128xi32, #tpu.memory_space<vmem>>) target_semaphore(%run_scoped3A : memref<!tpu.dma_semaphore, #tpu.memory_space<semaphore_mem>>)
      %dma_wait3A = arith.constant 0 : i32
      %dma_wait3A_91 = arith.constant 0 : i32
      %dma_wait3A_92 = tpu.memref_slice %arg4[%add3A_28, %dma_wait3A, %dma_wait3A_91] : memref<64x40x128xi32, #tpu.memory_space<hbm>> -> memref<1x40x128xi32, #tpu.memory_space<hbm>>
      %dma_wait3A_93 = tpu.memref_squeeze %dma_wait3A_92 : memref<1x40x128xi32, #tpu.memory_space<hbm>> -> memref<40x128xi32, #tpu.memory_space<hbm>>
      %dma_wait3A_94 = arith.constant 0 : i32
      %dma_wait3A_95 = arith.constant 0 : i32
      %dma_wait3A_96 = tpu.memref_slice %arg4[%add3A_28, %dma_wait3A_94, %dma_wait3A_95] : memref<64x40x128xi32, #tpu.memory_space<hbm>> -> memref<1x40x128xi32, #tpu.memory_space<hbm>>
      %dma_wait3A_97 = tpu.memref_squeeze %dma_wait3A_96 : memref<1x40x128xi32, #tpu.memory_space<hbm>> -> memref<40x128xi32, #tpu.memory_space<hbm>>
      tpu.wait_dma2 semaphore(%run_scoped3A : memref<!tpu.dma_semaphore, #tpu.memory_space<semaphore_mem>>) src(%dma_wait3A_97 : memref<40x128xi32, #tpu.memory_space<hbm>>) dst(%arg8 : memref<40x128xi32, #tpu.memory_space<vmem>>)
      tpu.yield
    }) : () -> ()
    %scan3A = arith.constant 0 : i32
    %scan3A_29 = arith.constant 0 : i32
    %scan3A_30 = arith.constant 40 : i32
    %scan3A_31 = arith.addi %scan3A_29, %scan3A_30 : i32
    %scan3A_32 = arith.constant 1 : i32
    scf.for %scan3A_84 = %scan3A_29 to %scan3A_31 step %scan3A_32  : i32 {
      %dma_start3A = arith.constant 0 : i32
      %dma_start3A_85 = tpu.memref_slice %arg7[%scan3A_84, %dma_start3A] : memref<40x128xi32, #tpu.memory_space<vmem>> -> memref<1x128xi32, #tpu.memory_space<vmem>>
      %dma_start3A_86 = tpu.memref_squeeze %dma_start3A_85 : memref<1x128xi32, #tpu.memory_space<vmem>> -> memref<128xi32, #tpu.memory_space<vmem>>
      %dma_start3A_87 = arith.constant 0 : i32
      %dma_start3A_88 = arith.constant 0 : i32
      %dma_start3A_89 = tpu.memref_slice %arg2[%dma_start3A_87, %dma_start3A_88] : memref<10000x128xf32, #tpu.memory_space<hbm>> -> memref<10000x128xf32, #tpu.memory_space<hbm>>
      tpu.enqueue_indirect_dma source(%dma_start3A_89 : memref<10000x128xf32, #tpu.memory_space<hbm>>) target(%arg9 : memref<128x128xf32, #tpu.memory_space<vmem>>) offsets(%dma_start3A_86 : memref<128xi32, #tpu.memory_space<vmem>>) semaphore(%arg10 : memref<!tpu.dma_semaphore, #tpu.memory_space<semaphore_mem>>)
      %dma_wait3A = arith.constant 0 : i32
      %dma_wait3A_90 = tpu.memref_slice %arg7[%scan3A_84, %dma_wait3A] : memref<40x128xi32, #tpu.memory_space<vmem>> -> memref<1x128xi32, #tpu.memory_space<vmem>>
      %dma_wait3A_91 = tpu.memref_squeeze %dma_wait3A_90 : memref<1x128xi32, #tpu.memory_space<vmem>> -> memref<128xi32, #tpu.memory_space<vmem>>
      %dma_wait3A_92 = arith.constant 0 : i32
      %dma_wait3A_93 = arith.constant 0 : i32
      %dma_wait3A_94 = tpu.memref_slice %arg2[%dma_wait3A_92, %dma_wait3A_93] : memref<10000x128xf32, #tpu.memory_space<hbm>> -> memref<10000x128xf32, #tpu.memory_space<hbm>>
      tpu.wait_indirect_dma semaphore(%arg10 : memref<!tpu.dma_semaphore, #tpu.memory_space<semaphore_mem>>) src(%dma_wait3A_94 : memref<10000x128xf32, #tpu.memory_space<hbm>>) dst(%arg9 : memref<128x128xf32, #tpu.memory_space<vmem>>)
      "tpu.region"() ({
        %run_scoped3A = tpu.sem_alloc : memref<!tpu.dma_semaphore, #tpu.memory_space<semaphore_mem>>
        %dma_start3A_95 = arith.constant 0 : i32
        %dma_start3A_96 = tpu.memref_slice %arg8[%scan3A_84, %dma_start3A_95] : memref<40x128xi32, #tpu.memory_space<vmem>> -> memref<1x128xi32, #tpu.memory_space<vmem>>
        %dma_start3A_97 = tpu.memref_squeeze %dma_start3A_96 : memref<1x128xi32, #tpu.memory_space<vmem>> -> memref<128xi32, #tpu.memory_space<vmem>>
        %dma_start3A_98 = arith.constant 0 : i32
        %dma_start3A_99 = arith.constant 0 : i32
        %dma_start3A_100 = tpu.memref_slice %arg11[%dma_start3A_98, %dma_start3A_99] : memref<10240x128xf32, #tpu.memory_space<vmem_shared>> -> memref<10240x128xf32, #tpu.memory_space<vmem_shared>>
        tpu.enqueue_indirect_dma source(%arg9 : memref<128x128xf32, #tpu.memory_space<vmem>>) target(%dma_start3A_100 : memref<10240x128xf32, #tpu.memory_space<vmem_shared>>) offsets(%dma_start3A_97 : memref<128xi32, #tpu.memory_space<vmem>>) semaphore(%run_scoped3A : memref<!tpu.dma_semaphore, #tpu.memory_space<semaphore_mem>>) {add = true}
        %dma_wait3A_101 = arith.constant 0 : i32
        %dma_wait3A_102 = tpu.memref_slice %arg8[%scan3A_84, %dma_wait3A_101] : memref<40x128xi32, #tpu.memory_space<vmem>> -> memref<1x128xi32, #tpu.memory_space<vmem>>
        %dma_wait3A_103 = tpu.memref_squeeze %dma_wait3A_102 : memref<1x128xi32, #tpu.memory_space<vmem>> -> memref<128xi32, #tpu.memory_space<vmem>>
        %dma_wait3A_104 = arith.constant 0 : i32
        %dma_wait3A_105 = arith.constant 0 : i32
        %dma_wait3A_106 = tpu.memref_slice %arg11[%dma_wait3A_104, %dma_wait3A_105] : memref<10240x128xf32, #tpu.memory_space<vmem_shared>> -> memref<10240x128xf32, #tpu.memory_space<vmem_shared>>
        tpu.wait_indirect_dma semaphore(%run_scoped3A : memref<!tpu.dma_semaphore, #tpu.memory_space<semaphore_mem>>) src(%arg9 : memref<128x128xf32, #tpu.memory_space<vmem>>) dst(%dma_wait3A_106 : memref<10240x128xf32, #tpu.memory_space<vmem_shared>>)
        tpu.yield
      }) : () -> ()
    }
    %scan3A_33 = arith.constant 40 : i32
    %mul3A_34 = arith.constant 2 : i32
    %mul3A_35 = arith.muli %add3A, %mul3A_34 : i32
    %add3A_36 = arith.constant 1 : i32
    %add3A_37 = arith.addi %mul3A_35, %add3A_36 : i32
    "tpu.region"() ({
      %run_scoped3A = tpu.sem_alloc : memref<!tpu.dma_semaphore, #tpu.memory_space<semaphore_mem>>
      %dma_start3A = arith.constant 0 : i32
      %dma_start3A_84 = arith.constant 0 : i32
      %dma_start3A_85 = tpu.memref_slice %arg3[%add3A_37, %dma_start3A, %dma_start3A_84] : memref<64x40x128xi32, #tpu.memory_space<hbm>> -> memref<1x40x128xi32, #tpu.memory_space<hbm>>
      %dma_start3A_86 = tpu.memref_squeeze %dma_start3A_85 : memref<1x40x128xi32, #tpu.memory_space<hbm>> -> memref<40x128xi32, #tpu.memory_space<hbm>>
      %dma_start3A_87 = arith.constant 0 : i32
      %dma_start3A_88 = arith.constant 0 : i32
      %dma_start3A_89 = tpu.memref_slice %arg3[%add3A_37, %dma_start3A_87, %dma_start3A_88] : memref<64x40x128xi32, #tpu.memory_space<hbm>> -> memref<1x40x128xi32, #tpu.memory_space<hbm>>
      %dma_start3A_90 = tpu.memref_squeeze %dma_start3A_89 : memref<1x40x128xi32, #tpu.memory_space<hbm>> -> memref<40x128xi32, #tpu.memory_space<hbm>>
      tpu.enqueue_dma source(%dma_start3A_90 : memref<40x128xi32, #tpu.memory_space<hbm>>) target(%arg7 : memref<40x128xi32, #tpu.memory_space<vmem>>) target_semaphore(%run_scoped3A : memref<!tpu.dma_semaphore, #tpu.memory_space<semaphore_mem>>)
      %dma_wait3A = arith.constant 0 : i32
      %dma_wait3A_91 = arith.constant 0 : i32
      %dma_wait3A_92 = tpu.memref_slice %arg3[%add3A_37, %dma_wait3A, %dma_wait3A_91] : memref<64x40x128xi32, #tpu.memory_space<hbm>> -> memref<1x40x128xi32, #tpu.memory_space<hbm>>
      %dma_wait3A_93 = tpu.memref_squeeze %dma_wait3A_92 : memref<1x40x128xi32, #tpu.memory_space<hbm>> -> memref<40x128xi32, #tpu.memory_space<hbm>>
      %dma_wait3A_94 = arith.constant 0 : i32
      %dma_wait3A_95 = arith.constant 0 : i32
      %dma_wait3A_96 = tpu.memref_slice %arg3[%add3A_37, %dma_wait3A_94, %dma_wait3A_95] : memref<64x40x128xi32, #tpu.memory_space<hbm>> -> memref<1x40x128xi32, #tpu.memory_space<hbm>>
      %dma_wait3A_97 = tpu.memref_squeeze %dma_wait3A_96 : memref<1x40x128xi32, #tpu.memory_space<hbm>> -> memref<40x128xi32, #tpu.memory_space<hbm>>
      tpu.wait_dma2 semaphore(%run_scoped3A : memref<!tpu.dma_semaphore, #tpu.memory_space<semaphore_mem>>) src(%dma_wait3A_97 : memref<40x128xi32, #tpu.memory_space<hbm>>) dst(%arg7 : memref<40x128xi32, #tpu.memory_space<vmem>>)
      tpu.yield
    }) : () -> ()
    %mul3A_38 = arith.constant 2 : i32
    %mul3A_39 = arith.muli %add3A, %mul3A_38 : i32
    %add3A_40 = arith.constant 1 : i32
    %add3A_41 = arith.addi %mul3A_39, %add3A_40 : i32
    "tpu.region"() ({
      %run_scoped3A = tpu.sem_alloc : memref<!tpu.dma_semaphore, #tpu.memory_space<semaphore_mem>>
      %dma_start3A = arith.constant 0 : i32
      %dma_start3A_84 = arith.constant 0 : i32
      %dma_start3A_85 = tpu.memref_slice %arg4[%add3A_41, %dma_start3A, %dma_start3A_84] : memref<64x40x128xi32, #tpu.memory_space<hbm>> -> memref<1x40x128xi32, #tpu.memory_space<hbm>>
      %dma_start3A_86 = tpu.memref_squeeze %dma_start3A_85 : memref<1x40x128xi32, #tpu.memory_space<hbm>> -> memref<40x128xi32, #tpu.memory_space<hbm>>
      %dma_start3A_87 = arith.constant 0 : i32
      %dma_start3A_88 = arith.constant 0 : i32
      %dma_start3A_89 = tpu.memref_slice %arg4[%add3A_41, %dma_start3A_87, %dma_start3A_88] : memref<64x40x128xi32, #tpu.memory_space<hbm>> -> memref<1x40x128xi32, #tpu.memory_space<hbm>>
      %dma_start3A_90 = tpu.memref_squeeze %dma_start3A_89 : memref<1x40x128xi32, #tpu.memory_space<hbm>> -> memref<40x128xi32, #tpu.memory_space<hbm>>
      tpu.enqueue_dma source(%dma_start3A_90 : memref<40x128xi32, #tpu.memory_space<hbm>>) target(%arg8 : memref<40x128xi32, #tpu.memory_space<vmem>>) target_semaphore(%run_scoped3A : memref<!tpu.dma_semaphore, #tpu.memory_space<semaphore_mem>>)
      %dma_wait3A = arith.constant 0 : i32
      %dma_wait3A_91 = arith.constant 0 : i32
      %dma_wait3A_92 = tpu.memref_slice %arg4[%add3A_41, %dma_wait3A, %dma_wait3A_91] : memref<64x40x128xi32, #tpu.memory_space<hbm>> -> memref<1x40x128xi32, #tpu.memory_space<hbm>>
      %dma_wait3A_93 = tpu.memref_squeeze %dma_wait3A_92 : memref<1x40x128xi32, #tpu.memory_space<hbm>> -> memref<40x128xi32, #tpu.memory_space<hbm>>
      %dma_wait3A_94 = arith.constant 0 : i32
      %dma_wait3A_95 = arith.constant 0 : i32
      %dma_wait3A_96 = tpu.memref_slice %arg4[%add3A_41, %dma_wait3A_94, %dma_wait3A_95] : memref<64x40x128xi32, #tpu.memory_space<hbm>> -> memref<1x40x128xi32, #tpu.memory_space<hbm>>
      %dma_wait3A_97 = tpu.memref_squeeze %dma_wait3A_96 : memref<1x40x128xi32, #tpu.memory_space<hbm>> -> memref<40x128xi32, #tpu.memory_space<hbm>>
      tpu.wait_dma2 semaphore(%run_scoped3A : memref<!tpu.dma_semaphore, #tpu.memory_space<semaphore_mem>>) src(%dma_wait3A_97 : memref<40x128xi32, #tpu.memory_space<hbm>>) dst(%arg8 : memref<40x128xi32, #tpu.memory_space<vmem>>)
      tpu.yield
    }) : () -> ()
    %scan3A_42 = arith.constant 0 : i32
    %scan3A_43 = arith.constant 0 : i32
    %scan3A_44 = arith.constant 40 : i32
    %scan3A_45 = arith.addi %scan3A_43, %scan3A_44 : i32
    %scan3A_46 = arith.constant 1 : i32
    scf.for %scan3A_84 = %scan3A_43 to %scan3A_45 step %scan3A_46  : i32 {
      %dma_start3A = arith.constant 0 : i32
      %dma_start3A_85 = tpu.memref_slice %arg7[%scan3A_84, %dma_start3A] : memref<40x128xi32, #tpu.memory_space<vmem>> -> memref<1x128xi32, #tpu.memory_space<vmem>>
      %dma_start3A_86 = tpu.memref_squeeze %dma_start3A_85 : memref<1x128xi32, #tpu.memory_space<vmem>> -> memref<128xi32, #tpu.memory_space<vmem>>
      %dma_start3A_87 = arith.constant 0 : i32
      %dma_start3A_88 = arith.constant 0 : i32
      %dma_start3A_89 = tpu.memref_slice %arg2[%dma_start3A_87, %dma_start3A_88] : memref<10000x128xf32, #tpu.memory_space<hbm>> -> memref<10000x128xf32, #tpu.memory_space<hbm>>
      tpu.enqueue_indirect_dma source(%dma_start3A_89 : memref<10000x128xf32, #tpu.memory_space<hbm>>) target(%arg9 : memref<128x128xf32, #tpu.memory_space<vmem>>) offsets(%dma_start3A_86 : memref<128xi32, #tpu.memory_space<vmem>>) semaphore(%arg10 : memref<!tpu.dma_semaphore, #tpu.memory_space<semaphore_mem>>)
      %dma_wait3A = arith.constant 0 : i32
      %dma_wait3A_90 = tpu.memref_slice %arg7[%scan3A_84, %dma_wait3A] : memref<40x128xi32, #tpu.memory_space<vmem>> -> memref<1x128xi32, #tpu.memory_space<vmem>>
      %dma_wait3A_91 = tpu.memref_squeeze %dma_wait3A_90 : memref<1x128xi32, #tpu.memory_space<vmem>> -> memref<128xi32, #tpu.memory_space<vmem>>
      %dma_wait3A_92 = arith.constant 0 : i32
      %dma_wait3A_93 = arith.constant 0 : i32
      %dma_wait3A_94 = tpu.memref_slice %arg2[%dma_wait3A_92, %dma_wait3A_93] : memref<10000x128xf32, #tpu.memory_space<hbm>> -> memref<10000x128xf32, #tpu.memory_space<hbm>>
      tpu.wait_indirect_dma semaphore(%arg10 : memref<!tpu.dma_semaphore, #tpu.memory_space<semaphore_mem>>) src(%dma_wait3A_94 : memref<10000x128xf32, #tpu.memory_space<hbm>>) dst(%arg9 : memref<128x128xf32, #tpu.memory_space<vmem>>)
      "tpu.region"() ({
        %run_scoped3A = tpu.sem_alloc : memref<!tpu.dma_semaphore, #tpu.memory_space<semaphore_mem>>
        %dma_start3A_95 = arith.constant 0 : i32
        %dma_start3A_96 = tpu.memref_slice %arg8[%scan3A_84, %dma_start3A_95] : memref<40x128xi32, #tpu.memory_space<vmem>> -> memref<1x128xi32, #tpu.memory_space<vmem>>
        %dma_start3A_97 = tpu.memref_squeeze %dma_start3A_96 : memref<1x128xi32, #tpu.memory_space<vmem>> -> memref<128xi32, #tpu.memory_space<vmem>>
        %dma_start3A_98 = arith.constant 0 : i32
        %dma_start3A_99 = arith.constant 0 : i32
        %dma_start3A_100 = tpu.memref_slice %arg11[%dma_start3A_98, %dma_start3A_99] : memref<10240x128xf32, #tpu.memory_space<vmem_shared>> -> memref<10240x128xf32, #tpu.memory_space<vmem_shared>>
        tpu.enqueue_indirect_dma source(%arg9 : memref<128x128xf32, #tpu.memory_space<vmem>>) target(%dma_start3A_100 : memref<10240x128xf32, #tpu.memory_space<vmem_shared>>) offsets(%dma_start3A_97 : memref<128xi32, #tpu.memory_space<vmem>>) semaphore(%run_scoped3A : memref<!tpu.dma_semaphore, #tpu.memory_space<semaphore_mem>>) {add = true}
        %dma_wait3A_101 = arith.constant 0 : i32
        %dma_wait3A_102 = tpu.memref_slice %arg8[%scan3A_84, %dma_wait3A_101] : memref<40x128xi32, #tpu.memory_space<vmem>> -> memref<1x128xi32, #tpu.memory_space<vmem>>
        %dma_wait3A_103 = tpu.memref_squeeze %dma_wait3A_102 : memref<1x128xi32, #tpu.memory_space<vmem>> -> memref<128xi32, #tpu.memory_space<vmem>>
        %dma_wait3A_104 = arith.constant 0 : i32
        %dma_wait3A_105 = arith.constant 0 : i32
        %dma_wait3A_106 = tpu.memref_slice %arg11[%dma_wait3A_104, %dma_wait3A_105] : memref<10240x128xf32, #tpu.memory_space<vmem_shared>> -> memref<10240x128xf32, #tpu.memory_space<vmem_shared>>
        tpu.wait_indirect_dma semaphore(%run_scoped3A : memref<!tpu.dma_semaphore, #tpu.memory_space<semaphore_mem>>) src(%arg9 : memref<128x128xf32, #tpu.memory_space<vmem>>) dst(%dma_wait3A_106 : memref<10240x128xf32, #tpu.memory_space<vmem_shared>>)
        tpu.yield
      }) : () -> ()
    }
    %scan3A_47 = arith.constant 40 : i32
    %barrier3A_48 = arith.constant 0 : index
    tpu.barrier barrier_id(%barrier3A_48)
    %mul3A_49 = arith.constant 10240 : i32
    %mul3A_50 = arith.muli %arg0, %mul3A_49 : i32
    %mul3A_51 = arith.constant 640 : i32
    %mul3A_52 = arith.muli %arg1, %mul3A_51 : i32
    %add3A_53 = arith.addi %mul3A_50, %mul3A_52 : i32
    %mul3A_54 = arith.constant 640 : i32
    %mul3A_55 = arith.muli %arg1, %mul3A_54 : i32
    %add3A_56 = arith.constant 0 : i32
    %add3A_57 = arith.addi %mul3A_55, %add3A_56 : i32
    "tpu.region"() ({
      %run_scoped3A = tpu.sem_alloc : memref<!tpu.dma_semaphore, #tpu.memory_space<semaphore_mem>>
      %dma_start3A = arith.constant 0 : i32
      %dma_start3A_84 = tpu.memref_slice %arg11[%add3A_57, %dma_start3A] : memref<10240x128xf32, #tpu.memory_space<vmem_shared>> -> memref<128x128xf32, #tpu.memory_space<vmem_shared>>
      %dma_start3A_85 = arith.constant 0 : i32
      %dma_start3A_86 = tpu.memref_slice %arg11[%add3A_57, %dma_start3A_85] : memref<10240x128xf32, #tpu.memory_space<vmem_shared>> -> memref<128x128xf32, #tpu.memory_space<vmem_shared>>
      tpu.enqueue_dma source(%dma_start3A_86 : memref<128x128xf32, #tpu.memory_space<vmem_shared>>) target(%arg9 : memref<128x128xf32, #tpu.memory_space<vmem>>) target_semaphore(%run_scoped3A : memref<!tpu.dma_semaphore, #tpu.memory_space<semaphore_mem>>)
      %dma_wait3A = arith.constant 0 : i32
      %dma_wait3A_87 = tpu.memref_slice %arg11[%add3A_57, %dma_wait3A] : memref<10240x128xf32, #tpu.memory_space<vmem_shared>> -> memref<128x128xf32, #tpu.memory_space<vmem_shared>>
      %dma_wait3A_88 = arith.constant 0 : i32
      %dma_wait3A_89 = tpu.memref_slice %arg11[%add3A_57, %dma_wait3A_88] : memref<10240x128xf32, #tpu.memory_space<vmem_shared>> -> memref<128x128xf32, #tpu.memory_space<vmem_shared>>
      tpu.wait_dma2 semaphore(%run_scoped3A : memref<!tpu.dma_semaphore, #tpu.memory_space<semaphore_mem>>) src(%dma_wait3A_89 : memref<128x128xf32, #tpu.memory_space<vmem_shared>>) dst(%arg9 : memref<128x128xf32, #tpu.memory_space<vmem>>)
      tpu.yield
    }) : () -> ()
    %add3A_58 = arith.constant 0 : i32
    %add3A_59 = arith.addi %add3A_53, %add3A_58 : i32
    "tpu.region"() ({
      %run_scoped3A = tpu.sem_alloc : memref<!tpu.dma_semaphore, #tpu.memory_space<semaphore_mem>>
      %dma_start3A = arith.constant 0 : i32
      %dma_start3A_84 = tpu.memref_slice %arg6[%add3A_59, %dma_start3A] : memref<20480x128xf32, #tpu.memory_space<hbm>> -> memref<128x128xf32, #tpu.memory_space<hbm>>
      %dma_start3A_85 = arith.constant 0 : i32
      %dma_start3A_86 = tpu.memref_slice %arg6[%add3A_59, %dma_start3A_85] : memref<20480x128xf32, #tpu.memory_space<hbm>> -> memref<128x128xf32, #tpu.memory_space<hbm>>
      tpu.enqueue_dma source(%arg9 : memref<128x128xf32, #tpu.memory_space<vmem>>) target(%dma_start3A_86 : memref<128x128xf32, #tpu.memory_space<hbm>>) target_semaphore(%run_scoped3A : memref<!tpu.dma_semaphore, #tpu.memory_space<semaphore_mem>>)
      %dma_wait3A = arith.constant 0 : i32
      %dma_wait3A_87 = tpu.memref_slice %arg6[%add3A_59, %dma_wait3A] : memref<20480x128xf32, #tpu.memory_space<hbm>> -> memref<128x128xf32, #tpu.memory_space<hbm>>
      %dma_wait3A_88 = arith.constant 0 : i32
      %dma_wait3A_89 = tpu.memref_slice %arg6[%add3A_59, %dma_wait3A_88] : memref<20480x128xf32, #tpu.memory_space<hbm>> -> memref<128x128xf32, #tpu.memory_space<hbm>>
      tpu.wait_dma2 semaphore(%run_scoped3A : memref<!tpu.dma_semaphore, #tpu.memory_space<semaphore_mem>>) src(%arg9 : memref<128x128xf32, #tpu.memory_space<vmem>>) dst(%dma_wait3A_89 : memref<128x128xf32, #tpu.memory_space<hbm>>)
      tpu.yield
    }) : () -> ()
    %mul3A_60 = arith.constant 640 : i32
    %mul3A_61 = arith.muli %arg1, %mul3A_60 : i32
    %add3A_62 = arith.constant 128 : i32
    %add3A_63 = arith.addi %mul3A_61, %add3A_62 : i32
    "tpu.region"() ({
      %run_scoped3A = tpu.sem_alloc : memref<!tpu.dma_semaphore, #tpu.memory_space<semaphore_mem>>
      %dma_start3A = arith.constant 0 : i32
      %dma_start3A_84 = tpu.memref_slice %arg11[%add3A_63, %dma_start3A] : memref<10240x128xf32, #tpu.memory_space<vmem_shared>> -> memref<128x128xf32, #tpu.memory_space<vmem_shared>>
      %dma_start3A_85 = arith.constant 0 : i32
      %dma_start3A_86 = tpu.memref_slice %arg11[%add3A_63, %dma_start3A_85] : memref<10240x128xf32, #tpu.memory_space<vmem_shared>> -> memref<128x128xf32, #tpu.memory_space<vmem_shared>>
      tpu.enqueue_dma source(%dma_start3A_86 : memref<128x128xf32, #tpu.memory_space<vmem_shared>>) target(%arg9 : memref<128x128xf32, #tpu.memory_space<vmem>>) target_semaphore(%run_scoped3A : memref<!tpu.dma_semaphore, #tpu.memory_space<semaphore_mem>>)
      %dma_wait3A = arith.constant 0 : i32
      %dma_wait3A_87 = tpu.memref_slice %arg11[%add3A_63, %dma_wait3A] : memref<10240x128xf32, #tpu.memory_space<vmem_shared>> -> memref<128x128xf32, #tpu.memory_space<vmem_shared>>
      %dma_wait3A_88 = arith.constant 0 : i32
      %dma_wait3A_89 = tpu.memref_slice %arg11[%add3A_63, %dma_wait3A_88] : memref<10240x128xf32, #tpu.memory_space<vmem_shared>> -> memref<128x128xf32, #tpu.memory_space<vmem_shared>>
      tpu.wait_dma2 semaphore(%run_scoped3A : memref<!tpu.dma_semaphore, #tpu.memory_space<semaphore_mem>>) src(%dma_wait3A_89 : memref<128x128xf32, #tpu.memory_space<vmem_shared>>) dst(%arg9 : memref<128x128xf32, #tpu.memory_space<vmem>>)
      tpu.yield
    }) : () -> ()
    %add3A_64 = arith.constant 128 : i32
    %add3A_65 = arith.addi %add3A_53, %add3A_64 : i32
    "tpu.region"() ({
      %run_scoped3A = tpu.sem_alloc : memref<!tpu.dma_semaphore, #tpu.memory_space<semaphore_mem>>
      %dma_start3A = arith.constant 0 : i32
      %dma_start3A_84 = tpu.memref_slice %arg6[%add3A_65, %dma_start3A] : memref<20480x128xf32, #tpu.memory_space<hbm>> -> memref<128x128xf32, #tpu.memory_space<hbm>>
      %dma_start3A_85 = arith.constant 0 : i32
      %dma_start3A_86 = tpu.memref_slice %arg6[%add3A_65, %dma_start3A_85] : memref<20480x128xf32, #tpu.memory_space<hbm>> -> memref<128x128xf32, #tpu.memory_space<hbm>>
      tpu.enqueue_dma source(%arg9 : memref<128x128xf32, #tpu.memory_space<vmem>>) target(%dma_start3A_86 : memref<128x128xf32, #tpu.memory_space<hbm>>) target_semaphore(%run_scoped3A : memref<!tpu.dma_semaphore, #tpu.memory_space<semaphore_mem>>)
      %dma_wait3A = arith.constant 0 : i32
      %dma_wait3A_87 = tpu.memref_slice %arg6[%add3A_65, %dma_wait3A] : memref<20480x128xf32, #tpu.memory_space<hbm>> -> memref<128x128xf32, #tpu.memory_space<hbm>>
      %dma_wait3A_88 = arith.constant 0 : i32
      %dma_wait3A_89 = tpu.memref_slice %arg6[%add3A_65, %dma_wait3A_88] : memref<20480x128xf32, #tpu.memory_space<hbm>> -> memref<128x128xf32, #tpu.memory_space<hbm>>
      tpu.wait_dma2 semaphore(%run_scoped3A : memref<!tpu.dma_semaphore, #tpu.memory_space<semaphore_mem>>) src(%arg9 : memref<128x128xf32, #tpu.memory_space<vmem>>) dst(%dma_wait3A_89 : memref<128x128xf32, #tpu.memory_space<hbm>>)
      tpu.yield
    }) : () -> ()
    %mul3A_66 = arith.constant 640 : i32
    %mul3A_67 = arith.muli %arg1, %mul3A_66 : i32
    %add3A_68 = arith.constant 256 : i32
    %add3A_69 = arith.addi %mul3A_67, %add3A_68 : i32
    "tpu.region"() ({
      %run_scoped3A = tpu.sem_alloc : memref<!tpu.dma_semaphore, #tpu.memory_space<semaphore_mem>>
      %dma_start3A = arith.constant 0 : i32
      %dma_start3A_84 = tpu.memref_slice %arg11[%add3A_69, %dma_start3A] : memref<10240x128xf32, #tpu.memory_space<vmem_shared>> -> memref<128x128xf32, #tpu.memory_space<vmem_shared>>
      %dma_start3A_85 = arith.constant 0 : i32
      %dma_start3A_86 = tpu.memref_slice %arg11[%add3A_69, %dma_start3A_85] : memref<10240x128xf32, #tpu.memory_space<vmem_shared>> -> memref<128x128xf32, #tpu.memory_space<vmem_shared>>
      tpu.enqueue_dma source(%dma_start3A_86 : memref<128x128xf32, #tpu.memory_space<vmem_shared>>) target(%arg9 : memref<128x128xf32, #tpu.memory_space<vmem>>) target_semaphore(%run_scoped3A : memref<!tpu.dma_semaphore, #tpu.memory_space<semaphore_mem>>)
      %dma_wait3A = arith.constant 0 : i32
      %dma_wait3A_87 = tpu.memref_slice %arg11[%add3A_69, %dma_wait3A] : memref<10240x128xf32, #tpu.memory_space<vmem_shared>> -> memref<128x128xf32, #tpu.memory_space<vmem_shared>>
      %dma_wait3A_88 = arith.constant 0 : i32
      %dma_wait3A_89 = tpu.memref_slice %arg11[%add3A_69, %dma_wait3A_88] : memref<10240x128xf32, #tpu.memory_space<vmem_shared>> -> memref<128x128xf32, #tpu.memory_space<vmem_shared>>
      tpu.wait_dma2 semaphore(%run_scoped3A : memref<!tpu.dma_semaphore, #tpu.memory_space<semaphore_mem>>) src(%dma_wait3A_89 : memref<128x128xf32, #tpu.memory_space<vmem_shared>>) dst(%arg9 : memref<128x128xf32, #tpu.memory_space<vmem>>)
      tpu.yield
    }) : () -> ()
    %add3A_70 = arith.constant 256 : i32
    %add3A_71 = arith.addi %add3A_53, %add3A_70 : i32
    "tpu.region"() ({
      %run_scoped3A = tpu.sem_alloc : memref<!tpu.dma_semaphore, #tpu.memory_space<semaphore_mem>>
      %dma_start3A = arith.constant 0 : i32
      %dma_start3A_84 = tpu.memref_slice %arg6[%add3A_71, %dma_start3A] : memref<20480x128xf32, #tpu.memory_space<hbm>> -> memref<128x128xf32, #tpu.memory_space<hbm>>
      %dma_start3A_85 = arith.constant 0 : i32
      %dma_start3A_86 = tpu.memref_slice %arg6[%add3A_71, %dma_start3A_85] : memref<20480x128xf32, #tpu.memory_space<hbm>> -> memref<128x128xf32, #tpu.memory_space<hbm>>
      tpu.enqueue_dma source(%arg9 : memref<128x128xf32, #tpu.memory_space<vmem>>) target(%dma_start3A_86 : memref<128x128xf32, #tpu.memory_space<hbm>>) target_semaphore(%run_scoped3A : memref<!tpu.dma_semaphore, #tpu.memory_space<semaphore_mem>>)
      %dma_wait3A = arith.constant 0 : i32
      %dma_wait3A_87 = tpu.memref_slice %arg6[%add3A_71, %dma_wait3A] : memref<20480x128xf32, #tpu.memory_space<hbm>> -> memref<128x128xf32, #tpu.memory_space<hbm>>
      %dma_wait3A_88 = arith.constant 0 : i32
      %dma_wait3A_89 = tpu.memref_slice %arg6[%add3A_71, %dma_wait3A_88] : memref<20480x128xf32, #tpu.memory_space<hbm>> -> memref<128x128xf32, #tpu.memory_space<hbm>>
      tpu.wait_dma2 semaphore(%run_scoped3A : memref<!tpu.dma_semaphore, #tpu.memory_space<semaphore_mem>>) src(%arg9 : memref<128x128xf32, #tpu.memory_space<vmem>>) dst(%dma_wait3A_89 : memref<128x128xf32, #tpu.memory_space<hbm>>)
      tpu.yield
    }) : () -> ()
    %mul3A_72 = arith.constant 640 : i32
    %mul3A_73 = arith.muli %arg1, %mul3A_72 : i32
    %add3A_74 = arith.constant 384 : i32
    %add3A_75 = arith.addi %mul3A_73, %add3A_74 : i32
    "tpu.region"() ({
      %run_scoped3A = tpu.sem_alloc : memref<!tpu.dma_semaphore, #tpu.memory_space<semaphore_mem>>
      %dma_start3A = arith.constant 0 : i32
      %dma_start3A_84 = tpu.memref_slice %arg11[%add3A_75, %dma_start3A] : memref<10240x128xf32, #tpu.memory_space<vmem_shared>> -> memref<128x128xf32, #tpu.memory_space<vmem_shared>>
      %dma_start3A_85 = arith.constant 0 : i32
      %dma_start3A_86 = tpu.memref_slice %arg11[%add3A_75, %dma_start3A_85] : memref<10240x128xf32, #tpu.memory_space<vmem_shared>> -> memref<128x128xf32, #tpu.memory_space<vmem_shared>>
      tpu.enqueue_dma source(%dma_start3A_86 : memref<128x128xf32, #tpu.memory_space<vmem_shared>>) target(%arg9 : memref<128x128xf32, #tpu.memory_space<vmem>>) target_semaphore(%run_scoped3A : memref<!tpu.dma_semaphore, #tpu.memory_space<semaphore_mem>>)
      %dma_wait3A = arith.constant 0 : i32
      %dma_wait3A_87 = tpu.memref_slice %arg11[%add3A_75, %dma_wait3A] : memref<10240x128xf32, #tpu.memory_space<vmem_shared>> -> memref<128x128xf32, #tpu.memory_space<vmem_shared>>
      %dma_wait3A_88 = arith.constant 0 : i32
      %dma_wait3A_89 = tpu.memref_slice %arg11[%add3A_75, %dma_wait3A_88] : memref<10240x128xf32, #tpu.memory_space<vmem_shared>> -> memref<128x128xf32, #tpu.memory_space<vmem_shared>>
      tpu.wait_dma2 semaphore(%run_scoped3A : memref<!tpu.dma_semaphore, #tpu.memory_space<semaphore_mem>>) src(%dma_wait3A_89 : memref<128x128xf32, #tpu.memory_space<vmem_shared>>) dst(%arg9 : memref<128x128xf32, #tpu.memory_space<vmem>>)
      tpu.yield
    }) : () -> ()
    %add3A_76 = arith.constant 384 : i32
    %add3A_77 = arith.addi %add3A_53, %add3A_76 : i32
    "tpu.region"() ({
      %run_scoped3A = tpu.sem_alloc : memref<!tpu.dma_semaphore, #tpu.memory_space<semaphore_mem>>
      %dma_start3A = arith.constant 0 : i32
      %dma_start3A_84 = tpu.memref_slice %arg6[%add3A_77, %dma_start3A] : memref<20480x128xf32, #tpu.memory_space<hbm>> -> memref<128x128xf32, #tpu.memory_space<hbm>>
      %dma_start3A_85 = arith.constant 0 : i32
      %dma_start3A_86 = tpu.memref_slice %arg6[%add3A_77, %dma_start3A_85] : memref<20480x128xf32, #tpu.memory_space<hbm>> -> memref<128x128xf32, #tpu.memory_space<hbm>>
      tpu.enqueue_dma source(%arg9 : memref<128x128xf32, #tpu.memory_space<vmem>>) target(%dma_start3A_86 : memref<128x128xf32, #tpu.memory_space<hbm>>) target_semaphore(%run_scoped3A : memref<!tpu.dma_semaphore, #tpu.memory_space<semaphore_mem>>)
      %dma_wait3A = arith.constant 0 : i32
      %dma_wait3A_87 = tpu.memref_slice %arg6[%add3A_77, %dma_wait3A] : memref<20480x128xf32, #tpu.memory_space<hbm>> -> memref<128x128xf32, #tpu.memory_space<hbm>>
      %dma_wait3A_88 = arith.constant 0 : i32
      %dma_wait3A_89 = tpu.memref_slice %arg6[%add3A_77, %dma_wait3A_88] : memref<20480x128xf32, #tpu.memory_space<hbm>> -> memref<128x128xf32, #tpu.memory_space<hbm>>
      tpu.wait_dma2 semaphore(%run_scoped3A : memref<!tpu.dma_semaphore, #tpu.memory_space<semaphore_mem>>) src(%arg9 : memref<128x128xf32, #tpu.memory_space<vmem>>) dst(%dma_wait3A_89 : memref<128x128xf32, #tpu.memory_space<hbm>>)
      tpu.yield
    }) : () -> ()
    %mul3A_78 = arith.constant 640 : i32
    %mul3A_79 = arith.muli %arg1, %mul3A_78 : i32
    %add3A_80 = arith.constant 512 : i32
    %add3A_81 = arith.addi %mul3A_79, %add3A_80 : i32
    "tpu.region"() ({
      %run_scoped3A = tpu.sem_alloc : memref<!tpu.dma_semaphore, #tpu.memory_space<semaphore_mem>>
      %dma_start3A = arith.constant 0 : i32
      %dma_start3A_84 = tpu.memref_slice %arg11[%add3A_81, %dma_start3A] : memref<10240x128xf32, #tpu.memory_space<vmem_shared>> -> memref<128x128xf32, #tpu.memory_space<vmem_shared>>
      %dma_start3A_85 = arith.constant 0 : i32
      %dma_start3A_86 = tpu.memref_slice %arg11[%add3A_81, %dma_start3A_85] : memref<10240x128xf32, #tpu.memory_space<vmem_shared>> -> memref<128x128xf32, #tpu.memory_space<vmem_shared>>
      tpu.enqueue_dma source(%dma_start3A_86 : memref<128x128xf32, #tpu.memory_space<vmem_shared>>) target(%arg9 : memref<128x128xf32, #tpu.memory_space<vmem>>) target_semaphore(%run_scoped3A : memref<!tpu.dma_semaphore, #tpu.memory_space<semaphore_mem>>)
      %dma_wait3A = arith.constant 0 : i32
      %dma_wait3A_87 = tpu.memref_slice %arg11[%add3A_81, %dma_wait3A] : memref<10240x128xf32, #tpu.memory_space<vmem_shared>> -> memref<128x128xf32, #tpu.memory_space<vmem_shared>>
      %dma_wait3A_88 = arith.constant 0 : i32
      %dma_wait3A_89 = tpu.memref_slice %arg11[%add3A_81, %dma_wait3A_88] : memref<10240x128xf32, #tpu.memory_space<vmem_shared>> -> memref<128x128xf32, #tpu.memory_space<vmem_shared>>
      tpu.wait_dma2 semaphore(%run_scoped3A : memref<!tpu.dma_semaphore, #tpu.memory_space<semaphore_mem>>) src(%dma_wait3A_89 : memref<128x128xf32, #tpu.memory_space<vmem_shared>>) dst(%arg9 : memref<128x128xf32, #tpu.memory_space<vmem>>)
      tpu.yield
    }) : () -> ()
    %add3A_82 = arith.constant 512 : i32
    %add3A_83 = arith.addi %add3A_53, %add3A_82 : i32
    "tpu.region"() ({
      %run_scoped3A = tpu.sem_alloc : memref<!tpu.dma_semaphore, #tpu.memory_space<semaphore_mem>>
      %dma_start3A = arith.constant 0 : i32
      %dma_start3A_84 = tpu.memref_slice %arg6[%add3A_83, %dma_start3A] : memref<20480x128xf32, #tpu.memory_space<hbm>> -> memref<128x128xf32, #tpu.memory_space<hbm>>
      %dma_start3A_85 = arith.constant 0 : i32
      %dma_start3A_86 = tpu.memref_slice %arg6[%add3A_83, %dma_start3A_85] : memref<20480x128xf32, #tpu.memory_space<hbm>> -> memref<128x128xf32, #tpu.memory_space<hbm>>
      tpu.enqueue_dma source(%arg9 : memref<128x128xf32, #tpu.memory_space<vmem>>) target(%dma_start3A_86 : memref<128x128xf32, #tpu.memory_space<hbm>>) target_semaphore(%run_scoped3A : memref<!tpu.dma_semaphore, #tpu.memory_space<semaphore_mem>>)
      %dma_wait3A = arith.constant 0 : i32
      %dma_wait3A_87 = tpu.memref_slice %arg6[%add3A_83, %dma_wait3A] : memref<20480x128xf32, #tpu.memory_space<hbm>> -> memref<128x128xf32, #tpu.memory_space<hbm>>
      %dma_wait3A_88 = arith.constant 0 : i32
      %dma_wait3A_89 = tpu.memref_slice %arg6[%add3A_83, %dma_wait3A_88] : memref<20480x128xf32, #tpu.memory_space<hbm>> -> memref<128x128xf32, #tpu.memory_space<hbm>>
      tpu.wait_dma2 semaphore(%run_scoped3A : memref<!tpu.dma_semaphore, #tpu.memory_space<semaphore_mem>>) src(%arg9 : memref<128x128xf32, #tpu.memory_space<vmem>>) dst(%dma_wait3A_89 : memref<128x128xf32, #tpu.memory_space<hbm>>)
      tpu.yield
    }) : () -> ()
    return
  }
}

#map = affine_map<(d0, d1) -> (0, 0, 0)>
#map1 = affine_map<(d0, d1) -> (0, 0)>
module attributes {stable_mosaic.version = 14 : i64} {
  func.func @cnt_sum_sc(%arg0: i32, %arg1: i32, %arg2: memref<64x40x128xi32, #tpu.memory_space<hbm>>, %arg3: memref<128x128xf32, #tpu.memory_space<hbm>>, %arg4: memref<128x128xf32, #tpu.memory_space<hbm>>, %arg5: memref<20480x128xf32, #tpu.memory_space<hbm>>, %arg6: memref<40x128xi32, #tpu.memory_space<vmem>>, %arg7: memref<128x128xf32, #tpu.memory_space<vmem>>, %arg8: memref<10240x128xf32, #tpu.memory_space<vmem_shared>>) attributes {dimension_semantics = [#tpu.dimension_semantics<core_parallel>, #tpu.dimension_semantics<subcore_parallel>], iteration_bounds = array<i64: 2, 16>, scalar_prefetch = 0 : i64, scratch_operands = 3 : i64, tpu.core_type = #tpu.core_type<sc_vector_subcore>, window_params = [{transform_indices = #map}, {transform_indices = #map1}, {transform_indices = #map1}, {transform_indices = #map1}]} {
    %mul3A = arith.constant 2 : i32
    %mul3A_0 = arith.muli %arg1, %mul3A : i32
    %add3A = arith.addi %mul3A_0, %arg0 : i32
    "tpu.region"() ({
      %run_scoped3A = tpu.sem_alloc : memref<!tpu.dma_semaphore, #tpu.memory_space<semaphore_mem>>
      tpu.enqueue_dma source(%arg4 : memref<128x128xf32, #tpu.memory_space<hbm>>) target(%arg7 : memref<128x128xf32, #tpu.memory_space<vmem>>) target_semaphore(%run_scoped3A : memref<!tpu.dma_semaphore, #tpu.memory_space<semaphore_mem>>)
      tpu.wait_dma2 semaphore(%run_scoped3A : memref<!tpu.dma_semaphore, #tpu.memory_space<semaphore_mem>>) src(%arg4 : memref<128x128xf32, #tpu.memory_space<hbm>>) dst(%arg7 : memref<128x128xf32, #tpu.memory_space<vmem>>)
      tpu.yield
    }) : () -> ()
    %mul3A_1 = arith.constant 640 : i32
    %mul3A_2 = arith.muli %arg1, %mul3A_1 : i32
    %add3A_3 = arith.constant 0 : i32
    %add3A_4 = arith.addi %mul3A_2, %add3A_3 : i32
    "tpu.region"() ({
      %run_scoped3A = tpu.sem_alloc : memref<!tpu.dma_semaphore, #tpu.memory_space<semaphore_mem>>
      %dma_start3A = arith.constant 0 : i32
      %dma_start3A_76 = tpu.memref_slice %arg8[%add3A_4, %dma_start3A] : memref<10240x128xf32, #tpu.memory_space<vmem_shared>> -> memref<128x128xf32, #tpu.memory_space<vmem_shared>>
      %dma_start3A_77 = arith.constant 0 : i32
      %dma_start3A_78 = tpu.memref_slice %arg8[%add3A_4, %dma_start3A_77] : memref<10240x128xf32, #tpu.memory_space<vmem_shared>> -> memref<128x128xf32, #tpu.memory_space<vmem_shared>>
      tpu.enqueue_dma source(%arg7 : memref<128x128xf32, #tpu.memory_space<vmem>>) target(%dma_start3A_78 : memref<128x128xf32, #tpu.memory_space<vmem_shared>>) target_semaphore(%run_scoped3A : memref<!tpu.dma_semaphore, #tpu.memory_space<semaphore_mem>>)
      %dma_wait3A = arith.constant 0 : i32
      %dma_wait3A_79 = tpu.memref_slice %arg8[%add3A_4, %dma_wait3A] : memref<10240x128xf32, #tpu.memory_space<vmem_shared>> -> memref<128x128xf32, #tpu.memory_space<vmem_shared>>
      %dma_wait3A_80 = arith.constant 0 : i32
      %dma_wait3A_81 = tpu.memref_slice %arg8[%add3A_4, %dma_wait3A_80] : memref<10240x128xf32, #tpu.memory_space<vmem_shared>> -> memref<128x128xf32, #tpu.memory_space<vmem_shared>>
      tpu.wait_dma2 semaphore(%run_scoped3A : memref<!tpu.dma_semaphore, #tpu.memory_space<semaphore_mem>>) src(%arg7 : memref<128x128xf32, #tpu.memory_space<vmem>>) dst(%dma_wait3A_81 : memref<128x128xf32, #tpu.memory_space<vmem_shared>>)
      tpu.yield
    }) : () -> ()
    %mul3A_5 = arith.constant 640 : i32
    %mul3A_6 = arith.muli %arg1, %mul3A_5 : i32
    %add3A_7 = arith.constant 128 : i32
    %add3A_8 = arith.addi %mul3A_6, %add3A_7 : i32
    "tpu.region"() ({
      %run_scoped3A = tpu.sem_alloc : memref<!tpu.dma_semaphore, #tpu.memory_space<semaphore_mem>>
      %dma_start3A = arith.constant 0 : i32
      %dma_start3A_76 = tpu.memref_slice %arg8[%add3A_8, %dma_start3A] : memref<10240x128xf32, #tpu.memory_space<vmem_shared>> -> memref<128x128xf32, #tpu.memory_space<vmem_shared>>
      %dma_start3A_77 = arith.constant 0 : i32
      %dma_start3A_78 = tpu.memref_slice %arg8[%add3A_8, %dma_start3A_77] : memref<10240x128xf32, #tpu.memory_space<vmem_shared>> -> memref<128x128xf32, #tpu.memory_space<vmem_shared>>
      tpu.enqueue_dma source(%arg7 : memref<128x128xf32, #tpu.memory_space<vmem>>) target(%dma_start3A_78 : memref<128x128xf32, #tpu.memory_space<vmem_shared>>) target_semaphore(%run_scoped3A : memref<!tpu.dma_semaphore, #tpu.memory_space<semaphore_mem>>)
      %dma_wait3A = arith.constant 0 : i32
      %dma_wait3A_79 = tpu.memref_slice %arg8[%add3A_8, %dma_wait3A] : memref<10240x128xf32, #tpu.memory_space<vmem_shared>> -> memref<128x128xf32, #tpu.memory_space<vmem_shared>>
      %dma_wait3A_80 = arith.constant 0 : i32
      %dma_wait3A_81 = tpu.memref_slice %arg8[%add3A_8, %dma_wait3A_80] : memref<10240x128xf32, #tpu.memory_space<vmem_shared>> -> memref<128x128xf32, #tpu.memory_space<vmem_shared>>
      tpu.wait_dma2 semaphore(%run_scoped3A : memref<!tpu.dma_semaphore, #tpu.memory_space<semaphore_mem>>) src(%arg7 : memref<128x128xf32, #tpu.memory_space<vmem>>) dst(%dma_wait3A_81 : memref<128x128xf32, #tpu.memory_space<vmem_shared>>)
      tpu.yield
    }) : () -> ()
    %mul3A_9 = arith.constant 640 : i32
    %mul3A_10 = arith.muli %arg1, %mul3A_9 : i32
    %add3A_11 = arith.constant 256 : i32
    %add3A_12 = arith.addi %mul3A_10, %add3A_11 : i32
    "tpu.region"() ({
      %run_scoped3A = tpu.sem_alloc : memref<!tpu.dma_semaphore, #tpu.memory_space<semaphore_mem>>
      %dma_start3A = arith.constant 0 : i32
      %dma_start3A_76 = tpu.memref_slice %arg8[%add3A_12, %dma_start3A] : memref<10240x128xf32, #tpu.memory_space<vmem_shared>> -> memref<128x128xf32, #tpu.memory_space<vmem_shared>>
      %dma_start3A_77 = arith.constant 0 : i32
      %dma_start3A_78 = tpu.memref_slice %arg8[%add3A_12, %dma_start3A_77] : memref<10240x128xf32, #tpu.memory_space<vmem_shared>> -> memref<128x128xf32, #tpu.memory_space<vmem_shared>>
      tpu.enqueue_dma source(%arg7 : memref<128x128xf32, #tpu.memory_space<vmem>>) target(%dma_start3A_78 : memref<128x128xf32, #tpu.memory_space<vmem_shared>>) target_semaphore(%run_scoped3A : memref<!tpu.dma_semaphore, #tpu.memory_space<semaphore_mem>>)
      %dma_wait3A = arith.constant 0 : i32
      %dma_wait3A_79 = tpu.memref_slice %arg8[%add3A_12, %dma_wait3A] : memref<10240x128xf32, #tpu.memory_space<vmem_shared>> -> memref<128x128xf32, #tpu.memory_space<vmem_shared>>
      %dma_wait3A_80 = arith.constant 0 : i32
      %dma_wait3A_81 = tpu.memref_slice %arg8[%add3A_12, %dma_wait3A_80] : memref<10240x128xf32, #tpu.memory_space<vmem_shared>> -> memref<128x128xf32, #tpu.memory_space<vmem_shared>>
      tpu.wait_dma2 semaphore(%run_scoped3A : memref<!tpu.dma_semaphore, #tpu.memory_space<semaphore_mem>>) src(%arg7 : memref<128x128xf32, #tpu.memory_space<vmem>>) dst(%dma_wait3A_81 : memref<128x128xf32, #tpu.memory_space<vmem_shared>>)
      tpu.yield
    }) : () -> ()
    %mul3A_13 = arith.constant 640 : i32
    %mul3A_14 = arith.muli %arg1, %mul3A_13 : i32
    %add3A_15 = arith.constant 384 : i32
    %add3A_16 = arith.addi %mul3A_14, %add3A_15 : i32
    "tpu.region"() ({
      %run_scoped3A = tpu.sem_alloc : memref<!tpu.dma_semaphore, #tpu.memory_space<semaphore_mem>>
      %dma_start3A = arith.constant 0 : i32
      %dma_start3A_76 = tpu.memref_slice %arg8[%add3A_16, %dma_start3A] : memref<10240x128xf32, #tpu.memory_space<vmem_shared>> -> memref<128x128xf32, #tpu.memory_space<vmem_shared>>
      %dma_start3A_77 = arith.constant 0 : i32
      %dma_start3A_78 = tpu.memref_slice %arg8[%add3A_16, %dma_start3A_77] : memref<10240x128xf32, #tpu.memory_space<vmem_shared>> -> memref<128x128xf32, #tpu.memory_space<vmem_shared>>
      tpu.enqueue_dma source(%arg7 : memref<128x128xf32, #tpu.memory_space<vmem>>) target(%dma_start3A_78 : memref<128x128xf32, #tpu.memory_space<vmem_shared>>) target_semaphore(%run_scoped3A : memref<!tpu.dma_semaphore, #tpu.memory_space<semaphore_mem>>)
      %dma_wait3A = arith.constant 0 : i32
      %dma_wait3A_79 = tpu.memref_slice %arg8[%add3A_16, %dma_wait3A] : memref<10240x128xf32, #tpu.memory_space<vmem_shared>> -> memref<128x128xf32, #tpu.memory_space<vmem_shared>>
      %dma_wait3A_80 = arith.constant 0 : i32
      %dma_wait3A_81 = tpu.memref_slice %arg8[%add3A_16, %dma_wait3A_80] : memref<10240x128xf32, #tpu.memory_space<vmem_shared>> -> memref<128x128xf32, #tpu.memory_space<vmem_shared>>
      tpu.wait_dma2 semaphore(%run_scoped3A : memref<!tpu.dma_semaphore, #tpu.memory_space<semaphore_mem>>) src(%arg7 : memref<128x128xf32, #tpu.memory_space<vmem>>) dst(%dma_wait3A_81 : memref<128x128xf32, #tpu.memory_space<vmem_shared>>)
      tpu.yield
    }) : () -> ()
    %mul3A_17 = arith.constant 640 : i32
    %mul3A_18 = arith.muli %arg1, %mul3A_17 : i32
    %add3A_19 = arith.constant 512 : i32
    %add3A_20 = arith.addi %mul3A_18, %add3A_19 : i32
    "tpu.region"() ({
      %run_scoped3A = tpu.sem_alloc : memref<!tpu.dma_semaphore, #tpu.memory_space<semaphore_mem>>
      %dma_start3A = arith.constant 0 : i32
      %dma_start3A_76 = tpu.memref_slice %arg8[%add3A_20, %dma_start3A] : memref<10240x128xf32, #tpu.memory_space<vmem_shared>> -> memref<128x128xf32, #tpu.memory_space<vmem_shared>>
      %dma_start3A_77 = arith.constant 0 : i32
      %dma_start3A_78 = tpu.memref_slice %arg8[%add3A_20, %dma_start3A_77] : memref<10240x128xf32, #tpu.memory_space<vmem_shared>> -> memref<128x128xf32, #tpu.memory_space<vmem_shared>>
      tpu.enqueue_dma source(%arg7 : memref<128x128xf32, #tpu.memory_space<vmem>>) target(%dma_start3A_78 : memref<128x128xf32, #tpu.memory_space<vmem_shared>>) target_semaphore(%run_scoped3A : memref<!tpu.dma_semaphore, #tpu.memory_space<semaphore_mem>>)
      %dma_wait3A = arith.constant 0 : i32
      %dma_wait3A_79 = tpu.memref_slice %arg8[%add3A_20, %dma_wait3A] : memref<10240x128xf32, #tpu.memory_space<vmem_shared>> -> memref<128x128xf32, #tpu.memory_space<vmem_shared>>
      %dma_wait3A_80 = arith.constant 0 : i32
      %dma_wait3A_81 = tpu.memref_slice %arg8[%add3A_20, %dma_wait3A_80] : memref<10240x128xf32, #tpu.memory_space<vmem_shared>> -> memref<128x128xf32, #tpu.memory_space<vmem_shared>>
      tpu.wait_dma2 semaphore(%run_scoped3A : memref<!tpu.dma_semaphore, #tpu.memory_space<semaphore_mem>>) src(%arg7 : memref<128x128xf32, #tpu.memory_space<vmem>>) dst(%dma_wait3A_81 : memref<128x128xf32, #tpu.memory_space<vmem_shared>>)
      tpu.yield
    }) : () -> ()
    "tpu.region"() ({
      %run_scoped3A = tpu.sem_alloc : memref<!tpu.dma_semaphore, #tpu.memory_space<semaphore_mem>>
      tpu.enqueue_dma source(%arg3 : memref<128x128xf32, #tpu.memory_space<hbm>>) target(%arg7 : memref<128x128xf32, #tpu.memory_space<vmem>>) target_semaphore(%run_scoped3A : memref<!tpu.dma_semaphore, #tpu.memory_space<semaphore_mem>>)
      tpu.wait_dma2 semaphore(%run_scoped3A : memref<!tpu.dma_semaphore, #tpu.memory_space<semaphore_mem>>) src(%arg3 : memref<128x128xf32, #tpu.memory_space<hbm>>) dst(%arg7 : memref<128x128xf32, #tpu.memory_space<vmem>>)
      tpu.yield
    }) : () -> ()
    %barrier3A = arith.constant 0 : index
    tpu.barrier barrier_id(%barrier3A)
    %mul3A_21 = arith.constant 2 : i32
    %mul3A_22 = arith.muli %add3A, %mul3A_21 : i32
    %add3A_23 = arith.constant 0 : i32
    %add3A_24 = arith.addi %mul3A_22, %add3A_23 : i32
    "tpu.region"() ({
      %run_scoped3A = tpu.sem_alloc : memref<!tpu.dma_semaphore, #tpu.memory_space<semaphore_mem>>
      %dma_start3A = arith.constant 0 : i32
      %dma_start3A_76 = arith.constant 0 : i32
      %dma_start3A_77 = tpu.memref_slice %arg2[%add3A_24, %dma_start3A, %dma_start3A_76] : memref<64x40x128xi32, #tpu.memory_space<hbm>> -> memref<1x40x128xi32, #tpu.memory_space<hbm>>
      %dma_start3A_78 = tpu.memref_squeeze %dma_start3A_77 : memref<1x40x128xi32, #tpu.memory_space<hbm>> -> memref<40x128xi32, #tpu.memory_space<hbm>>
      %dma_start3A_79 = arith.constant 0 : i32
      %dma_start3A_80 = arith.constant 0 : i32
      %dma_start3A_81 = tpu.memref_slice %arg2[%add3A_24, %dma_start3A_79, %dma_start3A_80] : memref<64x40x128xi32, #tpu.memory_space<hbm>> -> memref<1x40x128xi32, #tpu.memory_space<hbm>>
      %dma_start3A_82 = tpu.memref_squeeze %dma_start3A_81 : memref<1x40x128xi32, #tpu.memory_space<hbm>> -> memref<40x128xi32, #tpu.memory_space<hbm>>
      tpu.enqueue_dma source(%dma_start3A_82 : memref<40x128xi32, #tpu.memory_space<hbm>>) target(%arg6 : memref<40x128xi32, #tpu.memory_space<vmem>>) target_semaphore(%run_scoped3A : memref<!tpu.dma_semaphore, #tpu.memory_space<semaphore_mem>>)
      %dma_wait3A = arith.constant 0 : i32
      %dma_wait3A_83 = arith.constant 0 : i32
      %dma_wait3A_84 = tpu.memref_slice %arg2[%add3A_24, %dma_wait3A, %dma_wait3A_83] : memref<64x40x128xi32, #tpu.memory_space<hbm>> -> memref<1x40x128xi32, #tpu.memory_space<hbm>>
      %dma_wait3A_85 = tpu.memref_squeeze %dma_wait3A_84 : memref<1x40x128xi32, #tpu.memory_space<hbm>> -> memref<40x128xi32, #tpu.memory_space<hbm>>
      %dma_wait3A_86 = arith.constant 0 : i32
      %dma_wait3A_87 = arith.constant 0 : i32
      %dma_wait3A_88 = tpu.memref_slice %arg2[%add3A_24, %dma_wait3A_86, %dma_wait3A_87] : memref<64x40x128xi32, #tpu.memory_space<hbm>> -> memref<1x40x128xi32, #tpu.memory_space<hbm>>
      %dma_wait3A_89 = tpu.memref_squeeze %dma_wait3A_88 : memref<1x40x128xi32, #tpu.memory_space<hbm>> -> memref<40x128xi32, #tpu.memory_space<hbm>>
      tpu.wait_dma2 semaphore(%run_scoped3A : memref<!tpu.dma_semaphore, #tpu.memory_space<semaphore_mem>>) src(%dma_wait3A_89 : memref<40x128xi32, #tpu.memory_space<hbm>>) dst(%arg6 : memref<40x128xi32, #tpu.memory_space<vmem>>)
      tpu.yield
    }) : () -> ()
    %scan3A = arith.constant 0 : i32
    %scan3A_25 = arith.constant 0 : i32
    %scan3A_26 = arith.constant 40 : i32
    %scan3A_27 = arith.addi %scan3A_25, %scan3A_26 : i32
    %scan3A_28 = arith.constant 1 : i32
    scf.for %scan3A_76 = %scan3A_25 to %scan3A_27 step %scan3A_28  : i32 {
      "tpu.region"() ({
        %run_scoped3A = tpu.sem_alloc : memref<!tpu.dma_semaphore, #tpu.memory_space<semaphore_mem>>
        %dma_start3A = arith.constant 0 : i32
        %dma_start3A_77 = tpu.memref_slice %arg6[%scan3A_76, %dma_start3A] : memref<40x128xi32, #tpu.memory_space<vmem>> -> memref<1x128xi32, #tpu.memory_space<vmem>>
        %dma_start3A_78 = tpu.memref_squeeze %dma_start3A_77 : memref<1x128xi32, #tpu.memory_space<vmem>> -> memref<128xi32, #tpu.memory_space<vmem>>
        %dma_start3A_79 = arith.constant 0 : i32
        %dma_start3A_80 = arith.constant 0 : i32
        %dma_start3A_81 = tpu.memref_slice %arg8[%dma_start3A_79, %dma_start3A_80] : memref<10240x128xf32, #tpu.memory_space<vmem_shared>> -> memref<10240x128xf32, #tpu.memory_space<vmem_shared>>
        tpu.enqueue_indirect_dma source(%arg7 : memref<128x128xf32, #tpu.memory_space<vmem>>) target(%dma_start3A_81 : memref<10240x128xf32, #tpu.memory_space<vmem_shared>>) offsets(%dma_start3A_78 : memref<128xi32, #tpu.memory_space<vmem>>) semaphore(%run_scoped3A : memref<!tpu.dma_semaphore, #tpu.memory_space<semaphore_mem>>) {add = true}
        %dma_wait3A = arith.constant 0 : i32
        %dma_wait3A_82 = tpu.memref_slice %arg6[%scan3A_76, %dma_wait3A] : memref<40x128xi32, #tpu.memory_space<vmem>> -> memref<1x128xi32, #tpu.memory_space<vmem>>
        %dma_wait3A_83 = tpu.memref_squeeze %dma_wait3A_82 : memref<1x128xi32, #tpu.memory_space<vmem>> -> memref<128xi32, #tpu.memory_space<vmem>>
        %dma_wait3A_84 = arith.constant 0 : i32
        %dma_wait3A_85 = arith.constant 0 : i32
        %dma_wait3A_86 = tpu.memref_slice %arg8[%dma_wait3A_84, %dma_wait3A_85] : memref<10240x128xf32, #tpu.memory_space<vmem_shared>> -> memref<10240x128xf32, #tpu.memory_space<vmem_shared>>
        tpu.wait_indirect_dma semaphore(%run_scoped3A : memref<!tpu.dma_semaphore, #tpu.memory_space<semaphore_mem>>) src(%arg7 : memref<128x128xf32, #tpu.memory_space<vmem>>) dst(%dma_wait3A_86 : memref<10240x128xf32, #tpu.memory_space<vmem_shared>>)
        tpu.yield
      }) : () -> ()
    }
    %scan3A_29 = arith.constant 40 : i32
    %mul3A_30 = arith.constant 2 : i32
    %mul3A_31 = arith.muli %add3A, %mul3A_30 : i32
    %add3A_32 = arith.constant 1 : i32
    %add3A_33 = arith.addi %mul3A_31, %add3A_32 : i32
    "tpu.region"() ({
      %run_scoped3A = tpu.sem_alloc : memref<!tpu.dma_semaphore, #tpu.memory_space<semaphore_mem>>
      %dma_start3A = arith.constant 0 : i32
      %dma_start3A_76 = arith.constant 0 : i32
      %dma_start3A_77 = tpu.memref_slice %arg2[%add3A_33, %dma_start3A, %dma_start3A_76] : memref<64x40x128xi32, #tpu.memory_space<hbm>> -> memref<1x40x128xi32, #tpu.memory_space<hbm>>
      %dma_start3A_78 = tpu.memref_squeeze %dma_start3A_77 : memref<1x40x128xi32, #tpu.memory_space<hbm>> -> memref<40x128xi32, #tpu.memory_space<hbm>>
      %dma_start3A_79 = arith.constant 0 : i32
      %dma_start3A_80 = arith.constant 0 : i32
      %dma_start3A_81 = tpu.memref_slice %arg2[%add3A_33, %dma_start3A_79, %dma_start3A_80] : memref<64x40x128xi32, #tpu.memory_space<hbm>> -> memref<1x40x128xi32, #tpu.memory_space<hbm>>
      %dma_start3A_82 = tpu.memref_squeeze %dma_start3A_81 : memref<1x40x128xi32, #tpu.memory_space<hbm>> -> memref<40x128xi32, #tpu.memory_space<hbm>>
      tpu.enqueue_dma source(%dma_start3A_82 : memref<40x128xi32, #tpu.memory_space<hbm>>) target(%arg6 : memref<40x128xi32, #tpu.memory_space<vmem>>) target_semaphore(%run_scoped3A : memref<!tpu.dma_semaphore, #tpu.memory_space<semaphore_mem>>)
      %dma_wait3A = arith.constant 0 : i32
      %dma_wait3A_83 = arith.constant 0 : i32
      %dma_wait3A_84 = tpu.memref_slice %arg2[%add3A_33, %dma_wait3A, %dma_wait3A_83] : memref<64x40x128xi32, #tpu.memory_space<hbm>> -> memref<1x40x128xi32, #tpu.memory_space<hbm>>
      %dma_wait3A_85 = tpu.memref_squeeze %dma_wait3A_84 : memref<1x40x128xi32, #tpu.memory_space<hbm>> -> memref<40x128xi32, #tpu.memory_space<hbm>>
      %dma_wait3A_86 = arith.constant 0 : i32
      %dma_wait3A_87 = arith.constant 0 : i32
      %dma_wait3A_88 = tpu.memref_slice %arg2[%add3A_33, %dma_wait3A_86, %dma_wait3A_87] : memref<64x40x128xi32, #tpu.memory_space<hbm>> -> memref<1x40x128xi32, #tpu.memory_space<hbm>>
      %dma_wait3A_89 = tpu.memref_squeeze %dma_wait3A_88 : memref<1x40x128xi32, #tpu.memory_space<hbm>> -> memref<40x128xi32, #tpu.memory_space<hbm>>
      tpu.wait_dma2 semaphore(%run_scoped3A : memref<!tpu.dma_semaphore, #tpu.memory_space<semaphore_mem>>) src(%dma_wait3A_89 : memref<40x128xi32, #tpu.memory_space<hbm>>) dst(%arg6 : memref<40x128xi32, #tpu.memory_space<vmem>>)
      tpu.yield
    }) : () -> ()
    %scan3A_34 = arith.constant 0 : i32
    %scan3A_35 = arith.constant 0 : i32
    %scan3A_36 = arith.constant 40 : i32
    %scan3A_37 = arith.addi %scan3A_35, %scan3A_36 : i32
    %scan3A_38 = arith.constant 1 : i32
    scf.for %scan3A_76 = %scan3A_35 to %scan3A_37 step %scan3A_38  : i32 {
      "tpu.region"() ({
        %run_scoped3A = tpu.sem_alloc : memref<!tpu.dma_semaphore, #tpu.memory_space<semaphore_mem>>
        %dma_start3A = arith.constant 0 : i32
        %dma_start3A_77 = tpu.memref_slice %arg6[%scan3A_76, %dma_start3A] : memref<40x128xi32, #tpu.memory_space<vmem>> -> memref<1x128xi32, #tpu.memory_space<vmem>>
        %dma_start3A_78 = tpu.memref_squeeze %dma_start3A_77 : memref<1x128xi32, #tpu.memory_space<vmem>> -> memref<128xi32, #tpu.memory_space<vmem>>
        %dma_start3A_79 = arith.constant 0 : i32
        %dma_start3A_80 = arith.constant 0 : i32
        %dma_start3A_81 = tpu.memref_slice %arg8[%dma_start3A_79, %dma_start3A_80] : memref<10240x128xf32, #tpu.memory_space<vmem_shared>> -> memref<10240x128xf32, #tpu.memory_space<vmem_shared>>
        tpu.enqueue_indirect_dma source(%arg7 : memref<128x128xf32, #tpu.memory_space<vmem>>) target(%dma_start3A_81 : memref<10240x128xf32, #tpu.memory_space<vmem_shared>>) offsets(%dma_start3A_78 : memref<128xi32, #tpu.memory_space<vmem>>) semaphore(%run_scoped3A : memref<!tpu.dma_semaphore, #tpu.memory_space<semaphore_mem>>) {add = true}
        %dma_wait3A = arith.constant 0 : i32
        %dma_wait3A_82 = tpu.memref_slice %arg6[%scan3A_76, %dma_wait3A] : memref<40x128xi32, #tpu.memory_space<vmem>> -> memref<1x128xi32, #tpu.memory_space<vmem>>
        %dma_wait3A_83 = tpu.memref_squeeze %dma_wait3A_82 : memref<1x128xi32, #tpu.memory_space<vmem>> -> memref<128xi32, #tpu.memory_space<vmem>>
        %dma_wait3A_84 = arith.constant 0 : i32
        %dma_wait3A_85 = arith.constant 0 : i32
        %dma_wait3A_86 = tpu.memref_slice %arg8[%dma_wait3A_84, %dma_wait3A_85] : memref<10240x128xf32, #tpu.memory_space<vmem_shared>> -> memref<10240x128xf32, #tpu.memory_space<vmem_shared>>
        tpu.wait_indirect_dma semaphore(%run_scoped3A : memref<!tpu.dma_semaphore, #tpu.memory_space<semaphore_mem>>) src(%arg7 : memref<128x128xf32, #tpu.memory_space<vmem>>) dst(%dma_wait3A_86 : memref<10240x128xf32, #tpu.memory_space<vmem_shared>>)
        tpu.yield
      }) : () -> ()
    }
    %scan3A_39 = arith.constant 40 : i32
    %barrier3A_40 = arith.constant 0 : index
    tpu.barrier barrier_id(%barrier3A_40)
    %mul3A_41 = arith.constant 10240 : i32
    %mul3A_42 = arith.muli %arg0, %mul3A_41 : i32
    %mul3A_43 = arith.constant 640 : i32
    %mul3A_44 = arith.muli %arg1, %mul3A_43 : i32
    %add3A_45 = arith.addi %mul3A_42, %mul3A_44 : i32
    %mul3A_46 = arith.constant 640 : i32
    %mul3A_47 = arith.muli %arg1, %mul3A_46 : i32
    %add3A_48 = arith.constant 0 : i32
    %add3A_49 = arith.addi %mul3A_47, %add3A_48 : i32
    "tpu.region"() ({
      %run_scoped3A = tpu.sem_alloc : memref<!tpu.dma_semaphore, #tpu.memory_space<semaphore_mem>>
      %dma_start3A = arith.constant 0 : i32
      %dma_start3A_76 = tpu.memref_slice %arg8[%add3A_49, %dma_start3A] : memref<10240x128xf32, #tpu.memory_space<vmem_shared>> -> memref<128x128xf32, #tpu.memory_space<vmem_shared>>
      %dma_start3A_77 = arith.constant 0 : i32
      %dma_start3A_78 = tpu.memref_slice %arg8[%add3A_49, %dma_start3A_77] : memref<10240x128xf32, #tpu.memory_space<vmem_shared>> -> memref<128x128xf32, #tpu.memory_space<vmem_shared>>
      tpu.enqueue_dma source(%dma_start3A_78 : memref<128x128xf32, #tpu.memory_space<vmem_shared>>) target(%arg7 : memref<128x128xf32, #tpu.memory_space<vmem>>) target_semaphore(%run_scoped3A : memref<!tpu.dma_semaphore, #tpu.memory_space<semaphore_mem>>)
      %dma_wait3A = arith.constant 0 : i32
      %dma_wait3A_79 = tpu.memref_slice %arg8[%add3A_49, %dma_wait3A] : memref<10240x128xf32, #tpu.memory_space<vmem_shared>> -> memref<128x128xf32, #tpu.memory_space<vmem_shared>>
      %dma_wait3A_80 = arith.constant 0 : i32
      %dma_wait3A_81 = tpu.memref_slice %arg8[%add3A_49, %dma_wait3A_80] : memref<10240x128xf32, #tpu.memory_space<vmem_shared>> -> memref<128x128xf32, #tpu.memory_space<vmem_shared>>
      tpu.wait_dma2 semaphore(%run_scoped3A : memref<!tpu.dma_semaphore, #tpu.memory_space<semaphore_mem>>) src(%dma_wait3A_81 : memref<128x128xf32, #tpu.memory_space<vmem_shared>>) dst(%arg7 : memref<128x128xf32, #tpu.memory_space<vmem>>)
      tpu.yield
    }) : () -> ()
    %add3A_50 = arith.constant 0 : i32
    %add3A_51 = arith.addi %add3A_45, %add3A_50 : i32
    "tpu.region"() ({
      %run_scoped3A = tpu.sem_alloc : memref<!tpu.dma_semaphore, #tpu.memory_space<semaphore_mem>>
      %dma_start3A = arith.constant 0 : i32
      %dma_start3A_76 = tpu.memref_slice %arg5[%add3A_51, %dma_start3A] : memref<20480x128xf32, #tpu.memory_space<hbm>> -> memref<128x128xf32, #tpu.memory_space<hbm>>
      %dma_start3A_77 = arith.constant 0 : i32
      %dma_start3A_78 = tpu.memref_slice %arg5[%add3A_51, %dma_start3A_77] : memref<20480x128xf32, #tpu.memory_space<hbm>> -> memref<128x128xf32, #tpu.memory_space<hbm>>
      tpu.enqueue_dma source(%arg7 : memref<128x128xf32, #tpu.memory_space<vmem>>) target(%dma_start3A_78 : memref<128x128xf32, #tpu.memory_space<hbm>>) target_semaphore(%run_scoped3A : memref<!tpu.dma_semaphore, #tpu.memory_space<semaphore_mem>>)
      %dma_wait3A = arith.constant 0 : i32
      %dma_wait3A_79 = tpu.memref_slice %arg5[%add3A_51, %dma_wait3A] : memref<20480x128xf32, #tpu.memory_space<hbm>> -> memref<128x128xf32, #tpu.memory_space<hbm>>
      %dma_wait3A_80 = arith.constant 0 : i32
      %dma_wait3A_81 = tpu.memref_slice %arg5[%add3A_51, %dma_wait3A_80] : memref<20480x128xf32, #tpu.memory_space<hbm>> -> memref<128x128xf32, #tpu.memory_space<hbm>>
      tpu.wait_dma2 semaphore(%run_scoped3A : memref<!tpu.dma_semaphore, #tpu.memory_space<semaphore_mem>>) src(%arg7 : memref<128x128xf32, #tpu.memory_space<vmem>>) dst(%dma_wait3A_81 : memref<128x128xf32, #tpu.memory_space<hbm>>)
      tpu.yield
    }) : () -> ()
    %mul3A_52 = arith.constant 640 : i32
    %mul3A_53 = arith.muli %arg1, %mul3A_52 : i32
    %add3A_54 = arith.constant 128 : i32
    %add3A_55 = arith.addi %mul3A_53, %add3A_54 : i32
    "tpu.region"() ({
      %run_scoped3A = tpu.sem_alloc : memref<!tpu.dma_semaphore, #tpu.memory_space<semaphore_mem>>
      %dma_start3A = arith.constant 0 : i32
      %dma_start3A_76 = tpu.memref_slice %arg8[%add3A_55, %dma_start3A] : memref<10240x128xf32, #tpu.memory_space<vmem_shared>> -> memref<128x128xf32, #tpu.memory_space<vmem_shared>>
      %dma_start3A_77 = arith.constant 0 : i32
      %dma_start3A_78 = tpu.memref_slice %arg8[%add3A_55, %dma_start3A_77] : memref<10240x128xf32, #tpu.memory_space<vmem_shared>> -> memref<128x128xf32, #tpu.memory_space<vmem_shared>>
      tpu.enqueue_dma source(%dma_start3A_78 : memref<128x128xf32, #tpu.memory_space<vmem_shared>>) target(%arg7 : memref<128x128xf32, #tpu.memory_space<vmem>>) target_semaphore(%run_scoped3A : memref<!tpu.dma_semaphore, #tpu.memory_space<semaphore_mem>>)
      %dma_wait3A = arith.constant 0 : i32
      %dma_wait3A_79 = tpu.memref_slice %arg8[%add3A_55, %dma_wait3A] : memref<10240x128xf32, #tpu.memory_space<vmem_shared>> -> memref<128x128xf32, #tpu.memory_space<vmem_shared>>
      %dma_wait3A_80 = arith.constant 0 : i32
      %dma_wait3A_81 = tpu.memref_slice %arg8[%add3A_55, %dma_wait3A_80] : memref<10240x128xf32, #tpu.memory_space<vmem_shared>> -> memref<128x128xf32, #tpu.memory_space<vmem_shared>>
      tpu.wait_dma2 semaphore(%run_scoped3A : memref<!tpu.dma_semaphore, #tpu.memory_space<semaphore_mem>>) src(%dma_wait3A_81 : memref<128x128xf32, #tpu.memory_space<vmem_shared>>) dst(%arg7 : memref<128x128xf32, #tpu.memory_space<vmem>>)
      tpu.yield
    }) : () -> ()
    %add3A_56 = arith.constant 128 : i32
    %add3A_57 = arith.addi %add3A_45, %add3A_56 : i32
    "tpu.region"() ({
      %run_scoped3A = tpu.sem_alloc : memref<!tpu.dma_semaphore, #tpu.memory_space<semaphore_mem>>
      %dma_start3A = arith.constant 0 : i32
      %dma_start3A_76 = tpu.memref_slice %arg5[%add3A_57, %dma_start3A] : memref<20480x128xf32, #tpu.memory_space<hbm>> -> memref<128x128xf32, #tpu.memory_space<hbm>>
      %dma_start3A_77 = arith.constant 0 : i32
      %dma_start3A_78 = tpu.memref_slice %arg5[%add3A_57, %dma_start3A_77] : memref<20480x128xf32, #tpu.memory_space<hbm>> -> memref<128x128xf32, #tpu.memory_space<hbm>>
      tpu.enqueue_dma source(%arg7 : memref<128x128xf32, #tpu.memory_space<vmem>>) target(%dma_start3A_78 : memref<128x128xf32, #tpu.memory_space<hbm>>) target_semaphore(%run_scoped3A : memref<!tpu.dma_semaphore, #tpu.memory_space<semaphore_mem>>)
      %dma_wait3A = arith.constant 0 : i32
      %dma_wait3A_79 = tpu.memref_slice %arg5[%add3A_57, %dma_wait3A] : memref<20480x128xf32, #tpu.memory_space<hbm>> -> memref<128x128xf32, #tpu.memory_space<hbm>>
      %dma_wait3A_80 = arith.constant 0 : i32
      %dma_wait3A_81 = tpu.memref_slice %arg5[%add3A_57, %dma_wait3A_80] : memref<20480x128xf32, #tpu.memory_space<hbm>> -> memref<128x128xf32, #tpu.memory_space<hbm>>
      tpu.wait_dma2 semaphore(%run_scoped3A : memref<!tpu.dma_semaphore, #tpu.memory_space<semaphore_mem>>) src(%arg7 : memref<128x128xf32, #tpu.memory_space<vmem>>) dst(%dma_wait3A_81 : memref<128x128xf32, #tpu.memory_space<hbm>>)
      tpu.yield
    }) : () -> ()
    %mul3A_58 = arith.constant 640 : i32
    %mul3A_59 = arith.muli %arg1, %mul3A_58 : i32
    %add3A_60 = arith.constant 256 : i32
    %add3A_61 = arith.addi %mul3A_59, %add3A_60 : i32
    "tpu.region"() ({
      %run_scoped3A = tpu.sem_alloc : memref<!tpu.dma_semaphore, #tpu.memory_space<semaphore_mem>>
      %dma_start3A = arith.constant 0 : i32
      %dma_start3A_76 = tpu.memref_slice %arg8[%add3A_61, %dma_start3A] : memref<10240x128xf32, #tpu.memory_space<vmem_shared>> -> memref<128x128xf32, #tpu.memory_space<vmem_shared>>
      %dma_start3A_77 = arith.constant 0 : i32
      %dma_start3A_78 = tpu.memref_slice %arg8[%add3A_61, %dma_start3A_77] : memref<10240x128xf32, #tpu.memory_space<vmem_shared>> -> memref<128x128xf32, #tpu.memory_space<vmem_shared>>
      tpu.enqueue_dma source(%dma_start3A_78 : memref<128x128xf32, #tpu.memory_space<vmem_shared>>) target(%arg7 : memref<128x128xf32, #tpu.memory_space<vmem>>) target_semaphore(%run_scoped3A : memref<!tpu.dma_semaphore, #tpu.memory_space<semaphore_mem>>)
      %dma_wait3A = arith.constant 0 : i32
      %dma_wait3A_79 = tpu.memref_slice %arg8[%add3A_61, %dma_wait3A] : memref<10240x128xf32, #tpu.memory_space<vmem_shared>> -> memref<128x128xf32, #tpu.memory_space<vmem_shared>>
      %dma_wait3A_80 = arith.constant 0 : i32
      %dma_wait3A_81 = tpu.memref_slice %arg8[%add3A_61, %dma_wait3A_80] : memref<10240x128xf32, #tpu.memory_space<vmem_shared>> -> memref<128x128xf32, #tpu.memory_space<vmem_shared>>
      tpu.wait_dma2 semaphore(%run_scoped3A : memref<!tpu.dma_semaphore, #tpu.memory_space<semaphore_mem>>) src(%dma_wait3A_81 : memref<128x128xf32, #tpu.memory_space<vmem_shared>>) dst(%arg7 : memref<128x128xf32, #tpu.memory_space<vmem>>)
      tpu.yield
    }) : () -> ()
    %add3A_62 = arith.constant 256 : i32
    %add3A_63 = arith.addi %add3A_45, %add3A_62 : i32
    "tpu.region"() ({
      %run_scoped3A = tpu.sem_alloc : memref<!tpu.dma_semaphore, #tpu.memory_space<semaphore_mem>>
      %dma_start3A = arith.constant 0 : i32
      %dma_start3A_76 = tpu.memref_slice %arg5[%add3A_63, %dma_start3A] : memref<20480x128xf32, #tpu.memory_space<hbm>> -> memref<128x128xf32, #tpu.memory_space<hbm>>
      %dma_start3A_77 = arith.constant 0 : i32
      %dma_start3A_78 = tpu.memref_slice %arg5[%add3A_63, %dma_start3A_77] : memref<20480x128xf32, #tpu.memory_space<hbm>> -> memref<128x128xf32, #tpu.memory_space<hbm>>
      tpu.enqueue_dma source(%arg7 : memref<128x128xf32, #tpu.memory_space<vmem>>) target(%dma_start3A_78 : memref<128x128xf32, #tpu.memory_space<hbm>>) target_semaphore(%run_scoped3A : memref<!tpu.dma_semaphore, #tpu.memory_space<semaphore_mem>>)
      %dma_wait3A = arith.constant 0 : i32
      %dma_wait3A_79 = tpu.memref_slice %arg5[%add3A_63, %dma_wait3A] : memref<20480x128xf32, #tpu.memory_space<hbm>> -> memref<128x128xf32, #tpu.memory_space<hbm>>
      %dma_wait3A_80 = arith.constant 0 : i32
      %dma_wait3A_81 = tpu.memref_slice %arg5[%add3A_63, %dma_wait3A_80] : memref<20480x128xf32, #tpu.memory_space<hbm>> -> memref<128x128xf32, #tpu.memory_space<hbm>>
      tpu.wait_dma2 semaphore(%run_scoped3A : memref<!tpu.dma_semaphore, #tpu.memory_space<semaphore_mem>>) src(%arg7 : memref<128x128xf32, #tpu.memory_space<vmem>>) dst(%dma_wait3A_81 : memref<128x128xf32, #tpu.memory_space<hbm>>)
      tpu.yield
    }) : () -> ()
    %mul3A_64 = arith.constant 640 : i32
    %mul3A_65 = arith.muli %arg1, %mul3A_64 : i32
    %add3A_66 = arith.constant 384 : i32
    %add3A_67 = arith.addi %mul3A_65, %add3A_66 : i32
    "tpu.region"() ({
      %run_scoped3A = tpu.sem_alloc : memref<!tpu.dma_semaphore, #tpu.memory_space<semaphore_mem>>
      %dma_start3A = arith.constant 0 : i32
      %dma_start3A_76 = tpu.memref_slice %arg8[%add3A_67, %dma_start3A] : memref<10240x128xf32, #tpu.memory_space<vmem_shared>> -> memref<128x128xf32, #tpu.memory_space<vmem_shared>>
      %dma_start3A_77 = arith.constant 0 : i32
      %dma_start3A_78 = tpu.memref_slice %arg8[%add3A_67, %dma_start3A_77] : memref<10240x128xf32, #tpu.memory_space<vmem_shared>> -> memref<128x128xf32, #tpu.memory_space<vmem_shared>>
      tpu.enqueue_dma source(%dma_start3A_78 : memref<128x128xf32, #tpu.memory_space<vmem_shared>>) target(%arg7 : memref<128x128xf32, #tpu.memory_space<vmem>>) target_semaphore(%run_scoped3A : memref<!tpu.dma_semaphore, #tpu.memory_space<semaphore_mem>>)
      %dma_wait3A = arith.constant 0 : i32
      %dma_wait3A_79 = tpu.memref_slice %arg8[%add3A_67, %dma_wait3A] : memref<10240x128xf32, #tpu.memory_space<vmem_shared>> -> memref<128x128xf32, #tpu.memory_space<vmem_shared>>
      %dma_wait3A_80 = arith.constant 0 : i32
      %dma_wait3A_81 = tpu.memref_slice %arg8[%add3A_67, %dma_wait3A_80] : memref<10240x128xf32, #tpu.memory_space<vmem_shared>> -> memref<128x128xf32, #tpu.memory_space<vmem_shared>>
      tpu.wait_dma2 semaphore(%run_scoped3A : memref<!tpu.dma_semaphore, #tpu.memory_space<semaphore_mem>>) src(%dma_wait3A_81 : memref<128x128xf32, #tpu.memory_space<vmem_shared>>) dst(%arg7 : memref<128x128xf32, #tpu.memory_space<vmem>>)
      tpu.yield
    }) : () -> ()
    %add3A_68 = arith.constant 384 : i32
    %add3A_69 = arith.addi %add3A_45, %add3A_68 : i32
    "tpu.region"() ({
      %run_scoped3A = tpu.sem_alloc : memref<!tpu.dma_semaphore, #tpu.memory_space<semaphore_mem>>
      %dma_start3A = arith.constant 0 : i32
      %dma_start3A_76 = tpu.memref_slice %arg5[%add3A_69, %dma_start3A] : memref<20480x128xf32, #tpu.memory_space<hbm>> -> memref<128x128xf32, #tpu.memory_space<hbm>>
      %dma_start3A_77 = arith.constant 0 : i32
      %dma_start3A_78 = tpu.memref_slice %arg5[%add3A_69, %dma_start3A_77] : memref<20480x128xf32, #tpu.memory_space<hbm>> -> memref<128x128xf32, #tpu.memory_space<hbm>>
      tpu.enqueue_dma source(%arg7 : memref<128x128xf32, #tpu.memory_space<vmem>>) target(%dma_start3A_78 : memref<128x128xf32, #tpu.memory_space<hbm>>) target_semaphore(%run_scoped3A : memref<!tpu.dma_semaphore, #tpu.memory_space<semaphore_mem>>)
      %dma_wait3A = arith.constant 0 : i32
      %dma_wait3A_79 = tpu.memref_slice %arg5[%add3A_69, %dma_wait3A] : memref<20480x128xf32, #tpu.memory_space<hbm>> -> memref<128x128xf32, #tpu.memory_space<hbm>>
      %dma_wait3A_80 = arith.constant 0 : i32
      %dma_wait3A_81 = tpu.memref_slice %arg5[%add3A_69, %dma_wait3A_80] : memref<20480x128xf32, #tpu.memory_space<hbm>> -> memref<128x128xf32, #tpu.memory_space<hbm>>
      tpu.wait_dma2 semaphore(%run_scoped3A : memref<!tpu.dma_semaphore, #tpu.memory_space<semaphore_mem>>) src(%arg7 : memref<128x128xf32, #tpu.memory_space<vmem>>) dst(%dma_wait3A_81 : memref<128x128xf32, #tpu.memory_space<hbm>>)
      tpu.yield
    }) : () -> ()
    %mul3A_70 = arith.constant 640 : i32
    %mul3A_71 = arith.muli %arg1, %mul3A_70 : i32
    %add3A_72 = arith.constant 512 : i32
    %add3A_73 = arith.addi %mul3A_71, %add3A_72 : i32
    "tpu.region"() ({
      %run_scoped3A = tpu.sem_alloc : memref<!tpu.dma_semaphore, #tpu.memory_space<semaphore_mem>>
      %dma_start3A = arith.constant 0 : i32
      %dma_start3A_76 = tpu.memref_slice %arg8[%add3A_73, %dma_start3A] : memref<10240x128xf32, #tpu.memory_space<vmem_shared>> -> memref<128x128xf32, #tpu.memory_space<vmem_shared>>
      %dma_start3A_77 = arith.constant 0 : i32
      %dma_start3A_78 = tpu.memref_slice %arg8[%add3A_73, %dma_start3A_77] : memref<10240x128xf32, #tpu.memory_space<vmem_shared>> -> memref<128x128xf32, #tpu.memory_space<vmem_shared>>
      tpu.enqueue_dma source(%dma_start3A_78 : memref<128x128xf32, #tpu.memory_space<vmem_shared>>) target(%arg7 : memref<128x128xf32, #tpu.memory_space<vmem>>) target_semaphore(%run_scoped3A : memref<!tpu.dma_semaphore, #tpu.memory_space<semaphore_mem>>)
      %dma_wait3A = arith.constant 0 : i32
      %dma_wait3A_79 = tpu.memref_slice %arg8[%add3A_73, %dma_wait3A] : memref<10240x128xf32, #tpu.memory_space<vmem_shared>> -> memref<128x128xf32, #tpu.memory_space<vmem_shared>>
      %dma_wait3A_80 = arith.constant 0 : i32
      %dma_wait3A_81 = tpu.memref_slice %arg8[%add3A_73, %dma_wait3A_80] : memref<10240x128xf32, #tpu.memory_space<vmem_shared>> -> memref<128x128xf32, #tpu.memory_space<vmem_shared>>
      tpu.wait_dma2 semaphore(%run_scoped3A : memref<!tpu.dma_semaphore, #tpu.memory_space<semaphore_mem>>) src(%dma_wait3A_81 : memref<128x128xf32, #tpu.memory_space<vmem_shared>>) dst(%arg7 : memref<128x128xf32, #tpu.memory_space<vmem>>)
      tpu.yield
    }) : () -> ()
    %add3A_74 = arith.constant 512 : i32
    %add3A_75 = arith.addi %add3A_45, %add3A_74 : i32
    "tpu.region"() ({
      %run_scoped3A = tpu.sem_alloc : memref<!tpu.dma_semaphore, #tpu.memory_space<semaphore_mem>>
      %dma_start3A = arith.constant 0 : i32
      %dma_start3A_76 = tpu.memref_slice %arg5[%add3A_75, %dma_start3A] : memref<20480x128xf32, #tpu.memory_space<hbm>> -> memref<128x128xf32, #tpu.memory_space<hbm>>
      %dma_start3A_77 = arith.constant 0 : i32
      %dma_start3A_78 = tpu.memref_slice %arg5[%add3A_75, %dma_start3A_77] : memref<20480x128xf32, #tpu.memory_space<hbm>> -> memref<128x128xf32, #tpu.memory_space<hbm>>
      tpu.enqueue_dma source(%arg7 : memref<128x128xf32, #tpu.memory_space<vmem>>) target(%dma_start3A_78 : memref<128x128xf32, #tpu.memory_space<hbm>>) target_semaphore(%run_scoped3A : memref<!tpu.dma_semaphore, #tpu.memory_space<semaphore_mem>>)
      %dma_wait3A = arith.constant 0 : i32
      %dma_wait3A_79 = tpu.memref_slice %arg5[%add3A_75, %dma_wait3A] : memref<20480x128xf32, #tpu.memory_space<hbm>> -> memref<128x128xf32, #tpu.memory_space<hbm>>
      %dma_wait3A_80 = arith.constant 0 : i32
      %dma_wait3A_81 = tpu.memref_slice %arg5[%add3A_75, %dma_wait3A_80] : memref<20480x128xf32, #tpu.memory_space<hbm>> -> memref<128x128xf32, #tpu.memory_space<hbm>>
      tpu.wait_dma2 semaphore(%run_scoped3A : memref<!tpu.dma_semaphore, #tpu.memory_space<semaphore_mem>>) src(%arg7 : memref<128x128xf32, #tpu.memory_space<vmem>>) dst(%dma_wait3A_81 : memref<128x128xf32, #tpu.memory_space<hbm>>)
      tpu.yield
    }) : () -> ()
    return
  }
}

#map = affine_map<(d0, d1) -> (0, 0)>
#map1 = affine_map<(d0, d1) -> (0, 0, 0)>
module attributes {stable_mosaic.version = 14 : i64} {
  func.func @seg_sum_sc(%arg0: i32, %arg1: i32, %arg2: memref<10000x128xf32, #tpu.memory_space<hbm>>, %arg3: memref<64x40x128xi32, #tpu.memory_space<hbm>>, %arg4: memref<64x40x128xi32, #tpu.memory_space<hbm>>, %arg5: memref<128x128xf32, #tpu.memory_space<hbm>>, %arg6: memref<20480x128xf32, #tpu.memory_space<hbm>>, %arg7: memref<40x128xi32, #tpu.memory_space<vmem>>, %arg8: memref<40x128xi32, #tpu.memory_space<vmem>>, %arg9: memref<128x128xf32, #tpu.memory_space<vmem>>, %arg10: memref<!tpu.dma_semaphore, #tpu.memory_space<semaphore_mem>>, %arg11: memref<10240x128xf32, #tpu.memory_space<vmem_shared>>) attributes {dimension_semantics = [#tpu.dimension_semantics<core_parallel>, #tpu.dimension_semantics<subcore_parallel>], iteration_bounds = array<i64: 2, 16>, scalar_prefetch = 0 : i64, scratch_operands = 5 : i64, tpu.core_type = #tpu.core_type<sc_vector_subcore>, window_params = [{transform_indices = #map}, {transform_indices = #map1}, {transform_indices = #map1}, {transform_indices = #map}, {transform_indices = #map}]} {
    %mul3A = arith.constant 2 : i32
    %mul3A_0 = arith.muli %arg1, %mul3A : i32
    %add3A = arith.addi %mul3A_0, %arg0 : i32
    "tpu.region"() ({
      %run_scoped3A = tpu.sem_alloc : memref<!tpu.dma_semaphore, #tpu.memory_space<semaphore_mem>>
      tpu.enqueue_dma source(%arg5 : memref<128x128xf32, #tpu.memory_space<hbm>>) target(%arg9 : memref<128x128xf32, #tpu.memory_space<vmem>>) target_semaphore(%run_scoped3A : memref<!tpu.dma_semaphore, #tpu.memory_space<semaphore_mem>>)
      tpu.wait_dma2 semaphore(%run_scoped3A : memref<!tpu.dma_semaphore, #tpu.memory_space<semaphore_mem>>) src(%arg5 : memref<128x128xf32, #tpu.memory_space<hbm>>) dst(%arg9 : memref<128x128xf32, #tpu.memory_space<vmem>>)
      tpu.yield
    }) : () -> ()
    %mul3A_1 = arith.constant 640 : i32
    %mul3A_2 = arith.muli %arg1, %mul3A_1 : i32
    %add3A_3 = arith.constant 0 : i32
    %add3A_4 = arith.addi %mul3A_2, %add3A_3 : i32
    "tpu.region"() ({
      %run_scoped3A = tpu.sem_alloc : memref<!tpu.dma_semaphore, #tpu.memory_space<semaphore_mem>>
      %dma_start3A = arith.constant 0 : i32
      %dma_start3A_84 = tpu.memref_slice %arg11[%add3A_4, %dma_start3A] : memref<10240x128xf32, #tpu.memory_space<vmem_shared>> -> memref<128x128xf32, #tpu.memory_space<vmem_shared>>
      %dma_start3A_85 = arith.constant 0 : i32
      %dma_start3A_86 = tpu.memref_slice %arg11[%add3A_4, %dma_start3A_85] : memref<10240x128xf32, #tpu.memory_space<vmem_shared>> -> memref<128x128xf32, #tpu.memory_space<vmem_shared>>
      tpu.enqueue_dma source(%arg9 : memref<128x128xf32, #tpu.memory_space<vmem>>) target(%dma_start3A_86 : memref<128x128xf32, #tpu.memory_space<vmem_shared>>) target_semaphore(%run_scoped3A : memref<!tpu.dma_semaphore, #tpu.memory_space<semaphore_mem>>)
      %dma_wait3A = arith.constant 0 : i32
      %dma_wait3A_87 = tpu.memref_slice %arg11[%add3A_4, %dma_wait3A] : memref<10240x128xf32, #tpu.memory_space<vmem_shared>> -> memref<128x128xf32, #tpu.memory_space<vmem_shared>>
      %dma_wait3A_88 = arith.constant 0 : i32
      %dma_wait3A_89 = tpu.memref_slice %arg11[%add3A_4, %dma_wait3A_88] : memref<10240x128xf32, #tpu.memory_space<vmem_shared>> -> memref<128x128xf32, #tpu.memory_space<vmem_shared>>
      tpu.wait_dma2 semaphore(%run_scoped3A : memref<!tpu.dma_semaphore, #tpu.memory_space<semaphore_mem>>) src(%arg9 : memref<128x128xf32, #tpu.memory_space<vmem>>) dst(%dma_wait3A_89 : memref<128x128xf32, #tpu.memory_space<vmem_shared>>)
      tpu.yield
    }) : () -> ()
    %mul3A_5 = arith.constant 640 : i32
    %mul3A_6 = arith.muli %arg1, %mul3A_5 : i32
    %add3A_7 = arith.constant 128 : i32
    %add3A_8 = arith.addi %mul3A_6, %add3A_7 : i32
    "tpu.region"() ({
      %run_scoped3A = tpu.sem_alloc : memref<!tpu.dma_semaphore, #tpu.memory_space<semaphore_mem>>
      %dma_start3A = arith.constant 0 : i32
      %dma_start3A_84 = tpu.memref_slice %arg11[%add3A_8, %dma_start3A] : memref<10240x128xf32, #tpu.memory_space<vmem_shared>> -> memref<128x128xf32, #tpu.memory_space<vmem_shared>>
      %dma_start3A_85 = arith.constant 0 : i32
      %dma_start3A_86 = tpu.memref_slice %arg11[%add3A_8, %dma_start3A_85] : memref<10240x128xf32, #tpu.memory_space<vmem_shared>> -> memref<128x128xf32, #tpu.memory_space<vmem_shared>>
      tpu.enqueue_dma source(%arg9 : memref<128x128xf32, #tpu.memory_space<vmem>>) target(%dma_start3A_86 : memref<128x128xf32, #tpu.memory_space<vmem_shared>>) target_semaphore(%run_scoped3A : memref<!tpu.dma_semaphore, #tpu.memory_space<semaphore_mem>>)
      %dma_wait3A = arith.constant 0 : i32
      %dma_wait3A_87 = tpu.memref_slice %arg11[%add3A_8, %dma_wait3A] : memref<10240x128xf32, #tpu.memory_space<vmem_shared>> -> memref<128x128xf32, #tpu.memory_space<vmem_shared>>
      %dma_wait3A_88 = arith.constant 0 : i32
      %dma_wait3A_89 = tpu.memref_slice %arg11[%add3A_8, %dma_wait3A_88] : memref<10240x128xf32, #tpu.memory_space<vmem_shared>> -> memref<128x128xf32, #tpu.memory_space<vmem_shared>>
      tpu.wait_dma2 semaphore(%run_scoped3A : memref<!tpu.dma_semaphore, #tpu.memory_space<semaphore_mem>>) src(%arg9 : memref<128x128xf32, #tpu.memory_space<vmem>>) dst(%dma_wait3A_89 : memref<128x128xf32, #tpu.memory_space<vmem_shared>>)
      tpu.yield
    }) : () -> ()
    %mul3A_9 = arith.constant 640 : i32
    %mul3A_10 = arith.muli %arg1, %mul3A_9 : i32
    %add3A_11 = arith.constant 256 : i32
    %add3A_12 = arith.addi %mul3A_10, %add3A_11 : i32
    "tpu.region"() ({
      %run_scoped3A = tpu.sem_alloc : memref<!tpu.dma_semaphore, #tpu.memory_space<semaphore_mem>>
      %dma_start3A = arith.constant 0 : i32
      %dma_start3A_84 = tpu.memref_slice %arg11[%add3A_12, %dma_start3A] : memref<10240x128xf32, #tpu.memory_space<vmem_shared>> -> memref<128x128xf32, #tpu.memory_space<vmem_shared>>
      %dma_start3A_85 = arith.constant 0 : i32
      %dma_start3A_86 = tpu.memref_slice %arg11[%add3A_12, %dma_start3A_85] : memref<10240x128xf32, #tpu.memory_space<vmem_shared>> -> memref<128x128xf32, #tpu.memory_space<vmem_shared>>
      tpu.enqueue_dma source(%arg9 : memref<128x128xf32, #tpu.memory_space<vmem>>) target(%dma_start3A_86 : memref<128x128xf32, #tpu.memory_space<vmem_shared>>) target_semaphore(%run_scoped3A : memref<!tpu.dma_semaphore, #tpu.memory_space<semaphore_mem>>)
      %dma_wait3A = arith.constant 0 : i32
      %dma_wait3A_87 = tpu.memref_slice %arg11[%add3A_12, %dma_wait3A] : memref<10240x128xf32, #tpu.memory_space<vmem_shared>> -> memref<128x128xf32, #tpu.memory_space<vmem_shared>>
      %dma_wait3A_88 = arith.constant 0 : i32
      %dma_wait3A_89 = tpu.memref_slice %arg11[%add3A_12, %dma_wait3A_88] : memref<10240x128xf32, #tpu.memory_space<vmem_shared>> -> memref<128x128xf32, #tpu.memory_space<vmem_shared>>
      tpu.wait_dma2 semaphore(%run_scoped3A : memref<!tpu.dma_semaphore, #tpu.memory_space<semaphore_mem>>) src(%arg9 : memref<128x128xf32, #tpu.memory_space<vmem>>) dst(%dma_wait3A_89 : memref<128x128xf32, #tpu.memory_space<vmem_shared>>)
      tpu.yield
    }) : () -> ()
    %mul3A_13 = arith.constant 640 : i32
    %mul3A_14 = arith.muli %arg1, %mul3A_13 : i32
    %add3A_15 = arith.constant 384 : i32
    %add3A_16 = arith.addi %mul3A_14, %add3A_15 : i32
    "tpu.region"() ({
      %run_scoped3A = tpu.sem_alloc : memref<!tpu.dma_semaphore, #tpu.memory_space<semaphore_mem>>
      %dma_start3A = arith.constant 0 : i32
      %dma_start3A_84 = tpu.memref_slice %arg11[%add3A_16, %dma_start3A] : memref<10240x128xf32, #tpu.memory_space<vmem_shared>> -> memref<128x128xf32, #tpu.memory_space<vmem_shared>>
      %dma_start3A_85 = arith.constant 0 : i32
      %dma_start3A_86 = tpu.memref_slice %arg11[%add3A_16, %dma_start3A_85] : memref<10240x128xf32, #tpu.memory_space<vmem_shared>> -> memref<128x128xf32, #tpu.memory_space<vmem_shared>>
      tpu.enqueue_dma source(%arg9 : memref<128x128xf32, #tpu.memory_space<vmem>>) target(%dma_start3A_86 : memref<128x128xf32, #tpu.memory_space<vmem_shared>>) target_semaphore(%run_scoped3A : memref<!tpu.dma_semaphore, #tpu.memory_space<semaphore_mem>>)
      %dma_wait3A = arith.constant 0 : i32
      %dma_wait3A_87 = tpu.memref_slice %arg11[%add3A_16, %dma_wait3A] : memref<10240x128xf32, #tpu.memory_space<vmem_shared>> -> memref<128x128xf32, #tpu.memory_space<vmem_shared>>
      %dma_wait3A_88 = arith.constant 0 : i32
      %dma_wait3A_89 = tpu.memref_slice %arg11[%add3A_16, %dma_wait3A_88] : memref<10240x128xf32, #tpu.memory_space<vmem_shared>> -> memref<128x128xf32, #tpu.memory_space<vmem_shared>>
      tpu.wait_dma2 semaphore(%run_scoped3A : memref<!tpu.dma_semaphore, #tpu.memory_space<semaphore_mem>>) src(%arg9 : memref<128x128xf32, #tpu.memory_space<vmem>>) dst(%dma_wait3A_89 : memref<128x128xf32, #tpu.memory_space<vmem_shared>>)
      tpu.yield
    }) : () -> ()
    %mul3A_17 = arith.constant 640 : i32
    %mul3A_18 = arith.muli %arg1, %mul3A_17 : i32
    %add3A_19 = arith.constant 512 : i32
    %add3A_20 = arith.addi %mul3A_18, %add3A_19 : i32
    "tpu.region"() ({
      %run_scoped3A = tpu.sem_alloc : memref<!tpu.dma_semaphore, #tpu.memory_space<semaphore_mem>>
      %dma_start3A = arith.constant 0 : i32
      %dma_start3A_84 = tpu.memref_slice %arg11[%add3A_20, %dma_start3A] : memref<10240x128xf32, #tpu.memory_space<vmem_shared>> -> memref<128x128xf32, #tpu.memory_space<vmem_shared>>
      %dma_start3A_85 = arith.constant 0 : i32
      %dma_start3A_86 = tpu.memref_slice %arg11[%add3A_20, %dma_start3A_85] : memref<10240x128xf32, #tpu.memory_space<vmem_shared>> -> memref<128x128xf32, #tpu.memory_space<vmem_shared>>
      tpu.enqueue_dma source(%arg9 : memref<128x128xf32, #tpu.memory_space<vmem>>) target(%dma_start3A_86 : memref<128x128xf32, #tpu.memory_space<vmem_shared>>) target_semaphore(%run_scoped3A : memref<!tpu.dma_semaphore, #tpu.memory_space<semaphore_mem>>)
      %dma_wait3A = arith.constant 0 : i32
      %dma_wait3A_87 = tpu.memref_slice %arg11[%add3A_20, %dma_wait3A] : memref<10240x128xf32, #tpu.memory_space<vmem_shared>> -> memref<128x128xf32, #tpu.memory_space<vmem_shared>>
      %dma_wait3A_88 = arith.constant 0 : i32
      %dma_wait3A_89 = tpu.memref_slice %arg11[%add3A_20, %dma_wait3A_88] : memref<10240x128xf32, #tpu.memory_space<vmem_shared>> -> memref<128x128xf32, #tpu.memory_space<vmem_shared>>
      tpu.wait_dma2 semaphore(%run_scoped3A : memref<!tpu.dma_semaphore, #tpu.memory_space<semaphore_mem>>) src(%arg9 : memref<128x128xf32, #tpu.memory_space<vmem>>) dst(%dma_wait3A_89 : memref<128x128xf32, #tpu.memory_space<vmem_shared>>)
      tpu.yield
    }) : () -> ()
    %barrier3A = arith.constant 0 : index
    tpu.barrier barrier_id(%barrier3A)
    %mul3A_21 = arith.constant 2 : i32
    %mul3A_22 = arith.muli %add3A, %mul3A_21 : i32
    %add3A_23 = arith.constant 0 : i32
    %add3A_24 = arith.addi %mul3A_22, %add3A_23 : i32
    "tpu.region"() ({
      %run_scoped3A = tpu.sem_alloc : memref<!tpu.dma_semaphore, #tpu.memory_space<semaphore_mem>>
      %dma_start3A = arith.constant 0 : i32
      %dma_start3A_84 = arith.constant 0 : i32
      %dma_start3A_85 = tpu.memref_slice %arg3[%add3A_24, %dma_start3A, %dma_start3A_84] : memref<64x40x128xi32, #tpu.memory_space<hbm>> -> memref<1x40x128xi32, #tpu.memory_space<hbm>>
      %dma_start3A_86 = tpu.memref_squeeze %dma_start3A_85 : memref<1x40x128xi32, #tpu.memory_space<hbm>> -> memref<40x128xi32, #tpu.memory_space<hbm>>
      %dma_start3A_87 = arith.constant 0 : i32
      %dma_start3A_88 = arith.constant 0 : i32
      %dma_start3A_89 = tpu.memref_slice %arg3[%add3A_24, %dma_start3A_87, %dma_start3A_88] : memref<64x40x128xi32, #tpu.memory_space<hbm>> -> memref<1x40x128xi32, #tpu.memory_space<hbm>>
      %dma_start3A_90 = tpu.memref_squeeze %dma_start3A_89 : memref<1x40x128xi32, #tpu.memory_space<hbm>> -> memref<40x128xi32, #tpu.memory_space<hbm>>
      tpu.enqueue_dma source(%dma_start3A_90 : memref<40x128xi32, #tpu.memory_space<hbm>>) target(%arg7 : memref<40x128xi32, #tpu.memory_space<vmem>>) target_semaphore(%run_scoped3A : memref<!tpu.dma_semaphore, #tpu.memory_space<semaphore_mem>>)
      %dma_wait3A = arith.constant 0 : i32
      %dma_wait3A_91 = arith.constant 0 : i32
      %dma_wait3A_92 = tpu.memref_slice %arg3[%add3A_24, %dma_wait3A, %dma_wait3A_91] : memref<64x40x128xi32, #tpu.memory_space<hbm>> -> memref<1x40x128xi32, #tpu.memory_space<hbm>>
      %dma_wait3A_93 = tpu.memref_squeeze %dma_wait3A_92 : memref<1x40x128xi32, #tpu.memory_space<hbm>> -> memref<40x128xi32, #tpu.memory_space<hbm>>
      %dma_wait3A_94 = arith.constant 0 : i32
      %dma_wait3A_95 = arith.constant 0 : i32
      %dma_wait3A_96 = tpu.memref_slice %arg3[%add3A_24, %dma_wait3A_94, %dma_wait3A_95] : memref<64x40x128xi32, #tpu.memory_space<hbm>> -> memref<1x40x128xi32, #tpu.memory_space<hbm>>
      %dma_wait3A_97 = tpu.memref_squeeze %dma_wait3A_96 : memref<1x40x128xi32, #tpu.memory_space<hbm>> -> memref<40x128xi32, #tpu.memory_space<hbm>>
      tpu.wait_dma2 semaphore(%run_scoped3A : memref<!tpu.dma_semaphore, #tpu.memory_space<semaphore_mem>>) src(%dma_wait3A_97 : memref<40x128xi32, #tpu.memory_space<hbm>>) dst(%arg7 : memref<40x128xi32, #tpu.memory_space<vmem>>)
      tpu.yield
    }) : () -> ()
    %mul3A_25 = arith.constant 2 : i32
    %mul3A_26 = arith.muli %add3A, %mul3A_25 : i32
    %add3A_27 = arith.constant 0 : i32
    %add3A_28 = arith.addi %mul3A_26, %add3A_27 : i32
    "tpu.region"() ({
      %run_scoped3A = tpu.sem_alloc : memref<!tpu.dma_semaphore, #tpu.memory_space<semaphore_mem>>
      %dma_start3A = arith.constant 0 : i32
      %dma_start3A_84 = arith.constant 0 : i32
      %dma_start3A_85 = tpu.memref_slice %arg4[%add3A_28, %dma_start3A, %dma_start3A_84] : memref<64x40x128xi32, #tpu.memory_space<hbm>> -> memref<1x40x128xi32, #tpu.memory_space<hbm>>
      %dma_start3A_86 = tpu.memref_squeeze %dma_start3A_85 : memref<1x40x128xi32, #tpu.memory_space<hbm>> -> memref<40x128xi32, #tpu.memory_space<hbm>>
      %dma_start3A_87 = arith.constant 0 : i32
      %dma_start3A_88 = arith.constant 0 : i32
      %dma_start3A_89 = tpu.memref_slice %arg4[%add3A_28, %dma_start3A_87, %dma_start3A_88] : memref<64x40x128xi32, #tpu.memory_space<hbm>> -> memref<1x40x128xi32, #tpu.memory_space<hbm>>
      %dma_start3A_90 = tpu.memref_squeeze %dma_start3A_89 : memref<1x40x128xi32, #tpu.memory_space<hbm>> -> memref<40x128xi32, #tpu.memory_space<hbm>>
      tpu.enqueue_dma source(%dma_start3A_90 : memref<40x128xi32, #tpu.memory_space<hbm>>) target(%arg8 : memref<40x128xi32, #tpu.memory_space<vmem>>) target_semaphore(%run_scoped3A : memref<!tpu.dma_semaphore, #tpu.memory_space<semaphore_mem>>)
      %dma_wait3A = arith.constant 0 : i32
      %dma_wait3A_91 = arith.constant 0 : i32
      %dma_wait3A_92 = tpu.memref_slice %arg4[%add3A_28, %dma_wait3A, %dma_wait3A_91] : memref<64x40x128xi32, #tpu.memory_space<hbm>> -> memref<1x40x128xi32, #tpu.memory_space<hbm>>
      %dma_wait3A_93 = tpu.memref_squeeze %dma_wait3A_92 : memref<1x40x128xi32, #tpu.memory_space<hbm>> -> memref<40x128xi32, #tpu.memory_space<hbm>>
      %dma_wait3A_94 = arith.constant 0 : i32
      %dma_wait3A_95 = arith.constant 0 : i32
      %dma_wait3A_96 = tpu.memref_slice %arg4[%add3A_28, %dma_wait3A_94, %dma_wait3A_95] : memref<64x40x128xi32, #tpu.memory_space<hbm>> -> memref<1x40x128xi32, #tpu.memory_space<hbm>>
      %dma_wait3A_97 = tpu.memref_squeeze %dma_wait3A_96 : memref<1x40x128xi32, #tpu.memory_space<hbm>> -> memref<40x128xi32, #tpu.memory_space<hbm>>
      tpu.wait_dma2 semaphore(%run_scoped3A : memref<!tpu.dma_semaphore, #tpu.memory_space<semaphore_mem>>) src(%dma_wait3A_97 : memref<40x128xi32, #tpu.memory_space<hbm>>) dst(%arg8 : memref<40x128xi32, #tpu.memory_space<vmem>>)
      tpu.yield
    }) : () -> ()
    %scan3A = arith.constant 0 : i32
    %scan3A_29 = arith.constant 0 : i32
    %scan3A_30 = arith.constant 40 : i32
    %scan3A_31 = arith.addi %scan3A_29, %scan3A_30 : i32
    %scan3A_32 = arith.constant 1 : i32
    scf.for %scan3A_84 = %scan3A_29 to %scan3A_31 step %scan3A_32  : i32 {
      %dma_start3A = arith.constant 0 : i32
      %dma_start3A_85 = tpu.memref_slice %arg7[%scan3A_84, %dma_start3A] : memref<40x128xi32, #tpu.memory_space<vmem>> -> memref<1x128xi32, #tpu.memory_space<vmem>>
      %dma_start3A_86 = tpu.memref_squeeze %dma_start3A_85 : memref<1x128xi32, #tpu.memory_space<vmem>> -> memref<128xi32, #tpu.memory_space<vmem>>
      %dma_start3A_87 = arith.constant 0 : i32
      %dma_start3A_88 = arith.constant 0 : i32
      %dma_start3A_89 = tpu.memref_slice %arg2[%dma_start3A_87, %dma_start3A_88] : memref<10000x128xf32, #tpu.memory_space<hbm>> -> memref<10000x128xf32, #tpu.memory_space<hbm>>
      tpu.enqueue_indirect_dma source(%dma_start3A_89 : memref<10000x128xf32, #tpu.memory_space<hbm>>) target(%arg9 : memref<128x128xf32, #tpu.memory_space<vmem>>) offsets(%dma_start3A_86 : memref<128xi32, #tpu.memory_space<vmem>>) semaphore(%arg10 : memref<!tpu.dma_semaphore, #tpu.memory_space<semaphore_mem>>)
      %dma_wait3A = arith.constant 0 : i32
      %dma_wait3A_90 = tpu.memref_slice %arg7[%scan3A_84, %dma_wait3A] : memref<40x128xi32, #tpu.memory_space<vmem>> -> memref<1x128xi32, #tpu.memory_space<vmem>>
      %dma_wait3A_91 = tpu.memref_squeeze %dma_wait3A_90 : memref<1x128xi32, #tpu.memory_space<vmem>> -> memref<128xi32, #tpu.memory_space<vmem>>
      %dma_wait3A_92 = arith.constant 0 : i32
      %dma_wait3A_93 = arith.constant 0 : i32
      %dma_wait3A_94 = tpu.memref_slice %arg2[%dma_wait3A_92, %dma_wait3A_93] : memref<10000x128xf32, #tpu.memory_space<hbm>> -> memref<10000x128xf32, #tpu.memory_space<hbm>>
      tpu.wait_indirect_dma semaphore(%arg10 : memref<!tpu.dma_semaphore, #tpu.memory_space<semaphore_mem>>) src(%dma_wait3A_94 : memref<10000x128xf32, #tpu.memory_space<hbm>>) dst(%arg9 : memref<128x128xf32, #tpu.memory_space<vmem>>)
      "tpu.region"() ({
        %run_scoped3A = tpu.sem_alloc : memref<!tpu.dma_semaphore, #tpu.memory_space<semaphore_mem>>
        %dma_start3A_95 = arith.constant 0 : i32
        %dma_start3A_96 = tpu.memref_slice %arg8[%scan3A_84, %dma_start3A_95] : memref<40x128xi32, #tpu.memory_space<vmem>> -> memref<1x128xi32, #tpu.memory_space<vmem>>
        %dma_start3A_97 = tpu.memref_squeeze %dma_start3A_96 : memref<1x128xi32, #tpu.memory_space<vmem>> -> memref<128xi32, #tpu.memory_space<vmem>>
        %dma_start3A_98 = arith.constant 0 : i32
        %dma_start3A_99 = arith.constant 0 : i32
        %dma_start3A_100 = tpu.memref_slice %arg11[%dma_start3A_98, %dma_start3A_99] : memref<10240x128xf32, #tpu.memory_space<vmem_shared>> -> memref<10240x128xf32, #tpu.memory_space<vmem_shared>>
        tpu.enqueue_indirect_dma source(%arg9 : memref<128x128xf32, #tpu.memory_space<vmem>>) target(%dma_start3A_100 : memref<10240x128xf32, #tpu.memory_space<vmem_shared>>) offsets(%dma_start3A_97 : memref<128xi32, #tpu.memory_space<vmem>>) semaphore(%run_scoped3A : memref<!tpu.dma_semaphore, #tpu.memory_space<semaphore_mem>>) {add = true}
        %dma_wait3A_101 = arith.constant 0 : i32
        %dma_wait3A_102 = tpu.memref_slice %arg8[%scan3A_84, %dma_wait3A_101] : memref<40x128xi32, #tpu.memory_space<vmem>> -> memref<1x128xi32, #tpu.memory_space<vmem>>
        %dma_wait3A_103 = tpu.memref_squeeze %dma_wait3A_102 : memref<1x128xi32, #tpu.memory_space<vmem>> -> memref<128xi32, #tpu.memory_space<vmem>>
        %dma_wait3A_104 = arith.constant 0 : i32
        %dma_wait3A_105 = arith.constant 0 : i32
        %dma_wait3A_106 = tpu.memref_slice %arg11[%dma_wait3A_104, %dma_wait3A_105] : memref<10240x128xf32, #tpu.memory_space<vmem_shared>> -> memref<10240x128xf32, #tpu.memory_space<vmem_shared>>
        tpu.wait_indirect_dma semaphore(%run_scoped3A : memref<!tpu.dma_semaphore, #tpu.memory_space<semaphore_mem>>) src(%arg9 : memref<128x128xf32, #tpu.memory_space<vmem>>) dst(%dma_wait3A_106 : memref<10240x128xf32, #tpu.memory_space<vmem_shared>>)
        tpu.yield
      }) : () -> ()
    }
    %scan3A_33 = arith.constant 40 : i32
    %mul3A_34 = arith.constant 2 : i32
    %mul3A_35 = arith.muli %add3A, %mul3A_34 : i32
    %add3A_36 = arith.constant 1 : i32
    %add3A_37 = arith.addi %mul3A_35, %add3A_36 : i32
    "tpu.region"() ({
      %run_scoped3A = tpu.sem_alloc : memref<!tpu.dma_semaphore, #tpu.memory_space<semaphore_mem>>
      %dma_start3A = arith.constant 0 : i32
      %dma_start3A_84 = arith.constant 0 : i32
      %dma_start3A_85 = tpu.memref_slice %arg3[%add3A_37, %dma_start3A, %dma_start3A_84] : memref<64x40x128xi32, #tpu.memory_space<hbm>> -> memref<1x40x128xi32, #tpu.memory_space<hbm>>
      %dma_start3A_86 = tpu.memref_squeeze %dma_start3A_85 : memref<1x40x128xi32, #tpu.memory_space<hbm>> -> memref<40x128xi32, #tpu.memory_space<hbm>>
      %dma_start3A_87 = arith.constant 0 : i32
      %dma_start3A_88 = arith.constant 0 : i32
      %dma_start3A_89 = tpu.memref_slice %arg3[%add3A_37, %dma_start3A_87, %dma_start3A_88] : memref<64x40x128xi32, #tpu.memory_space<hbm>> -> memref<1x40x128xi32, #tpu.memory_space<hbm>>
      %dma_start3A_90 = tpu.memref_squeeze %dma_start3A_89 : memref<1x40x128xi32, #tpu.memory_space<hbm>> -> memref<40x128xi32, #tpu.memory_space<hbm>>
      tpu.enqueue_dma source(%dma_start3A_90 : memref<40x128xi32, #tpu.memory_space<hbm>>) target(%arg7 : memref<40x128xi32, #tpu.memory_space<vmem>>) target_semaphore(%run_scoped3A : memref<!tpu.dma_semaphore, #tpu.memory_space<semaphore_mem>>)
      %dma_wait3A = arith.constant 0 : i32
      %dma_wait3A_91 = arith.constant 0 : i32
      %dma_wait3A_92 = tpu.memref_slice %arg3[%add3A_37, %dma_wait3A, %dma_wait3A_91] : memref<64x40x128xi32, #tpu.memory_space<hbm>> -> memref<1x40x128xi32, #tpu.memory_space<hbm>>
      %dma_wait3A_93 = tpu.memref_squeeze %dma_wait3A_92 : memref<1x40x128xi32, #tpu.memory_space<hbm>> -> memref<40x128xi32, #tpu.memory_space<hbm>>
      %dma_wait3A_94 = arith.constant 0 : i32
      %dma_wait3A_95 = arith.constant 0 : i32
      %dma_wait3A_96 = tpu.memref_slice %arg3[%add3A_37, %dma_wait3A_94, %dma_wait3A_95] : memref<64x40x128xi32, #tpu.memory_space<hbm>> -> memref<1x40x128xi32, #tpu.memory_space<hbm>>
      %dma_wait3A_97 = tpu.memref_squeeze %dma_wait3A_96 : memref<1x40x128xi32, #tpu.memory_space<hbm>> -> memref<40x128xi32, #tpu.memory_space<hbm>>
      tpu.wait_dma2 semaphore(%run_scoped3A : memref<!tpu.dma_semaphore, #tpu.memory_space<semaphore_mem>>) src(%dma_wait3A_97 : memref<40x128xi32, #tpu.memory_space<hbm>>) dst(%arg7 : memref<40x128xi32, #tpu.memory_space<vmem>>)
      tpu.yield
    }) : () -> ()
    %mul3A_38 = arith.constant 2 : i32
    %mul3A_39 = arith.muli %add3A, %mul3A_38 : i32
    %add3A_40 = arith.constant 1 : i32
    %add3A_41 = arith.addi %mul3A_39, %add3A_40 : i32
    "tpu.region"() ({
      %run_scoped3A = tpu.sem_alloc : memref<!tpu.dma_semaphore, #tpu.memory_space<semaphore_mem>>
      %dma_start3A = arith.constant 0 : i32
      %dma_start3A_84 = arith.constant 0 : i32
      %dma_start3A_85 = tpu.memref_slice %arg4[%add3A_41, %dma_start3A, %dma_start3A_84] : memref<64x40x128xi32, #tpu.memory_space<hbm>> -> memref<1x40x128xi32, #tpu.memory_space<hbm>>
      %dma_start3A_86 = tpu.memref_squeeze %dma_start3A_85 : memref<1x40x128xi32, #tpu.memory_space<hbm>> -> memref<40x128xi32, #tpu.memory_space<hbm>>
      %dma_start3A_87 = arith.constant 0 : i32
      %dma_start3A_88 = arith.constant 0 : i32
      %dma_start3A_89 = tpu.memref_slice %arg4[%add3A_41, %dma_start3A_87, %dma_start3A_88] : memref<64x40x128xi32, #tpu.memory_space<hbm>> -> memref<1x40x128xi32, #tpu.memory_space<hbm>>
      %dma_start3A_90 = tpu.memref_squeeze %dma_start3A_89 : memref<1x40x128xi32, #tpu.memory_space<hbm>> -> memref<40x128xi32, #tpu.memory_space<hbm>>
      tpu.enqueue_dma source(%dma_start3A_90 : memref<40x128xi32, #tpu.memory_space<hbm>>) target(%arg8 : memref<40x128xi32, #tpu.memory_space<vmem>>) target_semaphore(%run_scoped3A : memref<!tpu.dma_semaphore, #tpu.memory_space<semaphore_mem>>)
      %dma_wait3A = arith.constant 0 : i32
      %dma_wait3A_91 = arith.constant 0 : i32
      %dma_wait3A_92 = tpu.memref_slice %arg4[%add3A_41, %dma_wait3A, %dma_wait3A_91] : memref<64x40x128xi32, #tpu.memory_space<hbm>> -> memref<1x40x128xi32, #tpu.memory_space<hbm>>
      %dma_wait3A_93 = tpu.memref_squeeze %dma_wait3A_92 : memref<1x40x128xi32, #tpu.memory_space<hbm>> -> memref<40x128xi32, #tpu.memory_space<hbm>>
      %dma_wait3A_94 = arith.constant 0 : i32
      %dma_wait3A_95 = arith.constant 0 : i32
      %dma_wait3A_96 = tpu.memref_slice %arg4[%add3A_41, %dma_wait3A_94, %dma_wait3A_95] : memref<64x40x128xi32, #tpu.memory_space<hbm>> -> memref<1x40x128xi32, #tpu.memory_space<hbm>>
      %dma_wait3A_97 = tpu.memref_squeeze %dma_wait3A_96 : memref<1x40x128xi32, #tpu.memory_space<hbm>> -> memref<40x128xi32, #tpu.memory_space<hbm>>
      tpu.wait_dma2 semaphore(%run_scoped3A : memref<!tpu.dma_semaphore, #tpu.memory_space<semaphore_mem>>) src(%dma_wait3A_97 : memref<40x128xi32, #tpu.memory_space<hbm>>) dst(%arg8 : memref<40x128xi32, #tpu.memory_space<vmem>>)
      tpu.yield
    }) : () -> ()
    %scan3A_42 = arith.constant 0 : i32
    %scan3A_43 = arith.constant 0 : i32
    %scan3A_44 = arith.constant 40 : i32
    %scan3A_45 = arith.addi %scan3A_43, %scan3A_44 : i32
    %scan3A_46 = arith.constant 1 : i32
    scf.for %scan3A_84 = %scan3A_43 to %scan3A_45 step %scan3A_46  : i32 {
      %dma_start3A = arith.constant 0 : i32
      %dma_start3A_85 = tpu.memref_slice %arg7[%scan3A_84, %dma_start3A] : memref<40x128xi32, #tpu.memory_space<vmem>> -> memref<1x128xi32, #tpu.memory_space<vmem>>
      %dma_start3A_86 = tpu.memref_squeeze %dma_start3A_85 : memref<1x128xi32, #tpu.memory_space<vmem>> -> memref<128xi32, #tpu.memory_space<vmem>>
      %dma_start3A_87 = arith.constant 0 : i32
      %dma_start3A_88 = arith.constant 0 : i32
      %dma_start3A_89 = tpu.memref_slice %arg2[%dma_start3A_87, %dma_start3A_88] : memref<10000x128xf32, #tpu.memory_space<hbm>> -> memref<10000x128xf32, #tpu.memory_space<hbm>>
      tpu.enqueue_indirect_dma source(%dma_start3A_89 : memref<10000x128xf32, #tpu.memory_space<hbm>>) target(%arg9 : memref<128x128xf32, #tpu.memory_space<vmem>>) offsets(%dma_start3A_86 : memref<128xi32, #tpu.memory_space<vmem>>) semaphore(%arg10 : memref<!tpu.dma_semaphore, #tpu.memory_space<semaphore_mem>>)
      %dma_wait3A = arith.constant 0 : i32
      %dma_wait3A_90 = tpu.memref_slice %arg7[%scan3A_84, %dma_wait3A] : memref<40x128xi32, #tpu.memory_space<vmem>> -> memref<1x128xi32, #tpu.memory_space<vmem>>
      %dma_wait3A_91 = tpu.memref_squeeze %dma_wait3A_90 : memref<1x128xi32, #tpu.memory_space<vmem>> -> memref<128xi32, #tpu.memory_space<vmem>>
      %dma_wait3A_92 = arith.constant 0 : i32
      %dma_wait3A_93 = arith.constant 0 : i32
      %dma_wait3A_94 = tpu.memref_slice %arg2[%dma_wait3A_92, %dma_wait3A_93] : memref<10000x128xf32, #tpu.memory_space<hbm>> -> memref<10000x128xf32, #tpu.memory_space<hbm>>
      tpu.wait_indirect_dma semaphore(%arg10 : memref<!tpu.dma_semaphore, #tpu.memory_space<semaphore_mem>>) src(%dma_wait3A_94 : memref<10000x128xf32, #tpu.memory_space<hbm>>) dst(%arg9 : memref<128x128xf32, #tpu.memory_space<vmem>>)
      "tpu.region"() ({
        %run_scoped3A = tpu.sem_alloc : memref<!tpu.dma_semaphore, #tpu.memory_space<semaphore_mem>>
        %dma_start3A_95 = arith.constant 0 : i32
        %dma_start3A_96 = tpu.memref_slice %arg8[%scan3A_84, %dma_start3A_95] : memref<40x128xi32, #tpu.memory_space<vmem>> -> memref<1x128xi32, #tpu.memory_space<vmem>>
        %dma_start3A_97 = tpu.memref_squeeze %dma_start3A_96 : memref<1x128xi32, #tpu.memory_space<vmem>> -> memref<128xi32, #tpu.memory_space<vmem>>
        %dma_start3A_98 = arith.constant 0 : i32
        %dma_start3A_99 = arith.constant 0 : i32
        %dma_start3A_100 = tpu.memref_slice %arg11[%dma_start3A_98, %dma_start3A_99] : memref<10240x128xf32, #tpu.memory_space<vmem_shared>> -> memref<10240x128xf32, #tpu.memory_space<vmem_shared>>
        tpu.enqueue_indirect_dma source(%arg9 : memref<128x128xf32, #tpu.memory_space<vmem>>) target(%dma_start3A_100 : memref<10240x128xf32, #tpu.memory_space<vmem_shared>>) offsets(%dma_start3A_97 : memref<128xi32, #tpu.memory_space<vmem>>) semaphore(%run_scoped3A : memref<!tpu.dma_semaphore, #tpu.memory_space<semaphore_mem>>) {add = true}
        %dma_wait3A_101 = arith.constant 0 : i32
        %dma_wait3A_102 = tpu.memref_slice %arg8[%scan3A_84, %dma_wait3A_101] : memref<40x128xi32, #tpu.memory_space<vmem>> -> memref<1x128xi32, #tpu.memory_space<vmem>>
        %dma_wait3A_103 = tpu.memref_squeeze %dma_wait3A_102 : memref<1x128xi32, #tpu.memory_space<vmem>> -> memref<128xi32, #tpu.memory_space<vmem>>
        %dma_wait3A_104 = arith.constant 0 : i32
        %dma_wait3A_105 = arith.constant 0 : i32
        %dma_wait3A_106 = tpu.memref_slice %arg11[%dma_wait3A_104, %dma_wait3A_105] : memref<10240x128xf32, #tpu.memory_space<vmem_shared>> -> memref<10240x128xf32, #tpu.memory_space<vmem_shared>>
        tpu.wait_indirect_dma semaphore(%run_scoped3A : memref<!tpu.dma_semaphore, #tpu.memory_space<semaphore_mem>>) src(%arg9 : memref<128x128xf32, #tpu.memory_space<vmem>>) dst(%dma_wait3A_106 : memref<10240x128xf32, #tpu.memory_space<vmem_shared>>)
        tpu.yield
      }) : () -> ()
    }
    %scan3A_47 = arith.constant 40 : i32
    %barrier3A_48 = arith.constant 0 : index
    tpu.barrier barrier_id(%barrier3A_48)
    %mul3A_49 = arith.constant 10240 : i32
    %mul3A_50 = arith.muli %arg0, %mul3A_49 : i32
    %mul3A_51 = arith.constant 640 : i32
    %mul3A_52 = arith.muli %arg1, %mul3A_51 : i32
    %add3A_53 = arith.addi %mul3A_50, %mul3A_52 : i32
    %mul3A_54 = arith.constant 640 : i32
    %mul3A_55 = arith.muli %arg1, %mul3A_54 : i32
    %add3A_56 = arith.constant 0 : i32
    %add3A_57 = arith.addi %mul3A_55, %add3A_56 : i32
    "tpu.region"() ({
      %run_scoped3A = tpu.sem_alloc : memref<!tpu.dma_semaphore, #tpu.memory_space<semaphore_mem>>
      %dma_start3A = arith.constant 0 : i32
      %dma_start3A_84 = tpu.memref_slice %arg11[%add3A_57, %dma_start3A] : memref<10240x128xf32, #tpu.memory_space<vmem_shared>> -> memref<128x128xf32, #tpu.memory_space<vmem_shared>>
      %dma_start3A_85 = arith.constant 0 : i32
      %dma_start3A_86 = tpu.memref_slice %arg11[%add3A_57, %dma_start3A_85] : memref<10240x128xf32, #tpu.memory_space<vmem_shared>> -> memref<128x128xf32, #tpu.memory_space<vmem_shared>>
      tpu.enqueue_dma source(%dma_start3A_86 : memref<128x128xf32, #tpu.memory_space<vmem_shared>>) target(%arg9 : memref<128x128xf32, #tpu.memory_space<vmem>>) target_semaphore(%run_scoped3A : memref<!tpu.dma_semaphore, #tpu.memory_space<semaphore_mem>>)
      %dma_wait3A = arith.constant 0 : i32
      %dma_wait3A_87 = tpu.memref_slice %arg11[%add3A_57, %dma_wait3A] : memref<10240x128xf32, #tpu.memory_space<vmem_shared>> -> memref<128x128xf32, #tpu.memory_space<vmem_shared>>
      %dma_wait3A_88 = arith.constant 0 : i32
      %dma_wait3A_89 = tpu.memref_slice %arg11[%add3A_57, %dma_wait3A_88] : memref<10240x128xf32, #tpu.memory_space<vmem_shared>> -> memref<128x128xf32, #tpu.memory_space<vmem_shared>>
      tpu.wait_dma2 semaphore(%run_scoped3A : memref<!tpu.dma_semaphore, #tpu.memory_space<semaphore_mem>>) src(%dma_wait3A_89 : memref<128x128xf32, #tpu.memory_space<vmem_shared>>) dst(%arg9 : memref<128x128xf32, #tpu.memory_space<vmem>>)
      tpu.yield
    }) : () -> ()
    %add3A_58 = arith.constant 0 : i32
    %add3A_59 = arith.addi %add3A_53, %add3A_58 : i32
    "tpu.region"() ({
      %run_scoped3A = tpu.sem_alloc : memref<!tpu.dma_semaphore, #tpu.memory_space<semaphore_mem>>
      %dma_start3A = arith.constant 0 : i32
      %dma_start3A_84 = tpu.memref_slice %arg6[%add3A_59, %dma_start3A] : memref<20480x128xf32, #tpu.memory_space<hbm>> -> memref<128x128xf32, #tpu.memory_space<hbm>>
      %dma_start3A_85 = arith.constant 0 : i32
      %dma_start3A_86 = tpu.memref_slice %arg6[%add3A_59, %dma_start3A_85] : memref<20480x128xf32, #tpu.memory_space<hbm>> -> memref<128x128xf32, #tpu.memory_space<hbm>>
      tpu.enqueue_dma source(%arg9 : memref<128x128xf32, #tpu.memory_space<vmem>>) target(%dma_start3A_86 : memref<128x128xf32, #tpu.memory_space<hbm>>) target_semaphore(%run_scoped3A : memref<!tpu.dma_semaphore, #tpu.memory_space<semaphore_mem>>)
      %dma_wait3A = arith.constant 0 : i32
      %dma_wait3A_87 = tpu.memref_slice %arg6[%add3A_59, %dma_wait3A] : memref<20480x128xf32, #tpu.memory_space<hbm>> -> memref<128x128xf32, #tpu.memory_space<hbm>>
      %dma_wait3A_88 = arith.constant 0 : i32
      %dma_wait3A_89 = tpu.memref_slice %arg6[%add3A_59, %dma_wait3A_88] : memref<20480x128xf32, #tpu.memory_space<hbm>> -> memref<128x128xf32, #tpu.memory_space<hbm>>
      tpu.wait_dma2 semaphore(%run_scoped3A : memref<!tpu.dma_semaphore, #tpu.memory_space<semaphore_mem>>) src(%arg9 : memref<128x128xf32, #tpu.memory_space<vmem>>) dst(%dma_wait3A_89 : memref<128x128xf32, #tpu.memory_space<hbm>>)
      tpu.yield
    }) : () -> ()
    %mul3A_60 = arith.constant 640 : i32
    %mul3A_61 = arith.muli %arg1, %mul3A_60 : i32
    %add3A_62 = arith.constant 128 : i32
    %add3A_63 = arith.addi %mul3A_61, %add3A_62 : i32
    "tpu.region"() ({
      %run_scoped3A = tpu.sem_alloc : memref<!tpu.dma_semaphore, #tpu.memory_space<semaphore_mem>>
      %dma_start3A = arith.constant 0 : i32
      %dma_start3A_84 = tpu.memref_slice %arg11[%add3A_63, %dma_start3A] : memref<10240x128xf32, #tpu.memory_space<vmem_shared>> -> memref<128x128xf32, #tpu.memory_space<vmem_shared>>
      %dma_start3A_85 = arith.constant 0 : i32
      %dma_start3A_86 = tpu.memref_slice %arg11[%add3A_63, %dma_start3A_85] : memref<10240x128xf32, #tpu.memory_space<vmem_shared>> -> memref<128x128xf32, #tpu.memory_space<vmem_shared>>
      tpu.enqueue_dma source(%dma_start3A_86 : memref<128x128xf32, #tpu.memory_space<vmem_shared>>) target(%arg9 : memref<128x128xf32, #tpu.memory_space<vmem>>) target_semaphore(%run_scoped3A : memref<!tpu.dma_semaphore, #tpu.memory_space<semaphore_mem>>)
      %dma_wait3A = arith.constant 0 : i32
      %dma_wait3A_87 = tpu.memref_slice %arg11[%add3A_63, %dma_wait3A] : memref<10240x128xf32, #tpu.memory_space<vmem_shared>> -> memref<128x128xf32, #tpu.memory_space<vmem_shared>>
      %dma_wait3A_88 = arith.constant 0 : i32
      %dma_wait3A_89 = tpu.memref_slice %arg11[%add3A_63, %dma_wait3A_88] : memref<10240x128xf32, #tpu.memory_space<vmem_shared>> -> memref<128x128xf32, #tpu.memory_space<vmem_shared>>
      tpu.wait_dma2 semaphore(%run_scoped3A : memref<!tpu.dma_semaphore, #tpu.memory_space<semaphore_mem>>) src(%dma_wait3A_89 : memref<128x128xf32, #tpu.memory_space<vmem_shared>>) dst(%arg9 : memref<128x128xf32, #tpu.memory_space<vmem>>)
      tpu.yield
    }) : () -> ()
    %add3A_64 = arith.constant 128 : i32
    %add3A_65 = arith.addi %add3A_53, %add3A_64 : i32
    "tpu.region"() ({
      %run_scoped3A = tpu.sem_alloc : memref<!tpu.dma_semaphore, #tpu.memory_space<semaphore_mem>>
      %dma_start3A = arith.constant 0 : i32
      %dma_start3A_84 = tpu.memref_slice %arg6[%add3A_65, %dma_start3A] : memref<20480x128xf32, #tpu.memory_space<hbm>> -> memref<128x128xf32, #tpu.memory_space<hbm>>
      %dma_start3A_85 = arith.constant 0 : i32
      %dma_start3A_86 = tpu.memref_slice %arg6[%add3A_65, %dma_start3A_85] : memref<20480x128xf32, #tpu.memory_space<hbm>> -> memref<128x128xf32, #tpu.memory_space<hbm>>
      tpu.enqueue_dma source(%arg9 : memref<128x128xf32, #tpu.memory_space<vmem>>) target(%dma_start3A_86 : memref<128x128xf32, #tpu.memory_space<hbm>>) target_semaphore(%run_scoped3A : memref<!tpu.dma_semaphore, #tpu.memory_space<semaphore_mem>>)
      %dma_wait3A = arith.constant 0 : i32
      %dma_wait3A_87 = tpu.memref_slice %arg6[%add3A_65, %dma_wait3A] : memref<20480x128xf32, #tpu.memory_space<hbm>> -> memref<128x128xf32, #tpu.memory_space<hbm>>
      %dma_wait3A_88 = arith.constant 0 : i32
      %dma_wait3A_89 = tpu.memref_slice %arg6[%add3A_65, %dma_wait3A_88] : memref<20480x128xf32, #tpu.memory_space<hbm>> -> memref<128x128xf32, #tpu.memory_space<hbm>>
      tpu.wait_dma2 semaphore(%run_scoped3A : memref<!tpu.dma_semaphore, #tpu.memory_space<semaphore_mem>>) src(%arg9 : memref<128x128xf32, #tpu.memory_space<vmem>>) dst(%dma_wait3A_89 : memref<128x128xf32, #tpu.memory_space<hbm>>)
      tpu.yield
    }) : () -> ()
    %mul3A_66 = arith.constant 640 : i32
    %mul3A_67 = arith.muli %arg1, %mul3A_66 : i32
    %add3A_68 = arith.constant 256 : i32
    %add3A_69 = arith.addi %mul3A_67, %add3A_68 : i32
    "tpu.region"() ({
      %run_scoped3A = tpu.sem_alloc : memref<!tpu.dma_semaphore, #tpu.memory_space<semaphore_mem>>
      %dma_start3A = arith.constant 0 : i32
      %dma_start3A_84 = tpu.memref_slice %arg11[%add3A_69, %dma_start3A] : memref<10240x128xf32, #tpu.memory_space<vmem_shared>> -> memref<128x128xf32, #tpu.memory_space<vmem_shared>>
      %dma_start3A_85 = arith.constant 0 : i32
      %dma_start3A_86 = tpu.memref_slice %arg11[%add3A_69, %dma_start3A_85] : memref<10240x128xf32, #tpu.memory_space<vmem_shared>> -> memref<128x128xf32, #tpu.memory_space<vmem_shared>>
      tpu.enqueue_dma source(%dma_start3A_86 : memref<128x128xf32, #tpu.memory_space<vmem_shared>>) target(%arg9 : memref<128x128xf32, #tpu.memory_space<vmem>>) target_semaphore(%run_scoped3A : memref<!tpu.dma_semaphore, #tpu.memory_space<semaphore_mem>>)
      %dma_wait3A = arith.constant 0 : i32
      %dma_wait3A_87 = tpu.memref_slice %arg11[%add3A_69, %dma_wait3A] : memref<10240x128xf32, #tpu.memory_space<vmem_shared>> -> memref<128x128xf32, #tpu.memory_space<vmem_shared>>
      %dma_wait3A_88 = arith.constant 0 : i32
      %dma_wait3A_89 = tpu.memref_slice %arg11[%add3A_69, %dma_wait3A_88] : memref<10240x128xf32, #tpu.memory_space<vmem_shared>> -> memref<128x128xf32, #tpu.memory_space<vmem_shared>>
      tpu.wait_dma2 semaphore(%run_scoped3A : memref<!tpu.dma_semaphore, #tpu.memory_space<semaphore_mem>>) src(%dma_wait3A_89 : memref<128x128xf32, #tpu.memory_space<vmem_shared>>) dst(%arg9 : memref<128x128xf32, #tpu.memory_space<vmem>>)
      tpu.yield
    }) : () -> ()
    %add3A_70 = arith.constant 256 : i32
    %add3A_71 = arith.addi %add3A_53, %add3A_70 : i32
    "tpu.region"() ({
      %run_scoped3A = tpu.sem_alloc : memref<!tpu.dma_semaphore, #tpu.memory_space<semaphore_mem>>
      %dma_start3A = arith.constant 0 : i32
      %dma_start3A_84 = tpu.memref_slice %arg6[%add3A_71, %dma_start3A] : memref<20480x128xf32, #tpu.memory_space<hbm>> -> memref<128x128xf32, #tpu.memory_space<hbm>>
      %dma_start3A_85 = arith.constant 0 : i32
      %dma_start3A_86 = tpu.memref_slice %arg6[%add3A_71, %dma_start3A_85] : memref<20480x128xf32, #tpu.memory_space<hbm>> -> memref<128x128xf32, #tpu.memory_space<hbm>>
      tpu.enqueue_dma source(%arg9 : memref<128x128xf32, #tpu.memory_space<vmem>>) target(%dma_start3A_86 : memref<128x128xf32, #tpu.memory_space<hbm>>) target_semaphore(%run_scoped3A : memref<!tpu.dma_semaphore, #tpu.memory_space<semaphore_mem>>)
      %dma_wait3A = arith.constant 0 : i32
      %dma_wait3A_87 = tpu.memref_slice %arg6[%add3A_71, %dma_wait3A] : memref<20480x128xf32, #tpu.memory_space<hbm>> -> memref<128x128xf32, #tpu.memory_space<hbm>>
      %dma_wait3A_88 = arith.constant 0 : i32
      %dma_wait3A_89 = tpu.memref_slice %arg6[%add3A_71, %dma_wait3A_88] : memref<20480x128xf32, #tpu.memory_space<hbm>> -> memref<128x128xf32, #tpu.memory_space<hbm>>
      tpu.wait_dma2 semaphore(%run_scoped3A : memref<!tpu.dma_semaphore, #tpu.memory_space<semaphore_mem>>) src(%arg9 : memref<128x128xf32, #tpu.memory_space<vmem>>) dst(%dma_wait3A_89 : memref<128x128xf32, #tpu.memory_space<hbm>>)
      tpu.yield
    }) : () -> ()
    %mul3A_72 = arith.constant 640 : i32
    %mul3A_73 = arith.muli %arg1, %mul3A_72 : i32
    %add3A_74 = arith.constant 384 : i32
    %add3A_75 = arith.addi %mul3A_73, %add3A_74 : i32
    "tpu.region"() ({
      %run_scoped3A = tpu.sem_alloc : memref<!tpu.dma_semaphore, #tpu.memory_space<semaphore_mem>>
      %dma_start3A = arith.constant 0 : i32
      %dma_start3A_84 = tpu.memref_slice %arg11[%add3A_75, %dma_start3A] : memref<10240x128xf32, #tpu.memory_space<vmem_shared>> -> memref<128x128xf32, #tpu.memory_space<vmem_shared>>
      %dma_start3A_85 = arith.constant 0 : i32
      %dma_start3A_86 = tpu.memref_slice %arg11[%add3A_75, %dma_start3A_85] : memref<10240x128xf32, #tpu.memory_space<vmem_shared>> -> memref<128x128xf32, #tpu.memory_space<vmem_shared>>
      tpu.enqueue_dma source(%dma_start3A_86 : memref<128x128xf32, #tpu.memory_space<vmem_shared>>) target(%arg9 : memref<128x128xf32, #tpu.memory_space<vmem>>) target_semaphore(%run_scoped3A : memref<!tpu.dma_semaphore, #tpu.memory_space<semaphore_mem>>)
      %dma_wait3A = arith.constant 0 : i32
      %dma_wait3A_87 = tpu.memref_slice %arg11[%add3A_75, %dma_wait3A] : memref<10240x128xf32, #tpu.memory_space<vmem_shared>> -> memref<128x128xf32, #tpu.memory_space<vmem_shared>>
      %dma_wait3A_88 = arith.constant 0 : i32
      %dma_wait3A_89 = tpu.memref_slice %arg11[%add3A_75, %dma_wait3A_88] : memref<10240x128xf32, #tpu.memory_space<vmem_shared>> -> memref<128x128xf32, #tpu.memory_space<vmem_shared>>
      tpu.wait_dma2 semaphore(%run_scoped3A : memref<!tpu.dma_semaphore, #tpu.memory_space<semaphore_mem>>) src(%dma_wait3A_89 : memref<128x128xf32, #tpu.memory_space<vmem_shared>>) dst(%arg9 : memref<128x128xf32, #tpu.memory_space<vmem>>)
      tpu.yield
    }) : () -> ()
    %add3A_76 = arith.constant 384 : i32
    %add3A_77 = arith.addi %add3A_53, %add3A_76 : i32
    "tpu.region"() ({
      %run_scoped3A = tpu.sem_alloc : memref<!tpu.dma_semaphore, #tpu.memory_space<semaphore_mem>>
      %dma_start3A = arith.constant 0 : i32
      %dma_start3A_84 = tpu.memref_slice %arg6[%add3A_77, %dma_start3A] : memref<20480x128xf32, #tpu.memory_space<hbm>> -> memref<128x128xf32, #tpu.memory_space<hbm>>
      %dma_start3A_85 = arith.constant 0 : i32
      %dma_start3A_86 = tpu.memref_slice %arg6[%add3A_77, %dma_start3A_85] : memref<20480x128xf32, #tpu.memory_space<hbm>> -> memref<128x128xf32, #tpu.memory_space<hbm>>
      tpu.enqueue_dma source(%arg9 : memref<128x128xf32, #tpu.memory_space<vmem>>) target(%dma_start3A_86 : memref<128x128xf32, #tpu.memory_space<hbm>>) target_semaphore(%run_scoped3A : memref<!tpu.dma_semaphore, #tpu.memory_space<semaphore_mem>>)
      %dma_wait3A = arith.constant 0 : i32
      %dma_wait3A_87 = tpu.memref_slice %arg6[%add3A_77, %dma_wait3A] : memref<20480x128xf32, #tpu.memory_space<hbm>> -> memref<128x128xf32, #tpu.memory_space<hbm>>
      %dma_wait3A_88 = arith.constant 0 : i32
      %dma_wait3A_89 = tpu.memref_slice %arg6[%add3A_77, %dma_wait3A_88] : memref<20480x128xf32, #tpu.memory_space<hbm>> -> memref<128x128xf32, #tpu.memory_space<hbm>>
      tpu.wait_dma2 semaphore(%run_scoped3A : memref<!tpu.dma_semaphore, #tpu.memory_space<semaphore_mem>>) src(%arg9 : memref<128x128xf32, #tpu.memory_space<vmem>>) dst(%dma_wait3A_89 : memref<128x128xf32, #tpu.memory_space<hbm>>)
      tpu.yield
    }) : () -> ()
    %mul3A_78 = arith.constant 640 : i32
    %mul3A_79 = arith.muli %arg1, %mul3A_78 : i32
    %add3A_80 = arith.constant 512 : i32
    %add3A_81 = arith.addi %mul3A_79, %add3A_80 : i32
    "tpu.region"() ({
      %run_scoped3A = tpu.sem_alloc : memref<!tpu.dma_semaphore, #tpu.memory_space<semaphore_mem>>
      %dma_start3A = arith.constant 0 : i32
      %dma_start3A_84 = tpu.memref_slice %arg11[%add3A_81, %dma_start3A] : memref<10240x128xf32, #tpu.memory_space<vmem_shared>> -> memref<128x128xf32, #tpu.memory_space<vmem_shared>>
      %dma_start3A_85 = arith.constant 0 : i32
      %dma_start3A_86 = tpu.memref_slice %arg11[%add3A_81, %dma_start3A_85] : memref<10240x128xf32, #tpu.memory_space<vmem_shared>> -> memref<128x128xf32, #tpu.memory_space<vmem_shared>>
      tpu.enqueue_dma source(%dma_start3A_86 : memref<128x128xf32, #tpu.memory_space<vmem_shared>>) target(%arg9 : memref<128x128xf32, #tpu.memory_space<vmem>>) target_semaphore(%run_scoped3A : memref<!tpu.dma_semaphore, #tpu.memory_space<semaphore_mem>>)
      %dma_wait3A = arith.constant 0 : i32
      %dma_wait3A_87 = tpu.memref_slice %arg11[%add3A_81, %dma_wait3A] : memref<10240x128xf32, #tpu.memory_space<vmem_shared>> -> memref<128x128xf32, #tpu.memory_space<vmem_shared>>
      %dma_wait3A_88 = arith.constant 0 : i32
      %dma_wait3A_89 = tpu.memref_slice %arg11[%add3A_81, %dma_wait3A_88] : memref<10240x128xf32, #tpu.memory_space<vmem_shared>> -> memref<128x128xf32, #tpu.memory_space<vmem_shared>>
      tpu.wait_dma2 semaphore(%run_scoped3A : memref<!tpu.dma_semaphore, #tpu.memory_space<semaphore_mem>>) src(%dma_wait3A_89 : memref<128x128xf32, #tpu.memory_space<vmem_shared>>) dst(%arg9 : memref<128x128xf32, #tpu.memory_space<vmem>>)
      tpu.yield
    }) : () -> ()
    %add3A_82 = arith.constant 512 : i32
    %add3A_83 = arith.addi %add3A_53, %add3A_82 : i32
    "tpu.region"() ({
      %run_scoped3A = tpu.sem_alloc : memref<!tpu.dma_semaphore, #tpu.memory_space<semaphore_mem>>
      %dma_start3A = arith.constant 0 : i32
      %dma_start3A_84 = tpu.memref_slice %arg6[%add3A_83, %dma_start3A] : memref<20480x128xf32, #tpu.memory_space<hbm>> -> memref<128x128xf32, #tpu.memory_space<hbm>>
      %dma_start3A_85 = arith.constant 0 : i32
      %dma_start3A_86 = tpu.memref_slice %arg6[%add3A_83, %dma_start3A_85] : memref<20480x128xf32, #tpu.memory_space<hbm>> -> memref<128x128xf32, #tpu.memory_space<hbm>>
      tpu.enqueue_dma source(%arg9 : memref<128x128xf32, #tpu.memory_space<vmem>>) target(%dma_start3A_86 : memref<128x128xf32, #tpu.memory_space<hbm>>) target_semaphore(%run_scoped3A : memref<!tpu.dma_semaphore, #tpu.memory_space<semaphore_mem>>)
      %dma_wait3A = arith.constant 0 : i32
      %dma_wait3A_87 = tpu.memref_slice %arg6[%add3A_83, %dma_wait3A] : memref<20480x128xf32, #tpu.memory_space<hbm>> -> memref<128x128xf32, #tpu.memory_space<hbm>>
      %dma_wait3A_88 = arith.constant 0 : i32
      %dma_wait3A_89 = tpu.memref_slice %arg6[%add3A_83, %dma_wait3A_88] : memref<20480x128xf32, #tpu.memory_space<hbm>> -> memref<128x128xf32, #tpu.memory_space<hbm>>
      tpu.wait_dma2 semaphore(%run_scoped3A : memref<!tpu.dma_semaphore, #tpu.memory_space<semaphore_mem>>) src(%arg9 : memref<128x128xf32, #tpu.memory_space<vmem>>) dst(%dma_wait3A_89 : memref<128x128xf32, #tpu.memory_space<hbm>>)
      tpu.yield
    }) : () -> ()
    return
  }
}

#map = affine_map<(d0, d1) -> (0, 0)>
#map1 = affine_map<(d0, d1) -> (0, 0, 0)>
module attributes {stable_mosaic.version = 14 : i64} {
  func.func @seg_sum_sc(%arg0: i32, %arg1: i32, %arg2: memref<10000x128xf32, #tpu.memory_space<hbm>>, %arg3: memref<64x40x128xi32, #tpu.memory_space<hbm>>, %arg4: memref<64x40x128xi32, #tpu.memory_space<hbm>>, %arg5: memref<128x128xf32, #tpu.memory_space<hbm>>, %arg6: memref<20480x128xf32, #tpu.memory_space<hbm>>, %arg7: memref<40x128xi32, #tpu.memory_space<vmem>>, %arg8: memref<40x128xi32, #tpu.memory_space<vmem>>, %arg9: memref<128x128xf32, #tpu.memory_space<vmem>>, %arg10: memref<!tpu.dma_semaphore, #tpu.memory_space<semaphore_mem>>, %arg11: memref<10240x128xf32, #tpu.memory_space<vmem_shared>>) attributes {dimension_semantics = [#tpu.dimension_semantics<core_parallel>, #tpu.dimension_semantics<subcore_parallel>], iteration_bounds = array<i64: 2, 16>, scalar_prefetch = 0 : i64, scratch_operands = 5 : i64, tpu.core_type = #tpu.core_type<sc_vector_subcore>, window_params = [{transform_indices = #map}, {transform_indices = #map1}, {transform_indices = #map1}, {transform_indices = #map}, {transform_indices = #map}]} {
    %mul3A = arith.constant 2 : i32
    %mul3A_0 = arith.muli %arg1, %mul3A : i32
    %add3A = arith.addi %mul3A_0, %arg0 : i32
    "tpu.region"() ({
      %run_scoped3A = tpu.sem_alloc : memref<!tpu.dma_semaphore, #tpu.memory_space<semaphore_mem>>
      tpu.enqueue_dma source(%arg5 : memref<128x128xf32, #tpu.memory_space<hbm>>) target(%arg9 : memref<128x128xf32, #tpu.memory_space<vmem>>) target_semaphore(%run_scoped3A : memref<!tpu.dma_semaphore, #tpu.memory_space<semaphore_mem>>)
      tpu.wait_dma2 semaphore(%run_scoped3A : memref<!tpu.dma_semaphore, #tpu.memory_space<semaphore_mem>>) src(%arg5 : memref<128x128xf32, #tpu.memory_space<hbm>>) dst(%arg9 : memref<128x128xf32, #tpu.memory_space<vmem>>)
      tpu.yield
    }) : () -> ()
    %mul3A_1 = arith.constant 640 : i32
    %mul3A_2 = arith.muli %arg1, %mul3A_1 : i32
    %add3A_3 = arith.constant 0 : i32
    %add3A_4 = arith.addi %mul3A_2, %add3A_3 : i32
    "tpu.region"() ({
      %run_scoped3A = tpu.sem_alloc : memref<!tpu.dma_semaphore, #tpu.memory_space<semaphore_mem>>
      %dma_start3A = arith.constant 0 : i32
      %dma_start3A_84 = tpu.memref_slice %arg11[%add3A_4, %dma_start3A] : memref<10240x128xf32, #tpu.memory_space<vmem_shared>> -> memref<128x128xf32, #tpu.memory_space<vmem_shared>>
      %dma_start3A_85 = arith.constant 0 : i32
      %dma_start3A_86 = tpu.memref_slice %arg11[%add3A_4, %dma_start3A_85] : memref<10240x128xf32, #tpu.memory_space<vmem_shared>> -> memref<128x128xf32, #tpu.memory_space<vmem_shared>>
      tpu.enqueue_dma source(%arg9 : memref<128x128xf32, #tpu.memory_space<vmem>>) target(%dma_start3A_86 : memref<128x128xf32, #tpu.memory_space<vmem_shared>>) target_semaphore(%run_scoped3A : memref<!tpu.dma_semaphore, #tpu.memory_space<semaphore_mem>>)
      %dma_wait3A = arith.constant 0 : i32
      %dma_wait3A_87 = tpu.memref_slice %arg11[%add3A_4, %dma_wait3A] : memref<10240x128xf32, #tpu.memory_space<vmem_shared>> -> memref<128x128xf32, #tpu.memory_space<vmem_shared>>
      %dma_wait3A_88 = arith.constant 0 : i32
      %dma_wait3A_89 = tpu.memref_slice %arg11[%add3A_4, %dma_wait3A_88] : memref<10240x128xf32, #tpu.memory_space<vmem_shared>> -> memref<128x128xf32, #tpu.memory_space<vmem_shared>>
      tpu.wait_dma2 semaphore(%run_scoped3A : memref<!tpu.dma_semaphore, #tpu.memory_space<semaphore_mem>>) src(%arg9 : memref<128x128xf32, #tpu.memory_space<vmem>>) dst(%dma_wait3A_89 : memref<128x128xf32, #tpu.memory_space<vmem_shared>>)
      tpu.yield
    }) : () -> ()
    %mul3A_5 = arith.constant 640 : i32
    %mul3A_6 = arith.muli %arg1, %mul3A_5 : i32
    %add3A_7 = arith.constant 128 : i32
    %add3A_8 = arith.addi %mul3A_6, %add3A_7 : i32
    "tpu.region"() ({
      %run_scoped3A = tpu.sem_alloc : memref<!tpu.dma_semaphore, #tpu.memory_space<semaphore_mem>>
      %dma_start3A = arith.constant 0 : i32
      %dma_start3A_84 = tpu.memref_slice %arg11[%add3A_8, %dma_start3A] : memref<10240x128xf32, #tpu.memory_space<vmem_shared>> -> memref<128x128xf32, #tpu.memory_space<vmem_shared>>
      %dma_start3A_85 = arith.constant 0 : i32
      %dma_start3A_86 = tpu.memref_slice %arg11[%add3A_8, %dma_start3A_85] : memref<10240x128xf32, #tpu.memory_space<vmem_shared>> -> memref<128x128xf32, #tpu.memory_space<vmem_shared>>
      tpu.enqueue_dma source(%arg9 : memref<128x128xf32, #tpu.memory_space<vmem>>) target(%dma_start3A_86 : memref<128x128xf32, #tpu.memory_space<vmem_shared>>) target_semaphore(%run_scoped3A : memref<!tpu.dma_semaphore, #tpu.memory_space<semaphore_mem>>)
      %dma_wait3A = arith.constant 0 : i32
      %dma_wait3A_87 = tpu.memref_slice %arg11[%add3A_8, %dma_wait3A] : memref<10240x128xf32, #tpu.memory_space<vmem_shared>> -> memref<128x128xf32, #tpu.memory_space<vmem_shared>>
      %dma_wait3A_88 = arith.constant 0 : i32
      %dma_wait3A_89 = tpu.memref_slice %arg11[%add3A_8, %dma_wait3A_88] : memref<10240x128xf32, #tpu.memory_space<vmem_shared>> -> memref<128x128xf32, #tpu.memory_space<vmem_shared>>
      tpu.wait_dma2 semaphore(%run_scoped3A : memref<!tpu.dma_semaphore, #tpu.memory_space<semaphore_mem>>) src(%arg9 : memref<128x128xf32, #tpu.memory_space<vmem>>) dst(%dma_wait3A_89 : memref<128x128xf32, #tpu.memory_space<vmem_shared>>)
      tpu.yield
    }) : () -> ()
    %mul3A_9 = arith.constant 640 : i32
    %mul3A_10 = arith.muli %arg1, %mul3A_9 : i32
    %add3A_11 = arith.constant 256 : i32
    %add3A_12 = arith.addi %mul3A_10, %add3A_11 : i32
    "tpu.region"() ({
      %run_scoped3A = tpu.sem_alloc : memref<!tpu.dma_semaphore, #tpu.memory_space<semaphore_mem>>
      %dma_start3A = arith.constant 0 : i32
      %dma_start3A_84 = tpu.memref_slice %arg11[%add3A_12, %dma_start3A] : memref<10240x128xf32, #tpu.memory_space<vmem_shared>> -> memref<128x128xf32, #tpu.memory_space<vmem_shared>>
      %dma_start3A_85 = arith.constant 0 : i32
      %dma_start3A_86 = tpu.memref_slice %arg11[%add3A_12, %dma_start3A_85] : memref<10240x128xf32, #tpu.memory_space<vmem_shared>> -> memref<128x128xf32, #tpu.memory_space<vmem_shared>>
      tpu.enqueue_dma source(%arg9 : memref<128x128xf32, #tpu.memory_space<vmem>>) target(%dma_start3A_86 : memref<128x128xf32, #tpu.memory_space<vmem_shared>>) target_semaphore(%run_scoped3A : memref<!tpu.dma_semaphore, #tpu.memory_space<semaphore_mem>>)
      %dma_wait3A = arith.constant 0 : i32
      %dma_wait3A_87 = tpu.memref_slice %arg11[%add3A_12, %dma_wait3A] : memref<10240x128xf32, #tpu.memory_space<vmem_shared>> -> memref<128x128xf32, #tpu.memory_space<vmem_shared>>
      %dma_wait3A_88 = arith.constant 0 : i32
      %dma_wait3A_89 = tpu.memref_slice %arg11[%add3A_12, %dma_wait3A_88] : memref<10240x128xf32, #tpu.memory_space<vmem_shared>> -> memref<128x128xf32, #tpu.memory_space<vmem_shared>>
      tpu.wait_dma2 semaphore(%run_scoped3A : memref<!tpu.dma_semaphore, #tpu.memory_space<semaphore_mem>>) src(%arg9 : memref<128x128xf32, #tpu.memory_space<vmem>>) dst(%dma_wait3A_89 : memref<128x128xf32, #tpu.memory_space<vmem_shared>>)
      tpu.yield
    }) : () -> ()
    %mul3A_13 = arith.constant 640 : i32
    %mul3A_14 = arith.muli %arg1, %mul3A_13 : i32
    %add3A_15 = arith.constant 384 : i32
    %add3A_16 = arith.addi %mul3A_14, %add3A_15 : i32
    "tpu.region"() ({
      %run_scoped3A = tpu.sem_alloc : memref<!tpu.dma_semaphore, #tpu.memory_space<semaphore_mem>>
      %dma_start3A = arith.constant 0 : i32
      %dma_start3A_84 = tpu.memref_slice %arg11[%add3A_16, %dma_start3A] : memref<10240x128xf32, #tpu.memory_space<vmem_shared>> -> memref<128x128xf32, #tpu.memory_space<vmem_shared>>
      %dma_start3A_85 = arith.constant 0 : i32
      %dma_start3A_86 = tpu.memref_slice %arg11[%add3A_16, %dma_start3A_85] : memref<10240x128xf32, #tpu.memory_space<vmem_shared>> -> memref<128x128xf32, #tpu.memory_space<vmem_shared>>
      tpu.enqueue_dma source(%arg9 : memref<128x128xf32, #tpu.memory_space<vmem>>) target(%dma_start3A_86 : memref<128x128xf32, #tpu.memory_space<vmem_shared>>) target_semaphore(%run_scoped3A : memref<!tpu.dma_semaphore, #tpu.memory_space<semaphore_mem>>)
      %dma_wait3A = arith.constant 0 : i32
      %dma_wait3A_87 = tpu.memref_slice %arg11[%add3A_16, %dma_wait3A] : memref<10240x128xf32, #tpu.memory_space<vmem_shared>> -> memref<128x128xf32, #tpu.memory_space<vmem_shared>>
      %dma_wait3A_88 = arith.constant 0 : i32
      %dma_wait3A_89 = tpu.memref_slice %arg11[%add3A_16, %dma_wait3A_88] : memref<10240x128xf32, #tpu.memory_space<vmem_shared>> -> memref<128x128xf32, #tpu.memory_space<vmem_shared>>
      tpu.wait_dma2 semaphore(%run_scoped3A : memref<!tpu.dma_semaphore, #tpu.memory_space<semaphore_mem>>) src(%arg9 : memref<128x128xf32, #tpu.memory_space<vmem>>) dst(%dma_wait3A_89 : memref<128x128xf32, #tpu.memory_space<vmem_shared>>)
      tpu.yield
    }) : () -> ()
    %mul3A_17 = arith.constant 640 : i32
    %mul3A_18 = arith.muli %arg1, %mul3A_17 : i32
    %add3A_19 = arith.constant 512 : i32
    %add3A_20 = arith.addi %mul3A_18, %add3A_19 : i32
    "tpu.region"() ({
      %run_scoped3A = tpu.sem_alloc : memref<!tpu.dma_semaphore, #tpu.memory_space<semaphore_mem>>
      %dma_start3A = arith.constant 0 : i32
      %dma_start3A_84 = tpu.memref_slice %arg11[%add3A_20, %dma_start3A] : memref<10240x128xf32, #tpu.memory_space<vmem_shared>> -> memref<128x128xf32, #tpu.memory_space<vmem_shared>>
      %dma_start3A_85 = arith.constant 0 : i32
      %dma_start3A_86 = tpu.memref_slice %arg11[%add3A_20, %dma_start3A_85] : memref<10240x128xf32, #tpu.memory_space<vmem_shared>> -> memref<128x128xf32, #tpu.memory_space<vmem_shared>>
      tpu.enqueue_dma source(%arg9 : memref<128x128xf32, #tpu.memory_space<vmem>>) target(%dma_start3A_86 : memref<128x128xf32, #tpu.memory_space<vmem_shared>>) target_semaphore(%run_scoped3A : memref<!tpu.dma_semaphore, #tpu.memory_space<semaphore_mem>>)
      %dma_wait3A = arith.constant 0 : i32
      %dma_wait3A_87 = tpu.memref_slice %arg11[%add3A_20, %dma_wait3A] : memref<10240x128xf32, #tpu.memory_space<vmem_shared>> -> memref<128x128xf32, #tpu.memory_space<vmem_shared>>
      %dma_wait3A_88 = arith.constant 0 : i32
      %dma_wait3A_89 = tpu.memref_slice %arg11[%add3A_20, %dma_wait3A_88] : memref<10240x128xf32, #tpu.memory_space<vmem_shared>> -> memref<128x128xf32, #tpu.memory_space<vmem_shared>>
      tpu.wait_dma2 semaphore(%run_scoped3A : memref<!tpu.dma_semaphore, #tpu.memory_space<semaphore_mem>>) src(%arg9 : memref<128x128xf32, #tpu.memory_space<vmem>>) dst(%dma_wait3A_89 : memref<128x128xf32, #tpu.memory_space<vmem_shared>>)
      tpu.yield
    }) : () -> ()
    %barrier3A = arith.constant 0 : index
    tpu.barrier barrier_id(%barrier3A)
    %mul3A_21 = arith.constant 2 : i32
    %mul3A_22 = arith.muli %add3A, %mul3A_21 : i32
    %add3A_23 = arith.constant 0 : i32
    %add3A_24 = arith.addi %mul3A_22, %add3A_23 : i32
    "tpu.region"() ({
      %run_scoped3A = tpu.sem_alloc : memref<!tpu.dma_semaphore, #tpu.memory_space<semaphore_mem>>
      %dma_start3A = arith.constant 0 : i32
      %dma_start3A_84 = arith.constant 0 : i32
      %dma_start3A_85 = tpu.memref_slice %arg3[%add3A_24, %dma_start3A, %dma_start3A_84] : memref<64x40x128xi32, #tpu.memory_space<hbm>> -> memref<1x40x128xi32, #tpu.memory_space<hbm>>
      %dma_start3A_86 = tpu.memref_squeeze %dma_start3A_85 : memref<1x40x128xi32, #tpu.memory_space<hbm>> -> memref<40x128xi32, #tpu.memory_space<hbm>>
      %dma_start3A_87 = arith.constant 0 : i32
      %dma_start3A_88 = arith.constant 0 : i32
      %dma_start3A_89 = tpu.memref_slice %arg3[%add3A_24, %dma_start3A_87, %dma_start3A_88] : memref<64x40x128xi32, #tpu.memory_space<hbm>> -> memref<1x40x128xi32, #tpu.memory_space<hbm>>
      %dma_start3A_90 = tpu.memref_squeeze %dma_start3A_89 : memref<1x40x128xi32, #tpu.memory_space<hbm>> -> memref<40x128xi32, #tpu.memory_space<hbm>>
      tpu.enqueue_dma source(%dma_start3A_90 : memref<40x128xi32, #tpu.memory_space<hbm>>) target(%arg7 : memref<40x128xi32, #tpu.memory_space<vmem>>) target_semaphore(%run_scoped3A : memref<!tpu.dma_semaphore, #tpu.memory_space<semaphore_mem>>)
      %dma_wait3A = arith.constant 0 : i32
      %dma_wait3A_91 = arith.constant 0 : i32
      %dma_wait3A_92 = tpu.memref_slice %arg3[%add3A_24, %dma_wait3A, %dma_wait3A_91] : memref<64x40x128xi32, #tpu.memory_space<hbm>> -> memref<1x40x128xi32, #tpu.memory_space<hbm>>
      %dma_wait3A_93 = tpu.memref_squeeze %dma_wait3A_92 : memref<1x40x128xi32, #tpu.memory_space<hbm>> -> memref<40x128xi32, #tpu.memory_space<hbm>>
      %dma_wait3A_94 = arith.constant 0 : i32
      %dma_wait3A_95 = arith.constant 0 : i32
      %dma_wait3A_96 = tpu.memref_slice %arg3[%add3A_24, %dma_wait3A_94, %dma_wait3A_95] : memref<64x40x128xi32, #tpu.memory_space<hbm>> -> memref<1x40x128xi32, #tpu.memory_space<hbm>>
      %dma_wait3A_97 = tpu.memref_squeeze %dma_wait3A_96 : memref<1x40x128xi32, #tpu.memory_space<hbm>> -> memref<40x128xi32, #tpu.memory_space<hbm>>
      tpu.wait_dma2 semaphore(%run_scoped3A : memref<!tpu.dma_semaphore, #tpu.memory_space<semaphore_mem>>) src(%dma_wait3A_97 : memref<40x128xi32, #tpu.memory_space<hbm>>) dst(%arg7 : memref<40x128xi32, #tpu.memory_space<vmem>>)
      tpu.yield
    }) : () -> ()
    %mul3A_25 = arith.constant 2 : i32
    %mul3A_26 = arith.muli %add3A, %mul3A_25 : i32
    %add3A_27 = arith.constant 0 : i32
    %add3A_28 = arith.addi %mul3A_26, %add3A_27 : i32
    "tpu.region"() ({
      %run_scoped3A = tpu.sem_alloc : memref<!tpu.dma_semaphore, #tpu.memory_space<semaphore_mem>>
      %dma_start3A = arith.constant 0 : i32
      %dma_start3A_84 = arith.constant 0 : i32
      %dma_start3A_85 = tpu.memref_slice %arg4[%add3A_28, %dma_start3A, %dma_start3A_84] : memref<64x40x128xi32, #tpu.memory_space<hbm>> -> memref<1x40x128xi32, #tpu.memory_space<hbm>>
      %dma_start3A_86 = tpu.memref_squeeze %dma_start3A_85 : memref<1x40x128xi32, #tpu.memory_space<hbm>> -> memref<40x128xi32, #tpu.memory_space<hbm>>
      %dma_start3A_87 = arith.constant 0 : i32
      %dma_start3A_88 = arith.constant 0 : i32
      %dma_start3A_89 = tpu.memref_slice %arg4[%add3A_28, %dma_start3A_87, %dma_start3A_88] : memref<64x40x128xi32, #tpu.memory_space<hbm>> -> memref<1x40x128xi32, #tpu.memory_space<hbm>>
      %dma_start3A_90 = tpu.memref_squeeze %dma_start3A_89 : memref<1x40x128xi32, #tpu.memory_space<hbm>> -> memref<40x128xi32, #tpu.memory_space<hbm>>
      tpu.enqueue_dma source(%dma_start3A_90 : memref<40x128xi32, #tpu.memory_space<hbm>>) target(%arg8 : memref<40x128xi32, #tpu.memory_space<vmem>>) target_semaphore(%run_scoped3A : memref<!tpu.dma_semaphore, #tpu.memory_space<semaphore_mem>>)
      %dma_wait3A = arith.constant 0 : i32
      %dma_wait3A_91 = arith.constant 0 : i32
      %dma_wait3A_92 = tpu.memref_slice %arg4[%add3A_28, %dma_wait3A, %dma_wait3A_91] : memref<64x40x128xi32, #tpu.memory_space<hbm>> -> memref<1x40x128xi32, #tpu.memory_space<hbm>>
      %dma_wait3A_93 = tpu.memref_squeeze %dma_wait3A_92 : memref<1x40x128xi32, #tpu.memory_space<hbm>> -> memref<40x128xi32, #tpu.memory_space<hbm>>
      %dma_wait3A_94 = arith.constant 0 : i32
      %dma_wait3A_95 = arith.constant 0 : i32
      %dma_wait3A_96 = tpu.memref_slice %arg4[%add3A_28, %dma_wait3A_94, %dma_wait3A_95] : memref<64x40x128xi32, #tpu.memory_space<hbm>> -> memref<1x40x128xi32, #tpu.memory_space<hbm>>
      %dma_wait3A_97 = tpu.memref_squeeze %dma_wait3A_96 : memref<1x40x128xi32, #tpu.memory_space<hbm>> -> memref<40x128xi32, #tpu.memory_space<hbm>>
      tpu.wait_dma2 semaphore(%run_scoped3A : memref<!tpu.dma_semaphore, #tpu.memory_space<semaphore_mem>>) src(%dma_wait3A_97 : memref<40x128xi32, #tpu.memory_space<hbm>>) dst(%arg8 : memref<40x128xi32, #tpu.memory_space<vmem>>)
      tpu.yield
    }) : () -> ()
    %scan3A = arith.constant 0 : i32
    %scan3A_29 = arith.constant 0 : i32
    %scan3A_30 = arith.constant 40 : i32
    %scan3A_31 = arith.addi %scan3A_29, %scan3A_30 : i32
    %scan3A_32 = arith.constant 1 : i32
    scf.for %scan3A_84 = %scan3A_29 to %scan3A_31 step %scan3A_32  : i32 {
      %dma_start3A = arith.constant 0 : i32
      %dma_start3A_85 = tpu.memref_slice %arg7[%scan3A_84, %dma_start3A] : memref<40x128xi32, #tpu.memory_space<vmem>> -> memref<1x128xi32, #tpu.memory_space<vmem>>
      %dma_start3A_86 = tpu.memref_squeeze %dma_start3A_85 : memref<1x128xi32, #tpu.memory_space<vmem>> -> memref<128xi32, #tpu.memory_space<vmem>>
      %dma_start3A_87 = arith.constant 0 : i32
      %dma_start3A_88 = arith.constant 0 : i32
      %dma_start3A_89 = tpu.memref_slice %arg2[%dma_start3A_87, %dma_start3A_88] : memref<10000x128xf32, #tpu.memory_space<hbm>> -> memref<10000x128xf32, #tpu.memory_space<hbm>>
      tpu.enqueue_indirect_dma source(%dma_start3A_89 : memref<10000x128xf32, #tpu.memory_space<hbm>>) target(%arg9 : memref<128x128xf32, #tpu.memory_space<vmem>>) offsets(%dma_start3A_86 : memref<128xi32, #tpu.memory_space<vmem>>) semaphore(%arg10 : memref<!tpu.dma_semaphore, #tpu.memory_space<semaphore_mem>>)
      %dma_wait3A = arith.constant 0 : i32
      %dma_wait3A_90 = tpu.memref_slice %arg7[%scan3A_84, %dma_wait3A] : memref<40x128xi32, #tpu.memory_space<vmem>> -> memref<1x128xi32, #tpu.memory_space<vmem>>
      %dma_wait3A_91 = tpu.memref_squeeze %dma_wait3A_90 : memref<1x128xi32, #tpu.memory_space<vmem>> -> memref<128xi32, #tpu.memory_space<vmem>>
      %dma_wait3A_92 = arith.constant 0 : i32
      %dma_wait3A_93 = arith.constant 0 : i32
      %dma_wait3A_94 = tpu.memref_slice %arg2[%dma_wait3A_92, %dma_wait3A_93] : memref<10000x128xf32, #tpu.memory_space<hbm>> -> memref<10000x128xf32, #tpu.memory_space<hbm>>
      tpu.wait_indirect_dma semaphore(%arg10 : memref<!tpu.dma_semaphore, #tpu.memory_space<semaphore_mem>>) src(%dma_wait3A_94 : memref<10000x128xf32, #tpu.memory_space<hbm>>) dst(%arg9 : memref<128x128xf32, #tpu.memory_space<vmem>>)
      "tpu.region"() ({
        %run_scoped3A = tpu.sem_alloc : memref<!tpu.dma_semaphore, #tpu.memory_space<semaphore_mem>>
        %dma_start3A_95 = arith.constant 0 : i32
        %dma_start3A_96 = tpu.memref_slice %arg8[%scan3A_84, %dma_start3A_95] : memref<40x128xi32, #tpu.memory_space<vmem>> -> memref<1x128xi32, #tpu.memory_space<vmem>>
        %dma_start3A_97 = tpu.memref_squeeze %dma_start3A_96 : memref<1x128xi32, #tpu.memory_space<vmem>> -> memref<128xi32, #tpu.memory_space<vmem>>
        %dma_start3A_98 = arith.constant 0 : i32
        %dma_start3A_99 = arith.constant 0 : i32
        %dma_start3A_100 = tpu.memref_slice %arg11[%dma_start3A_98, %dma_start3A_99] : memref<10240x128xf32, #tpu.memory_space<vmem_shared>> -> memref<10240x128xf32, #tpu.memory_space<vmem_shared>>
        tpu.enqueue_indirect_dma source(%arg9 : memref<128x128xf32, #tpu.memory_space<vmem>>) target(%dma_start3A_100 : memref<10240x128xf32, #tpu.memory_space<vmem_shared>>) offsets(%dma_start3A_97 : memref<128xi32, #tpu.memory_space<vmem>>) semaphore(%run_scoped3A : memref<!tpu.dma_semaphore, #tpu.memory_space<semaphore_mem>>) {add = true}
        %dma_wait3A_101 = arith.constant 0 : i32
        %dma_wait3A_102 = tpu.memref_slice %arg8[%scan3A_84, %dma_wait3A_101] : memref<40x128xi32, #tpu.memory_space<vmem>> -> memref<1x128xi32, #tpu.memory_space<vmem>>
        %dma_wait3A_103 = tpu.memref_squeeze %dma_wait3A_102 : memref<1x128xi32, #tpu.memory_space<vmem>> -> memref<128xi32, #tpu.memory_space<vmem>>
        %dma_wait3A_104 = arith.constant 0 : i32
        %dma_wait3A_105 = arith.constant 0 : i32
        %dma_wait3A_106 = tpu.memref_slice %arg11[%dma_wait3A_104, %dma_wait3A_105] : memref<10240x128xf32, #tpu.memory_space<vmem_shared>> -> memref<10240x128xf32, #tpu.memory_space<vmem_shared>>
        tpu.wait_indirect_dma semaphore(%run_scoped3A : memref<!tpu.dma_semaphore, #tpu.memory_space<semaphore_mem>>) src(%arg9 : memref<128x128xf32, #tpu.memory_space<vmem>>) dst(%dma_wait3A_106 : memref<10240x128xf32, #tpu.memory_space<vmem_shared>>)
        tpu.yield
      }) : () -> ()
    }
    %scan3A_33 = arith.constant 40 : i32
    %mul3A_34 = arith.constant 2 : i32
    %mul3A_35 = arith.muli %add3A, %mul3A_34 : i32
    %add3A_36 = arith.constant 1 : i32
    %add3A_37 = arith.addi %mul3A_35, %add3A_36 : i32
    "tpu.region"() ({
      %run_scoped3A = tpu.sem_alloc : memref<!tpu.dma_semaphore, #tpu.memory_space<semaphore_mem>>
      %dma_start3A = arith.constant 0 : i32
      %dma_start3A_84 = arith.constant 0 : i32
      %dma_start3A_85 = tpu.memref_slice %arg3[%add3A_37, %dma_start3A, %dma_start3A_84] : memref<64x40x128xi32, #tpu.memory_space<hbm>> -> memref<1x40x128xi32, #tpu.memory_space<hbm>>
      %dma_start3A_86 = tpu.memref_squeeze %dma_start3A_85 : memref<1x40x128xi32, #tpu.memory_space<hbm>> -> memref<40x128xi32, #tpu.memory_space<hbm>>
      %dma_start3A_87 = arith.constant 0 : i32
      %dma_start3A_88 = arith.constant 0 : i32
      %dma_start3A_89 = tpu.memref_slice %arg3[%add3A_37, %dma_start3A_87, %dma_start3A_88] : memref<64x40x128xi32, #tpu.memory_space<hbm>> -> memref<1x40x128xi32, #tpu.memory_space<hbm>>
      %dma_start3A_90 = tpu.memref_squeeze %dma_start3A_89 : memref<1x40x128xi32, #tpu.memory_space<hbm>> -> memref<40x128xi32, #tpu.memory_space<hbm>>
      tpu.enqueue_dma source(%dma_start3A_90 : memref<40x128xi32, #tpu.memory_space<hbm>>) target(%arg7 : memref<40x128xi32, #tpu.memory_space<vmem>>) target_semaphore(%run_scoped3A : memref<!tpu.dma_semaphore, #tpu.memory_space<semaphore_mem>>)
      %dma_wait3A = arith.constant 0 : i32
      %dma_wait3A_91 = arith.constant 0 : i32
      %dma_wait3A_92 = tpu.memref_slice %arg3[%add3A_37, %dma_wait3A, %dma_wait3A_91] : memref<64x40x128xi32, #tpu.memory_space<hbm>> -> memref<1x40x128xi32, #tpu.memory_space<hbm>>
      %dma_wait3A_93 = tpu.memref_squeeze %dma_wait3A_92 : memref<1x40x128xi32, #tpu.memory_space<hbm>> -> memref<40x128xi32, #tpu.memory_space<hbm>>
      %dma_wait3A_94 = arith.constant 0 : i32
      %dma_wait3A_95 = arith.constant 0 : i32
      %dma_wait3A_96 = tpu.memref_slice %arg3[%add3A_37, %dma_wait3A_94, %dma_wait3A_95] : memref<64x40x128xi32, #tpu.memory_space<hbm>> -> memref<1x40x128xi32, #tpu.memory_space<hbm>>
      %dma_wait3A_97 = tpu.memref_squeeze %dma_wait3A_96 : memref<1x40x128xi32, #tpu.memory_space<hbm>> -> memref<40x128xi32, #tpu.memory_space<hbm>>
      tpu.wait_dma2 semaphore(%run_scoped3A : memref<!tpu.dma_semaphore, #tpu.memory_space<semaphore_mem>>) src(%dma_wait3A_97 : memref<40x128xi32, #tpu.memory_space<hbm>>) dst(%arg7 : memref<40x128xi32, #tpu.memory_space<vmem>>)
      tpu.yield
    }) : () -> ()
    %mul3A_38 = arith.constant 2 : i32
    %mul3A_39 = arith.muli %add3A, %mul3A_38 : i32
    %add3A_40 = arith.constant 1 : i32
    %add3A_41 = arith.addi %mul3A_39, %add3A_40 : i32
    "tpu.region"() ({
      %run_scoped3A = tpu.sem_alloc : memref<!tpu.dma_semaphore, #tpu.memory_space<semaphore_mem>>
      %dma_start3A = arith.constant 0 : i32
      %dma_start3A_84 = arith.constant 0 : i32
      %dma_start3A_85 = tpu.memref_slice %arg4[%add3A_41, %dma_start3A, %dma_start3A_84] : memref<64x40x128xi32, #tpu.memory_space<hbm>> -> memref<1x40x128xi32, #tpu.memory_space<hbm>>
      %dma_start3A_86 = tpu.memref_squeeze %dma_start3A_85 : memref<1x40x128xi32, #tpu.memory_space<hbm>> -> memref<40x128xi32, #tpu.memory_space<hbm>>
      %dma_start3A_87 = arith.constant 0 : i32
      %dma_start3A_88 = arith.constant 0 : i32
      %dma_start3A_89 = tpu.memref_slice %arg4[%add3A_41, %dma_start3A_87, %dma_start3A_88] : memref<64x40x128xi32, #tpu.memory_space<hbm>> -> memref<1x40x128xi32, #tpu.memory_space<hbm>>
      %dma_start3A_90 = tpu.memref_squeeze %dma_start3A_89 : memref<1x40x128xi32, #tpu.memory_space<hbm>> -> memref<40x128xi32, #tpu.memory_space<hbm>>
      tpu.enqueue_dma source(%dma_start3A_90 : memref<40x128xi32, #tpu.memory_space<hbm>>) target(%arg8 : memref<40x128xi32, #tpu.memory_space<vmem>>) target_semaphore(%run_scoped3A : memref<!tpu.dma_semaphore, #tpu.memory_space<semaphore_mem>>)
      %dma_wait3A = arith.constant 0 : i32
      %dma_wait3A_91 = arith.constant 0 : i32
      %dma_wait3A_92 = tpu.memref_slice %arg4[%add3A_41, %dma_wait3A, %dma_wait3A_91] : memref<64x40x128xi32, #tpu.memory_space<hbm>> -> memref<1x40x128xi32, #tpu.memory_space<hbm>>
      %dma_wait3A_93 = tpu.memref_squeeze %dma_wait3A_92 : memref<1x40x128xi32, #tpu.memory_space<hbm>> -> memref<40x128xi32, #tpu.memory_space<hbm>>
      %dma_wait3A_94 = arith.constant 0 : i32
      %dma_wait3A_95 = arith.constant 0 : i32
      %dma_wait3A_96 = tpu.memref_slice %arg4[%add3A_41, %dma_wait3A_94, %dma_wait3A_95] : memref<64x40x128xi32, #tpu.memory_space<hbm>> -> memref<1x40x128xi32, #tpu.memory_space<hbm>>
      %dma_wait3A_97 = tpu.memref_squeeze %dma_wait3A_96 : memref<1x40x128xi32, #tpu.memory_space<hbm>> -> memref<40x128xi32, #tpu.memory_space<hbm>>
      tpu.wait_dma2 semaphore(%run_scoped3A : memref<!tpu.dma_semaphore, #tpu.memory_space<semaphore_mem>>) src(%dma_wait3A_97 : memref<40x128xi32, #tpu.memory_space<hbm>>) dst(%arg8 : memref<40x128xi32, #tpu.memory_space<vmem>>)
      tpu.yield
    }) : () -> ()
    %scan3A_42 = arith.constant 0 : i32
    %scan3A_43 = arith.constant 0 : i32
    %scan3A_44 = arith.constant 40 : i32
    %scan3A_45 = arith.addi %scan3A_43, %scan3A_44 : i32
    %scan3A_46 = arith.constant 1 : i32
    scf.for %scan3A_84 = %scan3A_43 to %scan3A_45 step %scan3A_46  : i32 {
      %dma_start3A = arith.constant 0 : i32
      %dma_start3A_85 = tpu.memref_slice %arg7[%scan3A_84, %dma_start3A] : memref<40x128xi32, #tpu.memory_space<vmem>> -> memref<1x128xi32, #tpu.memory_space<vmem>>
      %dma_start3A_86 = tpu.memref_squeeze %dma_start3A_85 : memref<1x128xi32, #tpu.memory_space<vmem>> -> memref<128xi32, #tpu.memory_space<vmem>>
      %dma_start3A_87 = arith.constant 0 : i32
      %dma_start3A_88 = arith.constant 0 : i32
      %dma_start3A_89 = tpu.memref_slice %arg2[%dma_start3A_87, %dma_start3A_88] : memref<10000x128xf32, #tpu.memory_space<hbm>> -> memref<10000x128xf32, #tpu.memory_space<hbm>>
      tpu.enqueue_indirect_dma source(%dma_start3A_89 : memref<10000x128xf32, #tpu.memory_space<hbm>>) target(%arg9 : memref<128x128xf32, #tpu.memory_space<vmem>>) offsets(%dma_start3A_86 : memref<128xi32, #tpu.memory_space<vmem>>) semaphore(%arg10 : memref<!tpu.dma_semaphore, #tpu.memory_space<semaphore_mem>>)
      %dma_wait3A = arith.constant 0 : i32
      %dma_wait3A_90 = tpu.memref_slice %arg7[%scan3A_84, %dma_wait3A] : memref<40x128xi32, #tpu.memory_space<vmem>> -> memref<1x128xi32, #tpu.memory_space<vmem>>
      %dma_wait3A_91 = tpu.memref_squeeze %dma_wait3A_90 : memref<1x128xi32, #tpu.memory_space<vmem>> -> memref<128xi32, #tpu.memory_space<vmem>>
      %dma_wait3A_92 = arith.constant 0 : i32
      %dma_wait3A_93 = arith.constant 0 : i32
      %dma_wait3A_94 = tpu.memref_slice %arg2[%dma_wait3A_92, %dma_wait3A_93] : memref<10000x128xf32, #tpu.memory_space<hbm>> -> memref<10000x128xf32, #tpu.memory_space<hbm>>
      tpu.wait_indirect_dma semaphore(%arg10 : memref<!tpu.dma_semaphore, #tpu.memory_space<semaphore_mem>>) src(%dma_wait3A_94 : memref<10000x128xf32, #tpu.memory_space<hbm>>) dst(%arg9 : memref<128x128xf32, #tpu.memory_space<vmem>>)
      "tpu.region"() ({
        %run_scoped3A = tpu.sem_alloc : memref<!tpu.dma_semaphore, #tpu.memory_space<semaphore_mem>>
        %dma_start3A_95 = arith.constant 0 : i32
        %dma_start3A_96 = tpu.memref_slice %arg8[%scan3A_84, %dma_start3A_95] : memref<40x128xi32, #tpu.memory_space<vmem>> -> memref<1x128xi32, #tpu.memory_space<vmem>>
        %dma_start3A_97 = tpu.memref_squeeze %dma_start3A_96 : memref<1x128xi32, #tpu.memory_space<vmem>> -> memref<128xi32, #tpu.memory_space<vmem>>
        %dma_start3A_98 = arith.constant 0 : i32
        %dma_start3A_99 = arith.constant 0 : i32
        %dma_start3A_100 = tpu.memref_slice %arg11[%dma_start3A_98, %dma_start3A_99] : memref<10240x128xf32, #tpu.memory_space<vmem_shared>> -> memref<10240x128xf32, #tpu.memory_space<vmem_shared>>
        tpu.enqueue_indirect_dma source(%arg9 : memref<128x128xf32, #tpu.memory_space<vmem>>) target(%dma_start3A_100 : memref<10240x128xf32, #tpu.memory_space<vmem_shared>>) offsets(%dma_start3A_97 : memref<128xi32, #tpu.memory_space<vmem>>) semaphore(%run_scoped3A : memref<!tpu.dma_semaphore, #tpu.memory_space<semaphore_mem>>) {add = true}
        %dma_wait3A_101 = arith.constant 0 : i32
        %dma_wait3A_102 = tpu.memref_slice %arg8[%scan3A_84, %dma_wait3A_101] : memref<40x128xi32, #tpu.memory_space<vmem>> -> memref<1x128xi32, #tpu.memory_space<vmem>>
        %dma_wait3A_103 = tpu.memref_squeeze %dma_wait3A_102 : memref<1x128xi32, #tpu.memory_space<vmem>> -> memref<128xi32, #tpu.memory_space<vmem>>
        %dma_wait3A_104 = arith.constant 0 : i32
        %dma_wait3A_105 = arith.constant 0 : i32
        %dma_wait3A_106 = tpu.memref_slice %arg11[%dma_wait3A_104, %dma_wait3A_105] : memref<10240x128xf32, #tpu.memory_space<vmem_shared>> -> memref<10240x128xf32, #tpu.memory_space<vmem_shared>>
        tpu.wait_indirect_dma semaphore(%run_scoped3A : memref<!tpu.dma_semaphore, #tpu.memory_space<semaphore_mem>>) src(%arg9 : memref<128x128xf32, #tpu.memory_space<vmem>>) dst(%dma_wait3A_106 : memref<10240x128xf32, #tpu.memory_space<vmem_shared>>)
        tpu.yield
      }) : () -> ()
    }
    %scan3A_47 = arith.constant 40 : i32
    %barrier3A_48 = arith.constant 0 : index
    tpu.barrier barrier_id(%barrier3A_48)
    %mul3A_49 = arith.constant 10240 : i32
    %mul3A_50 = arith.muli %arg0, %mul3A_49 : i32
    %mul3A_51 = arith.constant 640 : i32
    %mul3A_52 = arith.muli %arg1, %mul3A_51 : i32
    %add3A_53 = arith.addi %mul3A_50, %mul3A_52 : i32
    %mul3A_54 = arith.constant 640 : i32
    %mul3A_55 = arith.muli %arg1, %mul3A_54 : i32
    %add3A_56 = arith.constant 0 : i32
    %add3A_57 = arith.addi %mul3A_55, %add3A_56 : i32
    "tpu.region"() ({
      %run_scoped3A = tpu.sem_alloc : memref<!tpu.dma_semaphore, #tpu.memory_space<semaphore_mem>>
      %dma_start3A = arith.constant 0 : i32
      %dma_start3A_84 = tpu.memref_slice %arg11[%add3A_57, %dma_start3A] : memref<10240x128xf32, #tpu.memory_space<vmem_shared>> -> memref<128x128xf32, #tpu.memory_space<vmem_shared>>
      %dma_start3A_85 = arith.constant 0 : i32
      %dma_start3A_86 = tpu.memref_slice %arg11[%add3A_57, %dma_start3A_85] : memref<10240x128xf32, #tpu.memory_space<vmem_shared>> -> memref<128x128xf32, #tpu.memory_space<vmem_shared>>
      tpu.enqueue_dma source(%dma_start3A_86 : memref<128x128xf32, #tpu.memory_space<vmem_shared>>) target(%arg9 : memref<128x128xf32, #tpu.memory_space<vmem>>) target_semaphore(%run_scoped3A : memref<!tpu.dma_semaphore, #tpu.memory_space<semaphore_mem>>)
      %dma_wait3A = arith.constant 0 : i32
      %dma_wait3A_87 = tpu.memref_slice %arg11[%add3A_57, %dma_wait3A] : memref<10240x128xf32, #tpu.memory_space<vmem_shared>> -> memref<128x128xf32, #tpu.memory_space<vmem_shared>>
      %dma_wait3A_88 = arith.constant 0 : i32
      %dma_wait3A_89 = tpu.memref_slice %arg11[%add3A_57, %dma_wait3A_88] : memref<10240x128xf32, #tpu.memory_space<vmem_shared>> -> memref<128x128xf32, #tpu.memory_space<vmem_shared>>
      tpu.wait_dma2 semaphore(%run_scoped3A : memref<!tpu.dma_semaphore, #tpu.memory_space<semaphore_mem>>) src(%dma_wait3A_89 : memref<128x128xf32, #tpu.memory_space<vmem_shared>>) dst(%arg9 : memref<128x128xf32, #tpu.memory_space<vmem>>)
      tpu.yield
    }) : () -> ()
    %add3A_58 = arith.constant 0 : i32
    %add3A_59 = arith.addi %add3A_53, %add3A_58 : i32
    "tpu.region"() ({
      %run_scoped3A = tpu.sem_alloc : memref<!tpu.dma_semaphore, #tpu.memory_space<semaphore_mem>>
      %dma_start3A = arith.constant 0 : i32
      %dma_start3A_84 = tpu.memref_slice %arg6[%add3A_59, %dma_start3A] : memref<20480x128xf32, #tpu.memory_space<hbm>> -> memref<128x128xf32, #tpu.memory_space<hbm>>
      %dma_start3A_85 = arith.constant 0 : i32
      %dma_start3A_86 = tpu.memref_slice %arg6[%add3A_59, %dma_start3A_85] : memref<20480x128xf32, #tpu.memory_space<hbm>> -> memref<128x128xf32, #tpu.memory_space<hbm>>
      tpu.enqueue_dma source(%arg9 : memref<128x128xf32, #tpu.memory_space<vmem>>) target(%dma_start3A_86 : memref<128x128xf32, #tpu.memory_space<hbm>>) target_semaphore(%run_scoped3A : memref<!tpu.dma_semaphore, #tpu.memory_space<semaphore_mem>>)
      %dma_wait3A = arith.constant 0 : i32
      %dma_wait3A_87 = tpu.memref_slice %arg6[%add3A_59, %dma_wait3A] : memref<20480x128xf32, #tpu.memory_space<hbm>> -> memref<128x128xf32, #tpu.memory_space<hbm>>
      %dma_wait3A_88 = arith.constant 0 : i32
      %dma_wait3A_89 = tpu.memref_slice %arg6[%add3A_59, %dma_wait3A_88] : memref<20480x128xf32, #tpu.memory_space<hbm>> -> memref<128x128xf32, #tpu.memory_space<hbm>>
      tpu.wait_dma2 semaphore(%run_scoped3A : memref<!tpu.dma_semaphore, #tpu.memory_space<semaphore_mem>>) src(%arg9 : memref<128x128xf32, #tpu.memory_space<vmem>>) dst(%dma_wait3A_89 : memref<128x128xf32, #tpu.memory_space<hbm>>)
      tpu.yield
    }) : () -> ()
    %mul3A_60 = arith.constant 640 : i32
    %mul3A_61 = arith.muli %arg1, %mul3A_60 : i32
    %add3A_62 = arith.constant 128 : i32
    %add3A_63 = arith.addi %mul3A_61, %add3A_62 : i32
    "tpu.region"() ({
      %run_scoped3A = tpu.sem_alloc : memref<!tpu.dma_semaphore, #tpu.memory_space<semaphore_mem>>
      %dma_start3A = arith.constant 0 : i32
      %dma_start3A_84 = tpu.memref_slice %arg11[%add3A_63, %dma_start3A] : memref<10240x128xf32, #tpu.memory_space<vmem_shared>> -> memref<128x128xf32, #tpu.memory_space<vmem_shared>>
      %dma_start3A_85 = arith.constant 0 : i32
      %dma_start3A_86 = tpu.memref_slice %arg11[%add3A_63, %dma_start3A_85] : memref<10240x128xf32, #tpu.memory_space<vmem_shared>> -> memref<128x128xf32, #tpu.memory_space<vmem_shared>>
      tpu.enqueue_dma source(%dma_start3A_86 : memref<128x128xf32, #tpu.memory_space<vmem_shared>>) target(%arg9 : memref<128x128xf32, #tpu.memory_space<vmem>>) target_semaphore(%run_scoped3A : memref<!tpu.dma_semaphore, #tpu.memory_space<semaphore_mem>>)
      %dma_wait3A = arith.constant 0 : i32
      %dma_wait3A_87 = tpu.memref_slice %arg11[%add3A_63, %dma_wait3A] : memref<10240x128xf32, #tpu.memory_space<vmem_shared>> -> memref<128x128xf32, #tpu.memory_space<vmem_shared>>
      %dma_wait3A_88 = arith.constant 0 : i32
      %dma_wait3A_89 = tpu.memref_slice %arg11[%add3A_63, %dma_wait3A_88] : memref<10240x128xf32, #tpu.memory_space<vmem_shared>> -> memref<128x128xf32, #tpu.memory_space<vmem_shared>>
      tpu.wait_dma2 semaphore(%run_scoped3A : memref<!tpu.dma_semaphore, #tpu.memory_space<semaphore_mem>>) src(%dma_wait3A_89 : memref<128x128xf32, #tpu.memory_space<vmem_shared>>) dst(%arg9 : memref<128x128xf32, #tpu.memory_space<vmem>>)
      tpu.yield
    }) : () -> ()
    %add3A_64 = arith.constant 128 : i32
    %add3A_65 = arith.addi %add3A_53, %add3A_64 : i32
    "tpu.region"() ({
      %run_scoped3A = tpu.sem_alloc : memref<!tpu.dma_semaphore, #tpu.memory_space<semaphore_mem>>
      %dma_start3A = arith.constant 0 : i32
      %dma_start3A_84 = tpu.memref_slice %arg6[%add3A_65, %dma_start3A] : memref<20480x128xf32, #tpu.memory_space<hbm>> -> memref<128x128xf32, #tpu.memory_space<hbm>>
      %dma_start3A_85 = arith.constant 0 : i32
      %dma_start3A_86 = tpu.memref_slice %arg6[%add3A_65, %dma_start3A_85] : memref<20480x128xf32, #tpu.memory_space<hbm>> -> memref<128x128xf32, #tpu.memory_space<hbm>>
      tpu.enqueue_dma source(%arg9 : memref<128x128xf32, #tpu.memory_space<vmem>>) target(%dma_start3A_86 : memref<128x128xf32, #tpu.memory_space<hbm>>) target_semaphore(%run_scoped3A : memref<!tpu.dma_semaphore, #tpu.memory_space<semaphore_mem>>)
      %dma_wait3A = arith.constant 0 : i32
      %dma_wait3A_87 = tpu.memref_slice %arg6[%add3A_65, %dma_wait3A] : memref<20480x128xf32, #tpu.memory_space<hbm>> -> memref<128x128xf32, #tpu.memory_space<hbm>>
      %dma_wait3A_88 = arith.constant 0 : i32
      %dma_wait3A_89 = tpu.memref_slice %arg6[%add3A_65, %dma_wait3A_88] : memref<20480x128xf32, #tpu.memory_space<hbm>> -> memref<128x128xf32, #tpu.memory_space<hbm>>
      tpu.wait_dma2 semaphore(%run_scoped3A : memref<!tpu.dma_semaphore, #tpu.memory_space<semaphore_mem>>) src(%arg9 : memref<128x128xf32, #tpu.memory_space<vmem>>) dst(%dma_wait3A_89 : memref<128x128xf32, #tpu.memory_space<hbm>>)
      tpu.yield
    }) : () -> ()
    %mul3A_66 = arith.constant 640 : i32
    %mul3A_67 = arith.muli %arg1, %mul3A_66 : i32
    %add3A_68 = arith.constant 256 : i32
    %add3A_69 = arith.addi %mul3A_67, %add3A_68 : i32
    "tpu.region"() ({
      %run_scoped3A = tpu.sem_alloc : memref<!tpu.dma_semaphore, #tpu.memory_space<semaphore_mem>>
      %dma_start3A = arith.constant 0 : i32
      %dma_start3A_84 = tpu.memref_slice %arg11[%add3A_69, %dma_start3A] : memref<10240x128xf32, #tpu.memory_space<vmem_shared>> -> memref<128x128xf32, #tpu.memory_space<vmem_shared>>
      %dma_start3A_85 = arith.constant 0 : i32
      %dma_start3A_86 = tpu.memref_slice %arg11[%add3A_69, %dma_start3A_85] : memref<10240x128xf32, #tpu.memory_space<vmem_shared>> -> memref<128x128xf32, #tpu.memory_space<vmem_shared>>
      tpu.enqueue_dma source(%dma_start3A_86 : memref<128x128xf32, #tpu.memory_space<vmem_shared>>) target(%arg9 : memref<128x128xf32, #tpu.memory_space<vmem>>) target_semaphore(%run_scoped3A : memref<!tpu.dma_semaphore, #tpu.memory_space<semaphore_mem>>)
      %dma_wait3A = arith.constant 0 : i32
      %dma_wait3A_87 = tpu.memref_slice %arg11[%add3A_69, %dma_wait3A] : memref<10240x128xf32, #tpu.memory_space<vmem_shared>> -> memref<128x128xf32, #tpu.memory_space<vmem_shared>>
      %dma_wait3A_88 = arith.constant 0 : i32
      %dma_wait3A_89 = tpu.memref_slice %arg11[%add3A_69, %dma_wait3A_88] : memref<10240x128xf32, #tpu.memory_space<vmem_shared>> -> memref<128x128xf32, #tpu.memory_space<vmem_shared>>
      tpu.wait_dma2 semaphore(%run_scoped3A : memref<!tpu.dma_semaphore, #tpu.memory_space<semaphore_mem>>) src(%dma_wait3A_89 : memref<128x128xf32, #tpu.memory_space<vmem_shared>>) dst(%arg9 : memref<128x128xf32, #tpu.memory_space<vmem>>)
      tpu.yield
    }) : () -> ()
    %add3A_70 = arith.constant 256 : i32
    %add3A_71 = arith.addi %add3A_53, %add3A_70 : i32
    "tpu.region"() ({
      %run_scoped3A = tpu.sem_alloc : memref<!tpu.dma_semaphore, #tpu.memory_space<semaphore_mem>>
      %dma_start3A = arith.constant 0 : i32
      %dma_start3A_84 = tpu.memref_slice %arg6[%add3A_71, %dma_start3A] : memref<20480x128xf32, #tpu.memory_space<hbm>> -> memref<128x128xf32, #tpu.memory_space<hbm>>
      %dma_start3A_85 = arith.constant 0 : i32
      %dma_start3A_86 = tpu.memref_slice %arg6[%add3A_71, %dma_start3A_85] : memref<20480x128xf32, #tpu.memory_space<hbm>> -> memref<128x128xf32, #tpu.memory_space<hbm>>
      tpu.enqueue_dma source(%arg9 : memref<128x128xf32, #tpu.memory_space<vmem>>) target(%dma_start3A_86 : memref<128x128xf32, #tpu.memory_space<hbm>>) target_semaphore(%run_scoped3A : memref<!tpu.dma_semaphore, #tpu.memory_space<semaphore_mem>>)
      %dma_wait3A = arith.constant 0 : i32
      %dma_wait3A_87 = tpu.memref_slice %arg6[%add3A_71, %dma_wait3A] : memref<20480x128xf32, #tpu.memory_space<hbm>> -> memref<128x128xf32, #tpu.memory_space<hbm>>
      %dma_wait3A_88 = arith.constant 0 : i32
      %dma_wait3A_89 = tpu.memref_slice %arg6[%add3A_71, %dma_wait3A_88] : memref<20480x128xf32, #tpu.memory_space<hbm>> -> memref<128x128xf32, #tpu.memory_space<hbm>>
      tpu.wait_dma2 semaphore(%run_scoped3A : memref<!tpu.dma_semaphore, #tpu.memory_space<semaphore_mem>>) src(%arg9 : memref<128x128xf32, #tpu.memory_space<vmem>>) dst(%dma_wait3A_89 : memref<128x128xf32, #tpu.memory_space<hbm>>)
      tpu.yield
    }) : () -> ()
    %mul3A_72 = arith.constant 640 : i32
    %mul3A_73 = arith.muli %arg1, %mul3A_72 : i32
    %add3A_74 = arith.constant 384 : i32
    %add3A_75 = arith.addi %mul3A_73, %add3A_74 : i32
    "tpu.region"() ({
      %run_scoped3A = tpu.sem_alloc : memref<!tpu.dma_semaphore, #tpu.memory_space<semaphore_mem>>
      %dma_start3A = arith.constant 0 : i32
      %dma_start3A_84 = tpu.memref_slice %arg11[%add3A_75, %dma_start3A] : memref<10240x128xf32, #tpu.memory_space<vmem_shared>> -> memref<128x128xf32, #tpu.memory_space<vmem_shared>>
      %dma_start3A_85 = arith.constant 0 : i32
      %dma_start3A_86 = tpu.memref_slice %arg11[%add3A_75, %dma_start3A_85] : memref<10240x128xf32, #tpu.memory_space<vmem_shared>> -> memref<128x128xf32, #tpu.memory_space<vmem_shared>>
      tpu.enqueue_dma source(%dma_start3A_86 : memref<128x128xf32, #tpu.memory_space<vmem_shared>>) target(%arg9 : memref<128x128xf32, #tpu.memory_space<vmem>>) target_semaphore(%run_scoped3A : memref<!tpu.dma_semaphore, #tpu.memory_space<semaphore_mem>>)
      %dma_wait3A = arith.constant 0 : i32
      %dma_wait3A_87 = tpu.memref_slice %arg11[%add3A_75, %dma_wait3A] : memref<10240x128xf32, #tpu.memory_space<vmem_shared>> -> memref<128x128xf32, #tpu.memory_space<vmem_shared>>
      %dma_wait3A_88 = arith.constant 0 : i32
      %dma_wait3A_89 = tpu.memref_slice %arg11[%add3A_75, %dma_wait3A_88] : memref<10240x128xf32, #tpu.memory_space<vmem_shared>> -> memref<128x128xf32, #tpu.memory_space<vmem_shared>>
      tpu.wait_dma2 semaphore(%run_scoped3A : memref<!tpu.dma_semaphore, #tpu.memory_space<semaphore_mem>>) src(%dma_wait3A_89 : memref<128x128xf32, #tpu.memory_space<vmem_shared>>) dst(%arg9 : memref<128x128xf32, #tpu.memory_space<vmem>>)
      tpu.yield
    }) : () -> ()
    %add3A_76 = arith.constant 384 : i32
    %add3A_77 = arith.addi %add3A_53, %add3A_76 : i32
    "tpu.region"() ({
      %run_scoped3A = tpu.sem_alloc : memref<!tpu.dma_semaphore, #tpu.memory_space<semaphore_mem>>
      %dma_start3A = arith.constant 0 : i32
      %dma_start3A_84 = tpu.memref_slice %arg6[%add3A_77, %dma_start3A] : memref<20480x128xf32, #tpu.memory_space<hbm>> -> memref<128x128xf32, #tpu.memory_space<hbm>>
      %dma_start3A_85 = arith.constant 0 : i32
      %dma_start3A_86 = tpu.memref_slice %arg6[%add3A_77, %dma_start3A_85] : memref<20480x128xf32, #tpu.memory_space<hbm>> -> memref<128x128xf32, #tpu.memory_space<hbm>>
      tpu.enqueue_dma source(%arg9 : memref<128x128xf32, #tpu.memory_space<vmem>>) target(%dma_start3A_86 : memref<128x128xf32, #tpu.memory_space<hbm>>) target_semaphore(%run_scoped3A : memref<!tpu.dma_semaphore, #tpu.memory_space<semaphore_mem>>)
      %dma_wait3A = arith.constant 0 : i32
      %dma_wait3A_87 = tpu.memref_slice %arg6[%add3A_77, %dma_wait3A] : memref<20480x128xf32, #tpu.memory_space<hbm>> -> memref<128x128xf32, #tpu.memory_space<hbm>>
      %dma_wait3A_88 = arith.constant 0 : i32
      %dma_wait3A_89 = tpu.memref_slice %arg6[%add3A_77, %dma_wait3A_88] : memref<20480x128xf32, #tpu.memory_space<hbm>> -> memref<128x128xf32, #tpu.memory_space<hbm>>
      tpu.wait_dma2 semaphore(%run_scoped3A : memref<!tpu.dma_semaphore, #tpu.memory_space<semaphore_mem>>) src(%arg9 : memref<128x128xf32, #tpu.memory_space<vmem>>) dst(%dma_wait3A_89 : memref<128x128xf32, #tpu.memory_space<hbm>>)
      tpu.yield
    }) : () -> ()
    %mul3A_78 = arith.constant 640 : i32
    %mul3A_79 = arith.muli %arg1, %mul3A_78 : i32
    %add3A_80 = arith.constant 512 : i32
    %add3A_81 = arith.addi %mul3A_79, %add3A_80 : i32
    "tpu.region"() ({
      %run_scoped3A = tpu.sem_alloc : memref<!tpu.dma_semaphore, #tpu.memory_space<semaphore_mem>>
      %dma_start3A = arith.constant 0 : i32
      %dma_start3A_84 = tpu.memref_slice %arg11[%add3A_81, %dma_start3A] : memref<10240x128xf32, #tpu.memory_space<vmem_shared>> -> memref<128x128xf32, #tpu.memory_space<vmem_shared>>
      %dma_start3A_85 = arith.constant 0 : i32
      %dma_start3A_86 = tpu.memref_slice %arg11[%add3A_81, %dma_start3A_85] : memref<10240x128xf32, #tpu.memory_space<vmem_shared>> -> memref<128x128xf32, #tpu.memory_space<vmem_shared>>
      tpu.enqueue_dma source(%dma_start3A_86 : memref<128x128xf32, #tpu.memory_space<vmem_shared>>) target(%arg9 : memref<128x128xf32, #tpu.memory_space<vmem>>) target_semaphore(%run_scoped3A : memref<!tpu.dma_semaphore, #tpu.memory_space<semaphore_mem>>)
      %dma_wait3A = arith.constant 0 : i32
      %dma_wait3A_87 = tpu.memref_slice %arg11[%add3A_81, %dma_wait3A] : memref<10240x128xf32, #tpu.memory_space<vmem_shared>> -> memref<128x128xf32, #tpu.memory_space<vmem_shared>>
      %dma_wait3A_88 = arith.constant 0 : i32
      %dma_wait3A_89 = tpu.memref_slice %arg11[%add3A_81, %dma_wait3A_88] : memref<10240x128xf32, #tpu.memory_space<vmem_shared>> -> memref<128x128xf32, #tpu.memory_space<vmem_shared>>
      tpu.wait_dma2 semaphore(%run_scoped3A : memref<!tpu.dma_semaphore, #tpu.memory_space<semaphore_mem>>) src(%dma_wait3A_89 : memref<128x128xf32, #tpu.memory_space<vmem_shared>>) dst(%arg9 : memref<128x128xf32, #tpu.memory_space<vmem>>)
      tpu.yield
    }) : () -> ()
    %add3A_82 = arith.constant 512 : i32
    %add3A_83 = arith.addi %add3A_53, %add3A_82 : i32
    "tpu.region"() ({
      %run_scoped3A = tpu.sem_alloc : memref<!tpu.dma_semaphore, #tpu.memory_space<semaphore_mem>>
      %dma_start3A = arith.constant 0 : i32
      %dma_start3A_84 = tpu.memref_slice %arg6[%add3A_83, %dma_start3A] : memref<20480x128xf32, #tpu.memory_space<hbm>> -> memref<128x128xf32, #tpu.memory_space<hbm>>
      %dma_start3A_85 = arith.constant 0 : i32
      %dma_start3A_86 = tpu.memref_slice %arg6[%add3A_83, %dma_start3A_85] : memref<20480x128xf32, #tpu.memory_space<hbm>> -> memref<128x128xf32, #tpu.memory_space<hbm>>
      tpu.enqueue_dma source(%arg9 : memref<128x128xf32, #tpu.memory_space<vmem>>) target(%dma_start3A_86 : memref<128x128xf32, #tpu.memory_space<hbm>>) target_semaphore(%run_scoped3A : memref<!tpu.dma_semaphore, #tpu.memory_space<semaphore_mem>>)
      %dma_wait3A = arith.constant 0 : i32
      %dma_wait3A_87 = tpu.memref_slice %arg6[%add3A_83, %dma_wait3A] : memref<20480x128xf32, #tpu.memory_space<hbm>> -> memref<128x128xf32, #tpu.memory_space<hbm>>
      %dma_wait3A_88 = arith.constant 0 : i32
      %dma_wait3A_89 = tpu.memref_slice %arg6[%add3A_83, %dma_wait3A_88] : memref<20480x128xf32, #tpu.memory_space<hbm>> -> memref<128x128xf32, #tpu.memory_space<hbm>>
      tpu.wait_dma2 semaphore(%run_scoped3A : memref<!tpu.dma_semaphore, #tpu.memory_space<semaphore_mem>>) src(%arg9 : memref<128x128xf32, #tpu.memory_space<vmem>>) dst(%dma_wait3A_89 : memref<128x128xf32, #tpu.memory_space<hbm>>)
      tpu.yield
    }) : () -> ()
    return
  }
}

#map = affine_map<(d0, d1) -> (0, 0)>
#map1 = affine_map<(d0, d1) -> (0, 0, 0)>
module attributes {stable_mosaic.version = 14 : i64} {
  func.func @gather_pairs_sc(%arg0: i32, %arg1: i32, %arg2: memref<10000x128xf32, #tpu.memory_space<hbm>>, %arg3: memref<10000x128xf32, #tpu.memory_space<hbm>>, %arg4: memref<32x25x128xi32, #tpu.memory_space<hbm>>, %arg5: memref<32x25x128xi32, #tpu.memory_space<hbm>>, %arg6: memref<102400x128xf32, #tpu.memory_space<hbm>>, %arg7: memref<102400x128xf32, #tpu.memory_space<hbm>>, %arg8: memref<25x128xi32, #tpu.memory_space<vmem>>, %arg9: memref<128x128xf32, #tpu.memory_space<vmem>>, %arg10: memref<!tpu.dma_semaphore, #tpu.memory_space<semaphore_mem>>) attributes {dimension_semantics = [#tpu.dimension_semantics<core_parallel>, #tpu.dimension_semantics<subcore_parallel>], iteration_bounds = array<i64: 2, 16>, scalar_prefetch = 0 : i64, scratch_operands = 3 : i64, tpu.core_type = #tpu.core_type<sc_vector_subcore>, window_params = [{transform_indices = #map}, {transform_indices = #map}, {transform_indices = #map1}, {transform_indices = #map1}, {transform_indices = #map}, {transform_indices = #map}]} {
    %mul3A = arith.constant 2 : i32
    %mul3A_0 = arith.muli %arg1, %mul3A : i32
    %add3A = arith.addi %mul3A_0, %arg0 : i32
    "tpu.region"() ({
      %run_scoped3A = tpu.sem_alloc : memref<!tpu.dma_semaphore, #tpu.memory_space<semaphore_mem>>
      %dma_start3A = arith.constant 0 : i32
      %dma_start3A_12 = arith.constant 0 : i32
      %dma_start3A_13 = tpu.memref_slice %arg4[%add3A, %dma_start3A, %dma_start3A_12] : memref<32x25x128xi32, #tpu.memory_space<hbm>> -> memref<1x25x128xi32, #tpu.memory_space<hbm>>
      %dma_start3A_14 = tpu.memref_squeeze %dma_start3A_13 : memref<1x25x128xi32, #tpu.memory_space<hbm>> -> memref<25x128xi32, #tpu.memory_space<hbm>>
      %dma_start3A_15 = arith.constant 0 : i32
      %dma_start3A_16 = arith.constant 0 : i32
      %dma_start3A_17 = tpu.memref_slice %arg4[%add3A, %dma_start3A_15, %dma_start3A_16] : memref<32x25x128xi32, #tpu.memory_space<hbm>> -> memref<1x25x128xi32, #tpu.memory_space<hbm>>
      %dma_start3A_18 = tpu.memref_squeeze %dma_start3A_17 : memref<1x25x128xi32, #tpu.memory_space<hbm>> -> memref<25x128xi32, #tpu.memory_space<hbm>>
      tpu.enqueue_dma source(%dma_start3A_18 : memref<25x128xi32, #tpu.memory_space<hbm>>) target(%arg8 : memref<25x128xi32, #tpu.memory_space<vmem>>) target_semaphore(%run_scoped3A : memref<!tpu.dma_semaphore, #tpu.memory_space<semaphore_mem>>)
      %dma_wait3A = arith.constant 0 : i32
      %dma_wait3A_19 = arith.constant 0 : i32
      %dma_wait3A_20 = tpu.memref_slice %arg4[%add3A, %dma_wait3A, %dma_wait3A_19] : memref<32x25x128xi32, #tpu.memory_space<hbm>> -> memref<1x25x128xi32, #tpu.memory_space<hbm>>
      %dma_wait3A_21 = tpu.memref_squeeze %dma_wait3A_20 : memref<1x25x128xi32, #tpu.memory_space<hbm>> -> memref<25x128xi32, #tpu.memory_space<hbm>>
      %dma_wait3A_22 = arith.constant 0 : i32
      %dma_wait3A_23 = arith.constant 0 : i32
      %dma_wait3A_24 = tpu.memref_slice %arg4[%add3A, %dma_wait3A_22, %dma_wait3A_23] : memref<32x25x128xi32, #tpu.memory_space<hbm>> -> memref<1x25x128xi32, #tpu.memory_space<hbm>>
      %dma_wait3A_25 = tpu.memref_squeeze %dma_wait3A_24 : memref<1x25x128xi32, #tpu.memory_space<hbm>> -> memref<25x128xi32, #tpu.memory_space<hbm>>
      tpu.wait_dma2 semaphore(%run_scoped3A : memref<!tpu.dma_semaphore, #tpu.memory_space<semaphore_mem>>) src(%dma_wait3A_25 : memref<25x128xi32, #tpu.memory_space<hbm>>) dst(%arg8 : memref<25x128xi32, #tpu.memory_space<vmem>>)
      tpu.yield
    }) : () -> ()
    %scan3A = arith.constant 0 : i32
    %scan3A_1 = arith.constant 0 : i32
    %scan3A_2 = arith.constant 25 : i32
    %scan3A_3 = arith.addi %scan3A_1, %scan3A_2 : i32
    %scan3A_4 = arith.constant 1 : i32
    scf.for %scan3A_12 = %scan3A_1 to %scan3A_3 step %scan3A_4  : i32 {
      %dma_start3A = arith.constant 0 : i32
      %dma_start3A_13 = tpu.memref_slice %arg8[%scan3A_12, %dma_start3A] : memref<25x128xi32, #tpu.memory_space<vmem>> -> memref<1x128xi32, #tpu.memory_space<vmem>>
      %dma_start3A_14 = tpu.memref_squeeze %dma_start3A_13 : memref<1x128xi32, #tpu.memory_space<vmem>> -> memref<128xi32, #tpu.memory_space<vmem>>
      %dma_start3A_15 = arith.constant 0 : i32
      %dma_start3A_16 = arith.constant 0 : i32
      %dma_start3A_17 = tpu.memref_slice %arg2[%dma_start3A_15, %dma_start3A_16] : memref<10000x128xf32, #tpu.memory_space<hbm>> -> memref<10000x128xf32, #tpu.memory_space<hbm>>
      tpu.enqueue_indirect_dma source(%dma_start3A_17 : memref<10000x128xf32, #tpu.memory_space<hbm>>) target(%arg9 : memref<128x128xf32, #tpu.memory_space<vmem>>) offsets(%dma_start3A_14 : memref<128xi32, #tpu.memory_space<vmem>>) semaphore(%arg10 : memref<!tpu.dma_semaphore, #tpu.memory_space<semaphore_mem>>)
      %dma_wait3A = arith.constant 0 : i32
      %dma_wait3A_18 = tpu.memref_slice %arg8[%scan3A_12, %dma_wait3A] : memref<25x128xi32, #tpu.memory_space<vmem>> -> memref<1x128xi32, #tpu.memory_space<vmem>>
      %dma_wait3A_19 = tpu.memref_squeeze %dma_wait3A_18 : memref<1x128xi32, #tpu.memory_space<vmem>> -> memref<128xi32, #tpu.memory_space<vmem>>
      %dma_wait3A_20 = arith.constant 0 : i32
      %dma_wait3A_21 = arith.constant 0 : i32
      %dma_wait3A_22 = tpu.memref_slice %arg2[%dma_wait3A_20, %dma_wait3A_21] : memref<10000x128xf32, #tpu.memory_space<hbm>> -> memref<10000x128xf32, #tpu.memory_space<hbm>>
      tpu.wait_indirect_dma semaphore(%arg10 : memref<!tpu.dma_semaphore, #tpu.memory_space<semaphore_mem>>) src(%dma_wait3A_22 : memref<10000x128xf32, #tpu.memory_space<hbm>>) dst(%arg9 : memref<128x128xf32, #tpu.memory_space<vmem>>)
      %mul3A_23 = arith.constant 3200 : i32
      %mul3A_24 = arith.muli %add3A, %mul3A_23 : i32
      %mul3A_25 = arith.constant 128 : i32
      %mul3A_26 = arith.muli %scan3A_12, %mul3A_25 : i32
      %add3A_27 = arith.addi %mul3A_24, %mul3A_26 : i32
      "tpu.region"() ({
        %run_scoped3A = tpu.sem_alloc : memref<!tpu.dma_semaphore, #tpu.memory_space<semaphore_mem>>
        %dma_start3A_28 = arith.constant 0 : i32
        %dma_start3A_29 = tpu.memref_slice %arg6[%add3A_27, %dma_start3A_28] : memref<102400x128xf32, #tpu.memory_space<hbm>> -> memref<128x128xf32, #tpu.memory_space<hbm>>
        %dma_start3A_30 = arith.constant 0 : i32
        %dma_start3A_31 = tpu.memref_slice %arg6[%add3A_27, %dma_start3A_30] : memref<102400x128xf32, #tpu.memory_space<hbm>> -> memref<128x128xf32, #tpu.memory_space<hbm>>
        tpu.enqueue_dma source(%arg9 : memref<128x128xf32, #tpu.memory_space<vmem>>) target(%dma_start3A_31 : memref<128x128xf32, #tpu.memory_space<hbm>>) target_semaphore(%run_scoped3A : memref<!tpu.dma_semaphore, #tpu.memory_space<semaphore_mem>>)
        %dma_wait3A_32 = arith.constant 0 : i32
        %dma_wait3A_33 = tpu.memref_slice %arg6[%add3A_27, %dma_wait3A_32] : memref<102400x128xf32, #tpu.memory_space<hbm>> -> memref<128x128xf32, #tpu.memory_space<hbm>>
        %dma_wait3A_34 = arith.constant 0 : i32
        %dma_wait3A_35 = tpu.memref_slice %arg6[%add3A_27, %dma_wait3A_34] : memref<102400x128xf32, #tpu.memory_space<hbm>> -> memref<128x128xf32, #tpu.memory_space<hbm>>
        tpu.wait_dma2 semaphore(%run_scoped3A : memref<!tpu.dma_semaphore, #tpu.memory_space<semaphore_mem>>) src(%arg9 : memref<128x128xf32, #tpu.memory_space<vmem>>) dst(%dma_wait3A_35 : memref<128x128xf32, #tpu.memory_space<hbm>>)
        tpu.yield
      }) : () -> ()
    }
    %scan3A_5 = arith.constant 25 : i32
    "tpu.region"() ({
      %run_scoped3A = tpu.sem_alloc : memref<!tpu.dma_semaphore, #tpu.memory_space<semaphore_mem>>
      %dma_start3A = arith.constant 0 : i32
      %dma_start3A_12 = arith.constant 0 : i32
      %dma_start3A_13 = tpu.memref_slice %arg5[%add3A, %dma_start3A, %dma_start3A_12] : memref<32x25x128xi32, #tpu.memory_space<hbm>> -> memref<1x25x128xi32, #tpu.memory_space<hbm>>
      %dma_start3A_14 = tpu.memref_squeeze %dma_start3A_13 : memref<1x25x128xi32, #tpu.memory_space<hbm>> -> memref<25x128xi32, #tpu.memory_space<hbm>>
      %dma_start3A_15 = arith.constant 0 : i32
      %dma_start3A_16 = arith.constant 0 : i32
      %dma_start3A_17 = tpu.memref_slice %arg5[%add3A, %dma_start3A_15, %dma_start3A_16] : memref<32x25x128xi32, #tpu.memory_space<hbm>> -> memref<1x25x128xi32, #tpu.memory_space<hbm>>
      %dma_start3A_18 = tpu.memref_squeeze %dma_start3A_17 : memref<1x25x128xi32, #tpu.memory_space<hbm>> -> memref<25x128xi32, #tpu.memory_space<hbm>>
      tpu.enqueue_dma source(%dma_start3A_18 : memref<25x128xi32, #tpu.memory_space<hbm>>) target(%arg8 : memref<25x128xi32, #tpu.memory_space<vmem>>) target_semaphore(%run_scoped3A : memref<!tpu.dma_semaphore, #tpu.memory_space<semaphore_mem>>)
      %dma_wait3A = arith.constant 0 : i32
      %dma_wait3A_19 = arith.constant 0 : i32
      %dma_wait3A_20 = tpu.memref_slice %arg5[%add3A, %dma_wait3A, %dma_wait3A_19] : memref<32x25x128xi32, #tpu.memory_space<hbm>> -> memref<1x25x128xi32, #tpu.memory_space<hbm>>
      %dma_wait3A_21 = tpu.memref_squeeze %dma_wait3A_20 : memref<1x25x128xi32, #tpu.memory_space<hbm>> -> memref<25x128xi32, #tpu.memory_space<hbm>>
      %dma_wait3A_22 = arith.constant 0 : i32
      %dma_wait3A_23 = arith.constant 0 : i32
      %dma_wait3A_24 = tpu.memref_slice %arg5[%add3A, %dma_wait3A_22, %dma_wait3A_23] : memref<32x25x128xi32, #tpu.memory_space<hbm>> -> memref<1x25x128xi32, #tpu.memory_space<hbm>>
      %dma_wait3A_25 = tpu.memref_squeeze %dma_wait3A_24 : memref<1x25x128xi32, #tpu.memory_space<hbm>> -> memref<25x128xi32, #tpu.memory_space<hbm>>
      tpu.wait_dma2 semaphore(%run_scoped3A : memref<!tpu.dma_semaphore, #tpu.memory_space<semaphore_mem>>) src(%dma_wait3A_25 : memref<25x128xi32, #tpu.memory_space<hbm>>) dst(%arg8 : memref<25x128xi32, #tpu.memory_space<vmem>>)
      tpu.yield
    }) : () -> ()
    %scan3A_6 = arith.constant 0 : i32
    %scan3A_7 = arith.constant 0 : i32
    %scan3A_8 = arith.constant 25 : i32
    %scan3A_9 = arith.addi %scan3A_7, %scan3A_8 : i32
    %scan3A_10 = arith.constant 1 : i32
    scf.for %scan3A_12 = %scan3A_7 to %scan3A_9 step %scan3A_10  : i32 {
      %dma_start3A = arith.constant 0 : i32
      %dma_start3A_13 = tpu.memref_slice %arg8[%scan3A_12, %dma_start3A] : memref<25x128xi32, #tpu.memory_space<vmem>> -> memref<1x128xi32, #tpu.memory_space<vmem>>
      %dma_start3A_14 = tpu.memref_squeeze %dma_start3A_13 : memref<1x128xi32, #tpu.memory_space<vmem>> -> memref<128xi32, #tpu.memory_space<vmem>>
      %dma_start3A_15 = arith.constant 0 : i32
      %dma_start3A_16 = arith.constant 0 : i32
      %dma_start3A_17 = tpu.memref_slice %arg3[%dma_start3A_15, %dma_start3A_16] : memref<10000x128xf32, #tpu.memory_space<hbm>> -> memref<10000x128xf32, #tpu.memory_space<hbm>>
      tpu.enqueue_indirect_dma source(%dma_start3A_17 : memref<10000x128xf32, #tpu.memory_space<hbm>>) target(%arg9 : memref<128x128xf32, #tpu.memory_space<vmem>>) offsets(%dma_start3A_14 : memref<128xi32, #tpu.memory_space<vmem>>) semaphore(%arg10 : memref<!tpu.dma_semaphore, #tpu.memory_space<semaphore_mem>>)
      %dma_wait3A = arith.constant 0 : i32
      %dma_wait3A_18 = tpu.memref_slice %arg8[%scan3A_12, %dma_wait3A] : memref<25x128xi32, #tpu.memory_space<vmem>> -> memref<1x128xi32, #tpu.memory_space<vmem>>
      %dma_wait3A_19 = tpu.memref_squeeze %dma_wait3A_18 : memref<1x128xi32, #tpu.memory_space<vmem>> -> memref<128xi32, #tpu.memory_space<vmem>>
      %dma_wait3A_20 = arith.constant 0 : i32
      %dma_wait3A_21 = arith.constant 0 : i32
      %dma_wait3A_22 = tpu.memref_slice %arg3[%dma_wait3A_20, %dma_wait3A_21] : memref<10000x128xf32, #tpu.memory_space<hbm>> -> memref<10000x128xf32, #tpu.memory_space<hbm>>
      tpu.wait_indirect_dma semaphore(%arg10 : memref<!tpu.dma_semaphore, #tpu.memory_space<semaphore_mem>>) src(%dma_wait3A_22 : memref<10000x128xf32, #tpu.memory_space<hbm>>) dst(%arg9 : memref<128x128xf32, #tpu.memory_space<vmem>>)
      %mul3A_23 = arith.constant 3200 : i32
      %mul3A_24 = arith.muli %add3A, %mul3A_23 : i32
      %mul3A_25 = arith.constant 128 : i32
      %mul3A_26 = arith.muli %scan3A_12, %mul3A_25 : i32
      %add3A_27 = arith.addi %mul3A_24, %mul3A_26 : i32
      "tpu.region"() ({
        %run_scoped3A = tpu.sem_alloc : memref<!tpu.dma_semaphore, #tpu.memory_space<semaphore_mem>>
        %dma_start3A_28 = arith.constant 0 : i32
        %dma_start3A_29 = tpu.memref_slice %arg7[%add3A_27, %dma_start3A_28] : memref<102400x128xf32, #tpu.memory_space<hbm>> -> memref<128x128xf32, #tpu.memory_space<hbm>>
        %dma_start3A_30 = arith.constant 0 : i32
        %dma_start3A_31 = tpu.memref_slice %arg7[%add3A_27, %dma_start3A_30] : memref<102400x128xf32, #tpu.memory_space<hbm>> -> memref<128x128xf32, #tpu.memory_space<hbm>>
        tpu.enqueue_dma source(%arg9 : memref<128x128xf32, #tpu.memory_space<vmem>>) target(%dma_start3A_31 : memref<128x128xf32, #tpu.memory_space<hbm>>) target_semaphore(%run_scoped3A : memref<!tpu.dma_semaphore, #tpu.memory_space<semaphore_mem>>)
        %dma_wait3A_32 = arith.constant 0 : i32
        %dma_wait3A_33 = tpu.memref_slice %arg7[%add3A_27, %dma_wait3A_32] : memref<102400x128xf32, #tpu.memory_space<hbm>> -> memref<128x128xf32, #tpu.memory_space<hbm>>
        %dma_wait3A_34 = arith.constant 0 : i32
        %dma_wait3A_35 = tpu.memref_slice %arg7[%add3A_27, %dma_wait3A_34] : memref<102400x128xf32, #tpu.memory_space<hbm>> -> memref<128x128xf32, #tpu.memory_space<hbm>>
        tpu.wait_dma2 semaphore(%run_scoped3A : memref<!tpu.dma_semaphore, #tpu.memory_space<semaphore_mem>>) src(%arg9 : memref<128x128xf32, #tpu.memory_space<vmem>>) dst(%dma_wait3A_35 : memref<128x128xf32, #tpu.memory_space<hbm>>)
        tpu.yield
      }) : () -> ()
    }
    %scan3A_11 = arith.constant 25 : i32
    return
  }
}

module attributes {stable_mosaic.version = 14 : i64} {
  func.func @_sage_dense_relu_body(%arg0: i32, %arg1: memref<2x1000x128xf32, #tpu.memory_space<vmem>>, %arg2: memref<2x1000x128xf32, #tpu.memory_space<vmem>>, %arg3: memref<1000x128xf32, #tpu.memory_space<vmem>>, %arg4: memref<128x128xf32, #tpu.memory_space<vmem>>, %arg5: memref<128x128xf32, #tpu.memory_space<vmem>>, %arg6: memref<1x128xf32, #tpu.memory_space<vmem>>, %arg7: memref<1000x128xf32, #tpu.memory_space<vmem>>) attributes {dimension_semantics = [#tpu.dimension_semantics<arbitrary>], iteration_bounds = array<i64: 10>, scalar_prefetch = 0 : i64, scratch_operands = 0 : i64, tpu.core_type = #tpu.core_type<tc>, window_params = [{transform_indices = @transform_0, window_bounds = array<i64: 2, 1000, 128>}, {transform_indices = @transform_1, window_bounds = array<i64: 2, 1000, 128>}, {transform_indices = @transform_2, window_bounds = array<i64: 1000, 128>}, {pipeline_mode = #tpu.pipeline_mode<synchronous>, transform_indices = @transform_3, window_bounds = array<i64: 128, 128>}, {pipeline_mode = #tpu.pipeline_mode<synchronous>, transform_indices = @transform_4, window_bounds = array<i64: 128, 128>}, {pipeline_mode = #tpu.pipeline_mode<synchronous>, transform_indices = @transform_5, window_bounds = array<i64: 1, 128>}, {transform_indices = @transform_6, window_bounds = array<i64: 1000, 128>}]} {
    %get3A = arith.constant 0 : index
    %get3A_0 = arith.constant 0 : index
    %get3A_1 = arith.constant 0 : index
    %get3A_2 = vector.load %arg1[%get3A, %get3A_0, %get3A_1] : memref<2x1000x128xf32, #tpu.memory_space<vmem>>, vector<1x1000x128xf32>
    %get3A_3 = vector.shape_cast %get3A_2 : vector<1x1000x128xf32> to vector<1000x128xf32>
    %get3A_4 = arith.constant 1 : index
    %get3A_5 = arith.constant 0 : index
    %get3A_6 = arith.constant 0 : index
    %get3A_7 = vector.load %arg1[%get3A_4, %get3A_5, %get3A_6] : memref<2x1000x128xf32, #tpu.memory_space<vmem>>, vector<1x1000x128xf32>
    %get3A_8 = vector.shape_cast %get3A_7 : vector<1x1000x128xf32> to vector<1000x128xf32>
    %add3A = arith.addf %get3A_3, %get3A_8 : vector<1000x128xf32>
    %get3A_9 = arith.constant 0 : index
    %get3A_10 = arith.constant 0 : index
    %get3A_11 = arith.constant 0 : index
    %get3A_12 = vector.load %arg2[%get3A_9, %get3A_10, %get3A_11] : memref<2x1000x128xf32, #tpu.memory_space<vmem>>, vector<1x1000x128xf32>
    %get3A_13 = vector.shape_cast %get3A_12 : vector<1x1000x128xf32> to vector<1000x128xf32>
    %get3A_14 = arith.constant 1 : index
    %get3A_15 = arith.constant 0 : index
    %get3A_16 = arith.constant 0 : index
    %get3A_17 = vector.load %arg2[%get3A_14, %get3A_15, %get3A_16] : memref<2x1000x128xf32, #tpu.memory_space<vmem>>, vector<1x1000x128xf32>
    %get3A_18 = vector.shape_cast %get3A_17 : vector<1x1000x128xf32> to vector<1000x128xf32>
    %add3A_19 = arith.addf %get3A_13, %get3A_18 : vector<1000x128xf32>
    %slice3A = vector.extract_strided_slice %add3A_19 {offsets = [0, 0], sizes = [1000, 1], strides = [1, 1]} : vector<1000x128xf32> to vector<1000x1xf32>
    %max3A = arith.constant 1.000000e+00 : f32
    %max3A_20 = vector.broadcast %max3A : f32 to vector<1000x1xf32>
    %max3A_21 = arith.maximumf %slice3A, %max3A_20 : vector<1000x1xf32>
    %div3A = vector.broadcast %max3A_21 : vector<1000x1xf32> to vector<1000x128xf32>
    %div3A_22 = arith.divf %add3A, %div3A : vector<1000x128xf32>
    %get3A_23 = arith.constant 0 : index
    %get3A_24 = arith.constant 0 : index
    %get3A_25 = vector.load %arg4[%get3A_23, %get3A_24] : memref<128x128xf32, #tpu.memory_space<vmem>>, vector<128x128xf32>
    %dot_general3A = arith.constant dense<0.000000e+00> : vector<1000x128xf32>
    %dot_general3A_26 = tpu.matmul %div3A_22, %get3A_25, %dot_general3A {dimension_numbers = #tpu.dot_dimension_numbers<[1], [0], [0], [1], [0, 0, 1, 1], [], []>, transpose_lhs_hint = false} : vector<1000x128xf32>, vector<128x128xf32>, vector<1000x128xf32> -> vector<1000x128xf32>
    %get3A_27 = arith.constant 0 : index
    %get3A_28 = arith.constant 0 : index
    %get3A_29 = vector.load %arg3[%get3A_27, %get3A_28] : memref<1000x128xf32, #tpu.memory_space<vmem>>, vector<1000x128xf32>
    %get3A_30 = arith.constant 0 : index
    %get3A_31 = arith.constant 0 : index
    %get3A_32 = vector.load %arg5[%get3A_30, %get3A_31] : memref<128x128xf32, #tpu.memory_space<vmem>>, vector<128x128xf32>
    %dot_general3A_33 = arith.constant dense<0.000000e+00> : vector<1000x128xf32>
    %dot_general3A_34 = tpu.matmul %get3A_29, %get3A_32, %dot_general3A_33 {dimension_numbers = #tpu.dot_dimension_numbers<[1], [0], [0], [1], [0, 0, 1, 1], [], []>, transpose_lhs_hint = false} : vector<1000x128xf32>, vector<128x128xf32>, vector<1000x128xf32> -> vector<1000x128xf32>
    %add3A_35 = arith.addf %dot_general3A_26, %dot_general3A_34 : vector<1000x128xf32>
    %get3A_36 = arith.constant 0 : index
    %get3A_37 = arith.constant 0 : index
    %get3A_38 = vector.load %arg6[%get3A_36, %get3A_37] : memref<1x128xf32, #tpu.memory_space<vmem>>, vector<1x128xf32>
    %add3A_39 = vector.broadcast %get3A_38 : vector<1x128xf32> to vector<1000x128xf32>
    %add3A_40 = arith.addf %add3A_35, %add3A_39 : vector<1000x128xf32>
    %max3A_41 = arith.constant 0.000000e+00 : f32
    %max3A_42 = vector.broadcast %max3A_41 : f32 to vector<1000x128xf32>
    %max3A_43 = arith.maximumf %add3A_40, %max3A_42 : vector<1000x128xf32>
    %swap3A = arith.constant 0 : index
    %swap3A_44 = arith.constant 0 : index
    %swap3A_45 = vector.load %arg7[%swap3A, %swap3A_44] : memref<1000x128xf32, #tpu.memory_space<vmem>>, vector<1000x128xf32>
    tpu.vector_store %arg7[%swap3A, %swap3A_44], %max3A_43 {strides = array<i32>} : memref<1000x128xf32, #tpu.memory_space<vmem>>, vector<1000x128xf32>,
    return
  }
  func.func @transform_0(%arg0: i32) -> (i32, i32, i32) {
    %c0_i32 = arith.constant 0 : i32
    %c0_i32_0 = arith.constant 0 : i32
    %c0_i32_1 = arith.constant 0 : i32
    return %c0_i32, %arg0, %c0_i32_0 : i32, i32, i32
  }
  func.func @transform_1(%arg0: i32) -> (i32, i32, i32) {
    %c0_i32 = arith.constant 0 : i32
    %c0_i32_0 = arith.constant 0 : i32
    %c0_i32_1 = arith.constant 0 : i32
    return %c0_i32, %arg0, %c0_i32_0 : i32, i32, i32
  }
  func.func @transform_2(%arg0: i32) -> (i32, i32) {
    %c0_i32 = arith.constant 0 : i32
    %c0_i32_0 = arith.constant 0 : i32
    return %arg0, %c0_i32 : i32, i32
  }
  func.func @transform_3(%arg0: i32) -> (i32, i32) {
    %c0_i32 = arith.constant 0 : i32
    %c0_i32_0 = arith.constant 0 : i32
    %c0_i32_1 = arith.constant 0 : i32
    return %c0_i32, %c0_i32_0 : i32, i32
  }
  func.func @transform_4(%arg0: i32) -> (i32, i32) {
    %c0_i32 = arith.constant 0 : i32
    %c0_i32_0 = arith.constant 0 : i32
    %c0_i32_1 = arith.constant 0 : i32
    return %c0_i32, %c0_i32_0 : i32, i32
  }
  func.func @transform_5(%arg0: i32) -> (i32, i32) {
    %c0_i32 = arith.constant 0 : i32
    %c0_i32_0 = arith.constant 0 : i32
    %c0_i32_1 = arith.constant 0 : i32
    return %c0_i32, %c0_i32_0 : i32, i32
  }
  func.func @transform_6(%arg0: i32) -> (i32, i32) {
    %c0_i32 = arith.constant 0 : i32
    %c0_i32_0 = arith.constant 0 : i32
    return %arg0, %c0_i32 : i32, i32
  }
}

module attributes {stable_mosaic.version = 14 : i64} {
  func.func @_sage_dense_lin_body(%arg0: i32, %arg1: memref<2x1000x128xf32, #tpu.memory_space<vmem>>, %arg2: memref<2x1000x128xf32, #tpu.memory_space<vmem>>, %arg3: memref<1000x128xf32, #tpu.memory_space<vmem>>, %arg4: memref<128x128xf32, #tpu.memory_space<vmem>>, %arg5: memref<128x128xf32, #tpu.memory_space<vmem>>, %arg6: memref<1x128xf32, #tpu.memory_space<vmem>>, %arg7: memref<1000x128xf32, #tpu.memory_space<vmem>>) attributes {dimension_semantics = [#tpu.dimension_semantics<arbitrary>], iteration_bounds = array<i64: 10>, scalar_prefetch = 0 : i64, scratch_operands = 0 : i64, tpu.core_type = #tpu.core_type<tc>, window_params = [{transform_indices = @transform_0, window_bounds = array<i64: 2, 1000, 128>}, {transform_indices = @transform_1, window_bounds = array<i64: 2, 1000, 128>}, {transform_indices = @transform_2, window_bounds = array<i64: 1000, 128>}, {pipeline_mode = #tpu.pipeline_mode<synchronous>, transform_indices = @transform_3, window_bounds = array<i64: 128, 128>}, {pipeline_mode = #tpu.pipeline_mode<synchronous>, transform_indices = @transform_4, window_bounds = array<i64: 128, 128>}, {pipeline_mode = #tpu.pipeline_mode<synchronous>, transform_indices = @transform_5, window_bounds = array<i64: 1, 128>}, {transform_indices = @transform_6, window_bounds = array<i64: 1000, 128>}]} {
    %get3A = arith.constant 0 : index
    %get3A_0 = arith.constant 0 : index
    %get3A_1 = arith.constant 0 : index
    %get3A_2 = vector.load %arg1[%get3A, %get3A_0, %get3A_1] : memref<2x1000x128xf32, #tpu.memory_space<vmem>>, vector<1x1000x128xf32>
    %get3A_3 = vector.shape_cast %get3A_2 : vector<1x1000x128xf32> to vector<1000x128xf32>
    %get3A_4 = arith.constant 1 : index
    %get3A_5 = arith.constant 0 : index
    %get3A_6 = arith.constant 0 : index
    %get3A_7 = vector.load %arg1[%get3A_4, %get3A_5, %get3A_6] : memref<2x1000x128xf32, #tpu.memory_space<vmem>>, vector<1x1000x128xf32>
    %get3A_8 = vector.shape_cast %get3A_7 : vector<1x1000x128xf32> to vector<1000x128xf32>
    %add3A = arith.addf %get3A_3, %get3A_8 : vector<1000x128xf32>
    %get3A_9 = arith.constant 0 : index
    %get3A_10 = arith.constant 0 : index
    %get3A_11 = arith.constant 0 : index
    %get3A_12 = vector.load %arg2[%get3A_9, %get3A_10, %get3A_11] : memref<2x1000x128xf32, #tpu.memory_space<vmem>>, vector<1x1000x128xf32>
    %get3A_13 = vector.shape_cast %get3A_12 : vector<1x1000x128xf32> to vector<1000x128xf32>
    %get3A_14 = arith.constant 1 : index
    %get3A_15 = arith.constant 0 : index
    %get3A_16 = arith.constant 0 : index
    %get3A_17 = vector.load %arg2[%get3A_14, %get3A_15, %get3A_16] : memref<2x1000x128xf32, #tpu.memory_space<vmem>>, vector<1x1000x128xf32>
    %get3A_18 = vector.shape_cast %get3A_17 : vector<1x1000x128xf32> to vector<1000x128xf32>
    %add3A_19 = arith.addf %get3A_13, %get3A_18 : vector<1000x128xf32>
    %slice3A = vector.extract_strided_slice %add3A_19 {offsets = [0, 0], sizes = [1000, 1], strides = [1, 1]} : vector<1000x128xf32> to vector<1000x1xf32>
    %max3A = arith.constant 1.000000e+00 : f32
    %max3A_20 = vector.broadcast %max3A : f32 to vector<1000x1xf32>
    %max3A_21 = arith.maximumf %slice3A, %max3A_20 : vector<1000x1xf32>
    %div3A = vector.broadcast %max3A_21 : vector<1000x1xf32> to vector<1000x128xf32>
    %div3A_22 = arith.divf %add3A, %div3A : vector<1000x128xf32>
    %get3A_23 = arith.constant 0 : index
    %get3A_24 = arith.constant 0 : index
    %get3A_25 = vector.load %arg4[%get3A_23, %get3A_24] : memref<128x128xf32, #tpu.memory_space<vmem>>, vector<128x128xf32>
    %dot_general3A = arith.constant dense<0.000000e+00> : vector<1000x128xf32>
    %dot_general3A_26 = tpu.matmul %div3A_22, %get3A_25, %dot_general3A {dimension_numbers = #tpu.dot_dimension_numbers<[1], [0], [0], [1], [0, 0, 1, 1], [], []>, transpose_lhs_hint = false} : vector<1000x128xf32>, vector<128x128xf32>, vector<1000x128xf32> -> vector<1000x128xf32>
    %get3A_27 = arith.constant 0 : index
    %get3A_28 = arith.constant 0 : index
    %get3A_29 = vector.load %arg3[%get3A_27, %get3A_28] : memref<1000x128xf32, #tpu.memory_space<vmem>>, vector<1000x128xf32>
    %get3A_30 = arith.constant 0 : index
    %get3A_31 = arith.constant 0 : index
    %get3A_32 = vector.load %arg5[%get3A_30, %get3A_31] : memref<128x128xf32, #tpu.memory_space<vmem>>, vector<128x128xf32>
    %dot_general3A_33 = arith.constant dense<0.000000e+00> : vector<1000x128xf32>
    %dot_general3A_34 = tpu.matmul %get3A_29, %get3A_32, %dot_general3A_33 {dimension_numbers = #tpu.dot_dimension_numbers<[1], [0], [0], [1], [0, 0, 1, 1], [], []>, transpose_lhs_hint = false} : vector<1000x128xf32>, vector<128x128xf32>, vector<1000x128xf32> -> vector<1000x128xf32>
    %add3A_35 = arith.addf %dot_general3A_26, %dot_general3A_34 : vector<1000x128xf32>
    %get3A_36 = arith.constant 0 : index
    %get3A_37 = arith.constant 0 : index
    %get3A_38 = vector.load %arg6[%get3A_36, %get3A_37] : memref<1x128xf32, #tpu.memory_space<vmem>>, vector<1x128xf32>
    %add3A_39 = vector.broadcast %get3A_38 : vector<1x128xf32> to vector<1000x128xf32>
    %add3A_40 = arith.addf %add3A_35, %add3A_39 : vector<1000x128xf32>
    %swap3A = arith.constant 0 : index
    %swap3A_41 = arith.constant 0 : index
    %swap3A_42 = vector.load %arg7[%swap3A, %swap3A_41] : memref<1000x128xf32, #tpu.memory_space<vmem>>, vector<1000x128xf32>
    tpu.vector_store %arg7[%swap3A, %swap3A_41], %add3A_40 {strides = array<i32>} : memref<1000x128xf32, #tpu.memory_space<vmem>>, vector<1000x128xf32>,
    return
  }
  func.func @transform_0(%arg0: i32) -> (i32, i32, i32) {
    %c0_i32 = arith.constant 0 : i32
    %c0_i32_0 = arith.constant 0 : i32
    %c0_i32_1 = arith.constant 0 : i32
    return %c0_i32, %arg0, %c0_i32_0 : i32, i32, i32
  }
  func.func @transform_1(%arg0: i32) -> (i32, i32, i32) {
    %c0_i32 = arith.constant 0 : i32
    %c0_i32_0 = arith.constant 0 : i32
    %c0_i32_1 = arith.constant 0 : i32
    return %c0_i32, %arg0, %c0_i32_0 : i32, i32, i32
  }
  func.func @transform_2(%arg0: i32) -> (i32, i32) {
    %c0_i32 = arith.constant 0 : i32
    %c0_i32_0 = arith.constant 0 : i32
    return %arg0, %c0_i32 : i32, i32
  }
  func.func @transform_3(%arg0: i32) -> (i32, i32) {
    %c0_i32 = arith.constant 0 : i32
    %c0_i32_0 = arith.constant 0 : i32
    %c0_i32_1 = arith.constant 0 : i32
    return %c0_i32, %c0_i32_0 : i32, i32
  }
  func.func @transform_4(%arg0: i32) -> (i32, i32) {
    %c0_i32 = arith.constant 0 : i32
    %c0_i32_0 = arith.constant 0 : i32
    %c0_i32_1 = arith.constant 0 : i32
    return %c0_i32, %c0_i32_0 : i32, i32
  }
  func.func @transform_5(%arg0: i32) -> (i32, i32) {
    %c0_i32 = arith.constant 0 : i32
    %c0_i32_0 = arith.constant 0 : i32
    %c0_i32_1 = arith.constant 0 : i32
    return %c0_i32, %c0_i32_0 : i32, i32
  }
  func.func @transform_6(%arg0: i32) -> (i32, i32) {
    %c0_i32 = arith.constant 0 : i32
    %c0_i32_0 = arith.constant 0 : i32
    return %arg0, %c0_i32 : i32, i32
  }
}

module attributes {stable_mosaic.version = 14 : i64} {
  func.func @_decoder_body(%arg0: i32, %arg1: memref<2048x128xf32, #tpu.memory_space<vmem>>, %arg2: memref<2048x128xf32, #tpu.memory_space<vmem>>, %arg3: memref<256x128xf32, #tpu.memory_space<vmem>>, %arg4: memref<1x128xf32, #tpu.memory_space<vmem>>, %arg5: memref<128x1xf32, #tpu.memory_space<vmem>>, %arg6: memref<1x1xf32, #tpu.memory_space<vmem>>, %arg7: memref<2048x1xf32, #tpu.memory_space<vmem>>) attributes {dimension_semantics = [#tpu.dimension_semantics<arbitrary>], iteration_bounds = array<i64: 50>, scalar_prefetch = 0 : i64, scratch_operands = 0 : i64, tpu.core_type = #tpu.core_type<tc>, window_params = [{transform_indices = @transform_0, window_bounds = array<i64: 2048, 128>}, {transform_indices = @transform_1, window_bounds = array<i64: 2048, 128>}, {pipeline_mode = #tpu.pipeline_mode<synchronous>, transform_indices = @transform_2, window_bounds = array<i64: 256, 128>}, {pipeline_mode = #tpu.pipeline_mode<synchronous>, transform_indices = @transform_3, window_bounds = array<i64: 1, 128>}, {pipeline_mode = #tpu.pipeline_mode<synchronous>, transform_indices = @transform_4, window_bounds = array<i64: 128, 1>}, {pipeline_mode = #tpu.pipeline_mode<synchronous>, transform_indices = @transform_5, window_bounds = array<i64: 1, 1>}, {transform_indices = @transform_6, window_bounds = array<i64: 2048, 1>}]} {
    %get3A = arith.constant 0 : index
    %get3A_0 = arith.constant 0 : index
    %get3A_1 = vector.load %arg1[%get3A, %get3A_0] : memref<2048x128xf32, #tpu.memory_space<vmem>>, vector<2048x128xf32>
    %get3A_2 = arith.constant 0 : index
    %get3A_3 = arith.constant 0 : index
    %get3A_4 = vector.load %arg3[%get3A_2, %get3A_3] : memref<256x128xf32, #tpu.memory_space<vmem>>, vector<128x128xf32>
    %dot_general3A = arith.constant dense<0.000000e+00> : vector<2048x128xf32>
    %dot_general3A_5 = tpu.matmul %get3A_1, %get3A_4, %dot_general3A {dimension_numbers = #tpu.dot_dimension_numbers<[1], [0], [0], [1], [0, 0, 1, 1], [], []>, transpose_lhs_hint = false} : vector<2048x128xf32>, vector<128x128xf32>, vector<2048x128xf32> -> vector<2048x128xf32>
    %get3A_6 = arith.constant 0 : index
    %get3A_7 = arith.constant 0 : index
    %get3A_8 = vector.load %arg2[%get3A_6, %get3A_7] : memref<2048x128xf32, #tpu.memory_space<vmem>>, vector<2048x128xf32>
    %get3A_9 = arith.constant 128 : index
    %get3A_10 = arith.constant 0 : index
    %get3A_11 = vector.load %arg3[%get3A_9, %get3A_10] : memref<256x128xf32, #tpu.memory_space<vmem>>, vector<128x128xf32>
    %dot_general3A_12 = arith.constant dense<0.000000e+00> : vector<2048x128xf32>
    %dot_general3A_13 = tpu.matmul %get3A_8, %get3A_11, %dot_general3A_12 {dimension_numbers = #tpu.dot_dimension_numbers<[1], [0], [0], [1], [0, 0, 1, 1], [], []>, transpose_lhs_hint = false} : vector<2048x128xf32>, vector<128x128xf32>, vector<2048x128xf32> -> vector<2048x128xf32>
    %add3A = arith.addf %dot_general3A_5, %dot_general3A_13 : vector<2048x128xf32>
    %get3A_14 = arith.constant 0 : index
    %get3A_15 = arith.constant 0 : index
    %get3A_16 = vector.load %arg4[%get3A_14, %get3A_15] : memref<1x128xf32, #tpu.memory_space<vmem>>, vector<1x128xf32>
    %add3A_17 = vector.broadcast %get3A_16 : vector<1x128xf32> to vector<2048x128xf32>
    %add3A_18 = arith.addf %add3A, %add3A_17 : vector<2048x128xf32>
    %max3A = arith.constant 0.000000e+00 : f32
    %max3A_19 = vector.broadcast %max3A : f32 to vector<2048x128xf32>
    %max3A_20 = arith.maximumf %add3A_18, %max3A_19 : vector<2048x128xf32>
    %get3A_21 = arith.constant 0 : index
    %get3A_22 = arith.constant 0 : index
    %get3A_23 = vector.load %arg5[%get3A_21, %get3A_22] : memref<128x1xf32, #tpu.memory_space<vmem>>, vector<128x1xf32>
    %dot_general3A_24 = arith.constant dense<0.000000e+00> : vector<2048x1xf32>
    %dot_general3A_25 = tpu.matmul %max3A_20, %get3A_23, %dot_general3A_24 {dimension_numbers = #tpu.dot_dimension_numbers<[1], [0], [0], [1], [0, 0, 1, 1], [], []>, transpose_lhs_hint = false} : vector<2048x128xf32>, vector<128x1xf32>, vector<2048x1xf32> -> vector<2048x1xf32>
    %get3A_26 = arith.constant 0 : index
    %get3A_27 = arith.constant 0 : index
    %get3A_28 = vector.load %arg6[%get3A_26, %get3A_27] : memref<1x1xf32, #tpu.memory_space<vmem>>, vector<1x1xf32>
    %add3A_29 = vector.broadcast %get3A_28 : vector<1x1xf32> to vector<2048x1xf32>
    %add3A_30 = arith.addf %dot_general3A_25, %add3A_29 : vector<2048x1xf32>
    %swap3A = arith.constant 0 : index
    %swap3A_31 = arith.constant 0 : index
    %swap3A_32 = vector.load %arg7[%swap3A, %swap3A_31] : memref<2048x1xf32, #tpu.memory_space<vmem>>, vector<2048x1xf32>
    tpu.vector_store %arg7[%swap3A, %swap3A_31], %add3A_30 {strides = array<i32>} : memref<2048x1xf32, #tpu.memory_space<vmem>>, vector<2048x1xf32>,
    return
  }
  func.func @transform_0(%arg0: i32) -> (i32, i32) {
    %c0_i32 = arith.constant 0 : i32
    %c0_i32_0 = arith.constant 0 : i32
    return %arg0, %c0_i32 : i32, i32
  }
  func.func @transform_1(%arg0: i32) -> (i32, i32) {
    %c0_i32 = arith.constant 0 : i32
    %c0_i32_0 = arith.constant 0 : i32
    return %arg0, %c0_i32 : i32, i32
  }
  func.func @transform_2(%arg0: i32) -> (i32, i32) {
    %c0_i32 = arith.constant 0 : i32
    %c0_i32_0 = arith.constant 0 : i32
    %c0_i32_1 = arith.constant 0 : i32
    return %c0_i32, %c0_i32_0 : i32, i32
  }
  func.func @transform_3(%arg0: i32) -> (i32, i32) {
    %c0_i32 = arith.constant 0 : i32
    %c0_i32_0 = arith.constant 0 : i32
    %c0_i32_1 = arith.constant 0 : i32
    return %c0_i32, %c0_i32_0 : i32, i32
  }
  func.func @transform_4(%arg0: i32) -> (i32, i32) {
    %c0_i32 = arith.constant 0 : i32
    %c0_i32_0 = arith.constant 0 : i32
    %c0_i32_1 = arith.constant 0 : i32
    return %c0_i32, %c0_i32_0 : i32, i32
  }
  func.func @transform_5(%arg0: i32) -> (i32, i32) {
    %c0_i32 = arith.constant 0 : i32
    %c0_i32_0 = arith.constant 0 : i32
    %c0_i32_1 = arith.constant 0 : i32
    return %c0_i32, %c0_i32_0 : i32, i32
  }
  func.func @transform_6(%arg0: i32) -> (i32, i32) {
    %c0_i32 = arith.constant 0 : i32
    %c0_i32_0 = arith.constant 0 : i32
    return %arg0, %c0_i32 : i32, i32
  }
}

</mosaic_0001>

<sc_bundles>
// kernel: cnt_sum_sc.4.cloned.1.call-start
scs
__scs_entry_jumppad:
0x0: {  	(pc) =	sbr.rel $0x88, $3  }
0x1: {  	(tag) =	ssettag $0x0;
	lr =	simm.s32 $0x1  }
0x2: {  	[smem:$0x3F8C] =	sst lr;
	_ =	strace $0xD0000000  }
0x3: {  	_ = 	snop  }
0x4: {  	_ = 	snop  }
0x5: {  	_ = 	snop  }
0x6: {  	_ = 	snop  }
0x7: {  	_ = 	snop  }
__scs_overlays_trampoline_lowered:
0x8: {  	[smem:$0x3F9B] =	sst s0  }
0x9: {  	[smem:$0x3F9C] =	sst s1  }
0xa: {  	[smem:$0x3F9D] =	sst s2  }
0xb: {  	[smem:$0x3F9E] =	sst s3  }
0xc: {  	[smem:$0x3F9F] =	sst s4  }
0xd: {  	[smem:$0x3FA0] =	sst s5  }
0xe: {  	[smem:$0x3FA1] =	sst s6  }
0xf: {  	[smem:$0x3FA2] =	sst s7  }
0x10: {  	[smem:$0x3FA3] =	sst s8  }
0x11: {  	[smem:$0x3FA4] =	sst s9;
	s0 =	simm.s32 @!p0 $0x0  }
0x12: {  	s1 =	sld [smem:$0x3F8A];
	s0 =	simm.s32 @p0 $0x1  }
0x13: {  	[smem:$0x3FA5] =	sst s0;
	s0 =	simm.s32 @!p1 $0x0  }
0x14: {  	s2 =	sld [smem:$0x3F89];
	s0 =	simm.s32 @p1 $0x1  }
0x15: {  	[smem:$0x3FA6] =	sst s0;
	s0 =	simm.s32 @!p2 $0x0  }
0x16: {  	s3 =	sld [smem:$0x3FDB];
	s0 =	simm.s32 @p2 $0x1  }
0x17: {  	s4 =	simm.s32 $0x1BF5;
	[smem:$0x3FA8] =	sst s0  }
0x18: {  	s0 =	sld [smem:$0x3F8B];
	_ =	swait.ge [sflag:s4], $0x0  }
0x19: {  	s7 =	sld [smem:$0x3F8C]  }
0x1a: {  	s8 =	sadd.s32 $0xFFFFE003, lr  }
0x1b: {  	s9 =	sadd.s32 $0xFFFFFEF7, lr;
	s5 =	simm.s32 $0xFFFFFFFF;
	p2 =	slt.u32 s8, $0xFFFFF086  }
0x1c: {  	p1 =	slt.u32 s9, $0xF7A;
	s5 =	simm.s32 @!p2 $0x0  }
0x1d: {  	s5 =	simm.s32 @p1 $0x1;
	p0 =	seq.s32 s7, s2  }
0x1e: {  	s7 =	smul.u32 @!p0 $0xF7A, s2;
	p2 =	seq.s32 @!p0 s5, $0x0  }
0x1f: {  	s9 =	smul.u32 $0xF7A, s1;
	s8 =	simm.s32 @!p0 $0x1BF5;
	p2 =	por !p2, p0  }
0x20: {  	[sflag:s8] =	ssyncset.s32 @!p0 $0xFFFFF086;
	s6 =	sadd.s32 @!p0 s3, s7;
	s7 =	simm.s32 @!p0 $0x108  }
0x21: {  	s3 =	sadd.s32 s3, s9;
	s6 =	sadd.s32 @!p0 $0x88, s6;
	s7 =	simm.s32 @p2 $0x1082  }
0x22: {  	[simem:s7], [sflag:s8] =	dma.local @!p0 [hbm:s6], $0xF7A  }
0x23: {  	s9 =	sor.u32 $0xD0000000, s2;
	s6 =	simm.s32 $0x108;
	_ =	swait.ge @!p0 [sflag:s8], $0x0  }
0x24: {  	s3 =	sadd.s32 $0x88, s3;
	s6 =	simm.s32 @!p1 $0x1082;
	[sflag:s4] =	ssyncset.s32 $0xFFFFF086  }
0x25: {  	[simem:s6], [sflag:s4] =	dma.local [hbm:s3], $0xF7A  }
0x26: {  	[smem:$0x3F8C] =	sst s1;
	(tag) =	ssettag s2;
	_ =	strace s9  }
0x27: {  	s1 =	sld [smem:$0x3F9C]  }
0x28: {  	s2 =	sld [smem:$0x3F9D]  }
0x29: {  	s4 =	sld [smem:$0x3F9F]  }
0x2a: {  	p0 =	seq.s32 s5, $0x0;
	s5 =	sld [smem:$0x3FA0]  }
0x2b: {  	s6 =	sld [smem:$0x3FA1]  }
0x2c: {  	s7 =	sld [smem:$0x3FA2]  }
0x2d: {  	s3 =	simm.s32 $0x108;
	s8 =	sld [smem:$0x3FA3]  }
0x2e: {  	s3 =	simm.s32 @!p0 $0x1082;
	s9 =	sld [smem:$0x3FA4]  }
0x2f: {  	lr =	sadd.s32 s0, s3;
	s0 =	sld [smem:$0x3F9B]  }
0x30: {  	s3 =	sld [smem:$0x3F9E]  }
0x31: {  	[smem:$0x3FA7] =	sst s10  }
0x32: {  	s10 =	sld [smem:$0x3FA5];
	_ =	sdelay $0x3  }
0x33: {  	p0 =	seq.s32 s10, $0x1;
	s10 =	sld [smem:$0x3FA7];
	_ =	sdelay $0x3  }
0x34: {  	[smem:$0x3FA7] =	sst s10  }
0x35: {  	s10 =	sld [smem:$0x3FA6];
	_ =	sdelay $0x3  }
0x36: {  	p1 =	seq.s32 s10, $0x1;
	s10 =	sld [smem:$0x3FA7];
	_ =	sdelay $0x3  }
0x37: {  	[smem:$0x3FA7] =	sst s10  }
0x38: {  	s10 =	sld [smem:$0x3FA8]  }
0x39: {  	_ = 	snop;
	(pc) =	sbr.ind lr, $3  }
0x3a: {  	_ = 	snop  }
0x3b: {  	_ = 	snop  }
0x3c: {  	p2 =	seq.s32 s10, $0x1;
	s10 =	sld [smem:$0x3FA7]  }
0x3d: {  	_ =	shalt  }
0x3e: {  	_ =	shalt  }
0x3f: {  	_ =	shalt  }
0x40: {  	_ =	shalt  }
0x41: {  	_ =	shalt  }
0x42: {  	_ =	shalt  }
0x43: {  	_ =	shalt  }
0x44: {  	_ =	shalt  }
0x45: {  	_ =	shalt  }
0x46: {  	_ =	shalt  }
0x47: {  	_ =	shalt  }
0x48: {  	_ =	shalt  }
0x49: {  	_ =	shalt  }
0x4a: {  	_ =	shalt  }
0x4b: {  	_ =	shalt  }
0x4c: {  	_ =	shalt  }
0x4d: {  	_ =	shalt  }
0x4e: {  	_ =	shalt  }
0x4f: {  	_ =	shalt  }
0x50: {  	_ =	shalt  }
0x51: {  	_ =	shalt  }
0x52: {  	_ =	shalt  }
0x53: {  	_ =	shalt  }
0x54: {  	_ =	shalt  }
0x55: {  	_ =	shalt  }
0x56: {  	_ =	shalt  }
0x57: {  	_ =	shalt  }
0x58: {  	_ =	shalt  }
0x59: {  	_ =	shalt  }
0x5a: {  	_ =	shalt  }
0x5b: {  	_ =	shalt  }
0x5c: {  	_ =	shalt  }
0x5d: {  	_ =	shalt  }
0x5e: {  	_ =	shalt  }
0x5f: {  	_ =	shalt  }
0x60: {  	_ =	shalt  }
0x61: {  	_ =	shalt  }
0x62: {  	_ =	shalt  }
0x63: {  	_ =	shalt  }
0x64: {  	_ =	shalt  }
0x65: {  	_ =	shalt  }
0x66: {  	_ =	shalt  }
0x67: {  	_ =	shalt  }
0x68: {  	_ =	shalt  }
0x69: {  	_ =	shalt  }
0x6a: {  	_ =	shalt  }
0x6b: {  	_ =	shalt  }
0x6c: {  	_ =	shalt  }
0x6d: {  	_ =	shalt  }
0x6e: {  	_ =	shalt  }
0x6f: {  	_ =	shalt  }
0x70: {  	_ =	shalt  }
0x71: {  	_ =	shalt  }
0x72: {  	_ =	shalt  }
0x73: {  	_ =	shalt  }
0x74: {  	_ =	shalt  }
0x75: {  	_ =	shalt  }
0x76: {  	_ =	shalt  }
0x77: {  	_ =	shalt  }
0x78: {  	_ =	shalt  }
0x79: {  	_ =	shalt  }
0x7a: {  	_ =	shalt  }
0x7b: {  	_ =	shalt  }
0x7c: {  	_ =	shalt  }
0x7d: {  	_ =	shalt  }
0x7e: {  	_ =	shalt  }
0x7f: {  	_ =	shalt  }
0x80: {  	_ =	shalt  }
0x81: {  	_ =	shalt  }
0x82: {  	_ =	shalt  }
0x83: {  	_ =	shalt  }
0x84: {  	_ =	shalt  }
0x85: {  	_ =	shalt  }
0x86: {  	_ =	shalt  }
0x87: {  	_ =	shalt  }
.Lfunc_end0:
.L_simem_size_0:
called_computation.2_lowered:
.L_overlay_start_0:
0x88: {  	s2 =	sld [smem:$0x3FD9]  }
0x89: {  	s3 =	sld [smem:$0x3FFE];
	_ =	sdelay $0x1  }
0x8a: {  	s1 =	srdreg.scid  }
0x8b: {  	s0 =	sand.u32 $0x1, s1  }
0x8c: {  	s17 =	sshll.u32 s0, $0xA;
	s2 =	sadd.s32 s3, s2  }
0x8d: {  	s2 =	sadd.s32 s2, s17  }
0x8e: {  	[smem:$0x3FB3] =	sst s2  }
0x8f: {  	_ = 	snop  }
0x90: {  	s18 =	sld [smem:$0x3FD0];
	(tm) =	ssettm $0x1  }
0x91: {  	s19 =	sld [smem:$0x3FFB];
	_ =	sdelay $0x3  }
0x92: {  	_ =	strace s19  }
0x93: {  	s2 =	sld [smem:$0x3FFC];
	_ =	sdelay $0x3  }
0x94: {  	_ =	strace s2  }
0x95: {  	s2 =	sld [smem:$0x3FFD];
	_ =	sdelay $0x3  }
0x96: {  	_ =	strace s2  }
0x97: {  	_ =	strace $0x8FFFFFFF  }
0x98: {  	s20 =	sld [smem:$0x3FDB];
	_ =	sdelay $0x1  }
0x99: {  	s4 =	simm.s32 $_scs_section_size  }
0x9a: {  	s5 =	simm.s32 $_size__tile_overlayer_lowered;
	s6 =	simm.s32 $_tile_overlayer_lowered  }
0x9b: {  	s7 =	simm.s32 $0x1BFF;
	s21 =	sshll.u32 s6, $0x1;
	s4 =	sadd.s32 s4, s20  }
0x9c: {  	s22 =	simm.s32 $0x0;
	s5 =	sshll.u32 s5, $0x1;
	s6 =	sadd.s32 s21, s4  }
0x9d: {  	[timem:s22], [sflag:s7] =	dma.local [hbm:s6], s5  }
0x9e: {  	_ =	swait.ge [sflag:s7], s5  }
0x9f: {  	s5 =	ssub.s32 $0x0, s5;
	[sflag:s7] =	ssyncset.done $0x0  }
0xa0: {  	[sflag:s7] =	ssyncadd.s32 s5;
	_ =	sdelay $0x1  }
0xa1: {  	s23 =	simm.s32 $0x1B8B  }
0xa2: {  	_ =	swait.ge [sflag:s23], $0x1  }
0xa3: {  	[sflag:s23] =	ssyncset.done $0x0  }
0xa4: {  	[sflag:s23] =	ssyncadd.s32 $0xFFFFFFFF  }
0xa5: {  	s5 =	sld [smem:$0x0]  }
0xa6: {  	s6 =	sand.u32 $0xFFFFFFFE, s1  }
0xa7: {  	p0 =	sne.s32 s1, s6  }
0xa8: {  	s6 =	sshll.u32 @p0 s6, $0xE  }
0xa9: {  	s6 =	sadd.s32 @p0 $0x11B8D, s6;
	s7 =	sshll.u32 @p0 s5, $0x11  }
0xaa: {  	s6 =	sor.u32 @p0 s7, s6  }
0xab: {  	[sflag:s6] =	ssyncadd.remote.s32 @p0 $0x1;
	_ =	sdelay $0x1  }
0xac: {  	s6 =	simm.s32 @p0 $0x1B8D  }
0xad: {  	_ =	swait.eq @p0 [sflag:s6], $0x1  }
0xae: {  	[sflag:s6] =	ssyncadd.s32 @p0 $0xFFFFFFFF  }
0xaf: {  	s7 =	sshll.u32 @!p0 s1, $0xE  }
0xb0: {  	s7 =	sor.u32 @!p0 $0x4000, s7;
	s6 =	simm.s32 @!p0 $0x1B8D  }
0xb1: {  	s5 =	sshll.u32 @!p0 s5, $0x11;
	s7 =	sadd.s32 @!p0 $0x11B8D, s7;
	_ =	swait.eq @!p0 [sflag:s6], $0x1  }
0xb2: {  	s5 =	sor.u32 @!p0 s5, s7;
	[sflag:s6] =	ssyncadd.s32 @!p0 $0xFFFFFFFF  }
0xb3: {  	s25 =	simm.s32 $0x1B8E;
	s24 =	sld [smem:$0x3FFE];
	[sflag:s5] =	ssyncadd.remote.s32 @!p0 $0x1  }
0xb4: {  	s26 =	simm.s32 $execute0_lowered;
	[smem:$0x3FD2] =	sst s25  }
0xb5: {  	s6 =	sshll.u32 s26, $0x1;
	_ =	strace $0x80000049;
	[dreg:$0x1] =	wrdreg $0xFFFFFFFF  }
0xb6: {  	s28 =	simm.s32 $_size_execute0_lowered;
	s4 =	sadd.s32 s4, s6;
	[dreg:$0x0] =	wrdreg $0x0  }
0xb7: {  	s6 =	sshll.u32 s28, $0x1;
	[dreg:$0x2] =	wrdreg s4  }
0xb8: {  	[dreg:$0x3] =	wrdreg s6  }
0xb9: {  	[dreg:$0x4] =	wrdreg $0xC0  }
0xba: {  	_ =	task [dreg:s22], $0x5FFFF  }
0xbb: {  	[dreg:$0x1] =	wrdreg $0xFFFFFFFF  }
0xbc: {  	[dreg:$0x0] =	wrdreg $0x60  }
0xbd: {  	[dreg:$0x2] =	wrdreg s24  }
0xbe: {  	[dreg:$0x3] =	wrdreg s18  }
0xbf: {  	[dreg:$0x4] =	wrdreg $0x54000  }
0xc0: {  	[dreg:$0x5] =	wrdreg $0xC  }
0xc1: {  	_ =	task.clear_ibuf [dreg:s22], $0x6FFFF;
	_ =	strace $0x90000049  }
0xc2: {  	s29 =	simm.s32 $0xC;
	_ =	strace $0x8000004B  }
0xc3: {  	_ =	swait.ge [sflag:s29], $0x1  }
0xc4: {  	[sflag:s29] =	ssyncadd.s32 $0xFFFFFFFF  }
0xc5: {  	_ =	strace $0x9000004B  }
0xc6: {  	_ =	sfence  }
0xc7: {  	s30 =	sld [smem:$0x0];
	_ =	sdelay $0x2  }
0xc8: {  	s31 =	sshll.u32 s1, $0xD;
	s1 =	sshrl.u32 s1, $0x2  }
0xc9: {  	s4 =	sand.u32 $0x4000, s31;
	s1 =	sadd.s32 s1, s30  }
0xca: {  	s0 =	sor.u32 s4, s0;
	s1 =	sshll.u32 s1, $0x11  }
0xcb: {  	s0 =	sor.u32 s1, s0  }
0xcc: {  	s0 =	sadd.s32 $0x8F2B, s0  }
0xcd: {  	[sflag:s0] =	ssyncadd.remote.s32 $0x1  }
0xce: {  	_ =	sfence.sel $0xFFFF  }
0xcf: {  	[dreg:$0x0] =	wrdreg $0xFFFFFFFF;
	(pc) =	sbr.abs _section_cstart, $3  }
0xd0: {  	[dreg:$0x1] =	wrdreg $0xFFFFFFFF  }
0xd1: {  	_ =	task.clear_ibuf [dreg:s22], $0x2FFFF;
	_ =	strace $0x9FFFFFFF  }
0xd2: {  	(tm) =	ssettm $0x7FFFFFFF  }
0xd3: {  	_ =	shalt  }
tec
execute0_lowered:
.L_overlay_start_1:
0x0: {  	(tag) =	ssettag $0x1  }
0x1: {  	s7 =	rddreg [dreg:$0x0]  }
0x2: {  	s2 =	rddreg [dreg:$0x1]  }
0x3: {  	s3 =	rddreg [dreg:$0x2]  }
0x4: {  	s0 =	rddreg [dreg:$0x3]  }
0x5: {  	s5 =	srdreg.scid;
	s1 =	stileid.u32;
	s4 =	simm.s32 $0x0  }
0x6: {  	s19 =	simm.s32 $0x1400;
	s20 =	simm.s32 $0x1;
	s21 =	simm.s32 $0x80  }
0x7: {  	s22 =	simm.s32 $0x0;
	s6 =	sand.u32 $0x1, s5;
	s8 =	smul.u32 $0x280, s1  }
0x8: {  	[smem:$0x7FF] =	sst s4;
	s11 =	sadd.s32 $0x23400, s7;
	s26 =	smul.u32 $0x50000, s1  }
0x9: {  	s5 =	sadd.s32 $0x7D400, s7;
	s10 =	sshll.u32 s1, $0x2;
	s9 =	smul.u32 $0x2800, s6  }
0xa: {  	_ =	strace $0x8000004A;
	s12 =	sshll.u32 s6, $0x1;
	s13 =	ssub.s32 $0x2, s6  }
0xb: {  	s28 =	sshrl.u32 s26, $0x2;
	s29 =	sor.u32 s12, s10;
	s30 =	sshrl.u32 s13, $0x1  }
0xc: {  	s8 =	sadd.s32 s8, s9;
	s6 =	sadd.s32 s28, s3;
	s12 =	smul.u32 $0x1400, s29  }
0xd: {  	s18 =	ssub.s32 s13, s30;
	s31 =	smul.u32 $0x280, s29;
	s8 =	sshll.u32 s8, $0x4  }
0xe: {  	s9 =	sadd.s32 $0xC000, s6;
	s10 =	sadd.s32 $0x10000, s6;
	s18 =	smax.u32 s18, $0x1  }
0xf: {  	s17 =	sadd.s32 s8, s7;
	s7 =	sadd.s32 $0x4000, s6;
	s12 =	sshrl.u32 s12, $0x3  }
0x10: {  	s8 =	sadd.s32 $0x8000, s6;
	s12 =	sadd.s32 s11, s12;
	s11 =	sadd.s32 s11, s31  }
0x11: {  	s13 =	sadd.s32 $0x7DC00, s17;
	s14 =	sadd.s32 $0x7E400, s17;
	s15 =	sadd.s32 $0x7EC00, s17  }
0x12: {  	s16 =	sadd.s32 $0x7F400, s17;
	s17 =	sadd.s32 $0x7FC00, s17;
	s12 =	sadd.s32 $0x280, s12  }
.LBB2_1:
0x13: {  	[tilespmem:s19], [sflag:$0x1] =	stream.linear.gather [hbm4b:s2+s4], $0x4000, $0x38;
	[tilespmem:$0x19400] =	vst v63  }
0x14: {  	_ =	swait.ge [sflag:s20], $0x4000  }
0x15: {  	[sflag:s20] =	ssyncset.done $0x0  }
0x16: {  	[sflag:s20] =	ssyncadd.s32 $0xFFFFC000  }
0x17: {  	[spmem:s6] =	stream.linear.scatter [tilespmem:s19], [sflag:$0x1], $0x4000, $0x38;
	[tilespmem:$0x19400] =	vst v63  }
0x18: {  	_ =	swait.ge [sflag:s20], $0x4000  }
0x19: {  	[sflag:s20] =	ssyncset.done $0x0  }
0x1a: {  	[sflag:s20] =	ssyncadd.s32 $0xFFFFC000  }
0x1b: {  	[spmem:s7] =	stream.linear.scatter [tilespmem:s19], [sflag:$0x1], $0x4000, $0x38;
	[tilespmem:$0x19400] =	vst v63  }
0x1c: {  	_ =	swait.ge [sflag:s20], $0x4000  }
0x1d: {  	[sflag:s20] =	ssyncset.done $0x0  }
0x1e: {  	[sflag:s20] =	ssyncadd.s32 $0xFFFFC000  }
0x1f: {  	[spmem:s8] =	stream.linear.scatter [tilespmem:s19], [sflag:$0x1], $0x4000, $0x38;
	[tilespmem:$0x19400] =	vst v63  }
0x20: {  	_ =	swait.ge [sflag:s20], $0x4000  }
0x21: {  	[sflag:s20] =	ssyncset.done $0x0  }
0x22: {  	[sflag:s20] =	ssyncadd.s32 $0xFFFFC000  }
0x23: {  	[spmem:s9] =	stream.linear.scatter [tilespmem:s19], [sflag:$0x1], $0x4000, $0x38;
	[tilespmem:$0x19400] =	vst v63  }
0x24: {  	_ =	swait.ge [sflag:s20], $0x4000  }
0x25: {  	[sflag:s20] =	ssyncset.done $0x0  }
0x26: {  	[sflag:s20] =	ssyncadd.s32 $0xFFFFC000  }
0x27: {  	[spmem:s10] =	stream.linear.scatter [tilespmem:s19], [sflag:$0x1], $0x4000, $0x38;
	[tilespmem:$0x19400] =	vst v63  }
0x28: {  	_ =	swait.ge [sflag:s20], $0x4000  }
0x29: {  	[sflag:s20] =	ssyncset.done $0x0  }
0x2a: {  	[sflag:s20] =	ssyncadd.s32 $0xFFFFC000  }
0x2b: {  	[tilespmem:s19], [sflag:$0x1] =	stream.linear.gather [hbm4b:s5+s4], $0x4000, $0x38;
	[tilespmem:$0x19400] =	vst v63  }
0x2c: {  	_ =	swait.ge [sflag:s20], $0x4000  }
0x2d: {  	[sflag:s20] =	ssyncset.done $0x0  }
0x2e: {  	[sflag:s20] =	ssyncadd.s32 $0xFFFFC000  }
0x2f: {  	[bflag:$0x0] =	sbarrier.arrive $0xFFFF  }
0x30: {  	[tilespmem:s4], [sflag:$0x1] =	stream.linear.gather [hbm4b:s11+s4], $0x1400, $0x38;
	[tilespmem:$0x19400] =	vst v63  }
0x31: {  	_ =	swait.ge [sflag:s20], $0x1400  }
0x32: {  	[sflag:s20] =	ssyncset.done $0x0  }
0x33: {  	s23 =	simm.s32 $0x0;
	[sflag:s20] =	ssyncadd.s32 $0xFFFFEC00  }
0x34: {  	[spmem:s3] =	stream.indirect.scatter.add.f32 [tilespmem:s19], [sflag:$0x1], $0x80, s23, s21, $0xb8;
	[tilespmem:$0x19400] =	vst v63  }
0x35: {  	_ =	swait.ge [sflag:s20], $0x4000  }
0x36: {  	s23 =	simm.s32 $0x200;
	[sflag:s20] =	ssyncset.done $0x0  }
.LBB2_2:
0x37: {  	s24 =	sshra.s32 s23, $0x2;
	[sflag:s20] =	ssyncadd.s32 $0xFFFFC000;
	p0 =	sne.s32 s23, $0x4E00  }
0x38: {  	[spmem:s3] =	stream.indirect.scatter.add.f32 [tilespmem:s19], [sflag:$0x1], $0x80, s24, s21, $0xb8;
	[tilespmem:$0x19400] =	vst v63  }
.Ltmp0:
0x39: {  	_ = 	snop;
	(pc) =	sbr.rel @p0 .LBB2_2-.Ltmp0, $4  }
0x3a: {  	_ = 	snop  }
0x3b: {  	s23 =	sadd.s32 $0x200, s23  }
0x3c: {  	_ =	swait.ge [sflag:s20], $0x4000  }
0x3d: {  	[sflag:s20] =	ssyncset.done $0x0  }
0x3e: {  	[sflag:s20] =	ssyncadd.s32 $0xFFFFC000;
	s23 =	simm.s32 $0x0  }
0x3f: {  	[tilespmem:s23], [sflag:$0x1] =	stream.linear.gather [hbm4b:s12+s23], $0x1400, $0x38;
	[tilespmem:$0x19400] =	vst v63  }
0x40: {  	_ =	swait.ge [sflag:s20], $0x1400  }
0x41: {  	[sflag:s20] =	ssyncset.done $0x0  }
0x42: {  	s31 =	simm.s32 $0x0;
	[sflag:s20] =	ssyncadd.s32 $0xFFFFEC00  }
0x43: {  	[spmem:s3] =	stream.indirect.scatter.add.f32 [tilespmem:s19], [sflag:$0x1], $0x80, s31, s21, $0xb8;
	[tilespmem:$0x19400] =	vst v63  }
0x44: {  	_ =	swait.ge [sflag:s20], $0x4000  }
0x45: {  	s23 =	simm.s32 $0x200;
	[sflag:s20] =	ssyncset.done $0x0  }
.LBB2_4:
0x46: {  	s24 =	sshra.s32 s23, $0x2;
	[sflag:s20] =	ssyncadd.s32 $0xFFFFC000;
	p0 =	sne.s32 s23, $0x4E00  }
0x47: {  	[spmem:s3] =	stream.indirect.scatter.add.f32 [tilespmem:s19], [sflag:$0x1], $0x80, s24, s21, $0xb8;
	[tilespmem:$0x19400] =	vst v63  }
.Ltmp1:
0x48: {  	_ = 	snop;
	(pc) =	sbr.rel @p0 .LBB2_4-.Ltmp1, $4  }
0x49: {  	_ = 	snop  }
0x4a: {  	s23 =	sadd.s32 $0x200, s23  }
0x4b: {  	_ =	swait.ge [sflag:s20], $0x4000  }
0x4c: {  	[sflag:s20] =	ssyncset.done $0x0  }
0x4d: {  	[sflag:s20] =	ssyncadd.s32 $0xFFFFC000  }
0x4e: {  	[bflag:$0x0] =	sbarrier.arrive $0xFFFF  }
0x4f: {  	[tilespmem:s19], [sflag:$0x1] =	stream.linear.gather [spmem:s6], $0x4000, $0x38;
	[tilespmem:$0x19400] =	vst v63  }
0x50: {  	_ =	swait.ge [sflag:s20], $0x4000  }
0x51: {  	[sflag:s20] =	ssyncset.done $0x0  }
0x52: {  	[sflag:s20] =	ssyncadd.s32 $0xFFFFC000  }
0x53: {  	[hbm4b:s13+s4] =	stream.linear.scatter [tilespmem:s19], [sflag:$0x1], $0x4000, $0x38;
	[tilespmem:$0x19400] =	vst v63  }
0x54: {  	_ =	swait.ge [sflag:s20], $0x4000  }
0x55: {  	[sflag:s20] =	ssyncset.done $0x0  }
0x56: {  	[sflag:s20] =	ssyncadd.s32 $0xFFFFC000  }
0x57: {  	[tilespmem:s19], [sflag:$0x1] =	stream.linear.gather [spmem:s7], $0x4000, $0x38;
	[tilespmem:$0x19400] =	vst v63  }
0x58: {  	_ =	swait.ge [sflag:s20], $0x4000  }
0x59: {  	[sflag:s20] =	ssyncset.done $0x0  }
0x5a: {  	[sflag:s20] =	ssyncadd.s32 $0xFFFFC000  }
0x5b: {  	[hbm4b:s14+s4] =	stream.linear.scatter [tilespmem:s19], [sflag:$0x1], $0x4000, $0x38;
	[tilespmem:$0x19400] =	vst v63  }
0x5c: {  	_ =	swait.ge [sflag:s20], $0x4000  }
0x5d: {  	[sflag:s20] =	ssyncset.done $0x0  }
0x5e: {  	[sflag:s20] =	ssyncadd.s32 $0xFFFFC000  }
0x5f: {  	[tilespmem:s19], [sflag:$0x1] =	stream.linear.gather [spmem:s8], $0x4000, $0x38;
	[tilespmem:$0x19400] =	vst v63  }
0x60: {  	_ =	swait.ge [sflag:s20], $0x4000  }
0x61: {  	[sflag:s20] =	ssyncset.done $0x0  }
0x62: {  	[sflag:s20] =	ssyncadd.s32 $0xFFFFC000  }
0x63: {  	[hbm4b:s15+s4] =	stream.linear.scatter [tilespmem:s19], [sflag:$0x1], $0x4000, $0x38;
	[tilespmem:$0x19400] =	vst v63  }
0x64: {  	_ =	swait.ge [sflag:s20], $0x4000  }
0x65: {  	[sflag:s20] =	ssyncset.done $0x0  }
0x66: {  	[sflag:s20] =	ssyncadd.s32 $0xFFFFC000  }
0x67: {  	[tilespmem:s19], [sflag:$0x1] =	stream.linear.gather [spmem:s9], $0x4000, $0x38;
	[tilespmem:$0x19400] =	vst v63  }
0x68: {  	_ =	swait.ge [sflag:s20], $0x4000  }
0x69: {  	[sflag:s20] =	ssyncset.done $0x0  }
0x6a: {  	[sflag:s20] =	ssyncadd.s32 $0xFFFFC000  }
0x6b: {  	[hbm4b:s16+s4] =	stream.linear.scatter [tilespmem:s19], [sflag:$0x1], $0x4000, $0x38;
	[tilespmem:$0x19400] =	vst v63  }
0x6c: {  	_ =	swait.ge [sflag:s20], $0x4000  }
0x6d: {  	[sflag:s20] =	ssyncset.done $0x0  }
0x6e: {  	[sflag:s20] =	ssyncadd.s32 $0xFFFFC000  }
0x6f: {  	[tilespmem:s19], [sflag:$0x1] =	stream.linear.gather [spmem:s10], $0x4000, $0x38;
	[tilespmem:$0x19400] =	vst v63  }
0x70: {  	s22 =	sadd.s32 $0x1, s22;
	_ =	swait.ge [sflag:s20], $0x4000  }
0x71: {  	p0 =	sne.s32 s22, s18;
	[sflag:s20] =	ssyncset.done $0x0  }
.Ltmp2:
0x72: {  	[sflag:s20] =	ssyncadd.s32 $0xFFFFC000;
	(pc) =	sbr.rel @p0 .LBB2_1-.Ltmp2, $4  }
0x73: {  	[hbm4b:s17+s4] =	stream.linear.scatter [tilespmem:s19], [sflag:$0x1], $0x4000, $0x38;
	[tilespmem:$0x19400] =	vst v63  }
0x74: {  	_ =	swait.ge [sflag:s20], $0x4000  }
0x75: {  	[sflag:s20] =	ssyncset.done $0x0  }
0x76: {  	[sflag:s20] =	ssyncadd.s32 $0xFFFFC000  }
0x77: {  	_ =	sfence.sel $0x180000  }
0x78: {  	[bflag:$0x0] =	sbarrier.arrive $0xFFFF  }
0x79: {  	p0 =	sne.s32 s1, $0x0;
	_ =	strace $0x9000004A  }
0x7a: {  	s0 =	sadd.s32 @!p0 $0x100000, s0;
	[bflag:$0x2] =	sbarrier.arrive $0xFFFF  }
0x7b: {  	[sflag:s0] =	ssyncadd.tile.s32 @!p0 $0x1;
	_ =	shalt  }
.Lfunc_end2:
_tile_overlayer_lowered:
.L_overlay_start_2:
0x7c: {  	(tag) =	ssettag $0x2  }
0x7d: {  	s0 =	rddreg [dreg:$0x0];
	s2 =	stileid.u32  }
0x7e: {  	s1 =	rddreg [dreg:$0x1];
	p0 =	sne.s32 s2, $0x0  }
0x7f: {  	s3 =	rddreg [dreg:$0x2];
	[bflag:$0x3] =	sbarrier.arrive $0xFFFF;
	s2 =	simm.s32 @!p0 $0x1C01  }
0x80: {  	[timem:s3], [sflag:s2] =	dma.local @!p0 [hbm:s0], s1  }
0x81: {  	s0 =	simm.s32 @!p0 $0x1  }
0x82: {  	_ =	swait.ge @!p0 [sflag:s0], s1  }
0x83: {  	s1 =	ssub.s32 @!p0 $0x0, s1;
	[sflag:s0] =	ssyncset.done @!p0 $0x0  }
0x84: {  	[sflag:s0] =	ssyncadd.s32 @!p0 s1  }
0x85: {  	[bflag:$0x3] =	sbarrier.arrive $0xFFFF  }
0x86: {  	_ =	shalt  }

// kernel: cnt_sum_sc.7.cloned.1.call-start
scs
__scs_entry_jumppad:
0x0: {  	(pc) =	sbr.rel $0x88, $3  }
0x1: {  	(tag) =	ssettag $0x0;
	lr =	simm.s32 $0x1  }
0x2: {  	[smem:$0x3F8C] =	sst lr;
	_ =	strace $0xD0000000  }
0x3: {  	_ = 	snop  }
0x4: {  	_ = 	snop  }
0x5: {  	_ = 	snop  }
0x6: {  	_ = 	snop  }
0x7: {  	_ = 	snop  }
__scs_overlays_trampoline_lowered:
0x8: {  	[smem:$0x3F9B] =	sst s0  }
0x9: {  	[smem:$0x3F9C] =	sst s1  }
0xa: {  	[smem:$0x3F9D] =	sst s2  }
0xb: {  	[smem:$0x3F9E] =	sst s3  }
0xc: {  	[smem:$0x3F9F] =	sst s4  }
0xd: {  	[smem:$0x3FA0] =	sst s5  }
0xe: {  	[smem:$0x3FA1] =	sst s6  }
0xf: {  	[smem:$0x3FA2] =	sst s7  }
0x10: {  	[smem:$0x3FA3] =	sst s8  }
0x11: {  	[smem:$0x3FA4] =	sst s9;
	s0 =	simm.s32 @!p0 $0x0  }
0x12: {  	s1 =	sld [smem:$0x3F8A];
	s0 =	simm.s32 @p0 $0x1  }
0x13: {  	[smem:$0x3FA5] =	sst s0;
	s0 =	simm.s32 @!p1 $0x0  }
0x14: {  	s2 =	sld [smem:$0x3F89];
	s0 =	simm.s32 @p1 $0x1  }
0x15: {  	[smem:$0x3FA6] =	sst s0;
	s0 =	simm.s32 @!p2 $0x0  }
0x16: {  	s3 =	sld [smem:$0x3FDB];
	s0 =	simm.s32 @p2 $0x1  }
0x17: {  	s4 =	simm.s32 $0x1BF5;
	[smem:$0x3FA8] =	sst s0  }
0x18: {  	s0 =	sld [smem:$0x3F8B];
	_ =	swait.ge [sflag:s4], $0x0  }
0x19: {  	s7 =	sld [smem:$0x3F8C]  }
0x1a: {  	s8 =	sadd.s32 $0xFFFFE003, lr  }
0x1b: {  	s9 =	sadd.s32 $0xFFFFFEF7, lr;
	s5 =	simm.s32 $0xFFFFFFFF;
	p2 =	slt.u32 s8, $0xFFFFF086  }
0x1c: {  	p1 =	slt.u32 s9, $0xF7A;
	s5 =	simm.s32 @!p2 $0x0  }
0x1d: {  	s5 =	simm.s32 @p1 $0x1;
	p0 =	seq.s32 s7, s2  }
0x1e: {  	s7 =	smul.u32 @!p0 $0xF7A, s2;
	p2 =	seq.s32 @!p0 s5, $0x0  }
0x1f: {  	s9 =	smul.u32 $0xF7A, s1;
	s8 =	simm.s32 @!p0 $0x1BF5;
	p2 =	por !p2, p0  }
0x20: {  	[sflag:s8] =	ssyncset.s32 @!p0 $0xFFFFF086;
	s6 =	sadd.s32 @!p0 s3, s7;
	s7 =	simm.s32 @!p0 $0x108  }
0x21: {  	s3 =	sadd.s32 s3, s9;
	s6 =	sadd.s32 @!p0 $0x88, s6;
	s7 =	simm.s32 @p2 $0x1082  }
0x22: {  	[simem:s7], [sflag:s8] =	dma.local @!p0 [hbm:s6], $0xF7A  }
0x23: {  	s9 =	sor.u32 $0xD0000000, s2;
	s6 =	simm.s32 $0x108;
	_ =	swait.ge @!p0 [sflag:s8], $0x0  }
0x24: {  	s3 =	sadd.s32 $0x88, s3;
	s6 =	simm.s32 @!p1 $0x1082;
	[sflag:s4] =	ssyncset.s32 $0xFFFFF086  }
0x25: {  	[simem:s6], [sflag:s4] =	dma.local [hbm:s3], $0xF7A  }
0x26: {  	[smem:$0x3F8C] =	sst s1;
	(tag) =	ssettag s2;
	_ =	strace s9  }
0x27: {  	s1 =	sld [smem:$0x3F9C]  }
0x28: {  	s2 =	sld [smem:$0x3F9D]  }
0x29: {  	s4 =	sld [smem:$0x3F9F]  }
0x2a: {  	p0 =	seq.s32 s5, $0x0;
	s5 =	sld [smem:$0x3FA0]  }
0x2b: {  	s6 =	sld [smem:$0x3FA1]  }
0x2c: {  	s7 =	sld [smem:$0x3FA2]  }
0x2d: {  	s3 =	simm.s32 $0x108;
	s8 =	sld [smem:$0x3FA3]  }
0x2e: {  	s3 =	simm.s32 @!p0 $0x1082;
	s9 =	sld [smem:$0x3FA4]  }
0x2f: {  	lr =	sadd.s32 s0, s3;
	s0 =	sld [smem:$0x3F9B]  }
0x30: {  	s3 =	sld [smem:$0x3F9E]  }
0x31: {  	[smem:$0x3FA7] =	sst s10  }
0x32: {  	s10 =	sld [smem:$0x3FA5];
	_ =	sdelay $0x3  }
0x33: {  	p0 =	seq.s32 s10, $0x1;
	s10 =	sld [smem:$0x3FA7];
	_ =	sdelay $0x3  }
0x34: {  	[smem:$0x3FA7] =	sst s10  }
0x35: {  	s10 =	sld [smem:$0x3FA6];
	_ =	sdelay $0x3  }
0x36: {  	p1 =	seq.s32 s10, $0x1;
	s10 =	sld [smem:$0x3FA7];
	_ =	sdelay $0x3  }
0x37: {  	[smem:$0x3FA7] =	sst s10  }
0x38: {  	s10 =	sld [smem:$0x3FA8]  }
0x39: {  	_ = 	snop;
	(pc) =	sbr.ind lr, $3  }
0x3a: {  	_ = 	snop  }
0x3b: {  	_ = 	snop  }
0x3c: {  	p2 =	seq.s32 s10, $0x1;
	s10 =	sld [smem:$0x3FA7]  }
0x3d: {  	_ =	shalt  }
0x3e: {  	_ =	shalt  }
0x3f: {  	_ =	shalt  }
0x40: {  	_ =	shalt  }
0x41: {  	_ =	shalt  }
0x42: {  	_ =	shalt  }
0x43: {  	_ =	shalt  }
0x44: {  	_ =	shalt  }
0x45: {  	_ =	shalt  }
0x46: {  	_ =	shalt  }
0x47: {  	_ =	shalt  }
0x48: {  	_ =	shalt  }
0x49: {  	_ =	shalt  }
0x4a: {  	_ =	shalt  }
0x4b: {  	_ =	shalt  }
0x4c: {  	_ =	shalt  }
0x4d: {  	_ =	shalt  }
0x4e: {  	_ =	shalt  }
0x4f: {  	_ =	shalt  }
0x50: {  	_ =	shalt  }
0x51: {  	_ =	shalt  }
0x52: {  	_ =	shalt  }
0x53: {  	_ =	shalt  }
0x54: {  	_ =	shalt  }
0x55: {  	_ =	shalt  }
0x56: {  	_ =	shalt  }
0x57: {  	_ =	shalt  }
0x58: {  	_ =	shalt  }
0x59: {  	_ =	shalt  }
0x5a: {  	_ =	shalt  }
0x5b: {  	_ =	shalt  }
0x5c: {  	_ =	shalt  }
0x5d: {  	_ =	shalt  }
0x5e: {  	_ =	shalt  }
0x5f: {  	_ =	shalt  }
0x60: {  	_ =	shalt  }
0x61: {  	_ =	shalt  }
0x62: {  	_ =	shalt  }
0x63: {  	_ =	shalt  }
0x64: {  	_ =	shalt  }
0x65: {  	_ =	shalt  }
0x66: {  	_ =	shalt  }
0x67: {  	_ =	shalt  }
0x68: {  	_ =	shalt  }
0x69: {  	_ =	shalt  }
0x6a: {  	_ =	shalt  }
0x6b: {  	_ =	shalt  }
0x6c: {  	_ =	shalt  }
0x6d: {  	_ =	shalt  }
0x6e: {  	_ =	shalt  }
0x6f: {  	_ =	shalt  }
0x70: {  	_ =	shalt  }
0x71: {  	_ =	shalt  }
0x72: {  	_ =	shalt  }
0x73: {  	_ =	shalt  }
0x74: {  	_ =	shalt  }
0x75: {  	_ =	shalt  }
0x76: {  	_ =	shalt  }
0x77: {  	_ =	shalt  }
0x78: {  	_ =	shalt  }
0x79: {  	_ =	shalt  }
0x7a: {  	_ =	shalt  }
0x7b: {  	_ =	shalt  }
0x7c: {  	_ =	shalt  }
0x7d: {  	_ =	shalt  }
0x7e: {  	_ =	shalt  }
0x7f: {  	_ =	shalt  }
0x80: {  	_ =	shalt  }
0x81: {  	_ =	shalt  }
0x82: {  	_ =	shalt  }
0x83: {  	_ =	shalt  }
0x84: {  	_ =	shalt  }
0x85: {  	_ =	shalt  }
0x86: {  	_ =	shalt  }
0x87: {  	_ =	shalt  }
.Lfunc_end0:
.L_simem_size_0:
called_computation.3_lowered:
.L_overlay_start_0:
0x88: {  	s2 =	sld [smem:$0x3FD9]  }
0x89: {  	s3 =	sld [smem:$0x3FFE];
	_ =	sdelay $0x1  }
0x8a: {  	s1 =	srdreg.scid  }
0x8b: {  	s0 =	sand.u32 $0x1, s1  }
0x8c: {  	s17 =	sshll.u32 s0, $0xA;
	s2 =	sadd.s32 s3, s2  }
0x8d: {  	s2 =	sadd.s32 s2, s17  }
0x8e: {  	[smem:$0x3FB3] =	sst s2  }
0x8f: {  	_ = 	snop  }
0x90: {  	s18 =	sld [smem:$0x3FD0];
	(tm) =	ssettm $0x1  }
0x91: {  	s19 =	sld [smem:$0x3FFB];
	_ =	sdelay $0x3  }
0x92: {  	_ =	strace s19  }
0x93: {  	s2 =	sld [smem:$0x3FFC];
	_ =	sdelay $0x3  }
0x94: {  	_ =	strace s2  }
0x95: {  	s2 =	sld [smem:$0x3FFD];
	_ =	sdelay $0x3  }
0x96: {  	_ =	strace s2  }
0x97: {  	_ =	strace $0x8FFFFFFF  }
0x98: {  	s20 =	sld [smem:$0x3FDB];
	_ =	sdelay $0x1  }
0x99: {  	s4 =	simm.s32 $_scs_section_size  }
0x9a: {  	s5 =	simm.s32 $_size__tile_overlayer_lowered;
	s6 =	simm.s32 $_tile_overlayer_lowered  }
0x9b: {  	s7 =	simm.s32 $0x1BFF;
	s21 =	sshll.u32 s6, $0x1;
	s4 =	sadd.s32 s4, s20  }
0x9c: {  	s22 =	simm.s32 $0x0;
	s5 =	sshll.u32 s5, $0x1;
	s6 =	sadd.s32 s21, s4  }
0x9d: {  	[timem:s22], [sflag:s7] =	dma.local [hbm:s6], s5  }
0x9e: {  	_ =	swait.ge [sflag:s7], s5  }
0x9f: {  	s5 =	ssub.s32 $0x0, s5;
	[sflag:s7] =	ssyncset.done $0x0  }
0xa0: {  	[sflag:s7] =	ssyncadd.s32 s5;
	_ =	sdelay $0x1  }
0xa1: {  	s23 =	simm.s32 $0x1B8B  }
0xa2: {  	_ =	swait.ge [sflag:s23], $0x1  }
0xa3: {  	[sflag:s23] =	ssyncset.done $0x0  }
0xa4: {  	[sflag:s23] =	ssyncadd.s32 $0xFFFFFFFF  }
0xa5: {  	s5 =	sld [smem:$0x0]  }
0xa6: {  	s6 =	sand.u32 $0xFFFFFFFE, s1  }
0xa7: {  	p0 =	sne.s32 s1, s6  }
0xa8: {  	s6 =	sshll.u32 @p0 s6, $0xE  }
0xa9: {  	s6 =	sadd.s32 @p0 $0x11B8D, s6;
	s7 =	sshll.u32 @p0 s5, $0x11  }
0xaa: {  	s6 =	sor.u32 @p0 s7, s6  }
0xab: {  	[sflag:s6] =	ssyncadd.remote.s32 @p0 $0x1;
	_ =	sdelay $0x1  }
0xac: {  	s6 =	simm.s32 @p0 $0x1B8D  }
0xad: {  	_ =	swait.eq @p0 [sflag:s6], $0x1  }
0xae: {  	[sflag:s6] =	ssyncadd.s32 @p0 $0xFFFFFFFF  }
0xaf: {  	s7 =	sshll.u32 @!p0 s1, $0xE  }
0xb0: {  	s7 =	sor.u32 @!p0 $0x4000, s7;
	s6 =	simm.s32 @!p0 $0x1B8D  }
0xb1: {  	s5 =	sshll.u32 @!p0 s5, $0x11;
	s7 =	sadd.s32 @!p0 $0x11B8D, s7;
	_ =	swait.eq @!p0 [sflag:s6], $0x1  }
0xb2: {  	s5 =	sor.u32 @!p0 s5, s7;
	[sflag:s6] =	ssyncadd.s32 @!p0 $0xFFFFFFFF  }
0xb3: {  	s25 =	simm.s32 $0x1B8E;
	s24 =	sld [smem:$0x3FFE];
	[sflag:s5] =	ssyncadd.remote.s32 @!p0 $0x1  }
0xb4: {  	s26 =	simm.s32 $execute0_lowered;
	[smem:$0x3FD2] =	sst s25  }
0xb5: {  	s6 =	sshll.u32 s26, $0x1;
	_ =	strace $0x8000004F;
	[dreg:$0x1] =	wrdreg $0xFFFFFFFF  }
0xb6: {  	s28 =	simm.s32 $_size_execute0_lowered;
	s4 =	sadd.s32 s4, s6;
	[dreg:$0x0] =	wrdreg $0x0  }
0xb7: {  	s6 =	sshll.u32 s28, $0x1;
	[dreg:$0x2] =	wrdreg s4  }
0xb8: {  	[dreg:$0x3] =	wrdreg s6  }
0xb9: {  	[dreg:$0x4] =	wrdreg $0xC0  }
0xba: {  	_ =	task [dreg:s22], $0x5FFFF  }
0xbb: {  	[dreg:$0x1] =	wrdreg $0xFFFFFFFF  }
0xbc: {  	[dreg:$0x0] =	wrdreg $0x60  }
0xbd: {  	[dreg:$0x2] =	wrdreg s24  }
0xbe: {  	[dreg:$0x3] =	wrdreg s18  }
0xbf: {  	[dreg:$0x4] =	wrdreg $0x54000  }
0xc0: {  	[dreg:$0x5] =	wrdreg $0xA  }
0xc1: {  	_ =	task.clear_ibuf [dreg:s22], $0x6FFFF;
	_ =	strace $0x9000004F  }
0xc2: {  	s29 =	simm.s32 $0xA;
	_ =	strace $0x80000051  }
0xc3: {  	_ =	swait.ge [sflag:s29], $0x1  }
0xc4: {  	[sflag:s29] =	ssyncadd.s32 $0xFFFFFFFF  }
0xc5: {  	_ =	strace $0x90000051  }
0xc6: {  	_ =	sfence  }
0xc7: {  	s30 =	sld [smem:$0x0];
	_ =	sdelay $0x2  }
0xc8: {  	s31 =	sshll.u32 s1, $0xD;
	s1 =	sshrl.u32 s1, $0x2  }
0xc9: {  	s4 =	sand.u32 $0x4000, s31;
	s1 =	sadd.s32 s1, s30  }
0xca: {  	s0 =	sor.u32 s4, s0;
	s1 =	sshll.u32 s1, $0x11  }
0xcb: {  	s0 =	sor.u32 s1, s0  }
0xcc: {  	s0 =	sadd.s32 $0x8F2B, s0  }
0xcd: {  	[sflag:s0] =	ssyncadd.remote.s32 $0x1  }
0xce: {  	_ =	sfence.sel $0xFFFF  }
0xcf: {  	[dreg:$0x0] =	wrdreg $0xFFFFFFFF;
	(pc) =	sbr.abs _section_cstart, $3  }
0xd0: {  	[dreg:$0x1] =	wrdreg $0xFFFFFFFF  }
0xd1: {  	_ =	task.clear_ibuf [dreg:s22], $0x2FFFF;
	_ =	strace $0x9FFFFFFF  }
0xd2: {  	(tm) =	ssettm $0x7FFFFFFF  }
0xd3: {  	_ =	shalt  }
tec
execute0_lowered:
.L_overlay_start_1:
0x0: {  	(tag) =	ssettag $0x1  }
0x1: {  	s6 =	rddreg [dreg:$0x0]  }
0x2: {  	s1 =	rddreg [dreg:$0x1]  }
0x3: {  	s3 =	rddreg [dreg:$0x2]  }
0x4: {  	s0 =	rddreg [dreg:$0x3]  }
0x5: {  	s4 =	simm.s32 $0x0;
	s5 =	srdreg.scid;
	s2 =	stileid.u32  }
0x6: {  	s19 =	simm.s32 $0x1400;
	s20 =	simm.s32 $0x1;
	s21 =	simm.s32 $0x80  }
0x7: {  	s22 =	simm.s32 $0x0;
	[smem:$0x7FF] =	sst s4;
	s8 =	smul.u32 $0x280, s2  }
0x8: {  	s7 =	sand.u32 $0x1, s5;
	s14 =	sadd.s32 $0xF400, s6;
	s10 =	smul.u32 $0x50000, s2  }
0x9: {  	s11 =	sshll.u32 s2, $0x2;
	s5 =	sadd.s32 $0x7D400, s6;
	s9 =	smul.u32 $0x2800, s7  }
0xa: {  	_ =	strace $0x80000050;
	s12 =	sshll.u32 s7, $0x1;
	s31 =	ssub.s32 $0x2, s7  }
0xb: {  	s11 =	sor.u32 s12, s11;
	s29 =	sshrl.u32 s10, $0x2;
	s8 =	sadd.s32 s8, s9  }
0xc: {  	s13 =	sshrl.u32 s31, $0x1;
	s30 =	smul.u32 $0x1400, s11;
	s8 =	sshll.u32 s8, $0x4  }
0xd: {  	s16 =	smul.u32 $0x280, s11;
	s17 =	sadd.s32 s8, s6;
	s6 =	sadd.s32 s29, s3  }
0xe: {  	s10 =	sshrl.u32 s30, $0x3;
	s7 =	sadd.s32 $0x4000, s6;
	s8 =	sadd.s32 $0x8000, s6  }
0xf: {  	s9 =	sadd.s32 $0xC000, s6;
	s15 =	sadd.s32 s14, s10;
	s10 =	sadd.s32 $0x10000, s6  }
0x10: {  	s18 =	ssub.s32 s31, s13;
	s12 =	sadd.s32 $0x11DC00, s17;
	s13 =	sadd.s32 $0x11E400, s17  }
0x11: {  	s14 =	sadd.s32 s14, s16;
	s16 =	sadd.s32 $0x11F400, s17;
	s11 =	sadd.s32 $0x280, s15  }
0x12: {  	s18 =	smax.u32 s18, $0x1;
	s15 =	sadd.s32 $0x11EC00, s17;
	s17 =	sadd.s32 $0x11FC00, s17  }
.LBB2_1:
0x13: {  	[tilespmem:s19], [sflag:$0x1] =	stream.linear.gather [hbm4b:s1+s4], $0x4000, $0x38;
	[tilespmem:$0x19400] =	vst v63  }
0x14: {  	_ =	swait.ge [sflag:s20], $0x4000  }
0x15: {  	[sflag:s20] =	ssyncset.done $0x0  }
0x16: {  	[sflag:s20] =	ssyncadd.s32 $0xFFFFC000  }
0x17: {  	[spmem:s6] =	stream.linear.scatter [tilespmem:s19], [sflag:$0x1], $0x4000, $0x38;
	[tilespmem:$0x19400] =	vst v63  }
0x18: {  	_ =	swait.ge [sflag:s20], $0x4000  }
0x19: {  	[sflag:s20] =	ssyncset.done $0x0  }
0x1a: {  	[sflag:s20] =	ssyncadd.s32 $0xFFFFC000  }
0x1b: {  	[spmem:s7] =	stream.linear.scatter [tilespmem:s19], [sflag:$0x1], $0x4000, $0x38;
	[tilespmem:$0x19400] =	vst v63  }
0x1c: {  	_ =	swait.ge [sflag:s20], $0x4000  }
0x1d: {  	[sflag:s20] =	ssyncset.done $0x0  }
0x1e: {  	[sflag:s20] =	ssyncadd.s32 $0xFFFFC000  }
0x1f: {  	[spmem:s8] =	stream.linear.scatter [tilespmem:s19], [sflag:$0x1], $0x4000, $0x38;
	[tilespmem:$0x19400] =	vst v63  }
0x20: {  	_ =	swait.ge [sflag:s20], $0x4000  }
0x21: {  	[sflag:s20] =	ssyncset.done $0x0  }
0x22: {  	[sflag:s20] =	ssyncadd.s32 $0xFFFFC000  }
0x23: {  	[spmem:s9] =	stream.linear.scatter [tilespmem:s19], [sflag:$0x1], $0x4000, $0x38;
	[tilespmem:$0x19400] =	vst v63  }
0x24: {  	_ =	swait.ge [sflag:s20], $0x4000  }
0x25: {  	[sflag:s20] =	ssyncset.done $0x0  }
0x26: {  	[sflag:s20] =	ssyncadd.s32 $0xFFFFC000  }
0x27: {  	[spmem:s10] =	stream.linear.scatter [tilespmem:s19], [sflag:$0x1], $0x4000, $0x38;
	[tilespmem:$0x19400] =	vst v63  }
0x28: {  	_ =	swait.ge [sflag:s20], $0x4000  }
0x29: {  	[sflag:s20] =	ssyncset.done $0x0  }
0x2a: {  	[sflag:s20] =	ssyncadd.s32 $0xFFFFC000  }
0x2b: {  	[tilespmem:s19], [sflag:$0x1] =	stream.linear.gather [hbm4b:s5+s4], $0x4000, $0x38;
	[tilespmem:$0x19400] =	vst v63  }
0x2c: {  	_ =	swait.ge [sflag:s20], $0x4000  }
0x2d: {  	[sflag:s20] =	ssyncset.done $0x0  }
0x2e: {  	[sflag:s20] =	ssyncadd.s32 $0xFFFFC000  }
0x2f: {  	[bflag:$0x0] =	sbarrier.arrive $0xFFFF  }
0x30: {  	[tilespmem:s4], [sflag:$0x1] =	stream.linear.gather [hbm4b:s14+s4], $0x1400, $0x38;
	[tilespmem:$0x19400] =	vst v63  }
0x31: {  	_ =	swait.ge [sflag:s20], $0x1400  }
0x32: {  	[sflag:s20] =	ssyncset.done $0x0  }
0x33: {  	s23 =	simm.s32 $0x0;
	[sflag:s20] =	ssyncadd.s32 $0xFFFFEC00  }
0x34: {  	[spmem:s3] =	stream.indirect.scatter.add.f32 [tilespmem:s19], [sflag:$0x1], $0x80, s23, s21, $0xb8;
	[tilespmem:$0x19400] =	vst v63  }
0x35: {  	_ =	swait.ge [sflag:s20], $0x4000  }
0x36: {  	s23 =	simm.s32 $0x200;
	[sflag:s20] =	ssyncset.done $0x0  }
.LBB2_2:
0x37: {  	s24 =	sshra.s32 s23, $0x2;
	[sflag:s20] =	ssyncadd.s32 $0xFFFFC000;
	p0 =	sne.s32 s23, $0x4E00  }
0x38: {  	[spmem:s3] =	stream.indirect.scatter.add.f32 [tilespmem:s19], [sflag:$0x1], $0x80, s24, s21, $0xb8;
	[tilespmem:$0x19400] =	vst v63  }
.Ltmp0:
0x39: {  	_ = 	snop;
	(pc) =	sbr.rel @p0 .LBB2_2-.Ltmp0, $4  }
0x3a: {  	_ = 	snop  }
0x3b: {  	s23 =	sadd.s32 $0x200, s23  }
0x3c: {  	_ =	swait.ge [sflag:s20], $0x4000  }
0x3d: {  	[sflag:s20] =	ssyncset.done $0x0  }
0x3e: {  	[sflag:s20] =	ssyncadd.s32 $0xFFFFC000;
	s23 =	simm.s32 $0x0  }
0x3f: {  	[tilespmem:s23], [sflag:$0x1] =	stream.linear.gather [hbm4b:s11+s23], $0x1400, $0x38;
	[tilespmem:$0x19400] =	vst v63  }
0x40: {  	_ =	swait.ge [sflag:s20], $0x1400  }
0x41: {  	[sflag:s20] =	ssyncset.done $0x0  }
0x42: {  	s31 =	simm.s32 $0x0;
	[sflag:s20] =	ssyncadd.s32 $0xFFFFEC00  }
0x43: {  	[spmem:s3] =	stream.indirect.scatter.add.f32 [tilespmem:s19], [sflag:$0x1], $0x80, s31, s21, $0xb8;
	[tilespmem:$0x19400] =	vst v63  }
0x44: {  	_ =	swait.ge [sflag:s20], $0x4000  }
0x45: {  	s23 =	simm.s32 $0x200;
	[sflag:s20] =	ssyncset.done $0x0  }
.LBB2_4:
0x46: {  	s24 =	sshra.s32 s23, $0x2;
	[sflag:s20] =	ssyncadd.s32 $0xFFFFC000;
	p0 =	sne.s32 s23, $0x4E00  }
0x47: {  	[spmem:s3] =	stream.indirect.scatter.add.f32 [tilespmem:s19], [sflag:$0x1], $0x80, s24, s21, $0xb8;
	[tilespmem:$0x19400] =	vst v63  }
.Ltmp1:
0x48: {  	_ = 	snop;
	(pc) =	sbr.rel @p0 .LBB2_4-.Ltmp1, $4  }
0x49: {  	_ = 	snop  }
0x4a: {  	s23 =	sadd.s32 $0x200, s23  }
0x4b: {  	_ =	swait.ge [sflag:s20], $0x4000  }
0x4c: {  	[sflag:s20] =	ssyncset.done $0x0  }
0x4d: {  	[sflag:s20] =	ssyncadd.s32 $0xFFFFC000  }
0x4e: {  	[bflag:$0x0] =	sbarrier.arrive $0xFFFF  }
0x4f: {  	[tilespmem:s19], [sflag:$0x1] =	stream.linear.gather [spmem:s6], $0x4000, $0x38;
	[tilespmem:$0x19400] =	vst v63  }
0x50: {  	_ =	swait.ge [sflag:s20], $0x4000  }
0x51: {  	[sflag:s20] =	ssyncset.done $0x0  }
0x52: {  	[sflag:s20] =	ssyncadd.s32 $0xFFFFC000  }
0x53: {  	[hbm4b:s12+s4] =	stream.linear.scatter [tilespmem:s19], [sflag:$0x1], $0x4000, $0x38;
	[tilespmem:$0x19400] =	vst v63  }
0x54: {  	_ =	swait.ge [sflag:s20], $0x4000  }
0x55: {  	[sflag:s20] =	ssyncset.done $0x0  }
0x56: {  	[sflag:s20] =	ssyncadd.s32 $0xFFFFC000  }
0x57: {  	[tilespmem:s19], [sflag:$0x1] =	stream.linear.gather [spmem:s7], $0x4000, $0x38;
	[tilespmem:$0x19400] =	vst v63  }
0x58: {  	_ =	swait.ge [sflag:s20], $0x4000  }
0x59: {  	[sflag:s20] =	ssyncset.done $0x0  }
0x5a: {  	[sflag:s20] =	ssyncadd.s32 $0xFFFFC000  }
0x5b: {  	[hbm4b:s13+s4] =	stream.linear.scatter [tilespmem:s19], [sflag:$0x1], $0x4000, $0x38;
	[tilespmem:$0x19400] =	vst v63  }
0x5c: {  	_ =	swait.ge [sflag:s20], $0x4000  }
0x5d: {  	[sflag:s20] =	ssyncset.done $0x0  }
0x5e: {  	[sflag:s20] =	ssyncadd.s32 $0xFFFFC000  }
0x5f: {  	[tilespmem:s19], [sflag:$0x1] =	stream.linear.gather [spmem:s8], $0x4000, $0x38;
	[tilespmem:$0x19400] =	vst v63  }
0x60: {  	_ =	swait.ge [sflag:s20], $0x4000  }
0x61: {  	[sflag:s20] =	ssyncset.done $0x0  }
0x62: {  	[sflag:s20] =	ssyncadd.s32 $0xFFFFC000  }
0x63: {  	[hbm4b:s15+s4] =	stream.linear.scatter [tilespmem:s19], [sflag:$0x1], $0x4000, $0x38;
	[tilespmem:$0x19400] =	vst v63  }
0x64: {  	_ =	swait.ge [sflag:s20], $0x4000  }
0x65: {  	[sflag:s20] =	ssyncset.done $0x0  }
0x66: {  	[sflag:s20] =	ssyncadd.s32 $0xFFFFC000  }
0x67: {  	[tilespmem:s19], [sflag:$0x1] =	stream.linear.gather [spmem:s9], $0x4000, $0x38;
	[tilespmem:$0x19400] =	vst v63  }
0x68: {  	_ =	swait.ge [sflag:s20], $0x4000  }
0x69: {  	[sflag:s20] =	ssyncset.done $0x0  }
0x6a: {  	[sflag:s20] =	ssyncadd.s32 $0xFFFFC000  }
0x6b: {  	[hbm4b:s16+s4] =	stream.linear.scatter [tilespmem:s19], [sflag:$0x1], $0x4000, $0x38;
	[tilespmem:$0x19400] =	vst v63  }
0x6c: {  	_ =	swait.ge [sflag:s20], $0x4000  }
0x6d: {  	[sflag:s20] =	ssyncset.done $0x0  }
0x6e: {  	[sflag:s20] =	ssyncadd.s32 $0xFFFFC000  }
0x6f: {  	[tilespmem:s19], [sflag:$0x1] =	stream.linear.gather [spmem:s10], $0x4000, $0x38;
	[tilespmem:$0x19400] =	vst v63  }
0x70: {  	s22 =	sadd.s32 $0x1, s22;
	_ =	swait.ge [sflag:s20], $0x4000  }
0x71: {  	p0 =	sne.s32 s22, s18;
	[sflag:s20] =	ssyncset.done $0x0  }
.Ltmp2:
0x72: {  	[sflag:s20] =	ssyncadd.s32 $0xFFFFC000;
	(pc) =	sbr.rel @p0 .LBB2_1-.Ltmp2, $4  }
0x73: {  	[hbm4b:s17+s4] =	stream.linear.scatter [tilespmem:s19], [sflag:$0x1], $0x4000, $0x38;
	[tilespmem:$0x19400] =	vst v63  }
0x74: {  	_ =	swait.ge [sflag:s20], $0x4000  }
0x75: {  	[sflag:s20] =	ssyncset.done $0x0  }
0x76: {  	[sflag:s20] =	ssyncadd.s32 $0xFFFFC000  }
0x77: {  	_ =	sfence.sel $0x180000  }
0x78: {  	[bflag:$0x0] =	sbarrier.arrive $0xFFFF  }
0x79: {  	p0 =	sne.s32 s2, $0x0;
	_ =	strace $0x90000050  }
0x7a: {  	s0 =	sadd.s32 @!p0 $0x100000, s0;
	[bflag:$0x2] =	sbarrier.arrive $0xFFFF  }
0x7b: {  	[sflag:s0] =	ssyncadd.tile.s32 @!p0 $0x1;
	_ =	shalt  }
.Lfunc_end2:
_tile_overlayer_lowered:
.L_overlay_start_2:
0x7c: {  	(tag) =	ssettag $0x2  }
0x7d: {  	s0 =	rddreg [dreg:$0x0];
	s2 =	stileid.u32  }
0x7e: {  	s1 =	rddreg [dreg:$0x1];
	p0 =	sne.s32 s2, $0x0  }
0x7f: {  	s3 =	rddreg [dreg:$0x2];
	[bflag:$0x3] =	sbarrier.arrive $0xFFFF;
	s2 =	simm.s32 @!p0 $0x1C01  }
0x80: {  	[timem:s3], [sflag:s2] =	dma.local @!p0 [hbm:s0], s1  }
0x81: {  	s0 =	simm.s32 @!p0 $0x1  }
0x82: {  	_ =	swait.ge @!p0 [sflag:s0], s1  }
0x83: {  	s1 =	ssub.s32 @!p0 $0x0, s1;
	[sflag:s0] =	ssyncset.done @!p0 $0x0  }
0x84: {  	[sflag:s0] =	ssyncadd.s32 @!p0 s1  }
0x85: {  	[bflag:$0x3] =	sbarrier.arrive $0xFFFF  }
0x86: {  	_ =	shalt  }

// kernel: gather_pairs_sc.3.cloned.1.call-start
scs
__scs_entry_jumppad:
0x0: {  	(pc) =	sbr.rel $0x88, $3  }
0x1: {  	(tag) =	ssettag $0x0;
	lr =	simm.s32 $0x1  }
0x2: {  	[smem:$0x3F8C] =	sst lr;
	_ =	strace $0xD0000000  }
0x3: {  	_ = 	snop  }
0x4: {  	_ = 	snop  }
0x5: {  	_ = 	snop  }
0x6: {  	_ = 	snop  }
0x7: {  	_ = 	snop  }
__scs_overlays_trampoline_lowered:
0x8: {  	[smem:$0x3F9B] =	sst s0  }
0x9: {  	[smem:$0x3F9C] =	sst s1  }
0xa: {  	[smem:$0x3F9D] =	sst s2  }
0xb: {  	[smem:$0x3F9E] =	sst s3  }
0xc: {  	[smem:$0x3F9F] =	sst s4  }
0xd: {  	[smem:$0x3FA0] =	sst s5  }
0xe: {  	[smem:$0x3FA1] =	sst s6  }
0xf: {  	[smem:$0x3FA2] =	sst s7  }
0x10: {  	[smem:$0x3FA3] =	sst s8  }
0x11: {  	[smem:$0x3FA4] =	sst s9;
	s0 =	simm.s32 @!p0 $0x0  }
0x12: {  	s1 =	sld [smem:$0x3F8A];
	s0 =	simm.s32 @p0 $0x1  }
0x13: {  	[smem:$0x3FA5] =	sst s0;
	s0 =	simm.s32 @!p1 $0x0  }
0x14: {  	s2 =	sld [smem:$0x3F89];
	s0 =	simm.s32 @p1 $0x1  }
0x15: {  	[smem:$0x3FA6] =	sst s0;
	s0 =	simm.s32 @!p2 $0x0  }
0x16: {  	s3 =	sld [smem:$0x3FDB];
	s0 =	simm.s32 @p2 $0x1  }
0x17: {  	s4 =	simm.s32 $0x1BF5;
	[smem:$0x3FA8] =	sst s0  }
0x18: {  	s0 =	sld [smem:$0x3F8B];
	_ =	swait.ge [sflag:s4], $0x0  }
0x19: {  	s7 =	sld [smem:$0x3F8C]  }
0x1a: {  	s8 =	sadd.s32 $0xFFFFE003, lr  }
0x1b: {  	s9 =	sadd.s32 $0xFFFFFEF7, lr;
	s5 =	simm.s32 $0xFFFFFFFF;
	p2 =	slt.u32 s8, $0xFFFFF086  }
0x1c: {  	p1 =	slt.u32 s9, $0xF7A;
	s5 =	simm.s32 @!p2 $0x0  }
0x1d: {  	s5 =	simm.s32 @p1 $0x1;
	p0 =	seq.s32 s7, s2  }
0x1e: {  	s7 =	smul.u32 @!p0 $0xF7A, s2;
	p2 =	seq.s32 @!p0 s5, $0x0  }
0x1f: {  	s9 =	smul.u32 $0xF7A, s1;
	s8 =	simm.s32 @!p0 $0x1BF5;
	p2 =	por !p2, p0  }
0x20: {  	[sflag:s8] =	ssyncset.s32 @!p0 $0xFFFFF086;
	s6 =	sadd.s32 @!p0 s3, s7;
	s7 =	simm.s32 @!p0 $0x108  }
0x21: {  	s3 =	sadd.s32 s3, s9;
	s6 =	sadd.s32 @!p0 $0x88, s6;
	s7 =	simm.s32 @p2 $0x1082  }
0x22: {  	[simem:s7], [sflag:s8] =	dma.local @!p0 [hbm:s6], $0xF7A  }
0x23: {  	s9 =	sor.u32 $0xD0000000, s2;
	s6 =	simm.s32 $0x108;
	_ =	swait.ge @!p0 [sflag:s8], $0x0  }
0x24: {  	s3 =	sadd.s32 $0x88, s3;
	s6 =	simm.s32 @!p1 $0x1082;
	[sflag:s4] =	ssyncset.s32 $0xFFFFF086  }
0x25: {  	[simem:s6], [sflag:s4] =	dma.local [hbm:s3], $0xF7A  }
0x26: {  	[smem:$0x3F8C] =	sst s1;
	(tag) =	ssettag s2;
	_ =	strace s9  }
0x27: {  	s1 =	sld [smem:$0x3F9C]  }
0x28: {  	s2 =	sld [smem:$0x3F9D]  }
0x29: {  	s4 =	sld [smem:$0x3F9F]  }
0x2a: {  	p0 =	seq.s32 s5, $0x0;
	s5 =	sld [smem:$0x3FA0]  }
0x2b: {  	s6 =	sld [smem:$0x3FA1]  }
0x2c: {  	s7 =	sld [smem:$0x3FA2]  }
0x2d: {  	s3 =	simm.s32 $0x108;
	s8 =	sld [smem:$0x3FA3]  }
0x2e: {  	s3 =	simm.s32 @!p0 $0x1082;
	s9 =	sld [smem:$0x3FA4]  }
0x2f: {  	lr =	sadd.s32 s0, s3;
	s0 =	sld [smem:$0x3F9B]  }
0x30: {  	s3 =	sld [smem:$0x3F9E]  }
0x31: {  	[smem:$0x3FA7] =	sst s10  }
0x32: {  	s10 =	sld [smem:$0x3FA5];
	_ =	sdelay $0x3  }
0x33: {  	p0 =	seq.s32 s10, $0x1;
	s10 =	sld [smem:$0x3FA7];
	_ =	sdelay $0x3  }
0x34: {  	[smem:$0x3FA7] =	sst s10  }
0x35: {  	s10 =	sld [smem:$0x3FA6];
	_ =	sdelay $0x3  }
0x36: {  	p1 =	seq.s32 s10, $0x1;
	s10 =	sld [smem:$0x3FA7];
	_ =	sdelay $0x3  }
0x37: {  	[smem:$0x3FA7] =	sst s10  }
0x38: {  	s10 =	sld [smem:$0x3FA8]  }
0x39: {  	_ = 	snop;
	(pc) =	sbr.ind lr, $3  }
0x3a: {  	_ = 	snop  }
0x3b: {  	_ = 	snop  }
0x3c: {  	p2 =	seq.s32 s10, $0x1;
	s10 =	sld [smem:$0x3FA7]  }
0x3d: {  	_ =	shalt  }
0x3e: {  	_ =	shalt  }
0x3f: {  	_ =	shalt  }
0x40: {  	_ =	shalt  }
0x41: {  	_ =	shalt  }
0x42: {  	_ =	shalt  }
0x43: {  	_ =	shalt  }
0x44: {  	_ =	shalt  }
0x45: {  	_ =	shalt  }
0x46: {  	_ =	shalt  }
0x47: {  	_ =	shalt  }
0x48: {  	_ =	shalt  }
0x49: {  	_ =	shalt  }
0x4a: {  	_ =	shalt  }
0x4b: {  	_ =	shalt  }
0x4c: {  	_ =	shalt  }
0x4d: {  	_ =	shalt  }
0x4e: {  	_ =	shalt  }
0x4f: {  	_ =	shalt  }
0x50: {  	_ =	shalt  }
0x51: {  	_ =	shalt  }
0x52: {  	_ =	shalt  }
0x53: {  	_ =	shalt  }
0x54: {  	_ =	shalt  }
0x55: {  	_ =	shalt  }
0x56: {  	_ =	shalt  }
0x57: {  	_ =	shalt  }
0x58: {  	_ =	shalt  }
0x59: {  	_ =	shalt  }
0x5a: {  	_ =	shalt  }
0x5b: {  	_ =	shalt  }
0x5c: {  	_ =	shalt  }
0x5d: {  	_ =	shalt  }
0x5e: {  	_ =	shalt  }
0x5f: {  	_ =	shalt  }
0x60: {  	_ =	shalt  }
0x61: {  	_ =	shalt  }
0x62: {  	_ =	shalt  }
0x63: {  	_ =	shalt  }
0x64: {  	_ =	shalt  }
0x65: {  	_ =	shalt  }
0x66: {  	_ =	shalt  }
0x67: {  	_ =	shalt  }
0x68: {  	_ =	shalt  }
0x69: {  	_ =	shalt  }
0x6a: {  	_ =	shalt  }
0x6b: {  	_ =	shalt  }
0x6c: {  	_ =	shalt  }
0x6d: {  	_ =	shalt  }
0x6e: {  	_ =	shalt  }
0x6f: {  	_ =	shalt  }
0x70: {  	_ =	shalt  }
0x71: {  	_ =	shalt  }
0x72: {  	_ =	shalt  }
0x73: {  	_ =	shalt  }
0x74: {  	_ =	shalt  }
0x75: {  	_ =	shalt  }
0x76: {  	_ =	shalt  }
0x77: {  	_ =	shalt  }
0x78: {  	_ =	shalt  }
0x79: {  	_ =	shalt  }
0x7a: {  	_ =	shalt  }
0x7b: {  	_ =	shalt  }
0x7c: {  	_ =	shalt  }
0x7d: {  	_ =	shalt  }
0x7e: {  	_ =	shalt  }
0x7f: {  	_ =	shalt  }
0x80: {  	_ =	shalt  }
0x81: {  	_ =	shalt  }
0x82: {  	_ =	shalt  }
0x83: {  	_ =	shalt  }
0x84: {  	_ =	shalt  }
0x85: {  	_ =	shalt  }
0x86: {  	_ =	shalt  }
0x87: {  	_ =	shalt  }
.Lfunc_end0:
.L_simem_size_0:
called_computation.6_lowered:
.L_overlay_start_0:
0x88: {  	s2 =	sld [smem:$0x3FD9]  }
0x89: {  	s3 =	sld [smem:$0x3FFE];
	_ =	sdelay $0x1  }
0x8a: {  	s1 =	srdreg.scid  }
0x8b: {  	s0 =	sand.u32 $0x1, s1  }
0x8c: {  	s16 =	sshll.u32 s0, $0xA;
	s2 =	sadd.s32 s3, s2  }
0x8d: {  	s2 =	sadd.s32 s2, s16  }
0x8e: {  	[smem:$0x3FB3] =	sst s2  }
0x8f: {  	_ = 	snop  }
0x90: {  	(tm) =	ssettm $0x1  }
0x91: {  	s17 =	sld [smem:$0x3FFB];
	_ =	sdelay $0x3  }
0x92: {  	_ =	strace s17  }
0x93: {  	s2 =	sld [smem:$0x3FFC];
	_ =	sdelay $0x3  }
0x94: {  	_ =	strace s2  }
0x95: {  	s2 =	sld [smem:$0x3FFD];
	_ =	sdelay $0x3  }
0x96: {  	_ =	strace s2  }
0x97: {  	_ =	strace $0x8FFFFFFF  }
0x98: {  	s18 =	sld [smem:$0x3FDB];
	_ =	sdelay $0x1  }
0x99: {  	s19 =	simm.s32 $_scs_section_size  }
0x9a: {  	s4 =	simm.s32 $_size__tile_overlayer_lowered;
	s5 =	simm.s32 $_tile_overlayer_lowered  }
0x9b: {  	s22 =	simm.s32 $0x1BFF;
	s21 =	sshll.u32 s5, $0x1;
	s2 =	sadd.s32 s19, s18  }
0x9c: {  	s6 =	simm.s32 $0x0;
	s20 =	sshll.u32 s4, $0x1;
	s4 =	sadd.s32 s21, s2  }
0x9d: {  	[timem:s6], [sflag:s22] =	dma.local [hbm:s4], s20  }
0x9e: {  	_ =	swait.ge [sflag:s22], s20  }
0x9f: {  	s3 =	ssub.s32 $0x0, s20;
	[sflag:s22] =	ssyncset.done $0x0  }
0xa0: {  	[sflag:s22] =	ssyncadd.s32 s3;
	_ =	sdelay $0x1  }
0xa1: {  	s23 =	simm.s32 $0x1B8B  }
0xa2: {  	_ =	swait.ge [sflag:s23], $0x1  }
0xa3: {  	[sflag:s23] =	ssyncset.done $0x0  }
0xa4: {  	s25 =	simm.s32 $0x1B8E;
	s24 =	sld [smem:$0x3FFE];
	[sflag:s23] =	ssyncadd.s32 $0xFFFFFFFF  }
0xa5: {  	s26 =	simm.s32 $execute0_lowered;
	[smem:$0x3FD2] =	sst s25  }
0xa6: {  	s4 =	sshll.u32 s26, $0x1;
	_ =	strace $0x80000058;
	[dreg:$0x1] =	wrdreg $0xFFFFFFFF  }
0xa7: {  	s28 =	simm.s32 $_size_execute0_lowered;
	s2 =	sadd.s32 s2, s4;
	[dreg:$0x0] =	wrdreg $0x0  }
0xa8: {  	s4 =	sshll.u32 s28, $0x1;
	[dreg:$0x2] =	wrdreg s2  }
0xa9: {  	[dreg:$0x3] =	wrdreg s4  }
0xaa: {  	[dreg:$0x4] =	wrdreg $0xC0  }
0xab: {  	_ =	task [dreg:s6], $0x5FFFF  }
0xac: {  	[dreg:$0x1] =	wrdreg $0xFFFFFFFF  }
0xad: {  	[dreg:$0x0] =	wrdreg $0x60  }
0xae: {  	[dreg:$0x2] =	wrdreg s24  }
0xaf: {  	[dreg:$0x3] =	wrdreg $0x9  }
0xb0: {  	_ =	task.clear_ibuf [dreg:s6], $0x4FFFF;
	_ =	strace $0x90000058  }
0xb1: {  	s29 =	simm.s32 $0x9;
	_ =	strace $0x8000005A  }
0xb2: {  	_ =	swait.ge [sflag:s29], $0x1  }
0xb3: {  	[sflag:s29] =	ssyncadd.s32 $0xFFFFFFFF  }
0xb4: {  	_ =	strace $0x9000005A  }
0xb5: {  	_ =	sfence  }
0xb6: {  	s30 =	sld [smem:$0x0];
	_ =	sdelay $0x2  }
0xb7: {  	s31 =	sshll.u32 s1, $0xD;
	s1 =	sshrl.u32 s1, $0x2  }
0xb8: {  	s3 =	sand.u32 $0x4000, s31;
	s1 =	sadd.s32 s1, s30  }
0xb9: {  	s0 =	sor.u32 s3, s0;
	s1 =	sshll.u32 s1, $0x11  }
0xba: {  	s0 =	sor.u32 s1, s0  }
0xbb: {  	s0 =	sadd.s32 $0x8F2B, s0  }
0xbc: {  	[sflag:s0] =	ssyncadd.remote.s32 $0x1  }
0xbd: {  	_ =	sfence.sel $0xFFFF  }
0xbe: {  	[dreg:$0x0] =	wrdreg $0xFFFFFFFF;
	(pc) =	sbr.abs _section_cstart, $3  }
0xbf: {  	[dreg:$0x1] =	wrdreg $0xFFFFFFFF  }
0xc0: {  	_ =	task.clear_ibuf [dreg:s6], $0x2FFFF;
	_ =	strace $0x9FFFFFFF  }
0xc1: {  	(tm) =	ssettm $0x7FFFFFFF  }
tec
execute0_lowered:
.L_overlay_start_1:
0x0: {  	(tag) =	ssettag $0x1  }
0x1: {  	s5 =	rddreg [dreg:$0x0]  }
0x2: {  	s0 =	rddreg [dreg:$0x1];
	s1 =	simm.s32 $0x0;
	s6 =	srdreg.scid  }
0x3: {  	s2 =	stileid.u32;
	s10 =	simm.s32 $0x2;
	s11 =	simm.s32 $0x80  }
0x4: {  	s12 =	simm.s32 $0x1000;
	s13 =	simm.s32 $0x1;
	[smem:$0x7FF] =	sst s1  }
0x5: {  	s14 =	simm.s32 $0x0;
	s3 =	sadd.s32 $0x11DC00, s5;
	s4 =	sadd.s32 $0x144E00, s5  }
0x6: {  	s6 =	sand.u32 $0x1, s6;
	s7 =	sshll.u32 s2, $0xA;
	s9 =	smul.u32 $0x19000, s2  }
0x7: {  	_ =	strace $0x80000059;
	s8 =	sshll.u32 s6, $0x9;
	s30 =	ssub.s32 $0x2, s6  }
0x8: {  	s6 =	smul.u32 $0xC800, s6;
	s7 =	sor.u32 s8, s7;
	s31 =	sshrl.u32 s30, $0x1  }
0x9: {  	s9 =	sadd.s32 s9, s5;
	s7 =	sadd.s32 s7, s5;
	s8 =	ssub.s32 s30, s31  }
0xa: {  	s9 =	sadd.s32 s6, s9;
	s5 =	sadd.s32 $0x1C1C00, s7;
	s6 =	sadd.s32 $0x1BDC00, s7  }
0xb: {  	s7 =	smax.u32 s8, $0x1;
	s8 =	sadd.s32 $0x1C5C00, s9;
	s9 =	sadd.s32 $0x355C00, s9  }
.LBB2_1:
0xc: {  	[tilespmem:s1], [sflag:$0x2] =	stream.linear.gather [hbm4b:s5+s1], $0xC80, $0x38;
	[tilespmem:$0x5000] =	vst v63  }
0xd: {  	_ =	swait.ge [sflag:s10], $0xC80  }
0xe: {  	[sflag:s10] =	ssyncset.done $0x0  }
0xf: {  	s15 =	simm.s32 $0x0;
	[sflag:s10] =	ssyncadd.s32 $0xFFFFF380  }
0x10: {  	[tilespmem:s12], [sflag:$0x1] =	stream.indirect.gather [hbm4b:s3+s11], $0x80, s15, s11, $0xb8;
	[tilespmem:$0x5000] =	vst v63  }
0x11: {  	_ =	swait.ge [sflag:s13], $0x4000  }
0x12: {  	[sflag:s13] =	ssyncset.done $0x0  }
0x13: {  	[sflag:s13] =	ssyncadd.s32 $0xFFFFC000  }
0x14: {  	[hbm4b:s8+s1] =	stream.linear.scatter [tilespmem:s12], [sflag:$0x2], $0x4000, $0x38;
	[tilespmem:$0x5000] =	vst v63  }
0x15: {  	s16 =	simm.s32 $0x200;
	_ =	swait.ge [sflag:s10], $0x4000  }
0x16: {  	s17 =	simm.s32 $0x400;
	s15 =	sadd.s32 $0x800, s8;
	[sflag:s10] =	ssyncset.done $0x0  }
.LBB2_2:
0x17: {  	s18 =	sshra.s32 s16, $0x2  }
0x18: {  	[sflag:s10] =	ssyncadd.s32 $0xFFFFC000;
	s16 =	smov.u32 s17;
	s19 =	sadd.s32 $0x200, s17  }
0x19: {  	[tilespmem:s12], [sflag:$0x1] =	stream.indirect.gather [hbm4b:s3+s11], $0x80, s18, s11, $0xb8;
	[tilespmem:$0x5000] =	vst v63  }
0x1a: {  	p0 =	sne.s32 s17, $0x3000;
	_ =	swait.ge [sflag:s13], $0x4000  }
.Ltmp0:
0x1b: {  	[sflag:s13] =	ssyncset.done $0x0;
	(pc) =	sbr.rel @p0 .LBB2_2-.Ltmp0, $4  }
0x1c: {  	[sflag:s13] =	ssyncadd.s32 $0xFFFFC000  }
0x1d: {  	[hbm4b:s15+s1] =	stream.linear.scatter [tilespmem:s12], [sflag:$0x2], $0x4000, $0x38;
	[tilespmem:$0x5000] =	vst v63  }
0x1e: {  	_ =	swait.ge [sflag:s10], $0x4000  }
0x1f: {  	s17 =	smov.u32 s19;
	s15 =	sadd.s32 $0x800, s15;
	[sflag:s10] =	ssyncset.done $0x0  }
0x20: {  	s16 =	sshra.s32 s16, $0x2;
	[sflag:s10] =	ssyncadd.s32 $0xFFFFC000  }
0x21: {  	[tilespmem:s12], [sflag:$0x1] =	stream.indirect.gather [hbm4b:s3+s11], $0x80, s16, s11, $0xb8;
	[tilespmem:$0x5000] =	vst v63  }
0x22: {  	_ =	swait.ge [sflag:s13], $0x4000  }
0x23: {  	[sflag:s13] =	ssyncset.done $0x0  }
0x24: {  	[sflag:s13] =	ssyncadd.s32 $0xFFFFC000  }
0x25: {  	[hbm4b:s15+s1] =	stream.linear.scatter [tilespmem:s12], [sflag:$0x2], $0x4000, $0x38;
	[tilespmem:$0x5000] =	vst v63  }
0x26: {  	_ =	swait.ge [sflag:s10], $0x4000  }
0x27: {  	[sflag:s10] =	ssyncset.done $0x0  }
0x28: {  	s30 =	simm.s32 $0x0;
	[sflag:s10] =	ssyncadd.s32 $0xFFFFC000  }
0x29: {  	[tilespmem:s30], [sflag:$0x2] =	stream.linear.gather [hbm4b:s6+s30], $0xC80, $0x38;
	[tilespmem:$0x5000] =	vst v63  }
0x2a: {  	_ =	swait.ge [sflag:s10], $0xC80  }
0x2b: {  	[sflag:s10] =	ssyncset.done $0x0  }
0x2c: {  	s31 =	simm.s32 $0x0;
	[sflag:s10] =	ssyncadd.s32 $0xFFFFF380  }
0x2d: {  	[tilespmem:s12], [sflag:$0x1] =	stream.indirect.gather [hbm4b:s4+s11], $0x80, s31, s11, $0xb8;
	[tilespmem:$0x5000] =	vst v63  }
0x2e: {  	_ =	swait.ge [sflag:s13], $0x4000  }
0x2f: {  	[sflag:s13] =	ssyncset.done $0x0  }
0x30: {  	[sflag:s13] =	ssyncadd.s32 $0xFFFFC000  }
0x31: {  	[hbm4b:s9+s1] =	stream.linear.scatter [tilespmem:s12], [sflag:$0x2], $0x4000, $0x38;
	[tilespmem:$0x5000] =	vst v63  }
0x32: {  	s17 =	simm.s32 $0x400;
	_ =	swait.ge [sflag:s10], $0x4000  }
0x33: {  	s16 =	simm.s32 $0x200;
	s15 =	sadd.s32 $0x800, s9;
	[sflag:s10] =	ssyncset.done $0x0  }
.LBB2_4:
0x34: {  	s18 =	sshra.s32 s16, $0x2  }
0x35: {  	[sflag:s10] =	ssyncadd.s32 $0xFFFFC000;
	s16 =	smov.u32 s17;
	s19 =	sadd.s32 $0x200, s17  }
0x36: {  	[tilespmem:s12], [sflag:$0x1] =	stream.indirect.gather [hbm4b:s4+s11], $0x80, s18, s11, $0xb8;
	[tilespmem:$0x5000] =	vst v63  }
0x37: {  	p0 =	sne.s32 s17, $0x3000;
	_ =	swait.ge [sflag:s13], $0x4000  }
.Ltmp1:
0x38: {  	[sflag:s13] =	ssyncset.done $0x0;
	(pc) =	sbr.rel @p0 .LBB2_4-.Ltmp1, $4  }
0x39: {  	[sflag:s13] =	ssyncadd.s32 $0xFFFFC000  }
0x3a: {  	[hbm4b:s15+s1] =	stream.linear.scatter [tilespmem:s12], [sflag:$0x2], $0x4000, $0x38;
	[tilespmem:$0x5000] =	vst v63  }
0x3b: {  	_ =	swait.ge [sflag:s10], $0x4000  }
0x3c: {  	s17 =	smov.u32 s19;
	s15 =	sadd.s32 $0x800, s15;
	[sflag:s10] =	ssyncset.done $0x0  }
0x3d: {  	s16 =	sshra.s32 s16, $0x2;
	[sflag:s10] =	ssyncadd.s32 $0xFFFFC000  }
0x3e: {  	[tilespmem:s12], [sflag:$0x1] =	stream.indirect.gather [hbm4b:s4+s11], $0x80, s16, s11, $0xb8;
	[tilespmem:$0x5000] =	vst v63  }
0x3f: {  	s14 =	sadd.s32 $0x1, s14;
	_ =	swait.ge [sflag:s13], $0x4000  }
0x40: {  	p0 =	sne.s32 s14, s7;
	[sflag:s13] =	ssyncset.done $0x0  }
.Ltmp2:
0x41: {  	[sflag:s13] =	ssyncadd.s32 $0xFFFFC000;
	(pc) =	sbr.rel @p0 .LBB2_1-.Ltmp2, $4  }
0x42: {  	[hbm4b:s15+s1] =	stream.linear.scatter [tilespmem:s12], [sflag:$0x2], $0x4000, $0x38;
	[tilespmem:$0x5000] =	vst v63  }
0x43: {  	_ =	swait.ge [sflag:s10], $0x4000  }
0x44: {  	[sflag:s10] =	ssyncset.done $0x0  }
0x45: {  	[sflag:s10] =	ssyncadd.s32 $0xFFFFC000  }
0x46: {  	_ =	sfence.sel $0x180000  }
0x47: {  	[bflag:$0x0] =	sbarrier.arrive $0xFFFF  }
0x48: {  	p0 =	sne.s32 s2, $0x0;
	_ =	strace $0x90000059  }
0x49: {  	s0 =	sadd.s32 @!p0 $0x100000, s0;
	[bflag:$0x2] =	sbarrier.arrive $0xFFFF  }
0x4a: {  	[sflag:s0] =	ssyncadd.tile.s32 @!p0 $0x1;
	_ =	shalt  }
.Lfunc_end2:
_tile_overlayer_lowered:
.L_overlay_start_2:
0x4b: {  	(tag) =	ssettag $0x2  }
0x4c: {  	s0 =	rddreg [dreg:$0x0];
	s2 =	stileid.u32  }
0x4d: {  	s1 =	rddreg [dreg:$0x1];
	p0 =	sne.s32 s2, $0x0  }
0x4e: {  	s3 =	rddreg [dreg:$0x2];
	[bflag:$0x3] =	sbarrier.arrive $0xFFFF;
	s2 =	simm.s32 @!p0 $0x1C02  }
0x4f: {  	[timem:s3], [sflag:s2] =	dma.local @!p0 [hbm:s0], s1  }
0x50: {  	s0 =	simm.s32 @!p0 $0x2  }
0x51: {  	_ =	swait.ge @!p0 [sflag:s0], s1  }
0x52: {  	s1 =	ssub.s32 @!p0 $0x0, s1;
	[sflag:s0] =	ssyncset.done @!p0 $0x0  }
0x53: {  	[sflag:s0] =	ssyncadd.s32 @!p0 s1  }
0x54: {  	[bflag:$0x3] =	sbarrier.arrive $0xFFFF  }
0x55: {  	_ =	shalt  }

// kernel: seg_sum_sc.12.cloned.1.call-start
scs
__scs_entry_jumppad:
0x0: {  	(pc) =	sbr.rel $0x88, $3  }
0x1: {  	(tag) =	ssettag $0x0;
	lr =	simm.s32 $0x1  }
0x2: {  	[smem:$0x3F8C] =	sst lr;
	_ =	strace $0xD0000000  }
0x3: {  	_ = 	snop  }
0x4: {  	_ = 	snop  }
0x5: {  	_ = 	snop  }
0x6: {  	_ = 	snop  }
0x7: {  	_ = 	snop  }
__scs_overlays_trampoline_lowered:
0x8: {  	[smem:$0x3F9B] =	sst s0  }
0x9: {  	[smem:$0x3F9C] =	sst s1  }
0xa: {  	[smem:$0x3F9D] =	sst s2  }
0xb: {  	[smem:$0x3F9E] =	sst s3  }
0xc: {  	[smem:$0x3F9F] =	sst s4  }
0xd: {  	[smem:$0x3FA0] =	sst s5  }
0xe: {  	[smem:$0x3FA1] =	sst s6  }
0xf: {  	[smem:$0x3FA2] =	sst s7  }
0x10: {  	[smem:$0x3FA3] =	sst s8  }
0x11: {  	[smem:$0x3FA4] =	sst s9;
	s0 =	simm.s32 @!p0 $0x0  }
0x12: {  	s1 =	sld [smem:$0x3F8A];
	s0 =	simm.s32 @p0 $0x1  }
0x13: {  	[smem:$0x3FA5] =	sst s0;
	s0 =	simm.s32 @!p1 $0x0  }
0x14: {  	s2 =	sld [smem:$0x3F89];
	s0 =	simm.s32 @p1 $0x1  }
0x15: {  	[smem:$0x3FA6] =	sst s0;
	s0 =	simm.s32 @!p2 $0x0  }
0x16: {  	s3 =	sld [smem:$0x3FDB];
	s0 =	simm.s32 @p2 $0x1  }
0x17: {  	s4 =	simm.s32 $0x1BF5;
	[smem:$0x3FA8] =	sst s0  }
0x18: {  	s0 =	sld [smem:$0x3F8B];
	_ =	swait.ge [sflag:s4], $0x0  }
0x19: {  	s7 =	sld [smem:$0x3F8C]  }
0x1a: {  	s8 =	sadd.s32 $0xFFFFE003, lr  }
0x1b: {  	s9 =	sadd.s32 $0xFFFFFEF7, lr;
	s5 =	simm.s32 $0xFFFFFFFF;
	p2 =	slt.u32 s8, $0xFFFFF086  }
0x1c: {  	p1 =	slt.u32 s9, $0xF7A;
	s5 =	simm.s32 @!p2 $0x0  }
0x1d: {  	s5 =	simm.s32 @p1 $0x1;
	p0 =	seq.s32 s7, s2  }
0x1e: {  	s7 =	smul.u32 @!p0 $0xF7A, s2;
	p2 =	seq.s32 @!p0 s5, $0x0  }
0x1f: {  	s9 =	smul.u32 $0xF7A, s1;
	s8 =	simm.s32 @!p0 $0x1BF5;
	p2 =	por !p2, p0  }
0x20: {  	[sflag:s8] =	ssyncset.s32 @!p0 $0xFFFFF086;
	s6 =	sadd.s32 @!p0 s3, s7;
	s7 =	simm.s32 @!p0 $0x108  }
0x21: {  	s3 =	sadd.s32 s3, s9;
	s6 =	sadd.s32 @!p0 $0x88, s6;
	s7 =	simm.s32 @p2 $0x1082  }
0x22: {  	[simem:s7], [sflag:s8] =	dma.local @!p0 [hbm:s6], $0xF7A  }
0x23: {  	s9 =	sor.u32 $0xD0000000, s2;
	s6 =	simm.s32 $0x108;
	_ =	swait.ge @!p0 [sflag:s8], $0x0  }
0x24: {  	s3 =	sadd.s32 $0x88, s3;
	s6 =	simm.s32 @!p1 $0x1082;
	[sflag:s4] =	ssyncset.s32 $0xFFFFF086  }
0x25: {  	[simem:s6], [sflag:s4] =	dma.local [hbm:s3], $0xF7A  }
0x26: {  	[smem:$0x3F8C] =	sst s1;
	(tag) =	ssettag s2;
	_ =	strace s9  }
0x27: {  	s1 =	sld [smem:$0x3F9C]  }
0x28: {  	s2 =	sld [smem:$0x3F9D]  }
0x29: {  	s4 =	sld [smem:$0x3F9F]  }
0x2a: {  	p0 =	seq.s32 s5, $0x0;
	s5 =	sld [smem:$0x3FA0]  }
0x2b: {  	s6 =	sld [smem:$0x3FA1]  }
0x2c: {  	s7 =	sld [smem:$0x3FA2]  }
0x2d: {  	s3 =	simm.s32 $0x108;
	s8 =	sld [smem:$0x3FA3]  }
0x2e: {  	s3 =	simm.s32 @!p0 $0x1082;
	s9 =	sld [smem:$0x3FA4]  }
0x2f: {  	lr =	sadd.s32 s0, s3;
	s0 =	sld [smem:$0x3F9B]  }
0x30: {  	s3 =	sld [smem:$0x3F9E]  }
0x31: {  	[smem:$0x3FA7] =	sst s10  }
0x32: {  	s10 =	sld [smem:$0x3FA5];
	_ =	sdelay $0x3  }
0x33: {  	p0 =	seq.s32 s10, $0x1;
	s10 =	sld [smem:$0x3FA7];
	_ =	sdelay $0x3  }
0x34: {  	[smem:$0x3FA7] =	sst s10  }
0x35: {  	s10 =	sld [smem:$0x3FA6];
	_ =	sdelay $0x3  }
0x36: {  	p1 =	seq.s32 s10, $0x1;
	s10 =	sld [smem:$0x3FA7];
	_ =	sdelay $0x3  }
0x37: {  	[smem:$0x3FA7] =	sst s10  }
0x38: {  	s10 =	sld [smem:$0x3FA8]  }
0x39: {  	_ = 	snop;
	(pc) =	sbr.ind lr, $3  }
0x3a: {  	_ = 	snop  }
0x3b: {  	_ = 	snop  }
0x3c: {  	p2 =	seq.s32 s10, $0x1;
	s10 =	sld [smem:$0x3FA7]  }
0x3d: {  	_ =	shalt  }
0x3e: {  	_ =	shalt  }
0x3f: {  	_ =	shalt  }
0x40: {  	_ =	shalt  }
0x41: {  	_ =	shalt  }
0x42: {  	_ =	shalt  }
0x43: {  	_ =	shalt  }
0x44: {  	_ =	shalt  }
0x45: {  	_ =	shalt  }
0x46: {  	_ =	shalt  }
0x47: {  	_ =	shalt  }
0x48: {  	_ =	shalt  }
0x49: {  	_ =	shalt  }
0x4a: {  	_ =	shalt  }
0x4b: {  	_ =	shalt  }
0x4c: {  	_ =	shalt  }
0x4d: {  	_ =	shalt  }
0x4e: {  	_ =	shalt  }
0x4f: {  	_ =	shalt  }
0x50: {  	_ =	shalt  }
0x51: {  	_ =	shalt  }
0x52: {  	_ =	shalt  }
0x53: {  	_ =	shalt  }
0x54: {  	_ =	shalt  }
0x55: {  	_ =	shalt  }
0x56: {  	_ =	shalt  }
0x57: {  	_ =	shalt  }
0x58: {  	_ =	shalt  }
0x59: {  	_ =	shalt  }
0x5a: {  	_ =	shalt  }
0x5b: {  	_ =	shalt  }
0x5c: {  	_ =	shalt  }
0x5d: {  	_ =	shalt  }
0x5e: {  	_ =	shalt  }
0x5f: {  	_ =	shalt  }
0x60: {  	_ =	shalt  }
0x61: {  	_ =	shalt  }
0x62: {  	_ =	shalt  }
0x63: {  	_ =	shalt  }
0x64: {  	_ =	shalt  }
0x65: {  	_ =	shalt  }
0x66: {  	_ =	shalt  }
0x67: {  	_ =	shalt  }
0x68: {  	_ =	shalt  }
0x69: {  	_ =	shalt  }
0x6a: {  	_ =	shalt  }
0x6b: {  	_ =	shalt  }
0x6c: {  	_ =	shalt  }
0x6d: {  	_ =	shalt  }
0x6e: {  	_ =	shalt  }
0x6f: {  	_ =	shalt  }
0x70: {  	_ =	shalt  }
0x71: {  	_ =	shalt  }
0x72: {  	_ =	shalt  }
0x73: {  	_ =	shalt  }
0x74: {  	_ =	shalt  }
0x75: {  	_ =	shalt  }
0x76: {  	_ =	shalt  }
0x77: {  	_ =	shalt  }
0x78: {  	_ =	shalt  }
0x79: {  	_ =	shalt  }
0x7a: {  	_ =	shalt  }
0x7b: {  	_ =	shalt  }
0x7c: {  	_ =	shalt  }
0x7d: {  	_ =	shalt  }
0x7e: {  	_ =	shalt  }
0x7f: {  	_ =	shalt  }
0x80: {  	_ =	shalt  }
0x81: {  	_ =	shalt  }
0x82: {  	_ =	shalt  }
0x83: {  	_ =	shalt  }
0x84: {  	_ =	shalt  }
0x85: {  	_ =	shalt  }
0x86: {  	_ =	shalt  }
0x87: {  	_ =	shalt  }
.Lfunc_end0:
.L_simem_size_0:
called_computation.4_lowered:
.L_overlay_start_0:
0x88: {  	s2 =	sld [smem:$0x3FD9]  }
0x89: {  	s3 =	sld [smem:$0x3FFE];
	_ =	sdelay $0x1  }
0x8a: {  	s1 =	srdreg.scid  }
0x8b: {  	s0 =	sand.u32 $0x1, s1  }
0x8c: {  	s17 =	sshll.u32 s0, $0xA;
	s2 =	sadd.s32 s3, s2  }
0x8d: {  	s2 =	sadd.s32 s2, s17  }
0x8e: {  	[smem:$0x3FB3] =	sst s2  }
0x8f: {  	_ = 	snop  }
0x90: {  	s18 =	sld [smem:$0x3FD0];
	(tm) =	ssettm $0x1  }
0x91: {  	s19 =	sld [smem:$0x3FFB];
	_ =	sdelay $0x3  }
0x92: {  	_ =	strace s19  }
0x93: {  	s2 =	sld [smem:$0x3FFC];
	_ =	sdelay $0x3  }
0x94: {  	_ =	strace s2  }
0x95: {  	s2 =	sld [smem:$0x3FFD];
	_ =	sdelay $0x3  }
0x96: {  	_ =	strace s2  }
0x97: {  	_ =	strace $0x8FFFFFFF  }
0x98: {  	s20 =	sld [smem:$0x3FDB];
	_ =	sdelay $0x1  }
0x99: {  	s4 =	simm.s32 $_scs_section_size  }
0x9a: {  	s5 =	simm.s32 $_size__tile_overlayer_lowered;
	s6 =	simm.s32 $_tile_overlayer_lowered  }
0x9b: {  	s7 =	simm.s32 $0x1BFF;
	s21 =	sshll.u32 s6, $0x1;
	s4 =	sadd.s32 s4, s20  }
0x9c: {  	s22 =	simm.s32 $0x0;
	s5 =	sshll.u32 s5, $0x1;
	s6 =	sadd.s32 s21, s4  }
0x9d: {  	[timem:s22], [sflag:s7] =	dma.local [hbm:s6], s5  }
0x9e: {  	_ =	swait.ge [sflag:s7], s5  }
0x9f: {  	s5 =	ssub.s32 $0x0, s5;
	[sflag:s7] =	ssyncset.done $0x0  }
0xa0: {  	[sflag:s7] =	ssyncadd.s32 s5;
	_ =	sdelay $0x1  }
0xa1: {  	s23 =	simm.s32 $0x1B8B  }
0xa2: {  	_ =	swait.ge [sflag:s23], $0x1  }
0xa3: {  	[sflag:s23] =	ssyncset.done $0x0  }
0xa4: {  	[sflag:s23] =	ssyncadd.s32 $0xFFFFFFFF  }
0xa5: {  	s5 =	sld [smem:$0x0]  }
0xa6: {  	s6 =	sand.u32 $0xFFFFFFFE, s1  }
0xa7: {  	p0 =	sne.s32 s1, s6  }
0xa8: {  	s6 =	sshll.u32 @p0 s6, $0xE  }
0xa9: {  	s6 =	sadd.s32 @p0 $0x11B8D, s6;
	s7 =	sshll.u32 @p0 s5, $0x11  }
0xaa: {  	s6 =	sor.u32 @p0 s7, s6  }
0xab: {  	[sflag:s6] =	ssyncadd.remote.s32 @p0 $0x1;
	_ =	sdelay $0x1  }
0xac: {  	s6 =	simm.s32 @p0 $0x1B8D  }
0xad: {  	_ =	swait.eq @p0 [sflag:s6], $0x1  }
0xae: {  	[sflag:s6] =	ssyncadd.s32 @p0 $0xFFFFFFFF  }
0xaf: {  	s7 =	sshll.u32 @!p0 s1, $0xE  }
0xb0: {  	s7 =	sor.u32 @!p0 $0x4000, s7;
	s6 =	simm.s32 @!p0 $0x1B8D  }
0xb1: {  	s5 =	sshll.u32 @!p0 s5, $0x11;
	s7 =	sadd.s32 @!p0 $0x11B8D, s7;
	_ =	swait.eq @!p0 [sflag:s6], $0x1  }
0xb2: {  	s5 =	sor.u32 @!p0 s5, s7;
	[sflag:s6] =	ssyncadd.s32 @!p0 $0xFFFFFFFF  }
0xb3: {  	s25 =	simm.s32 $0x1B8E;
	s24 =	sld [smem:$0x3FFE];
	[sflag:s5] =	ssyncadd.remote.s32 @!p0 $0x1  }
0xb4: {  	s26 =	simm.s32 $execute0_lowered;
	[smem:$0x3FD2] =	sst s25  }
0xb5: {  	s6 =	sshll.u32 s26, $0x1;
	_ =	strace $0x80000055;
	[dreg:$0x1] =	wrdreg $0xFFFFFFFF  }
0xb6: {  	s28 =	simm.s32 $_size_execute0_lowered;
	s4 =	sadd.s32 s4, s6;
	[dreg:$0x0] =	wrdreg $0x0  }
0xb7: {  	s6 =	sshll.u32 s28, $0x1;
	[dreg:$0x2] =	wrdreg s4  }
0xb8: {  	[dreg:$0x3] =	wrdreg s6  }
0xb9: {  	[dreg:$0x4] =	wrdreg $0xC0  }
0xba: {  	_ =	task [dreg:s22], $0x5FFFF  }
0xbb: {  	[dreg:$0x1] =	wrdreg $0xFFFFFFFF  }
0xbc: {  	[dreg:$0x0] =	wrdreg $0x60  }
0xbd: {  	[dreg:$0x2] =	wrdreg s24  }
0xbe: {  	[dreg:$0x3] =	wrdreg s18  }
0xbf: {  	[dreg:$0x4] =	wrdreg $0x68000  }
0xc0: {  	[dreg:$0x5] =	wrdreg $0x9  }
0xc1: {  	_ =	task.clear_ibuf [dreg:s22], $0x6FFFF;
	_ =	strace $0x90000055  }
0xc2: {  	s29 =	simm.s32 $0x9;
	_ =	strace $0x80000057  }
0xc3: {  	_ =	swait.ge [sflag:s29], $0x1  }
0xc4: {  	[sflag:s29] =	ssyncadd.s32 $0xFFFFFFFF  }
0xc5: {  	_ =	strace $0x90000057  }
0xc6: {  	_ =	sfence  }
0xc7: {  	s30 =	sld [smem:$0x0];
	_ =	sdelay $0x2  }
0xc8: {  	s31 =	sshll.u32 s1, $0xD;
	s1 =	sshrl.u32 s1, $0x2  }
0xc9: {  	s4 =	sand.u32 $0x4000, s31;
	s1 =	sadd.s32 s1, s30  }
0xca: {  	s0 =	sor.u32 s4, s0;
	s1 =	sshll.u32 s1, $0x11  }
0xcb: {  	s0 =	sor.u32 s1, s0  }
0xcc: {  	s0 =	sadd.s32 $0x8F2B, s0  }
0xcd: {  	[sflag:s0] =	ssyncadd.remote.s32 $0x1  }
0xce: {  	_ =	sfence.sel $0xFFFF  }
0xcf: {  	[dreg:$0x0] =	wrdreg $0xFFFFFFFF;
	(pc) =	sbr.abs _section_cstart, $3  }
0xd0: {  	[dreg:$0x1] =	wrdreg $0xFFFFFFFF  }
0xd1: {  	_ =	task.clear_ibuf [dreg:s22], $0x2FFFF;
	_ =	strace $0x9FFFFFFF  }
0xd2: {  	(tm) =	ssettm $0x7FFFFFFF  }
0xd3: {  	_ =	shalt  }
tec
execute0_lowered:
.L_overlay_start_1:
0x0: {  	(tag) =	ssettag $0x1  }
0x1: {  	s6 =	rddreg [dreg:$0x0]  }
0x2: {  	s2 =	rddreg [dreg:$0x1]  }
0x3: {  	s3 =	rddreg [dreg:$0x2]  }
0x4: {  	s0 =	rddreg [dreg:$0x3]  }
0x5: {  	s5 =	srdreg.scid;
	s1 =	stileid.u32  }
0x6: {  	s4 =	simm.s32 $0x0;
	s21 =	simm.s32 $0x2800;
	s22 =	simm.s32 $0x2  }
0x7: {  	s23 =	simm.s32 $0x1400;
	s24 =	simm.s32 $0x80;
	s25 =	simm.s32 $0x1  }
0x8: {  	s26 =	simm.s32 $0x0;
	s7 =	sand.u32 $0x1, s5;
	s8 =	smul.u32 $0x280, s1  }
0x9: {  	[smem:$0x7FF] =	sst s4;
	s5 =	sadd.s32 $0x54600, s6;
	s29 =	smul.u32 $0x50000, s1  }
0xa: {  	s13 =	sadd.s32 $0x19400, s6;
	s14 =	sadd.s32 $0x23400, s6;
	s9 =	smul.u32 $0x2800, s7  }
0xb: {  	s30 =	sshll.u32 s1, $0x2;
	s31 =	sshll.u32 s7, $0x1;
	s7 =	ssub.s32 $0x2, s7  }
0xc: {  	_ =	strace $0x80000056;
	s10 =	sshrl.u32 s7, $0x1;
	s8 =	sadd.s32 s8, s9  }
0xd: {  	s9 =	sshrl.u32 s29, $0x2;
	s20 =	ssub.s32 s7, s10;
	s8 =	sshll.u32 s8, $0x4  }
0xe: {  	s19 =	sadd.s32 s8, s6;
	s8 =	sor.u32 s31, s30;
	s6 =	sadd.s32 s9, s3  }
0xf: {  	s20 =	smax.u32 s20, $0x1;
	s11 =	smul.u32 $0x1400, s8;
	s7 =	sadd.s32 $0x4000, s6  }
0x10: {  	s12 =	smul.u32 $0x280, s8;
	s8 =	sadd.s32 $0x8000, s6;
	s9 =	sadd.s32 $0xC000, s6  }
0x11: {  	s10 =	sadd.s32 $0x10000, s6;
	s16 =	sadd.s32 $0xCE400, s19;
	s15 =	sshrl.u32 s11, $0x3  }
0x12: {  	s17 =	sadd.s32 $0xCEC00, s19;
	s18 =	sadd.s32 $0xCF400, s19;
	s15 =	sadd.s32 $0x280, s15  }
0x13: {  	s11 =	sadd.s32 s13, s12;
	s12 =	sadd.s32 s14, s12;
	s13 =	sadd.s32 s13, s15  }
0x14: {  	s14 =	sadd.s32 s14, s15;
	s15 =	sadd.s32 $0xCDC00, s19;
	s19 =	sadd.s32 $0xCFC00, s19  }
.LBB2_1:
0x15: {  	[tilespmem:s21], [sflag:$0x2] =	stream.linear.gather [hbm4b:s2+s4], $0x4000, $0x38;
	[tilespmem:$0x1A800] =	vst v63  }
0x16: {  	_ =	swait.ge [sflag:s22], $0x4000  }
0x17: {  	[sflag:s22] =	ssyncset.done $0x0  }
0x18: {  	[sflag:s22] =	ssyncadd.s32 $0xFFFFC000  }
0x19: {  	[spmem:s6] =	stream.linear.scatter [tilespmem:s21], [sflag:$0x2], $0x4000, $0x38;
	[tilespmem:$0x1A800] =	vst v63  }
0x1a: {  	_ =	swait.ge [sflag:s22], $0x4000  }
0x1b: {  	[sflag:s22] =	ssyncset.done $0x0  }
0x1c: {  	[sflag:s22] =	ssyncadd.s32 $0xFFFFC000  }
0x1d: {  	[spmem:s7] =	stream.linear.scatter [tilespmem:s21], [sflag:$0x2], $0x4000, $0x38;
	[tilespmem:$0x1A800] =	vst v63  }
0x1e: {  	_ =	swait.ge [sflag:s22], $0x4000  }
0x1f: {  	[sflag:s22] =	ssyncset.done $0x0  }
0x20: {  	[sflag:s22] =	ssyncadd.s32 $0xFFFFC000  }
0x21: {  	[spmem:s8] =	stream.linear.scatter [tilespmem:s21], [sflag:$0x2], $0x4000, $0x38;
	[tilespmem:$0x1A800] =	vst v63  }
0x22: {  	_ =	swait.ge [sflag:s22], $0x4000  }
0x23: {  	[sflag:s22] =	ssyncset.done $0x0  }
0x24: {  	[sflag:s22] =	ssyncadd.s32 $0xFFFFC000  }
0x25: {  	[spmem:s9] =	stream.linear.scatter [tilespmem:s21], [sflag:$0x2], $0x4000, $0x38;
	[tilespmem:$0x1A800] =	vst v63  }
0x26: {  	_ =	swait.ge [sflag:s22], $0x4000  }
0x27: {  	[sflag:s22] =	ssyncset.done $0x0  }
0x28: {  	[sflag:s22] =	ssyncadd.s32 $0xFFFFC000  }
0x29: {  	[spmem:s10] =	stream.linear.scatter [tilespmem:s21], [sflag:$0x2], $0x4000, $0x38;
	[tilespmem:$0x1A800] =	vst v63  }
0x2a: {  	_ =	swait.ge [sflag:s22], $0x4000  }
0x2b: {  	[sflag:s22] =	ssyncset.done $0x0  }
0x2c: {  	[sflag:s22] =	ssyncadd.s32 $0xFFFFC000  }
0x2d: {  	[bflag:$0x0] =	sbarrier.arrive $0xFFFF  }
0x2e: {  	[tilespmem:s4], [sflag:$0x2] =	stream.linear.gather [hbm4b:s11+s4], $0x1400, $0x38;
	[tilespmem:$0x1A800] =	vst v63  }
0x2f: {  	_ =	swait.ge [sflag:s22], $0x1400  }
0x30: {  	[sflag:s22] =	ssyncset.done $0x0  }
0x31: {  	[sflag:s22] =	ssyncadd.s32 $0xFFFFEC00  }
0x32: {  	[tilespmem:s23], [sflag:$0x2] =	stream.linear.gather [hbm4b:s12+s4], $0x1400, $0x38;
	[tilespmem:$0x1A800] =	vst v63  }
0x33: {  	_ =	swait.ge [sflag:s22], $0x1400  }
0x34: {  	[sflag:s22] =	ssyncset.done $0x0  }
0x35: {  	s28 =	simm.s32 $0x0;
	[sflag:s22] =	ssyncadd.s32 $0xFFFFEC00  }
0x36: {  	[tilespmem:s21], [sflag:$0x1] =	stream.indirect.gather [hbm4b:s5+s24], $0x80, s28, s24, $0xb8;
	[tilespmem:$0x1A800] =	vst v63  }
0x37: {  	_ =	swait.ge [sflag:s25], $0x4000  }
0x38: {  	[sflag:s25] =	ssyncset.done $0x0  }
0x39: {  	s28 =	simm.s32 $0x1400;
	[sflag:s25] =	ssyncadd.s32 $0xFFFFC000  }
0x3a: {  	[spmem:s3] =	stream.indirect.scatter.add.f32 [tilespmem:s21], [sflag:$0x2], $0x80, s28, s24, $0xb8;
	[tilespmem:$0x1A800] =	vst v63  }
0x3b: {  	_ =	swait.ge [sflag:s22], $0x4000  }
0x3c: {  	s29 =	simm.s32 $0x400;
	s28 =	simm.s32 $0x200;
	[sflag:s22] =	ssyncset.done $0x0  }
.LBB2_2:
0x3d: {  	s30 =	sshra.s32 s28, $0x2  }
0x3e: {  	[sflag:s22] =	ssyncadd.s32 $0xFFFFC000;
	s28 =	smov.u32 s29;
	s31 =	sadd.s32 $0x200, s29  }
0x3f: {  	[tilespmem:s21], [sflag:$0x1] =	stream.indirect.gather [hbm4b:s5+s24], $0x80, s30, s24, $0xb8;
	[tilespmem:$0x1A800] =	vst v63  }
0x40: {  	p0 =	sne.s32 s29, $0x4E00;
	_ =	swait.ge [sflag:s25], $0x4000  }
.Ltmp0:
0x41: {  	[sflag:s25] =	ssyncset.done $0x0;
	(pc) =	sbr.rel @p0 .LBB2_2-.Ltmp0, $4  }
0x42: {  	s29 =	sadd.s32 $0x1400, s30;
	[sflag:s25] =	ssyncadd.s32 $0xFFFFC000  }
0x43: {  	[spmem:s3] =	stream.indirect.scatter.add.f32 [tilespmem:s21], [sflag:$0x2], $0x80, s29, s24, $0xb8;
	[tilespmem:$0x1A800] =	vst v63  }
0x44: {  	_ =	swait.ge [sflag:s22], $0x4000  }
0x45: {  	s29 =	smov.u32 s31;
	[sflag:s22] =	ssyncset.done $0x0  }
0x46: {  	s28 =	sshra.s32 s28, $0x2;
	[sflag:s22] =	ssyncadd.s32 $0xFFFFC000  }
0x47: {  	[tilespmem:s21], [sflag:$0x1] =	stream.indirect.gather [hbm4b:s5+s24], $0x80, s28, s24, $0xb8;
	[tilespmem:$0x1A800] =	vst v63  }
0x48: {  	_ =	swait.ge [sflag:s25], $0x4000  }
0x49: {  	[sflag:s25] =	ssyncset.done $0x0  }
0x4a: {  	s28 =	sadd.s32 $0x1400, s28;
	[sflag:s25] =	ssyncadd.s32 $0xFFFFC000  }
0x4b: {  	[spmem:s3] =	stream.indirect.scatter.add.f32 [tilespmem:s21], [sflag:$0x2], $0x80, s28, s24, $0xb8;
	[tilespmem:$0x1A800] =	vst v63  }
0x4c: {  	_ =	swait.ge [sflag:s22], $0x4000  }
0x4d: {  	[sflag:s22] =	ssyncset.done $0x0  }
0x4e: {  	s28 =	simm.s32 $0x0;
	[sflag:s22] =	ssyncadd.s32 $0xFFFFC000  }
0x4f: {  	[tilespmem:s28], [sflag:$0x2] =	stream.linear.gather [hbm4b:s13+s28], $0x1400, $0x38;
	[tilespmem:$0x1A800] =	vst v63  }
0x50: {  	_ =	swait.ge [sflag:s22], $0x1400  }
0x51: {  	[sflag:s22] =	ssyncset.done $0x0  }
0x52: {  	[sflag:s22] =	ssyncadd.s32 $0xFFFFEC00  }
0x53: {  	[tilespmem:s23], [sflag:$0x2] =	stream.linear.gather [hbm4b:s14+s28], $0x1400, $0x38;
	[tilespmem:$0x1A800] =	vst v63  }
0x54: {  	_ =	swait.ge [sflag:s22], $0x1400  }
0x55: {  	[sflag:s22] =	ssyncset.done $0x0  }
0x56: {  	s28 =	simm.s32 $0x0;
	[sflag:s22] =	ssyncadd.s32 $0xFFFFEC00  }
0x57: {  	[tilespmem:s21], [sflag:$0x1] =	stream.indirect.gather [hbm4b:s5+s24], $0x80, s28, s24, $0xb8;
	[tilespmem:$0x1A800] =	vst v63  }
0x58: {  	_ =	swait.ge [sflag:s25], $0x4000  }
0x59: {  	[sflag:s25] =	ssyncset.done $0x0  }
0x5a: {  	s28 =	simm.s32 $0x1400;
	[sflag:s25] =	ssyncadd.s32 $0xFFFFC000  }
0x5b: {  	[spmem:s3] =	stream.indirect.scatter.add.f32 [tilespmem:s21], [sflag:$0x2], $0x80, s28, s24, $0xb8;
	[tilespmem:$0x1A800] =	vst v63  }
0x5c: {  	_ =	swait.ge [sflag:s22], $0x4000  }
0x5d: {  	s29 =	simm.s32 $0x400;
	s28 =	simm.s32 $0x200;
	[sflag:s22] =	ssyncset.done $0x0  }
.LBB2_4:
0x5e: {  	s30 =	sshra.s32 s28, $0x2  }
0x5f: {  	[sflag:s22] =	ssyncadd.s32 $0xFFFFC000;
	s28 =	smov.u32 s29;
	s31 =	sadd.s32 $0x200, s29  }
0x60: {  	[tilespmem:s21], [sflag:$0x1] =	stream.indirect.gather [hbm4b:s5+s24], $0x80, s30, s24, $0xb8;
	[tilespmem:$0x1A800] =	vst v63  }
0x61: {  	p0 =	sne.s32 s29, $0x4E00;
	_ =	swait.ge [sflag:s25], $0x4000  }
.Ltmp1:
0x62: {  	[sflag:s25] =	ssyncset.done $0x0;
	(pc) =	sbr.rel @p0 .LBB2_4-.Ltmp1, $4  }
0x63: {  	s29 =	sadd.s32 $0x1400, s30;
	[sflag:s25] =	ssyncadd.s32 $0xFFFFC000  }
0x64: {  	[spmem:s3] =	stream.indirect.scatter.add.f32 [tilespmem:s21], [sflag:$0x2], $0x80, s29, s24, $0xb8;
	[tilespmem:$0x1A800] =	vst v63  }
0x65: {  	_ =	swait.ge [sflag:s22], $0x4000  }
0x66: {  	s29 =	smov.u32 s31;
	[sflag:s22] =	ssyncset.done $0x0  }
0x67: {  	s28 =	sshra.s32 s28, $0x2;
	[sflag:s22] =	ssyncadd.s32 $0xFFFFC000  }
0x68: {  	[tilespmem:s21], [sflag:$0x1] =	stream.indirect.gather [hbm4b:s5+s24], $0x80, s28, s24, $0xb8;
	[tilespmem:$0x1A800] =	vst v63  }
0x69: {  	_ =	swait.ge [sflag:s25], $0x4000  }
0x6a: {  	[sflag:s25] =	ssyncset.done $0x0  }
0x6b: {  	s28 =	sadd.s32 $0x1400, s28;
	[sflag:s25] =	ssyncadd.s32 $0xFFFFC000  }
0x6c: {  	[spmem:s3] =	stream.indirect.scatter.add.f32 [tilespmem:s21], [sflag:$0x2], $0x80, s28, s24, $0xb8;
	[tilespmem:$0x1A800] =	vst v63  }
0x6d: {  	_ =	swait.ge [sflag:s22], $0x4000  }
0x6e: {  	[sflag:s22] =	ssyncset.done $0x0  }
0x6f: {  	[sflag:s22] =	ssyncadd.s32 $0xFFFFC000  }
0x70: {  	[bflag:$0x0] =	sbarrier.arrive $0xFFFF  }
0x71: {  	[tilespmem:s21], [sflag:$0x2] =	stream.linear.gather [spmem:s6], $0x4000, $0x38;
	[tilespmem:$0x1A800] =	vst v63  }
0x72: {  	_ =	swait.ge [sflag:s22], $0x4000  }
0x73: {  	[sflag:s22] =	ssyncset.done $0x0  }
0x74: {  	[sflag:s22] =	ssyncadd.s32 $0xFFFFC000  }
0x75: {  	[hbm4b:s15+s4] =	stream.linear.scatter [tilespmem:s21], [sflag:$0x2], $0x4000, $0x38;
	[tilespmem:$0x1A800] =	vst v63  }
0x76: {  	_ =	swait.ge [sflag:s22], $0x4000  }
0x77: {  	[sflag:s22] =	ssyncset.done $0x0  }
0x78: {  	[sflag:s22] =	ssyncadd.s32 $0xFFFFC000  }
0x79: {  	[tilespmem:s21], [sflag:$0x2] =	stream.linear.gather [spmem:s7], $0x4000, $0x38;
	[tilespmem:$0x1A800] =	vst v63  }
0x7a: {  	_ =	swait.ge [sflag:s22], $0x4000  }
0x7b: {  	[sflag:s22] =	ssyncset.done $0x0  }
0x7c: {  	[sflag:s22] =	ssyncadd.s32 $0xFFFFC000  }
0x7d: {  	[hbm4b:s16+s4] =	stream.linear.scatter [tilespmem:s21], [sflag:$0x2], $0x4000, $0x38;
	[tilespmem:$0x1A800] =	vst v63  }
0x7e: {  	_ =	swait.ge [sflag:s22], $0x4000  }
0x7f: {  	[sflag:s22] =	ssyncset.done $0x0  }
0x80: {  	[sflag:s22] =	ssyncadd.s32 $0xFFFFC000  }
0x81: {  	[tilespmem:s21], [sflag:$0x2] =	stream.linear.gather [spmem:s8], $0x4000, $0x38;
	[tilespmem:$0x1A800] =	vst v63  }
0x82: {  	_ =	swait.ge [sflag:s22], $0x4000  }
0x83: {  	[sflag:s22] =	ssyncset.done $0x0  }
0x84: {  	[sflag:s22] =	ssyncadd.s32 $0xFFFFC000  }
0x85: {  	[hbm4b:s17+s4] =	stream.linear.scatter [tilespmem:s21], [sflag:$0x2], $0x4000, $0x38;
	[tilespmem:$0x1A800] =	vst v63  }
0x86: {  	_ =	swait.ge [sflag:s22], $0x4000  }
0x87: {  	[sflag:s22] =	ssyncset.done $0x0  }
0x88: {  	[sflag:s22] =	ssyncadd.s32 $0xFFFFC000  }
0x89: {  	[tilespmem:s21], [sflag:$0x2] =	stream.linear.gather [spmem:s9], $0x4000, $0x38;
	[tilespmem:$0x1A800] =	vst v63  }
0x8a: {  	_ =	swait.ge [sflag:s22], $0x4000  }
0x8b: {  	[sflag:s22] =	ssyncset.done $0x0  }
0x8c: {  	[sflag:s22] =	ssyncadd.s32 $0xFFFFC000  }
0x8d: {  	[hbm4b:s18+s4] =	stream.linear.scatter [tilespmem:s21], [sflag:$0x2], $0x4000, $0x38;
	[tilespmem:$0x1A800] =	vst v63  }
0x8e: {  	_ =	swait.ge [sflag:s22], $0x4000  }
0x8f: {  	[sflag:s22] =	ssyncset.done $0x0  }
0x90: {  	[sflag:s22] =	ssyncadd.s32 $0xFFFFC000  }
0x91: {  	[tilespmem:s21], [sflag:$0x2] =	stream.linear.gather [spmem:s10], $0x4000, $0x38;
	[tilespmem:$0x1A800] =	vst v63  }
0x92: {  	s26 =	sadd.s32 $0x1, s26;
	_ =	swait.ge [sflag:s22], $0x4000  }
0x93: {  	p0 =	sne.s32 s26, s20;
	[sflag:s22] =	ssyncset.done $0x0  }
.Ltmp2:
0x94: {  	[sflag:s22] =	ssyncadd.s32 $0xFFFFC000;
	(pc) =	sbr.rel @p0 .LBB2_1-.Ltmp2, $4  }
0x95: {  	[hbm4b:s19+s4] =	stream.linear.scatter [tilespmem:s21], [sflag:$0x2], $0x4000, $0x38;
	[tilespmem:$0x1A800] =	vst v63  }
0x96: {  	_ =	swait.ge [sflag:s22], $0x4000  }
0x97: {  	[sflag:s22] =	ssyncset.done $0x0  }
0x98: {  	[sflag:s22] =	ssyncadd.s32 $0xFFFFC000  }
0x99: {  	_ =	sfence.sel $0x180000  }
0x9a: {  	[bflag:$0x0] =	sbarrier.arrive $0xFFFF  }
0x9b: {  	p0 =	sne.s32 s1, $0x0;
	_ =	strace $0x90000056  }
0x9c: {  	s0 =	sadd.s32 @!p0 $0x100000, s0;
	[bflag:$0x2] =	sbarrier.arrive $0xFFFF  }
0x9d: {  	[sflag:s0] =	ssyncadd.tile.s32 @!p0 $0x1;
	_ =	shalt  }
.Lfunc_end2:
_tile_overlayer_lowered:
.L_overlay_start_2:
0x9e: {  	(tag) =	ssettag $0x2  }
0x9f: {  	s0 =	rddreg [dreg:$0x0];
	s2 =	stileid.u32  }
0xa0: {  	s1 =	rddreg [dreg:$0x1];
	p0 =	sne.s32 s2, $0x0  }
0xa1: {  	s3 =	rddreg [dreg:$0x2];
	[bflag:$0x3] =	sbarrier.arrive $0xFFFF;
	s2 =	simm.s32 @!p0 $0x1C02  }
0xa2: {  	[timem:s3], [sflag:s2] =	dma.local @!p0 [hbm:s0], s1  }
0xa3: {  	s0 =	simm.s32 @!p0 $0x2  }
0xa4: {  	_ =	swait.ge @!p0 [sflag:s0], s1  }
0xa5: {  	s1 =	ssub.s32 @!p0 $0x0, s1;
	[sflag:s0] =	ssyncset.done @!p0 $0x0  }
0xa6: {  	[sflag:s0] =	ssyncadd.s32 @!p0 s1  }
0xa7: {  	[bflag:$0x3] =	sbarrier.arrive $0xFFFF  }
0xa8: {  	_ =	shalt  }

// kernel: seg_sum_sc.15.cloned.1.call-start
scs
__scs_entry_jumppad:
0x0: {  	(pc) =	sbr.rel $0x88, $3  }
0x1: {  	(tag) =	ssettag $0x0;
	lr =	simm.s32 $0x1  }
0x2: {  	[smem:$0x3F8C] =	sst lr;
	_ =	strace $0xD0000000  }
0x3: {  	_ = 	snop  }
0x4: {  	_ = 	snop  }
0x5: {  	_ = 	snop  }
0x6: {  	_ = 	snop  }
0x7: {  	_ = 	snop  }
__scs_overlays_trampoline_lowered:
0x8: {  	[smem:$0x3F9B] =	sst s0  }
0x9: {  	[smem:$0x3F9C] =	sst s1  }
0xa: {  	[smem:$0x3F9D] =	sst s2  }
0xb: {  	[smem:$0x3F9E] =	sst s3  }
0xc: {  	[smem:$0x3F9F] =	sst s4  }
0xd: {  	[smem:$0x3FA0] =	sst s5  }
0xe: {  	[smem:$0x3FA1] =	sst s6  }
0xf: {  	[smem:$0x3FA2] =	sst s7  }
0x10: {  	[smem:$0x3FA3] =	sst s8  }
0x11: {  	[smem:$0x3FA4] =	sst s9;
	s0 =	simm.s32 @!p0 $0x0  }
0x12: {  	s1 =	sld [smem:$0x3F8A];
	s0 =	simm.s32 @p0 $0x1  }
0x13: {  	[smem:$0x3FA5] =	sst s0;
	s0 =	simm.s32 @!p1 $0x0  }
0x14: {  	s2 =	sld [smem:$0x3F89];
	s0 =	simm.s32 @p1 $0x1  }
0x15: {  	[smem:$0x3FA6] =	sst s0;
	s0 =	simm.s32 @!p2 $0x0  }
0x16: {  	s3 =	sld [smem:$0x3FDB];
	s0 =	simm.s32 @p2 $0x1  }
0x17: {  	s4 =	simm.s32 $0x1BF5;
	[smem:$0x3FA8] =	sst s0  }
0x18: {  	s0 =	sld [smem:$0x3F8B];
	_ =	swait.ge [sflag:s4], $0x0  }
0x19: {  	s7 =	sld [smem:$0x3F8C]  }
0x1a: {  	s8 =	sadd.s32 $0xFFFFE003, lr  }
0x1b: {  	s9 =	sadd.s32 $0xFFFFFEF7, lr;
	s5 =	simm.s32 $0xFFFFFFFF;
	p2 =	slt.u32 s8, $0xFFFFF086  }
0x1c: {  	p1 =	slt.u32 s9, $0xF7A;
	s5 =	simm.s32 @!p2 $0x0  }
0x1d: {  	s5 =	simm.s32 @p1 $0x1;
	p0 =	seq.s32 s7, s2  }
0x1e: {  	s7 =	smul.u32 @!p0 $0xF7A, s2;
	p2 =	seq.s32 @!p0 s5, $0x0  }
0x1f: {  	s9 =	smul.u32 $0xF7A, s1;
	s8 =	simm.s32 @!p0 $0x1BF5;
	p2 =	por !p2, p0  }
0x20: {  	[sflag:s8] =	ssyncset.s32 @!p0 $0xFFFFF086;
	s6 =	sadd.s32 @!p0 s3, s7;
	s7 =	simm.s32 @!p0 $0x108  }
0x21: {  	s3 =	sadd.s32 s3, s9;
	s6 =	sadd.s32 @!p0 $0x88, s6;
	s7 =	simm.s32 @p2 $0x1082  }
0x22: {  	[simem:s7], [sflag:s8] =	dma.local @!p0 [hbm:s6], $0xF7A  }
0x23: {  	s9 =	sor.u32 $0xD0000000, s2;
	s6 =	simm.s32 $0x108;
	_ =	swait.ge @!p0 [sflag:s8], $0x0  }
0x24: {  	s3 =	sadd.s32 $0x88, s3;
	s6 =	simm.s32 @!p1 $0x1082;
	[sflag:s4] =	ssyncset.s32 $0xFFFFF086  }
0x25: {  	[simem:s6], [sflag:s4] =	dma.local [hbm:s3], $0xF7A  }
0x26: {  	[smem:$0x3F8C] =	sst s1;
	(tag) =	ssettag s2;
	_ =	strace s9  }
0x27: {  	s1 =	sld [smem:$0x3F9C]  }
0x28: {  	s2 =	sld [smem:$0x3F9D]  }
0x29: {  	s4 =	sld [smem:$0x3F9F]  }
0x2a: {  	p0 =	seq.s32 s5, $0x0;
	s5 =	sld [smem:$0x3FA0]  }
0x2b: {  	s6 =	sld [smem:$0x3FA1]  }
0x2c: {  	s7 =	sld [smem:$0x3FA2]  }
0x2d: {  	s3 =	simm.s32 $0x108;
	s8 =	sld [smem:$0x3FA3]  }
0x2e: {  	s3 =	simm.s32 @!p0 $0x1082;
	s9 =	sld [smem:$0x3FA4]  }
0x2f: {  	lr =	sadd.s32 s0, s3;
	s0 =	sld [smem:$0x3F9B]  }
0x30: {  	s3 =	sld [smem:$0x3F9E]  }
0x31: {  	[smem:$0x3FA7] =	sst s10  }
0x32: {  	s10 =	sld [smem:$0x3FA5];
	_ =	sdelay $0x3  }
0x33: {  	p0 =	seq.s32 s10, $0x1;
	s10 =	sld [smem:$0x3FA7];
	_ =	sdelay $0x3  }
0x34: {  	[smem:$0x3FA7] =	sst s10  }
0x35: {  	s10 =	sld [smem:$0x3FA6];
	_ =	sdelay $0x3  }
0x36: {  	p1 =	seq.s32 s10, $0x1;
	s10 =	sld [smem:$0x3FA7];
	_ =	sdelay $0x3  }
0x37: {  	[smem:$0x3FA7] =	sst s10  }
0x38: {  	s10 =	sld [smem:$0x3FA8]  }
0x39: {  	_ = 	snop;
	(pc) =	sbr.ind lr, $3  }
0x3a: {  	_ = 	snop  }
0x3b: {  	_ = 	snop  }
0x3c: {  	p2 =	seq.s32 s10, $0x1;
	s10 =	sld [smem:$0x3FA7]  }
0x3d: {  	_ =	shalt  }
0x3e: {  	_ =	shalt  }
0x3f: {  	_ =	shalt  }
0x40: {  	_ =	shalt  }
0x41: {  	_ =	shalt  }
0x42: {  	_ =	shalt  }
0x43: {  	_ =	shalt  }
0x44: {  	_ =	shalt  }
0x45: {  	_ =	shalt  }
0x46: {  	_ =	shalt  }
0x47: {  	_ =	shalt  }
0x48: {  	_ =	shalt  }
0x49: {  	_ =	shalt  }
0x4a: {  	_ =	shalt  }
0x4b: {  	_ =	shalt  }
0x4c: {  	_ =	shalt  }
0x4d: {  	_ =	shalt  }
0x4e: {  	_ =	shalt  }
0x4f: {  	_ =	shalt  }
0x50: {  	_ =	shalt  }
0x51: {  	_ =	shalt  }
0x52: {  	_ =	shalt  }
0x53: {  	_ =	shalt  }
0x54: {  	_ =	shalt  }
0x55: {  	_ =	shalt  }
0x56: {  	_ =	shalt  }
0x57: {  	_ =	shalt  }
0x58: {  	_ =	shalt  }
0x59: {  	_ =	shalt  }
0x5a: {  	_ =	shalt  }
0x5b: {  	_ =	shalt  }
0x5c: {  	_ =	shalt  }
0x5d: {  	_ =	shalt  }
0x5e: {  	_ =	shalt  }
0x5f: {  	_ =	shalt  }
0x60: {  	_ =	shalt  }
0x61: {  	_ =	shalt  }
0x62: {  	_ =	shalt  }
0x63: {  	_ =	shalt  }
0x64: {  	_ =	shalt  }
0x65: {  	_ =	shalt  }
0x66: {  	_ =	shalt  }
0x67: {  	_ =	shalt  }
0x68: {  	_ =	shalt  }
0x69: {  	_ =	shalt  }
0x6a: {  	_ =	shalt  }
0x6b: {  	_ =	shalt  }
0x6c: {  	_ =	shalt  }
0x6d: {  	_ =	shalt  }
0x6e: {  	_ =	shalt  }
0x6f: {  	_ =	shalt  }
0x70: {  	_ =	shalt  }
0x71: {  	_ =	shalt  }
0x72: {  	_ =	shalt  }
0x73: {  	_ =	shalt  }
0x74: {  	_ =	shalt  }
0x75: {  	_ =	shalt  }
0x76: {  	_ =	shalt  }
0x77: {  	_ =	shalt  }
0x78: {  	_ =	shalt  }
0x79: {  	_ =	shalt  }
0x7a: {  	_ =	shalt  }
0x7b: {  	_ =	shalt  }
0x7c: {  	_ =	shalt  }
0x7d: {  	_ =	shalt  }
0x7e: {  	_ =	shalt  }
0x7f: {  	_ =	shalt  }
0x80: {  	_ =	shalt  }
0x81: {  	_ =	shalt  }
0x82: {  	_ =	shalt  }
0x83: {  	_ =	shalt  }
0x84: {  	_ =	shalt  }
0x85: {  	_ =	shalt  }
0x86: {  	_ =	shalt  }
0x87: {  	_ =	shalt  }
.Lfunc_end0:
.L_simem_size_0:
called_computation.5_lowered:
.L_overlay_start_0:
0x88: {  	s2 =	sld [smem:$0x3FD9]  }
0x89: {  	s3 =	sld [smem:$0x3FFE];
	_ =	sdelay $0x1  }
0x8a: {  	s1 =	srdreg.scid  }
0x8b: {  	s0 =	sand.u32 $0x1, s1  }
0x8c: {  	s17 =	sshll.u32 s0, $0xA;
	s2 =	sadd.s32 s3, s2  }
0x8d: {  	s2 =	sadd.s32 s2, s17  }
0x8e: {  	[smem:$0x3FB3] =	sst s2  }
0x8f: {  	_ = 	snop  }
0x90: {  	s18 =	sld [smem:$0x3FD0];
	(tm) =	ssettm $0x1  }
0x91: {  	s19 =	sld [smem:$0x3FFB];
	_ =	sdelay $0x3  }
0x92: {  	_ =	strace s19  }
0x93: {  	s2 =	sld [smem:$0x3FFC];
	_ =	sdelay $0x3  }
0x94: {  	_ =	strace s2  }
0x95: {  	s2 =	sld [smem:$0x3FFD];
	_ =	sdelay $0x3  }
0x96: {  	_ =	strace s2  }
0x97: {  	_ =	strace $0x8FFFFFFF  }
0x98: {  	s20 =	sld [smem:$0x3FDB];
	_ =	sdelay $0x1  }
0x99: {  	s4 =	simm.s32 $_scs_section_size  }
0x9a: {  	s5 =	simm.s32 $_size__tile_overlayer_lowered;
	s6 =	simm.s32 $_tile_overlayer_lowered  }
0x9b: {  	s7 =	simm.s32 $0x1BFF;
	s21 =	sshll.u32 s6, $0x1;
	s4 =	sadd.s32 s4, s20  }
0x9c: {  	s22 =	simm.s32 $0x0;
	s5 =	sshll.u32 s5, $0x1;
	s6 =	sadd.s32 s21, s4  }
0x9d: {  	[timem:s22], [sflag:s7] =	dma.local [hbm:s6], s5  }
0x9e: {  	_ =	swait.ge [sflag:s7], s5  }
0x9f: {  	s5 =	ssub.s32 $0x0, s5;
	[sflag:s7] =	ssyncset.done $0x0  }
0xa0: {  	[sflag:s7] =	ssyncadd.s32 s5;
	_ =	sdelay $0x1  }
0xa1: {  	s23 =	simm.s32 $0x1B8B  }
0xa2: {  	_ =	swait.ge [sflag:s23], $0x1  }
0xa3: {  	[sflag:s23] =	ssyncset.done $0x0  }
0xa4: {  	[sflag:s23] =	ssyncadd.s32 $0xFFFFFFFF  }
0xa5: {  	s5 =	sld [smem:$0x0]  }
0xa6: {  	s6 =	sand.u32 $0xFFFFFFFE, s1  }
0xa7: {  	p0 =	sne.s32 s1, s6  }
0xa8: {  	s6 =	sshll.u32 @p0 s6, $0xE  }
0xa9: {  	s6 =	sadd.s32 @p0 $0x11B8D, s6;
	s7 =	sshll.u32 @p0 s5, $0x11  }
0xaa: {  	s6 =	sor.u32 @p0 s7, s6  }
0xab: {  	[sflag:s6] =	ssyncadd.remote.s32 @p0 $0x1;
	_ =	sdelay $0x1  }
0xac: {  	s6 =	simm.s32 @p0 $0x1B8D  }
0xad: {  	_ =	swait.eq @p0 [sflag:s6], $0x1  }
0xae: {  	[sflag:s6] =	ssyncadd.s32 @p0 $0xFFFFFFFF  }
0xaf: {  	s7 =	sshll.u32 @!p0 s1, $0xE  }
0xb0: {  	s7 =	sor.u32 @!p0 $0x4000, s7;
	s6 =	simm.s32 @!p0 $0x1B8D  }
0xb1: {  	s5 =	sshll.u32 @!p0 s5, $0x11;
	s7 =	sadd.s32 @!p0 $0x11B8D, s7;
	_ =	swait.eq @!p0 [sflag:s6], $0x1  }
0xb2: {  	s5 =	sor.u32 @!p0 s5, s7;
	[sflag:s6] =	ssyncadd.s32 @!p0 $0xFFFFFFFF  }
0xb3: {  	s25 =	simm.s32 $0x1B8E;
	s24 =	sld [smem:$0x3FFE];
	[sflag:s5] =	ssyncadd.remote.s32 @!p0 $0x1  }
0xb4: {  	s26 =	simm.s32 $execute0_lowered;
	[smem:$0x3FD2] =	sst s25  }
0xb5: {  	s6 =	sshll.u32 s26, $0x1;
	_ =	strace $0x80000052;
	[dreg:$0x1] =	wrdreg $0xFFFFFFFF  }
0xb6: {  	s28 =	simm.s32 $_size_execute0_lowered;
	s4 =	sadd.s32 s4, s6;
	[dreg:$0x0] =	wrdreg $0x0  }
0xb7: {  	s6 =	sshll.u32 s28, $0x1;
	[dreg:$0x2] =	wrdreg s4  }
0xb8: {  	[dreg:$0x3] =	wrdreg s6  }
0xb9: {  	[dreg:$0x4] =	wrdreg $0xC0  }
0xba: {  	_ =	task [dreg:s22], $0x5FFFF  }
0xbb: {  	[dreg:$0x1] =	wrdreg $0xFFFFFFFF  }
0xbc: {  	[dreg:$0x0] =	wrdreg $0x60  }
0xbd: {  	[dreg:$0x2] =	wrdreg s24  }
0xbe: {  	[dreg:$0x3] =	wrdreg s18  }
0xbf: {  	[dreg:$0x4] =	wrdreg $0x68000  }
0xc0: {  	[dreg:$0x5] =	wrdreg $0xB  }
0xc1: {  	_ =	task.clear_ibuf [dreg:s22], $0x6FFFF;
	_ =	strace $0x90000052  }
0xc2: {  	s29 =	simm.s32 $0xB;
	_ =	strace $0x80000054  }
0xc3: {  	_ =	swait.ge [sflag:s29], $0x1  }
0xc4: {  	[sflag:s29] =	ssyncadd.s32 $0xFFFFFFFF  }
0xc5: {  	_ =	strace $0x90000054  }
0xc6: {  	_ =	sfence  }
0xc7: {  	s30 =	sld [smem:$0x0];
	_ =	sdelay $0x2  }
0xc8: {  	s31 =	sshll.u32 s1, $0xD;
	s1 =	sshrl.u32 s1, $0x2  }
0xc9: {  	s4 =	sand.u32 $0x4000, s31;
	s1 =	sadd.s32 s1, s30  }
0xca: {  	s0 =	sor.u32 s4, s0;
	s1 =	sshll.u32 s1, $0x11  }
0xcb: {  	s0 =	sor.u32 s1, s0  }
0xcc: {  	s0 =	sadd.s32 $0x8F2B, s0  }
0xcd: {  	[sflag:s0] =	ssyncadd.remote.s32 $0x1  }
0xce: {  	_ =	sfence.sel $0xFFFF  }
0xcf: {  	[dreg:$0x0] =	wrdreg $0xFFFFFFFF;
	(pc) =	sbr.abs _section_cstart, $3  }
0xd0: {  	[dreg:$0x1] =	wrdreg $0xFFFFFFFF  }
0xd1: {  	_ =	task.clear_ibuf [dreg:s22], $0x2FFFF;
	_ =	strace $0x9FFFFFFF  }
0xd2: {  	(tm) =	ssettm $0x7FFFFFFF  }
0xd3: {  	_ =	shalt  }
tec
execute0_lowered:
.L_overlay_start_1:
0x0: {  	(tag) =	ssettag $0x1  }
0x1: {  	s6 =	rddreg [dreg:$0x0]  }
0x2: {  	s2 =	rddreg [dreg:$0x1]  }
0x3: {  	s3 =	rddreg [dreg:$0x2]  }
0x4: {  	s0 =	rddreg [dreg:$0x3]  }
0x5: {  	s5 =	srdreg.scid;
	s1 =	stileid.u32  }
0x6: {  	s4 =	simm.s32 $0x0;
	s21 =	simm.s32 $0x2800;
	s22 =	simm.s32 $0x2  }
0x7: {  	s23 =	simm.s32 $0x1400;
	s24 =	simm.s32 $0x80;
	s25 =	simm.s32 $0x1  }
0x8: {  	s26 =	simm.s32 $0x0;
	s7 =	sand.u32 $0x1, s5;
	s8 =	smul.u32 $0x280, s1  }
0x9: {  	[smem:$0x7FF] =	sst s4;
	s5 =	sadd.s32 $0x2D400, s6;
	s29 =	smul.u32 $0x50000, s1  }
0xa: {  	s13 =	sadd.s32 $0x5400, s6;
	s15 =	sadd.s32 $0xF400, s6;
	s9 =	smul.u32 $0x2800, s7  }
0xb: {  	s30 =	sshll.u32 s1, $0x2;
	s31 =	sshll.u32 s7, $0x1;
	s7 =	ssub.s32 $0x2, s7  }
0xc: {  	_ =	strace $0x80000053;
	s10 =	sshrl.u32 s7, $0x1;
	s8 =	sadd.s32 s8, s9  }
0xd: {  	s9 =	sshrl.u32 s29, $0x2;
	s20 =	ssub.s32 s7, s10;
	s8 =	sshll.u32 s8, $0x4  }
0xe: {  	s19 =	sadd.s32 s8, s6;
	s8 =	sor.u32 s31, s30;
	s6 =	sadd.s32 s9, s3  }
0xf: {  	s20 =	smax.u32 s20, $0x1;
	s11 =	smul.u32 $0x1400, s8;
	s7 =	sadd.s32 $0x4000, s6  }
0x10: {  	s12 =	smul.u32 $0x280, s8;
	s8 =	sadd.s32 $0x8000, s6;
	s9 =	sadd.s32 $0xC000, s6  }
0x11: {  	s10 =	sadd.s32 $0x10000, s6;
	s17 =	sadd.s32 $0x16EC00, s19;
	s14 =	sshrl.u32 s11, $0x3  }
0x12: {  	s18 =	sadd.s32 $0x16F400, s19;
	s11 =	sadd.s32 s13, s12;
	s16 =	sadd.s32 $0x280, s14  }
0x13: {  	s12 =	sadd.s32 s15, s12;
	s14 =	sadd.s32 $0x16DC00, s19;
	s13 =	sadd.s32 s13, s16  }
0x14: {  	s15 =	sadd.s32 s15, s16;
	s16 =	sadd.s32 $0x16E400, s19;
	s19 =	sadd.s32 $0x16FC00, s19  }
.LBB2_1:
0x15: {  	[tilespmem:s21], [sflag:$0x2] =	stream.linear.gather [hbm4b:s2+s4], $0x4000, $0x38;
	[tilespmem:$0x1A800] =	vst v63  }
0x16: {  	_ =	swait.ge [sflag:s22], $0x4000  }
0x17: {  	[sflag:s22] =	ssyncset.done $0x0  }
0x18: {  	[sflag:s22] =	ssyncadd.s32 $0xFFFFC000  }
0x19: {  	[spmem:s6] =	stream.linear.scatter [tilespmem:s21], [sflag:$0x2], $0x4000, $0x38;
	[tilespmem:$0x1A800] =	vst v63  }
0x1a: {  	_ =	swait.ge [sflag:s22], $0x4000  }
0x1b: {  	[sflag:s22] =	ssyncset.done $0x0  }
0x1c: {  	[sflag:s22] =	ssyncadd.s32 $0xFFFFC000  }
0x1d: {  	[spmem:s7] =	stream.linear.scatter [tilespmem:s21], [sflag:$0x2], $0x4000, $0x38;
	[tilespmem:$0x1A800] =	vst v63  }
0x1e: {  	_ =	swait.ge [sflag:s22], $0x4000  }
0x1f: {  	[sflag:s22] =	ssyncset.done $0x0  }
0x20: {  	[sflag:s22] =	ssyncadd.s32 $0xFFFFC000  }
0x21: {  	[spmem:s8] =	stream.linear.scatter [tilespmem:s21], [sflag:$0x2], $0x4000, $0x38;
	[tilespmem:$0x1A800] =	vst v63  }
0x22: {  	_ =	swait.ge [sflag:s22], $0x4000  }
0x23: {  	[sflag:s22] =	ssyncset.done $0x0  }
0x24: {  	[sflag:s22] =	ssyncadd.s32 $0xFFFFC000  }
0x25: {  	[spmem:s9] =	stream.linear.scatter [tilespmem:s21], [sflag:$0x2], $0x4000, $0x38;
	[tilespmem:$0x1A800] =	vst v63  }
0x26: {  	_ =	swait.ge [sflag:s22], $0x4000  }
0x27: {  	[sflag:s22] =	ssyncset.done $0x0  }
0x28: {  	[sflag:s22] =	ssyncadd.s32 $0xFFFFC000  }
0x29: {  	[spmem:s10] =	stream.linear.scatter [tilespmem:s21], [sflag:$0x2], $0x4000, $0x38;
	[tilespmem:$0x1A800] =	vst v63  }
0x2a: {  	_ =	swait.ge [sflag:s22], $0x4000  }
0x2b: {  	[sflag:s22] =	ssyncset.done $0x0  }
0x2c: {  	[sflag:s22] =	ssyncadd.s32 $0xFFFFC000  }
0x2d: {  	[bflag:$0x0] =	sbarrier.arrive $0xFFFF  }
0x2e: {  	[tilespmem:s4], [sflag:$0x2] =	stream.linear.gather [hbm4b:s11+s4], $0x1400, $0x38;
	[tilespmem:$0x1A800] =	vst v63  }
0x2f: {  	_ =	swait.ge [sflag:s22], $0x1400  }
0x30: {  	[sflag:s22] =	ssyncset.done $0x0  }
0x31: {  	[sflag:s22] =	ssyncadd.s32 $0xFFFFEC00  }
0x32: {  	[tilespmem:s23], [sflag:$0x2] =	stream.linear.gather [hbm4b:s12+s4], $0x1400, $0x38;
	[tilespmem:$0x1A800] =	vst v63  }
0x33: {  	_ =	swait.ge [sflag:s22], $0x1400  }
0x34: {  	[sflag:s22] =	ssyncset.done $0x0  }
0x35: {  	s28 =	simm.s32 $0x0;
	[sflag:s22] =	ssyncadd.s32 $0xFFFFEC00  }
0x36: {  	[tilespmem:s21], [sflag:$0x1] =	stream.indirect.gather [hbm4b:s5+s24], $0x80, s28, s24, $0xb8;
	[tilespmem:$0x1A800] =	vst v63  }
0x37: {  	_ =	swait.ge [sflag:s25], $0x4000  }
0x38: {  	[sflag:s25] =	ssyncset.done $0x0  }
0x39: {  	s28 =	simm.s32 $0x1400;
	[sflag:s25] =	ssyncadd.s32 $0xFFFFC000  }
0x3a: {  	[spmem:s3] =	stream.indirect.scatter.add.f32 [tilespmem:s21], [sflag:$0x2], $0x80, s28, s24, $0xb8;
	[tilespmem:$0x1A800] =	vst v63  }
0x3b: {  	_ =	swait.ge [sflag:s22], $0x4000  }
0x3c: {  	s29 =	simm.s32 $0x400;
	s28 =	simm.s32 $0x200;
	[sflag:s22] =	ssyncset.done $0x0  }
.LBB2_2:
0x3d: {  	s30 =	sshra.s32 s28, $0x2  }
0x3e: {  	[sflag:s22] =	ssyncadd.s32 $0xFFFFC000;
	s28 =	smov.u32 s29;
	s31 =	sadd.s32 $0x200, s29  }
0x3f: {  	[tilespmem:s21], [sflag:$0x1] =	stream.indirect.gather [hbm4b:s5+s24], $0x80, s30, s24, $0xb8;
	[tilespmem:$0x1A800] =	vst v63  }
0x40: {  	p0 =	sne.s32 s29, $0x4E00;
	_ =	swait.ge [sflag:s25], $0x4000  }
.Ltmp0:
0x41: {  	[sflag:s25] =	ssyncset.done $0x0;
	(pc) =	sbr.rel @p0 .LBB2_2-.Ltmp0, $4  }
0x42: {  	s29 =	sadd.s32 $0x1400, s30;
	[sflag:s25] =	ssyncadd.s32 $0xFFFFC000  }
0x43: {  	[spmem:s3] =	stream.indirect.scatter.add.f32 [tilespmem:s21], [sflag:$0x2], $0x80, s29, s24, $0xb8;
	[tilespmem:$0x1A800] =	vst v63  }
0x44: {  	_ =	swait.ge [sflag:s22], $0x4000  }
0x45: {  	s29 =	smov.u32 s31;
	[sflag:s22] =	ssyncset.done $0x0  }
0x46: {  	s28 =	sshra.s32 s28, $0x2;
	[sflag:s22] =	ssyncadd.s32 $0xFFFFC000  }
0x47: {  	[tilespmem:s21], [sflag:$0x1] =	stream.indirect.gather [hbm4b:s5+s24], $0x80, s28, s24, $0xb8;
	[tilespmem:$0x1A800] =	vst v63  }
0x48: {  	_ =	swait.ge [sflag:s25], $0x4000  }
0x49: {  	[sflag:s25] =	ssyncset.done $0x0  }
0x4a: {  	s28 =	sadd.s32 $0x1400, s28;
	[sflag:s25] =	ssyncadd.s32 $0xFFFFC000  }
0x4b: {  	[spmem:s3] =	stream.indirect.scatter.add.f32 [tilespmem:s21], [sflag:$0x2], $0x80, s28, s24, $0xb8;
	[tilespmem:$0x1A800] =	vst v63  }
0x4c: {  	_ =	swait.ge [sflag:s22], $0x4000  }
0x4d: {  	[sflag:s22] =	ssyncset.done $0x0  }
0x4e: {  	s28 =	simm.s32 $0x0;
	[sflag:s22] =	ssyncadd.s32 $0xFFFFC000  }
0x4f: {  	[tilespmem:s28], [sflag:$0x2] =	stream.linear.gather [hbm4b:s13+s28], $0x1400, $0x38;
	[tilespmem:$0x1A800] =	vst v63  }
0x50: {  	_ =	swait.ge [sflag:s22], $0x1400  }
0x51: {  	[sflag:s22] =	ssyncset.done $0x0  }
0x52: {  	[sflag:s22] =	ssyncadd.s32 $0xFFFFEC00  }
0x53: {  	[tilespmem:s23], [sflag:$0x2] =	stream.linear.gather [hbm4b:s15+s28], $0x1400, $0x38;
	[tilespmem:$0x1A800] =	vst v63  }
0x54: {  	_ =	swait.ge [sflag:s22], $0x1400  }
0x55: {  	[sflag:s22] =	ssyncset.done $0x0  }
0x56: {  	s28 =	simm.s32 $0x0;
	[sflag:s22] =	ssyncadd.s32 $0xFFFFEC00  }
0x57: {  	[tilespmem:s21], [sflag:$0x1] =	stream.indirect.gather [hbm4b:s5+s24], $0x80, s28, s24, $0xb8;
	[tilespmem:$0x1A800] =	vst v63  }
0x58: {  	_ =	swait.ge [sflag:s25], $0x4000  }
0x59: {  	[sflag:s25] =	ssyncset.done $0x0  }
0x5a: {  	s28 =	simm.s32 $0x1400;
	[sflag:s25] =	ssyncadd.s32 $0xFFFFC000  }
0x5b: {  	[spmem:s3] =	stream.indirect.scatter.add.f32 [tilespmem:s21], [sflag:$0x2], $0x80, s28, s24, $0xb8;
	[tilespmem:$0x1A800] =	vst v63  }
0x5c: {  	_ =	swait.ge [sflag:s22], $0x4000  }
0x5d: {  	s29 =	simm.s32 $0x400;
	s28 =	simm.s32 $0x200;
	[sflag:s22] =	ssyncset.done $0x0  }
.LBB2_4:
0x5e: {  	s30 =	sshra.s32 s28, $0x2  }
0x5f: {  	[sflag:s22] =	ssyncadd.s32 $0xFFFFC000;
	s28 =	smov.u32 s29;
	s31 =	sadd.s32 $0x200, s29  }
0x60: {  	[tilespmem:s21], [sflag:$0x1] =	stream.indirect.gather [hbm4b:s5+s24], $0x80, s30, s24, $0xb8;
	[tilespmem:$0x1A800] =	vst v63  }
0x61: {  	p0 =	sne.s32 s29, $0x4E00;
	_ =	swait.ge [sflag:s25], $0x4000  }
.Ltmp1:
0x62: {  	[sflag:s25] =	ssyncset.done $0x0;
	(pc) =	sbr.rel @p0 .LBB2_4-.Ltmp1, $4  }
0x63: {  	s29 =	sadd.s32 $0x1400, s30;
	[sflag:s25] =	ssyncadd.s32 $0xFFFFC000  }
0x64: {  	[spmem:s3] =	stream.indirect.scatter.add.f32 [tilespmem:s21], [sflag:$0x2], $0x80, s29, s24, $0xb8;
	[tilespmem:$0x1A800] =	vst v63  }
0x65: {  	_ =	swait.ge [sflag:s22], $0x4000  }
0x66: {  	s29 =	smov.u32 s31;
	[sflag:s22] =	ssyncset.done $0x0  }
0x67: {  	s28 =	sshra.s32 s28, $0x2;
	[sflag:s22] =	ssyncadd.s32 $0xFFFFC000  }
0x68: {  	[tilespmem:s21], [sflag:$0x1] =	stream.indirect.gather [hbm4b:s5+s24], $0x80, s28, s24, $0xb8;
	[tilespmem:$0x1A800] =	vst v63  }
0x69: {  	_ =	swait.ge [sflag:s25], $0x4000  }
0x6a: {  	[sflag:s25] =	ssyncset.done $0x0  }
0x6b: {  	s28 =	sadd.s32 $0x1400, s28;
	[sflag:s25] =	ssyncadd.s32 $0xFFFFC000  }
0x6c: {  	[spmem:s3] =	stream.indirect.scatter.add.f32 [tilespmem:s21], [sflag:$0x2], $0x80, s28, s24, $0xb8;
	[tilespmem:$0x1A800] =	vst v63  }
0x6d: {  	_ =	swait.ge [sflag:s22], $0x4000  }
0x6e: {  	[sflag:s22] =	ssyncset.done $0x0  }
0x6f: {  	[sflag:s22] =	ssyncadd.s32 $0xFFFFC000  }
0x70: {  	[bflag:$0x0] =	sbarrier.arrive $0xFFFF  }
0x71: {  	[tilespmem:s21], [sflag:$0x2] =	stream.linear.gather [spmem:s6], $0x4000, $0x38;
	[tilespmem:$0x1A800] =	vst v63  }
0x72: {  	_ =	swait.ge [sflag:s22], $0x4000  }
0x73: {  	[sflag:s22] =	ssyncset.done $0x0  }
0x74: {  	[sflag:s22] =	ssyncadd.s32 $0xFFFFC000  }
0x75: {  	[hbm4b:s14+s4] =	stream.linear.scatter [tilespmem:s21], [sflag:$0x2], $0x4000, $0x38;
	[tilespmem:$0x1A800] =	vst v63  }
0x76: {  	_ =	swait.ge [sflag:s22], $0x4000  }
0x77: {  	[sflag:s22] =	ssyncset.done $0x0  }
0x78: {  	[sflag:s22] =	ssyncadd.s32 $0xFFFFC000  }
0x79: {  	[tilespmem:s21], [sflag:$0x2] =	stream.linear.gather [spmem:s7], $0x4000, $0x38;
	[tilespmem:$0x1A800] =	vst v63  }
0x7a: {  	_ =	swait.ge [sflag:s22], $0x4000  }
0x7b: {  	[sflag:s22] =	ssyncset.done $0x0  }
0x7c: {  	[sflag:s22] =	ssyncadd.s32 $0xFFFFC000  }
0x7d: {  	[hbm4b:s16+s4] =	stream.linear.scatter [tilespmem:s21], [sflag:$0x2], $0x4000, $0x38;
	[tilespmem:$0x1A800] =	vst v63  }
0x7e: {  	_ =	swait.ge [sflag:s22], $0x4000  }
0x7f: {  	[sflag:s22] =	ssyncset.done $0x0  }
0x80: {  	[sflag:s22] =	ssyncadd.s32 $0xFFFFC000  }
0x81: {  	[tilespmem:s21], [sflag:$0x2] =	stream.linear.gather [spmem:s8], $0x4000, $0x38;
	[tilespmem:$0x1A800] =	vst v63  }
0x82: {  	_ =	swait.ge [sflag:s22], $0x4000  }
0x83: {  	[sflag:s22] =	ssyncset.done $0x0  }
0x84: {  	[sflag:s22] =	ssyncadd.s32 $0xFFFFC000  }
0x85: {  	[hbm4b:s17+s4] =	stream.linear.scatter [tilespmem:s21], [sflag:$0x2], $0x4000, $0x38;
	[tilespmem:$0x1A800] =	vst v63  }
0x86: {  	_ =	swait.ge [sflag:s22], $0x4000  }
0x87: {  	[sflag:s22] =	ssyncset.done $0x0  }
0x88: {  	[sflag:s22] =	ssyncadd.s32 $0xFFFFC000  }
0x89: {  	[tilespmem:s21], [sflag:$0x2] =	stream.linear.gather [spmem:s9], $0x4000, $0x38;
	[tilespmem:$0x1A800] =	vst v63  }
0x8a: {  	_ =	swait.ge [sflag:s22], $0x4000  }
0x8b: {  	[sflag:s22] =	ssyncset.done $0x0  }
0x8c: {  	[sflag:s22] =	ssyncadd.s32 $0xFFFFC000  }
0x8d: {  	[hbm4b:s18+s4] =	stream.linear.scatter [tilespmem:s21], [sflag:$0x2], $0x4000, $0x38;
	[tilespmem:$0x1A800] =	vst v63  }
0x8e: {  	_ =	swait.ge [sflag:s22], $0x4000  }
0x8f: {  	[sflag:s22] =	ssyncset.done $0x0  }
0x90: {  	[sflag:s22] =	ssyncadd.s32 $0xFFFFC000  }
0x91: {  	[tilespmem:s21], [sflag:$0x2] =	stream.linear.gather [spmem:s10], $0x4000, $0x38;
	[tilespmem:$0x1A800] =	vst v63  }
0x92: {  	s26 =	sadd.s32 $0x1, s26;
	_ =	swait.ge [sflag:s22], $0x4000  }
0x93: {  	p0 =	sne.s32 s26, s20;
	[sflag:s22] =	ssyncset.done $0x0  }
.Ltmp2:
0x94: {  	[sflag:s22] =	ssyncadd.s32 $0xFFFFC000;
	(pc) =	sbr.rel @p0 .LBB2_1-.Ltmp2, $4  }
0x95: {  	[hbm4b:s19+s4] =	stream.linear.scatter [tilespmem:s21], [sflag:$0x2], $0x4000, $0x38;
	[tilespmem:$0x1A800] =	vst v63  }
0x96: {  	_ =	swait.ge [sflag:s22], $0x4000  }
0x97: {  	[sflag:s22] =	ssyncset.done $0x0  }
0x98: {  	[sflag:s22] =	ssyncadd.s32 $0xFFFFC000  }
0x99: {  	_ =	sfence.sel $0x180000  }
0x9a: {  	[bflag:$0x0] =	sbarrier.arrive $0xFFFF  }
0x9b: {  	p0 =	sne.s32 s1, $0x0;
	_ =	strace $0x90000053  }
0x9c: {  	s0 =	sadd.s32 @!p0 $0x100000, s0;
	[bflag:$0x2] =	sbarrier.arrive $0xFFFF  }
0x9d: {  	[sflag:s0] =	ssyncadd.tile.s32 @!p0 $0x1;
	_ =	shalt  }
.Lfunc_end2:
_tile_overlayer_lowered:
.L_overlay_start_2:
0x9e: {  	(tag) =	ssettag $0x2  }
0x9f: {  	s0 =	rddreg [dreg:$0x0];
	s2 =	stileid.u32  }
0xa0: {  	s1 =	rddreg [dreg:$0x1];
	p0 =	sne.s32 s2, $0x0  }
0xa1: {  	s3 =	rddreg [dreg:$0x2];
	[bflag:$0x3] =	sbarrier.arrive $0xFFFF;
	s2 =	simm.s32 @!p0 $0x1C02  }
0xa2: {  	[timem:s3], [sflag:s2] =	dma.local @!p0 [hbm:s0], s1  }
0xa3: {  	s0 =	simm.s32 @!p0 $0x2  }
0xa4: {  	_ =	swait.ge @!p0 [sflag:s0], s1  }
0xa5: {  	s1 =	ssub.s32 @!p0 $0x0, s1;
	[sflag:s0] =	ssyncset.done @!p0 $0x0  }
0xa6: {  	[sflag:s0] =	ssyncadd.s32 @!p0 s1  }
0xa7: {  	[bflag:$0x3] =	sbarrier.arrive $0xFFFF  }
0xa8: {  	_ =	shalt  }

// kernel: seg_sum_sc.6.cloned.1.call-start
scs
__scs_entry_jumppad:
0x0: {  	(pc) =	sbr.rel $0x88, $3  }
0x1: {  	(tag) =	ssettag $0x0;
	lr =	simm.s32 $0x1  }
0x2: {  	[smem:$0x3F8C] =	sst lr;
	_ =	strace $0xD0000000  }
0x3: {  	_ = 	snop  }
0x4: {  	_ = 	snop  }
0x5: {  	_ = 	snop  }
0x6: {  	_ = 	snop  }
0x7: {  	_ = 	snop  }
__scs_overlays_trampoline_lowered:
0x8: {  	[smem:$0x3F9B] =	sst s0  }
0x9: {  	[smem:$0x3F9C] =	sst s1  }
0xa: {  	[smem:$0x3F9D] =	sst s2  }
0xb: {  	[smem:$0x3F9E] =	sst s3  }
0xc: {  	[smem:$0x3F9F] =	sst s4  }
0xd: {  	[smem:$0x3FA0] =	sst s5  }
0xe: {  	[smem:$0x3FA1] =	sst s6  }
0xf: {  	[smem:$0x3FA2] =	sst s7  }
0x10: {  	[smem:$0x3FA3] =	sst s8  }
0x11: {  	[smem:$0x3FA4] =	sst s9;
	s0 =	simm.s32 @!p0 $0x0  }
0x12: {  	s1 =	sld [smem:$0x3F8A];
	s0 =	simm.s32 @p0 $0x1  }
0x13: {  	[smem:$0x3FA5] =	sst s0;
	s0 =	simm.s32 @!p1 $0x0  }
0x14: {  	s2 =	sld [smem:$0x3F89];
	s0 =	simm.s32 @p1 $0x1  }
0x15: {  	[smem:$0x3FA6] =	sst s0;
	s0 =	simm.s32 @!p2 $0x0  }
0x16: {  	s3 =	sld [smem:$0x3FDB];
	s0 =	simm.s32 @p2 $0x1  }
0x17: {  	s4 =	simm.s32 $0x1BF5;
	[smem:$0x3FA8] =	sst s0  }
0x18: {  	s0 =	sld [smem:$0x3F8B];
	_ =	swait.ge [sflag:s4], $0x0  }
0x19: {  	s7 =	sld [smem:$0x3F8C]  }
0x1a: {  	s8 =	sadd.s32 $0xFFFFE003, lr  }
0x1b: {  	s9 =	sadd.s32 $0xFFFFFEF7, lr;
	s5 =	simm.s32 $0xFFFFFFFF;
	p2 =	slt.u32 s8, $0xFFFFF086  }
0x1c: {  	p1 =	slt.u32 s9, $0xF7A;
	s5 =	simm.s32 @!p2 $0x0  }
0x1d: {  	s5 =	simm.s32 @p1 $0x1;
	p0 =	seq.s32 s7, s2  }
0x1e: {  	s7 =	smul.u32 @!p0 $0xF7A, s2;
	p2 =	seq.s32 @!p0 s5, $0x0  }
0x1f: {  	s9 =	smul.u32 $0xF7A, s1;
	s8 =	simm.s32 @!p0 $0x1BF5;
	p2 =	por !p2, p0  }
0x20: {  	[sflag:s8] =	ssyncset.s32 @!p0 $0xFFFFF086;
	s6 =	sadd.s32 @!p0 s3, s7;
	s7 =	simm.s32 @!p0 $0x108  }
0x21: {  	s3 =	sadd.s32 s3, s9;
	s6 =	sadd.s32 @!p0 $0x88, s6;
	s7 =	simm.s32 @p2 $0x1082  }
0x22: {  	[simem:s7], [sflag:s8] =	dma.local @!p0 [hbm:s6], $0xF7A  }
0x23: {  	s9 =	sor.u32 $0xD0000000, s2;
	s6 =	simm.s32 $0x108;
	_ =	swait.ge @!p0 [sflag:s8], $0x0  }
0x24: {  	s3 =	sadd.s32 $0x88, s3;
	s6 =	simm.s32 @!p1 $0x1082;
	[sflag:s4] =	ssyncset.s32 $0xFFFFF086  }
0x25: {  	[simem:s6], [sflag:s4] =	dma.local [hbm:s3], $0xF7A  }
0x26: {  	[smem:$0x3F8C] =	sst s1;
	(tag) =	ssettag s2;
	_ =	strace s9  }
0x27: {  	s1 =	sld [smem:$0x3F9C]  }
0x28: {  	s2 =	sld [smem:$0x3F9D]  }
0x29: {  	s4 =	sld [smem:$0x3F9F]  }
0x2a: {  	p0 =	seq.s32 s5, $0x0;
	s5 =	sld [smem:$0x3FA0]  }
0x2b: {  	s6 =	sld [smem:$0x3FA1]  }
0x2c: {  	s7 =	sld [smem:$0x3FA2]  }
0x2d: {  	s3 =	simm.s32 $0x108;
	s8 =	sld [smem:$0x3FA3]  }
0x2e: {  	s3 =	simm.s32 @!p0 $0x1082;
	s9 =	sld [smem:$0x3FA4]  }
0x2f: {  	lr =	sadd.s32 s0, s3;
	s0 =	sld [smem:$0x3F9B]  }
0x30: {  	s3 =	sld [smem:$0x3F9E]  }
0x31: {  	[smem:$0x3FA7] =	sst s10  }
0x32: {  	s10 =	sld [smem:$0x3FA5];
	_ =	sdelay $0x3  }
0x33: {  	p0 =	seq.s32 s10, $0x1;
	s10 =	sld [smem:$0x3FA7];
	_ =	sdelay $0x3  }
0x34: {  	[smem:$0x3FA7] =	sst s10  }
0x35: {  	s10 =	sld [smem:$0x3FA6];
	_ =	sdelay $0x3  }
0x36: {  	p1 =	seq.s32 s10, $0x1;
	s10 =	sld [smem:$0x3FA7];
	_ =	sdelay $0x3  }
0x37: {  	[smem:$0x3FA7] =	sst s10  }
0x38: {  	s10 =	sld [smem:$0x3FA8]  }
0x39: {  	_ = 	snop;
	(pc) =	sbr.ind lr, $3  }
0x3a: {  	_ = 	snop  }
0x3b: {  	_ = 	snop  }
0x3c: {  	p2 =	seq.s32 s10, $0x1;
	s10 =	sld [smem:$0x3FA7]  }
0x3d: {  	_ =	shalt  }
0x3e: {  	_ =	shalt  }
0x3f: {  	_ =	shalt  }
0x40: {  	_ =	shalt  }
0x41: {  	_ =	shalt  }
0x42: {  	_ =	shalt  }
0x43: {  	_ =	shalt  }
0x44: {  	_ =	shalt  }
0x45: {  	_ =	shalt  }
0x46: {  	_ =	shalt  }
0x47: {  	_ =	shalt  }
0x48: {  	_ =	shalt  }
0x49: {  	_ =	shalt  }
0x4a: {  	_ =	shalt  }
0x4b: {  	_ =	shalt  }
0x4c: {  	_ =	shalt  }
0x4d: {  	_ =	shalt  }
0x4e: {  	_ =	shalt  }
0x4f: {  	_ =	shalt  }
0x50: {  	_ =	shalt  }
0x51: {  	_ =	shalt  }
0x52: {  	_ =	shalt  }
0x53: {  	_ =	shalt  }
0x54: {  	_ =	shalt  }
0x55: {  	_ =	shalt  }
0x56: {  	_ =	shalt  }
0x57: {  	_ =	shalt  }
0x58: {  	_ =	shalt  }
0x59: {  	_ =	shalt  }
0x5a: {  	_ =	shalt  }
0x5b: {  	_ =	shalt  }
0x5c: {  	_ =	shalt  }
0x5d: {  	_ =	shalt  }
0x5e: {  	_ =	shalt  }
0x5f: {  	_ =	shalt  }
0x60: {  	_ =	shalt  }
0x61: {  	_ =	shalt  }
0x62: {  	_ =	shalt  }
0x63: {  	_ =	shalt  }
0x64: {  	_ =	shalt  }
0x65: {  	_ =	shalt  }
0x66: {  	_ =	shalt  }
0x67: {  	_ =	shalt  }
0x68: {  	_ =	shalt  }
0x69: {  	_ =	shalt  }
0x6a: {  	_ =	shalt  }
0x6b: {  	_ =	shalt  }
0x6c: {  	_ =	shalt  }
0x6d: {  	_ =	shalt  }
0x6e: {  	_ =	shalt  }
0x6f: {  	_ =	shalt  }
0x70: {  	_ =	shalt  }
0x71: {  	_ =	shalt  }
0x72: {  	_ =	shalt  }
0x73: {  	_ =	shalt  }
0x74: {  	_ =	shalt  }
0x75: {  	_ =	shalt  }
0x76: {  	_ =	shalt  }
0x77: {  	_ =	shalt  }
0x78: {  	_ =	shalt  }
0x79: {  	_ =	shalt  }
0x7a: {  	_ =	shalt  }
0x7b: {  	_ =	shalt  }
0x7c: {  	_ =	shalt  }
0x7d: {  	_ =	shalt  }
0x7e: {  	_ =	shalt  }
0x7f: {  	_ =	shalt  }
0x80: {  	_ =	shalt  }
0x81: {  	_ =	shalt  }
0x82: {  	_ =	shalt  }
0x83: {  	_ =	shalt  }
0x84: {  	_ =	shalt  }
0x85: {  	_ =	shalt  }
0x86: {  	_ =	shalt  }
0x87: {  	_ =	shalt  }
.Lfunc_end0:
.L_simem_size_0:
called_computation_lowered:
.L_overlay_start_0:
0x88: {  	s2 =	sld [smem:$0x3FD9]  }
0x89: {  	s3 =	sld [smem:$0x3FFE];
	_ =	sdelay $0x1  }
0x8a: {  	s1 =	srdreg.scid  }
0x8b: {  	s0 =	sand.u32 $0x1, s1  }
0x8c: {  	s17 =	sshll.u32 s0, $0xA;
	s2 =	sadd.s32 s3, s2  }
0x8d: {  	s2 =	sadd.s32 s2, s17  }
0x8e: {  	[smem:$0x3FB3] =	sst s2  }
0x8f: {  	_ = 	snop  }
0x90: {  	s2 =	sld [smem:$0x3FC9]  }
0x91: {  	s18 =	sld [smem:$0x3FD0];
	(tm) =	ssettm $0x1  }
0x92: {  	s4 =	sld [smem:$0x3FFB];
	_ =	sdelay $0x3  }
0x93: {  	_ =	strace s4  }
0x94: {  	s4 =	sld [smem:$0x3FFC];
	_ =	sdelay $0x3  }
0x95: {  	_ =	strace s4  }
0x96: {  	s4 =	sld [smem:$0x3FFD];
	_ =	sdelay $0x3  }
0x97: {  	_ =	strace s4  }
0x98: {  	_ =	strace $0x8FFFFFFF  }
0x99: {  	s19 =	sld [smem:$0x3FDB];
	_ =	sdelay $0x1  }
0x9a: {  	s5 =	simm.s32 $_scs_section_size  }
0x9b: {  	s6 =	simm.s32 $_size__tile_overlayer_lowered;
	s7 =	simm.s32 $_tile_overlayer_lowered  }
0x9c: {  	s22 =	simm.s32 $0x1BFF;
	s21 =	sshll.u32 s7, $0x1;
	s4 =	sadd.s32 s5, s19  }
0x9d: {  	s8 =	simm.s32 $0x0;
	s20 =	sshll.u32 s6, $0x1;
	s6 =	sadd.s32 s21, s4  }
0x9e: {  	[timem:s8], [sflag:s22] =	dma.local [hbm:s6], s20  }
0x9f: {  	_ =	swait.ge [sflag:s22], s20  }
0xa0: {  	s5 =	ssub.s32 $0x0, s20;
	[sflag:s22] =	ssyncset.done $0x0  }
0xa1: {  	[sflag:s22] =	ssyncadd.s32 s5;
	_ =	sdelay $0x1  }
0xa2: {  	s23 =	simm.s32 $0x1B8B  }
0xa3: {  	_ =	swait.ge [sflag:s23], $0x1  }
0xa4: {  	[sflag:s23] =	ssyncset.done $0x0  }
0xa5: {  	s25 =	simm.s32 $0x1B8E;
	s24 =	sld [smem:$0x3FFE];
	[sflag:s23] =	ssyncadd.s32 $0xFFFFFFFF  }
0xa6: {  	s26 =	simm.s32 $execute0_lowered;
	[smem:$0x3FD2] =	sst s25  }
0xa7: {  	s6 =	sshll.u32 s26, $0x1;
	_ =	strace $0x80000046;
	[dreg:$0x1] =	wrdreg $0xFFFFFFFF  }
0xa8: {  	s28 =	simm.s32 $_size_execute0_lowered;
	s4 =	sadd.s32 s4, s6;
	[dreg:$0x0] =	wrdreg $0x0  }
0xa9: {  	s6 =	sshll.u32 s28, $0x1;
	[dreg:$0x2] =	wrdreg s4  }
0xaa: {  	[dreg:$0x3] =	wrdreg s6  }
0xab: {  	[dreg:$0x4] =	wrdreg $0xC0  }
0xac: {  	_ =	task [dreg:s8], $0x5FFFF  }
0xad: {  	[dreg:$0x1] =	wrdreg $0xFFFFFFFF  }
0xae: {  	[dreg:$0x0] =	wrdreg $0x60  }
0xaf: {  	[dreg:$0x2] =	wrdreg s2  }
0xb0: {  	[dreg:$0x3] =	wrdreg s24  }
0xb1: {  	[dreg:$0x4] =	wrdreg s18  }
0xb2: {  	[dreg:$0x5] =	wrdreg $0x68000  }
0xb3: {  	[dreg:$0x6] =	wrdreg $0xB  }
0xb4: {  	_ =	task.clear_ibuf [dreg:s8], $0x7FFFF;
	_ =	strace $0x90000046  }
0xb5: {  	s29 =	simm.s32 $0xB;
	_ =	strace $0x80000048  }
0xb6: {  	_ =	swait.ge [sflag:s29], $0x1  }
0xb7: {  	[sflag:s29] =	ssyncadd.s32 $0xFFFFFFFF  }
0xb8: {  	_ =	strace $0x90000048  }
0xb9: {  	_ =	sfence  }
0xba: {  	s30 =	sld [smem:$0x0];
	_ =	sdelay $0x2  }
0xbb: {  	s31 =	sshll.u32 s1, $0xD;
	s1 =	sshrl.u32 s1, $0x2  }
0xbc: {  	s3 =	sand.u32 $0x4000, s31;
	s1 =	sadd.s32 s1, s30  }
0xbd: {  	s0 =	sor.u32 s3, s0;
	s1 =	sshll.u32 s1, $0x11  }
0xbe: {  	s0 =	sor.u32 s1, s0  }
0xbf: {  	s0 =	sadd.s32 $0x8F2B, s0  }
0xc0: {  	[sflag:s0] =	ssyncadd.remote.s32 $0x1  }
0xc1: {  	_ =	sfence.sel $0xFFFF  }
0xc2: {  	[dreg:$0x0] =	wrdreg $0xFFFFFFFF;
	(pc) =	sbr.abs _section_cstart, $3  }
0xc3: {  	[dreg:$0x1] =	wrdreg $0xFFFFFFFF  }
0xc4: {  	_ =	task.clear_ibuf [dreg:s8], $0x2FFFF;
	_ =	strace $0x9FFFFFFF  }
0xc5: {  	(tm) =	ssettm $0x7FFFFFFF  }
tec
execute0_lowered:
.L_overlay_start_1:
0x0: {  	(tag) =	ssettag $0x1  }
0x1: {  	s1 =	rddreg [dreg:$0x0]  }
0x2: {  	s6 =	rddreg [dreg:$0x1]  }
0x3: {  	s3 =	rddreg [dreg:$0x2];
	s2 =	srdreg.scid  }
0x4: {  	s0 =	stileid.u32;
	s4 =	rddreg [dreg:$0x3]  }
0x5: {  	s5 =	simm.s32 $0x0;
	s21 =	simm.s32 $0x2800;
	s22 =	simm.s32 $0x2  }
0x6: {  	s23 =	simm.s32 $0x1400;
	s24 =	simm.s32 $0x80;
	s25 =	simm.s32 $0x1  }
0x7: {  	s7 =	sand.u32 $0x1, s2;
	s8 =	smul.u32 $0x280, s0;
	s2 =	rddreg [dreg:$0x4]  }
0x8: {  	s26 =	simm.s32 $0x0;
	[smem:$0x7FF] =	sst s5;
	s29 =	smul.u32 $0x50000, s0  }
0x9: {  	s13 =	sadd.s32 $0x19400, s6;
	s14 =	sadd.s32 $0x23400, s6;
	s9 =	smul.u32 $0x2800, s7  }
0xa: {  	s30 =	sshll.u32 s0, $0x2;
	s31 =	sshll.u32 s7, $0x1;
	s7 =	ssub.s32 $0x2, s7  }
0xb: {  	_ =	strace $0x80000047;
	s10 =	sshrl.u32 s7, $0x1;
	s8 =	sadd.s32 s8, s9  }
0xc: {  	s9 =	sshrl.u32 s29, $0x2;
	s20 =	ssub.s32 s7, s10;
	s8 =	sshll.u32 s8, $0x4  }
0xd: {  	s19 =	sadd.s32 s8, s6;
	s8 =	sor.u32 s31, s30;
	s6 =	sadd.s32 s9, s4  }
0xe: {  	s20 =	smax.u32 s20, $0x1;
	s11 =	smul.u32 $0x1400, s8;
	s7 =	sadd.s32 $0x4000, s6  }
0xf: {  	s12 =	smul.u32 $0x280, s8;
	s8 =	sadd.s32 $0x8000, s6;
	s9 =	sadd.s32 $0xC000, s6  }
0x10: {  	s10 =	sadd.s32 $0x10000, s6;
	s16 =	sadd.s32 $0x2DC00, s19;
	s15 =	sshrl.u32 s11, $0x3  }
0x11: {  	s17 =	sadd.s32 $0x2E400, s19;
	s18 =	sadd.s32 $0x2EC00, s19;
	s15 =	sadd.s32 $0x280, s15  }
0x12: {  	s11 =	sadd.s32 s13, s12;
	s12 =	sadd.s32 s14, s12;
	s13 =	sadd.s32 s13, s15  }
0x13: {  	s14 =	sadd.s32 s14, s15;
	s15 =	sadd.s32 $0x2D400, s19;
	s19 =	sadd.s32 $0x2F400, s19  }
.LBB2_1:
0x14: {  	[tilespmem:s21], [sflag:$0x2] =	stream.linear.gather [hbm4b:s3+s5], $0x4000, $0x38;
	[tilespmem:$0x1A800] =	vst v63  }
0x15: {  	_ =	swait.ge [sflag:s22], $0x4000  }
0x16: {  	[sflag:s22] =	ssyncset.done $0x0  }
0x17: {  	[sflag:s22] =	ssyncadd.s32 $0xFFFFC000  }
0x18: {  	[spmem:s6] =	stream.linear.scatter [tilespmem:s21], [sflag:$0x2], $0x4000, $0x38;
	[tilespmem:$0x1A800] =	vst v63  }
0x19: {  	_ =	swait.ge [sflag:s22], $0x4000  }
0x1a: {  	[sflag:s22] =	ssyncset.done $0x0  }
0x1b: {  	[sflag:s22] =	ssyncadd.s32 $0xFFFFC000  }
0x1c: {  	[spmem:s7] =	stream.linear.scatter [tilespmem:s21], [sflag:$0x2], $0x4000, $0x38;
	[tilespmem:$0x1A800] =	vst v63  }
0x1d: {  	_ =	swait.ge [sflag:s22], $0x4000  }
0x1e: {  	[sflag:s22] =	ssyncset.done $0x0  }
0x1f: {  	[sflag:s22] =	ssyncadd.s32 $0xFFFFC000  }
0x20: {  	[spmem:s8] =	stream.linear.scatter [tilespmem:s21], [sflag:$0x2], $0x4000, $0x38;
	[tilespmem:$0x1A800] =	vst v63  }
0x21: {  	_ =	swait.ge [sflag:s22], $0x4000  }
0x22: {  	[sflag:s22] =	ssyncset.done $0x0  }
0x23: {  	[sflag:s22] =	ssyncadd.s32 $0xFFFFC000  }
0x24: {  	[spmem:s9] =	stream.linear.scatter [tilespmem:s21], [sflag:$0x2], $0x4000, $0x38;
	[tilespmem:$0x1A800] =	vst v63  }
0x25: {  	_ =	swait.ge [sflag:s22], $0x4000  }
0x26: {  	[sflag:s22] =	ssyncset.done $0x0  }
0x27: {  	[sflag:s22] =	ssyncadd.s32 $0xFFFFC000  }
0x28: {  	[spmem:s10] =	stream.linear.scatter [tilespmem:s21], [sflag:$0x2], $0x4000, $0x38;
	[tilespmem:$0x1A800] =	vst v63  }
0x29: {  	_ =	swait.ge [sflag:s22], $0x4000  }
0x2a: {  	[sflag:s22] =	ssyncset.done $0x0  }
0x2b: {  	[sflag:s22] =	ssyncadd.s32 $0xFFFFC000  }
0x2c: {  	[bflag:$0x0] =	sbarrier.arrive $0xFFFF  }
0x2d: {  	[tilespmem:s5], [sflag:$0x2] =	stream.linear.gather [hbm4b:s11+s5], $0x1400, $0x38;
	[tilespmem:$0x1A800] =	vst v63  }
0x2e: {  	_ =	swait.ge [sflag:s22], $0x1400  }
0x2f: {  	[sflag:s22] =	ssyncset.done $0x0  }
0x30: {  	[sflag:s22] =	ssyncadd.s32 $0xFFFFEC00  }
0x31: {  	[tilespmem:s23], [sflag:$0x2] =	stream.linear.gather [hbm4b:s12+s5], $0x1400, $0x38;
	[tilespmem:$0x1A800] =	vst v63  }
0x32: {  	_ =	swait.ge [sflag:s22], $0x1400  }
0x33: {  	[sflag:s22] =	ssyncset.done $0x0  }
0x34: {  	s28 =	simm.s32 $0x0;
	[sflag:s22] =	ssyncadd.s32 $0xFFFFEC00  }
0x35: {  	[tilespmem:s21], [sflag:$0x1] =	stream.indirect.gather [hbm4b:s1+s24], $0x80, s28, s24, $0xb8;
	[tilespmem:$0x1A800] =	vst v63  }
0x36: {  	_ =	swait.ge [sflag:s25], $0x4000  }
0x37: {  	[sflag:s25] =	ssyncset.done $0x0  }
0x38: {  	s28 =	simm.s32 $0x1400;
	[sflag:s25] =	ssyncadd.s32 $0xFFFFC000  }
0x39: {  	[spmem:s4] =	stream.indirect.scatter.add.f32 [tilespmem:s21], [sflag:$0x2], $0x80, s28, s24, $0xb8;
	[tilespmem:$0x1A800] =	vst v63  }
0x3a: {  	_ =	swait.ge [sflag:s22], $0x4000  }
0x3b: {  	s29 =	simm.s32 $0x400;
	s28 =	simm.s32 $0x200;
	[sflag:s22] =	ssyncset.done $0x0  }
.LBB2_2:
0x3c: {  	s30 =	sshra.s32 s28, $0x2  }
0x3d: {  	[sflag:s22] =	ssyncadd.s32 $0xFFFFC000;
	s28 =	smov.u32 s29;
	s31 =	sadd.s32 $0x200, s29  }
0x3e: {  	[tilespmem:s21], [sflag:$0x1] =	stream.indirect.gather [hbm4b:s1+s24], $0x80, s30, s24, $0xb8;
	[tilespmem:$0x1A800] =	vst v63  }
0x3f: {  	p0 =	sne.s32 s29, $0x4E00;
	_ =	swait.ge [sflag:s25], $0x4000  }
.Ltmp0:
0x40: {  	[sflag:s25] =	ssyncset.done $0x0;
	(pc) =	sbr.rel @p0 .LBB2_2-.Ltmp0, $4  }
0x41: {  	s29 =	sadd.s32 $0x1400, s30;
	[sflag:s25] =	ssyncadd.s32 $0xFFFFC000  }
0x42: {  	[spmem:s4] =	stream.indirect.scatter.add.f32 [tilespmem:s21], [sflag:$0x2], $0x80, s29, s24, $0xb8;
	[tilespmem:$0x1A800] =	vst v63  }
0x43: {  	_ =	swait.ge [sflag:s22], $0x4000  }
0x44: {  	s29 =	smov.u32 s31;
	[sflag:s22] =	ssyncset.done $0x0  }
0x45: {  	s28 =	sshra.s32 s28, $0x2;
	[sflag:s22] =	ssyncadd.s32 $0xFFFFC000  }
0x46: {  	[tilespmem:s21], [sflag:$0x1] =	stream.indirect.gather [hbm4b:s1+s24], $0x80, s28, s24, $0xb8;
	[tilespmem:$0x1A800] =	vst v63  }
0x47: {  	_ =	swait.ge [sflag:s25], $0x4000  }
0x48: {  	[sflag:s25] =	ssyncset.done $0x0  }
0x49: {  	s28 =	sadd.s32 $0x1400, s28;
	[sflag:s25] =	ssyncadd.s32 $0xFFFFC000  }
0x4a: {  	[spmem:s4] =	stream.indirect.scatter.add.f32 [tilespmem:s21], [sflag:$0x2], $0x80, s28, s24, $0xb8;
	[tilespmem:$0x1A800] =	vst v63  }
0x4b: {  	_ =	swait.ge [sflag:s22], $0x4000  }
0x4c: {  	[sflag:s22] =	ssyncset.done $0x0  }
0x4d: {  	s28 =	simm.s32 $0x0;
	[sflag:s22] =	ssyncadd.s32 $0xFFFFC000  }
0x4e: {  	[tilespmem:s28], [sflag:$0x2] =	stream.linear.gather [hbm4b:s13+s28], $0x1400, $0x38;
	[tilespmem:$0x1A800] =	vst v63  }
0x4f: {  	_ =	swait.ge [sflag:s22], $0x1400  }
0x50: {  	[sflag:s22] =	ssyncset.done $0x0  }
0x51: {  	[sflag:s22] =	ssyncadd.s32 $0xFFFFEC00  }
0x52: {  	[tilespmem:s23], [sflag:$0x2] =	stream.linear.gather [hbm4b:s14+s28], $0x1400, $0x38;
	[tilespmem:$0x1A800] =	vst v63  }
0x53: {  	_ =	swait.ge [sflag:s22], $0x1400  }
0x54: {  	[sflag:s22] =	ssyncset.done $0x0  }
0x55: {  	s28 =	simm.s32 $0x0;
	[sflag:s22] =	ssyncadd.s32 $0xFFFFEC00  }
0x56: {  	[tilespmem:s21], [sflag:$0x1] =	stream.indirect.gather [hbm4b:s1+s24], $0x80, s28, s24, $0xb8;
	[tilespmem:$0x1A800] =	vst v63  }
0x57: {  	_ =	swait.ge [sflag:s25], $0x4000  }
0x58: {  	[sflag:s25] =	ssyncset.done $0x0  }
0x59: {  	s28 =	simm.s32 $0x1400;
	[sflag:s25] =	ssyncadd.s32 $0xFFFFC000  }
0x5a: {  	[spmem:s4] =	stream.indirect.scatter.add.f32 [tilespmem:s21], [sflag:$0x2], $0x80, s28, s24, $0xb8;
	[tilespmem:$0x1A800] =	vst v63  }
0x5b: {  	_ =	swait.ge [sflag:s22], $0x4000  }
0x5c: {  	s29 =	simm.s32 $0x400;
	s28 =	simm.s32 $0x200;
	[sflag:s22] =	ssyncset.done $0x0  }
.LBB2_4:
0x5d: {  	s30 =	sshra.s32 s28, $0x2  }
0x5e: {  	[sflag:s22] =	ssyncadd.s32 $0xFFFFC000;
	s28 =	smov.u32 s29;
	s31 =	sadd.s32 $0x200, s29  }
0x5f: {  	[tilespmem:s21], [sflag:$0x1] =	stream.indirect.gather [hbm4b:s1+s24], $0x80, s30, s24, $0xb8;
	[tilespmem:$0x1A800] =	vst v63  }
0x60: {  	p0 =	sne.s32 s29, $0x4E00;
	_ =	swait.ge [sflag:s25], $0x4000  }
.Ltmp1:
0x61: {  	[sflag:s25] =	ssyncset.done $0x0;
	(pc) =	sbr.rel @p0 .LBB2_4-.Ltmp1, $4  }
0x62: {  	s29 =	sadd.s32 $0x1400, s30;
	[sflag:s25] =	ssyncadd.s32 $0xFFFFC000  }
0x63: {  	[spmem:s4] =	stream.indirect.scatter.add.f32 [tilespmem:s21], [sflag:$0x2], $0x80, s29, s24, $0xb8;
	[tilespmem:$0x1A800] =	vst v63  }
0x64: {  	_ =	swait.ge [sflag:s22], $0x4000  }
0x65: {  	s29 =	smov.u32 s31;
	[sflag:s22] =	ssyncset.done $0x0  }
0x66: {  	s28 =	sshra.s32 s28, $0x2;
	[sflag:s22] =	ssyncadd.s32 $0xFFFFC000  }
0x67: {  	[tilespmem:s21], [sflag:$0x1] =	stream.indirect.gather [hbm4b:s1+s24], $0x80, s28, s24, $0xb8;
	[tilespmem:$0x1A800] =	vst v63  }
0x68: {  	_ =	swait.ge [sflag:s25], $0x4000  }
0x69: {  	[sflag:s25] =	ssyncset.done $0x0  }
0x6a: {  	s28 =	sadd.s32 $0x1400, s28;
	[sflag:s25] =	ssyncadd.s32 $0xFFFFC000  }
0x6b: {  	[spmem:s4] =	stream.indirect.scatter.add.f32 [tilespmem:s21], [sflag:$0x2], $0x80, s28, s24, $0xb8;
	[tilespmem:$0x1A800] =	vst v63  }
0x6c: {  	_ =	swait.ge [sflag:s22], $0x4000  }
0x6d: {  	[sflag:s22] =	ssyncset.done $0x0  }
0x6e: {  	[sflag:s22] =	ssyncadd.s32 $0xFFFFC000  }
0x6f: {  	[bflag:$0x0] =	sbarrier.arrive $0xFFFF  }
0x70: {  	[tilespmem:s21], [sflag:$0x2] =	stream.linear.gather [spmem:s6], $0x4000, $0x38;
	[tilespmem:$0x1A800] =	vst v63  }
0x71: {  	_ =	swait.ge [sflag:s22], $0x4000  }
0x72: {  	[sflag:s22] =	ssyncset.done $0x0  }
0x73: {  	[sflag:s22] =	ssyncadd.s32 $0xFFFFC000  }
0x74: {  	[hbm4b:s15+s5] =	stream.linear.scatter [tilespmem:s21], [sflag:$0x2], $0x4000, $0x38;
	[tilespmem:$0x1A800] =	vst v63  }
0x75: {  	_ =	swait.ge [sflag:s22], $0x4000  }
0x76: {  	[sflag:s22] =	ssyncset.done $0x0  }
0x77: {  	[sflag:s22] =	ssyncadd.s32 $0xFFFFC000  }
0x78: {  	[tilespmem:s21], [sflag:$0x2] =	stream.linear.gather [spmem:s7], $0x4000, $0x38;
	[tilespmem:$0x1A800] =	vst v63  }
0x79: {  	_ =	swait.ge [sflag:s22], $0x4000  }
0x7a: {  	[sflag:s22] =	ssyncset.done $0x0  }
0x7b: {  	[sflag:s22] =	ssyncadd.s32 $0xFFFFC000  }
0x7c: {  	[hbm4b:s16+s5] =	stream.linear.scatter [tilespmem:s21], [sflag:$0x2], $0x4000, $0x38;
	[tilespmem:$0x1A800] =	vst v63  }
0x7d: {  	_ =	swait.ge [sflag:s22], $0x4000  }
0x7e: {  	[sflag:s22] =	ssyncset.done $0x0  }
0x7f: {  	[sflag:s22] =	ssyncadd.s32 $0xFFFFC000  }
0x80: {  	[tilespmem:s21], [sflag:$0x2] =	stream.linear.gather [spmem:s8], $0x4000, $0x38;
	[tilespmem:$0x1A800] =	vst v63  }
0x81: {  	_ =	swait.ge [sflag:s22], $0x4000  }
0x82: {  	[sflag:s22] =	ssyncset.done $0x0  }
0x83: {  	[sflag:s22] =	ssyncadd.s32 $0xFFFFC000  }
0x84: {  	[hbm4b:s17+s5] =	stream.linear.scatter [tilespmem:s21], [sflag:$0x2], $0x4000, $0x38;
	[tilespmem:$0x1A800] =	vst v63  }
0x85: {  	_ =	swait.ge [sflag:s22], $0x4000  }
0x86: {  	[sflag:s22] =	ssyncset.done $0x0  }
0x87: {  	[sflag:s22] =	ssyncadd.s32 $0xFFFFC000  }
0x88: {  	[tilespmem:s21], [sflag:$0x2] =	stream.linear.gather [spmem:s9], $0x4000, $0x38;
	[tilespmem:$0x1A800] =	vst v63  }
0x89: {  	_ =	swait.ge [sflag:s22], $0x4000  }
0x8a: {  	[sflag:s22] =	ssyncset.done $0x0  }
0x8b: {  	[sflag:s22] =	ssyncadd.s32 $0xFFFFC000  }
0x8c: {  	[hbm4b:s18+s5] =	stream.linear.scatter [tilespmem:s21], [sflag:$0x2], $0x4000, $0x38;
	[tilespmem:$0x1A800] =	vst v63  }
0x8d: {  	_ =	swait.ge [sflag:s22], $0x4000  }
0x8e: {  	[sflag:s22] =	ssyncset.done $0x0  }
0x8f: {  	[sflag:s22] =	ssyncadd.s32 $0xFFFFC000  }
0x90: {  	[tilespmem:s21], [sflag:$0x2] =	stream.linear.gather [spmem:s10], $0x4000, $0x38;
	[tilespmem:$0x1A800] =	vst v63  }
0x91: {  	s26 =	sadd.s32 $0x1, s26;
	_ =	swait.ge [sflag:s22], $0x4000  }
0x92: {  	p0 =	sne.s32 s26, s20;
	[sflag:s22] =	ssyncset.done $0x0  }
.Ltmp2:
0x93: {  	[sflag:s22] =	ssyncadd.s32 $0xFFFFC000;
	(pc) =	sbr.rel @p0 .LBB2_1-.Ltmp2, $4  }
0x94: {  	[hbm4b:s19+s5] =	stream.linear.scatter [tilespmem:s21], [sflag:$0x2], $0x4000, $0x38;
	[tilespmem:$0x1A800] =	vst v63  }
0x95: {  	_ =	swait.ge [sflag:s22], $0x4000  }
0x96: {  	[sflag:s22] =	ssyncset.done $0x0  }
0x97: {  	[sflag:s22] =	ssyncadd.s32 $0xFFFFC000  }
0x98: {  	_ =	sfence.sel $0x180000  }
0x99: {  	[bflag:$0x0] =	sbarrier.arrive $0xFFFF  }
0x9a: {  	p0 =	sne.s32 s0, $0x0;
	_ =	strace $0x90000047  }
0x9b: {  	s0 =	sadd.s32 @!p0 $0x100000, s2;
	[bflag:$0x2] =	sbarrier.arrive $0xFFFF  }
0x9c: {  	[sflag:s0] =	ssyncadd.tile.s32 @!p0 $0x1;
	_ =	shalt  }
.Lfunc_end2:
_tile_overlayer_lowered:
.L_overlay_start_2:
0x9d: {  	(tag) =	ssettag $0x2  }
0x9e: {  	s0 =	rddreg [dreg:$0x0];
	s2 =	stileid.u32  }
0x9f: {  	s1 =	rddreg [dreg:$0x1];
	p0 =	sne.s32 s2, $0x0  }
0xa0: {  	s3 =	rddreg [dreg:$0x2];
	[bflag:$0x3] =	sbarrier.arrive $0xFFFF;
	s2 =	simm.s32 @!p0 $0x1C02  }
0xa1: {  	[timem:s3], [sflag:s2] =	dma.local @!p0 [hbm:s0], s1  }
0xa2: {  	s0 =	simm.s32 @!p0 $0x2  }
0xa3: {  	_ =	swait.ge @!p0 [sflag:s0], s1  }
0xa4: {  	s1 =	ssub.s32 @!p0 $0x0, s1;
	[sflag:s0] =	ssyncset.done @!p0 $0x0  }
0xa5: {  	[sflag:s0] =	ssyncadd.s32 @!p0 s1  }
0xa6: {  	[bflag:$0x3] =	sbarrier.arrive $0xFFFF  }
0xa7: {  	_ =	shalt  }

// kernel: seg_sum_sc.9.cloned.1.call-start
scs
__scs_entry_jumppad:
0x0: {  	(pc) =	sbr.rel $0x88, $3  }
0x1: {  	(tag) =	ssettag $0x0;
	lr =	simm.s32 $0x1  }
0x2: {  	[smem:$0x3F8C] =	sst lr;
	_ =	strace $0xD0000000  }
0x3: {  	_ = 	snop  }
0x4: {  	_ = 	snop  }
0x5: {  	_ = 	snop  }
0x6: {  	_ = 	snop  }
0x7: {  	_ = 	snop  }
__scs_overlays_trampoline_lowered:
0x8: {  	[smem:$0x3F9B] =	sst s0  }
0x9: {  	[smem:$0x3F9C] =	sst s1  }
0xa: {  	[smem:$0x3F9D] =	sst s2  }
0xb: {  	[smem:$0x3F9E] =	sst s3  }
0xc: {  	[smem:$0x3F9F] =	sst s4  }
0xd: {  	[smem:$0x3FA0] =	sst s5  }
0xe: {  	[smem:$0x3FA1] =	sst s6  }
0xf: {  	[smem:$0x3FA2] =	sst s7  }
0x10: {  	[smem:$0x3FA3] =	sst s8  }
0x11: {  	[smem:$0x3FA4] =	sst s9;
	s0 =	simm.s32 @!p0 $0x0  }
0x12: {  	s1 =	sld [smem:$0x3F8A];
	s0 =	simm.s32 @p0 $0x1  }
0x13: {  	[smem:$0x3FA5] =	sst s0;
	s0 =	simm.s32 @!p1 $0x0  }
0x14: {  	s2 =	sld [smem:$0x3F89];
	s0 =	simm.s32 @p1 $0x1  }
0x15: {  	[smem:$0x3FA6] =	sst s0;
	s0 =	simm.s32 @!p2 $0x0  }
0x16: {  	s3 =	sld [smem:$0x3FDB];
	s0 =	simm.s32 @p2 $0x1  }
0x17: {  	s4 =	simm.s32 $0x1BF5;
	[smem:$0x3FA8] =	sst s0  }
0x18: {  	s0 =	sld [smem:$0x3F8B];
	_ =	swait.ge [sflag:s4], $0x0  }
0x19: {  	s7 =	sld [smem:$0x3F8C]  }
0x1a: {  	s8 =	sadd.s32 $0xFFFFE003, lr  }
0x1b: {  	s9 =	sadd.s32 $0xFFFFFEF7, lr;
	s5 =	simm.s32 $0xFFFFFFFF;
	p2 =	slt.u32 s8, $0xFFFFF086  }
0x1c: {  	p1 =	slt.u32 s9, $0xF7A;
	s5 =	simm.s32 @!p2 $0x0  }
0x1d: {  	s5 =	simm.s32 @p1 $0x1;
	p0 =	seq.s32 s7, s2  }
0x1e: {  	s7 =	smul.u32 @!p0 $0xF7A, s2;
	p2 =	seq.s32 @!p0 s5, $0x0  }
0x1f: {  	s9 =	smul.u32 $0xF7A, s1;
	s8 =	simm.s32 @!p0 $0x1BF5;
	p2 =	por !p2, p0  }
0x20: {  	[sflag:s8] =	ssyncset.s32 @!p0 $0xFFFFF086;
	s6 =	sadd.s32 @!p0 s3, s7;
	s7 =	simm.s32 @!p0 $0x108  }
0x21: {  	s3 =	sadd.s32 s3, s9;
	s6 =	sadd.s32 @!p0 $0x88, s6;
	s7 =	simm.s32 @p2 $0x1082  }
0x22: {  	[simem:s7], [sflag:s8] =	dma.local @!p0 [hbm:s6], $0xF7A  }
0x23: {  	s9 =	sor.u32 $0xD0000000, s2;
	s6 =	simm.s32 $0x108;
	_ =	swait.ge @!p0 [sflag:s8], $0x0  }
0x24: {  	s3 =	sadd.s32 $0x88, s3;
	s6 =	simm.s32 @!p1 $0x1082;
	[sflag:s4] =	ssyncset.s32 $0xFFFFF086  }
0x25: {  	[simem:s6], [sflag:s4] =	dma.local [hbm:s3], $0xF7A  }
0x26: {  	[smem:$0x3F8C] =	sst s1;
	(tag) =	ssettag s2;
	_ =	strace s9  }
0x27: {  	s1 =	sld [smem:$0x3F9C]  }
0x28: {  	s2 =	sld [smem:$0x3F9D]  }
0x29: {  	s4 =	sld [smem:$0x3F9F]  }
0x2a: {  	p0 =	seq.s32 s5, $0x0;
	s5 =	sld [smem:$0x3FA0]  }
0x2b: {  	s6 =	sld [smem:$0x3FA1]  }
0x2c: {  	s7 =	sld [smem:$0x3FA2]  }
0x2d: {  	s3 =	simm.s32 $0x108;
	s8 =	sld [smem:$0x3FA3]  }
0x2e: {  	s3 =	simm.s32 @!p0 $0x1082;
	s9 =	sld [smem:$0x3FA4]  }
0x2f: {  	lr =	sadd.s32 s0, s3;
	s0 =	sld [smem:$0x3F9B]  }
0x30: {  	s3 =	sld [smem:$0x3F9E]  }
0x31: {  	[smem:$0x3FA7] =	sst s10  }
0x32: {  	s10 =	sld [smem:$0x3FA5];
	_ =	sdelay $0x3  }
0x33: {  	p0 =	seq.s32 s10, $0x1;
	s10 =	sld [smem:$0x3FA7];
	_ =	sdelay $0x3  }
0x34: {  	[smem:$0x3FA7] =	sst s10  }
0x35: {  	s10 =	sld [smem:$0x3FA6];
	_ =	sdelay $0x3  }
0x36: {  	p1 =	seq.s32 s10, $0x1;
	s10 =	sld [smem:$0x3FA7];
	_ =	sdelay $0x3  }
0x37: {  	[smem:$0x3FA7] =	sst s10  }
0x38: {  	s10 =	sld [smem:$0x3FA8]  }
0x39: {  	_ = 	snop;
	(pc) =	sbr.ind lr, $3  }
0x3a: {  	_ = 	snop  }
0x3b: {  	_ = 	snop  }
0x3c: {  	p2 =	seq.s32 s10, $0x1;
	s10 =	sld [smem:$0x3FA7]  }
0x3d: {  	_ =	shalt  }
0x3e: {  	_ =	shalt  }
0x3f: {  	_ =	shalt  }
0x40: {  	_ =	shalt  }
0x41: {  	_ =	shalt  }
0x42: {  	_ =	shalt  }
0x43: {  	_ =	shalt  }
0x44: {  	_ =	shalt  }
0x45: {  	_ =	shalt  }
0x46: {  	_ =	shalt  }
0x47: {  	_ =	shalt  }
0x48: {  	_ =	shalt  }
0x49: {  	_ =	shalt  }
0x4a: {  	_ =	shalt  }
0x4b: {  	_ =	shalt  }
0x4c: {  	_ =	shalt  }
0x4d: {  	_ =	shalt  }
0x4e: {  	_ =	shalt  }
0x4f: {  	_ =	shalt  }
0x50: {  	_ =	shalt  }
0x51: {  	_ =	shalt  }
0x52: {  	_ =	shalt  }
0x53: {  	_ =	shalt  }
0x54: {  	_ =	shalt  }
0x55: {  	_ =	shalt  }
0x56: {  	_ =	shalt  }
0x57: {  	_ =	shalt  }
0x58: {  	_ =	shalt  }
0x59: {  	_ =	shalt  }
0x5a: {  	_ =	shalt  }
0x5b: {  	_ =	shalt  }
0x5c: {  	_ =	shalt  }
0x5d: {  	_ =	shalt  }
0x5e: {  	_ =	shalt  }
0x5f: {  	_ =	shalt  }
0x60: {  	_ =	shalt  }
0x61: {  	_ =	shalt  }
0x62: {  	_ =	shalt  }
0x63: {  	_ =	shalt  }
0x64: {  	_ =	shalt  }
0x65: {  	_ =	shalt  }
0x66: {  	_ =	shalt  }
0x67: {  	_ =	shalt  }
0x68: {  	_ =	shalt  }
0x69: {  	_ =	shalt  }
0x6a: {  	_ =	shalt  }
0x6b: {  	_ =	shalt  }
0x6c: {  	_ =	shalt  }
0x6d: {  	_ =	shalt  }
0x6e: {  	_ =	shalt  }
0x6f: {  	_ =	shalt  }
0x70: {  	_ =	shalt  }
0x71: {  	_ =	shalt  }
0x72: {  	_ =	shalt  }
0x73: {  	_ =	shalt  }
0x74: {  	_ =	shalt  }
0x75: {  	_ =	shalt  }
0x76: {  	_ =	shalt  }
0x77: {  	_ =	shalt  }
0x78: {  	_ =	shalt  }
0x79: {  	_ =	shalt  }
0x7a: {  	_ =	shalt  }
0x7b: {  	_ =	shalt  }
0x7c: {  	_ =	shalt  }
0x7d: {  	_ =	shalt  }
0x7e: {  	_ =	shalt  }
0x7f: {  	_ =	shalt  }
0x80: {  	_ =	shalt  }
0x81: {  	_ =	shalt  }
0x82: {  	_ =	shalt  }
0x83: {  	_ =	shalt  }
0x84: {  	_ =	shalt  }
0x85: {  	_ =	shalt  }
0x86: {  	_ =	shalt  }
0x87: {  	_ =	shalt  }
.Lfunc_end0:
.L_simem_size_0:
called_computation.1_lowered:
.L_overlay_start_0:
0x88: {  	s2 =	sld [smem:$0x3FD9]  }
0x89: {  	s3 =	sld [smem:$0x3FFE];
	_ =	sdelay $0x1  }
0x8a: {  	s1 =	srdreg.scid  }
0x8b: {  	s0 =	sand.u32 $0x1, s1  }
0x8c: {  	s17 =	sshll.u32 s0, $0xA;
	s2 =	sadd.s32 s3, s2  }
0x8d: {  	s2 =	sadd.s32 s2, s17  }
0x8e: {  	[smem:$0x3FB3] =	sst s2  }
0x8f: {  	_ = 	snop  }
0x90: {  	s4 =	sld [smem:$0x3FC8]  }
0x91: {  	s18 =	sld [smem:$0x3FD0];
	(tm) =	ssettm $0x1  }
0x92: {  	s19 =	sld [smem:$0x3FFB];
	_ =	sdelay $0x3  }
0x93: {  	_ =	strace s19  }
0x94: {  	s2 =	sld [smem:$0x3FFC];
	_ =	sdelay $0x3  }
0x95: {  	_ =	strace s2  }
0x96: {  	s2 =	sld [smem:$0x3FFD];
	_ =	sdelay $0x3  }
0x97: {  	_ =	strace s2  }
0x98: {  	_ =	strace $0x8FFFFFFF  }
0x99: {  	s20 =	sld [smem:$0x3FDB];
	_ =	sdelay $0x1  }
0x9a: {  	s5 =	simm.s32 $_scs_section_size  }
0x9b: {  	s6 =	simm.s32 $_size__tile_overlayer_lowered;
	s7 =	simm.s32 $_tile_overlayer_lowered  }
0x9c: {  	s8 =	simm.s32 $0x1BFF;
	s21 =	sshll.u32 s7, $0x1;
	s5 =	sadd.s32 s5, s20  }
0x9d: {  	s22 =	simm.s32 $0x0;
	s6 =	sshll.u32 s6, $0x1;
	s7 =	sadd.s32 s21, s5  }
0x9e: {  	[timem:s22], [sflag:s8] =	dma.local [hbm:s7], s6  }
0x9f: {  	_ =	swait.ge [sflag:s8], s6  }
0xa0: {  	s6 =	ssub.s32 $0x0, s6;
	[sflag:s8] =	ssyncset.done $0x0  }
0xa1: {  	[sflag:s8] =	ssyncadd.s32 s6;
	_ =	sdelay $0x1  }
0xa2: {  	s23 =	simm.s32 $0x1B8B  }
0xa3: {  	_ =	swait.ge [sflag:s23], $0x1  }
0xa4: {  	[sflag:s23] =	ssyncset.done $0x0  }
0xa5: {  	[sflag:s23] =	ssyncadd.s32 $0xFFFFFFFF  }
0xa6: {  	s6 =	sld [smem:$0x0]  }
0xa7: {  	s7 =	sand.u32 $0xFFFFFFFE, s1  }
0xa8: {  	p0 =	sne.s32 s1, s7  }
0xa9: {  	s7 =	sshll.u32 @p0 s7, $0xE  }
0xaa: {  	s7 =	sadd.s32 @p0 $0x11B8D, s7;
	s8 =	sshll.u32 @p0 s6, $0x11  }
0xab: {  	s7 =	sor.u32 @p0 s8, s7  }
0xac: {  	[sflag:s7] =	ssyncadd.remote.s32 @p0 $0x1;
	_ =	sdelay $0x1  }
0xad: {  	s7 =	simm.s32 @p0 $0x1B8D  }
0xae: {  	_ =	swait.eq @p0 [sflag:s7], $0x1  }
0xaf: {  	[sflag:s7] =	ssyncadd.s32 @p0 $0xFFFFFFFF  }
0xb0: {  	s8 =	sshll.u32 @!p0 s1, $0xE  }
0xb1: {  	s8 =	sor.u32 @!p0 $0x4000, s8;
	s7 =	simm.s32 @!p0 $0x1B8D  }
0xb2: {  	s6 =	sshll.u32 @!p0 s6, $0x11;
	s8 =	sadd.s32 @!p0 $0x11B8D, s8;
	_ =	swait.eq @!p0 [sflag:s7], $0x1  }
0xb3: {  	s6 =	sor.u32 @!p0 s6, s8;
	[sflag:s7] =	ssyncadd.s32 @!p0 $0xFFFFFFFF  }
0xb4: {  	s25 =	simm.s32 $0x1B8E;
	s24 =	sld [smem:$0x3FFE];
	[sflag:s6] =	ssyncadd.remote.s32 @!p0 $0x1  }
0xb5: {  	s26 =	simm.s32 $execute0_lowered;
	[smem:$0x3FD2] =	sst s25  }
0xb6: {  	s7 =	sshll.u32 s26, $0x1;
	_ =	strace $0x8000004C;
	[dreg:$0x1] =	wrdreg $0xFFFFFFFF  }
0xb7: {  	s28 =	simm.s32 $_size_execute0_lowered;
	s5 =	sadd.s32 s5, s7;
	[dreg:$0x0] =	wrdreg $0x0  }
0xb8: {  	s7 =	sshll.u32 s28, $0x1;
	[dreg:$0x2] =	wrdreg s5  }
0xb9: {  	[dreg:$0x3] =	wrdreg s7  }
0xba: {  	[dreg:$0x4] =	wrdreg $0xC0  }
0xbb: {  	_ =	task [dreg:s22], $0x5FFFF  }
0xbc: {  	[dreg:$0x1] =	wrdreg $0xFFFFFFFF  }
0xbd: {  	[dreg:$0x0] =	wrdreg $0x60  }
0xbe: {  	[dreg:$0x2] =	wrdreg s4  }
0xbf: {  	[dreg:$0x3] =	wrdreg s24  }
0xc0: {  	[dreg:$0x4] =	wrdreg s18  }
0xc1: {  	[dreg:$0x5] =	wrdreg $0x68000  }
0xc2: {  	[dreg:$0x6] =	wrdreg $0x9  }
0xc3: {  	_ =	task.clear_ibuf [dreg:s22], $0x7FFFF;
	_ =	strace $0x9000004C  }
0xc4: {  	s29 =	simm.s32 $0x9;
	_ =	strace $0x8000004E  }
0xc5: {  	_ =	swait.ge [sflag:s29], $0x1  }
0xc6: {  	[sflag:s29] =	ssyncadd.s32 $0xFFFFFFFF  }
0xc7: {  	_ =	strace $0x9000004E  }
0xc8: {  	_ =	sfence  }
0xc9: {  	s30 =	sld [smem:$0x0];
	_ =	sdelay $0x2  }
0xca: {  	s31 =	sshll.u32 s1, $0xD;
	s1 =	sshrl.u32 s1, $0x2  }
0xcb: {  	s4 =	sand.u32 $0x4000, s31;
	s1 =	sadd.s32 s1, s30  }
0xcc: {  	s0 =	sor.u32 s4, s0;
	s1 =	sshll.u32 s1, $0x11  }
0xcd: {  	s0 =	sor.u32 s1, s0  }
0xce: {  	s0 =	sadd.s32 $0x8F2B, s0  }
0xcf: {  	[sflag:s0] =	ssyncadd.remote.s32 $0x1  }
0xd0: {  	_ =	sfence.sel $0xFFFF  }
0xd1: {  	[dreg:$0x0] =	wrdreg $0xFFFFFFFF;
	(pc) =	sbr.abs _section_cstart, $3  }
0xd2: {  	[dreg:$0x1] =	wrdreg $0xFFFFFFFF  }
0xd3: {  	_ =	task.clear_ibuf [dreg:s22], $0x2FFFF;
	_ =	strace $0x9FFFFFFF  }
0xd4: {  	(tm) =	ssettm $0x7FFFFFFF  }
0xd5: {  	_ =	shalt  }
tec
execute0_lowered:
.L_overlay_start_1:
0x0: {  	(tag) =	ssettag $0x1  }
0x1: {  	s1 =	rddreg [dreg:$0x0]  }
0x2: {  	s6 =	rddreg [dreg:$0x1]  }
0x3: {  	s3 =	rddreg [dreg:$0x2];
	s2 =	srdreg.scid  }
0x4: {  	s0 =	stileid.u32;
	s4 =	rddreg [dreg:$0x3]  }
0x5: {  	s5 =	simm.s32 $0x0;
	s21 =	simm.s32 $0x2800;
	s22 =	simm.s32 $0x2  }
0x6: {  	s23 =	simm.s32 $0x1400;
	s24 =	simm.s32 $0x80;
	s25 =	simm.s32 $0x1  }
0x7: {  	s7 =	sand.u32 $0x1, s2;
	s8 =	smul.u32 $0x280, s0;
	s2 =	rddreg [dreg:$0x4]  }
0x8: {  	s26 =	simm.s32 $0x0;
	[smem:$0x7FF] =	sst s5;
	s29 =	smul.u32 $0x50000, s0  }
0x9: {  	s13 =	sadd.s32 $0x5400, s6;
	s14 =	sadd.s32 $0xF400, s6;
	s9 =	smul.u32 $0x2800, s7  }
0xa: {  	s30 =	sshll.u32 s0, $0x2;
	s31 =	sshll.u32 s7, $0x1;
	s7 =	ssub.s32 $0x2, s7  }
0xb: {  	_ =	strace $0x8000004D;
	s10 =	sshrl.u32 s7, $0x1;
	s8 =	sadd.s32 s8, s9  }
0xc: {  	s9 =	sshrl.u32 s29, $0x2;
	s20 =	ssub.s32 s7, s10;
	s8 =	sshll.u32 s8, $0x4  }
0xd: {  	s19 =	sadd.s32 s8, s6;
	s8 =	sor.u32 s31, s30;
	s6 =	sadd.s32 s9, s4  }
0xe: {  	s20 =	smax.u32 s20, $0x1;
	s11 =	smul.u32 $0x1400, s8;
	s7 =	sadd.s32 $0x4000, s6  }
0xf: {  	s12 =	smul.u32 $0x280, s8;
	s8 =	sadd.s32 $0x8000, s6;
	s9 =	sadd.s32 $0xC000, s6  }
0x10: {  	s10 =	sadd.s32 $0x10000, s6;
	s16 =	sadd.s32 $0xCE400, s19;
	s15 =	sshrl.u32 s11, $0x3  }
0x11: {  	s17 =	sadd.s32 $0xCEC00, s19;
	s18 =	sadd.s32 $0xCF400, s19;
	s15 =	sadd.s32 $0x280, s15  }
0x12: {  	s11 =	sadd.s32 s13, s12;
	s12 =	sadd.s32 s14, s12;
	s13 =	sadd.s32 s13, s15  }
0x13: {  	s14 =	sadd.s32 s14, s15;
	s15 =	sadd.s32 $0xCDC00, s19;
	s19 =	sadd.s32 $0xCFC00, s19  }
.LBB2_1:
0x14: {  	[tilespmem:s21], [sflag:$0x2] =	stream.linear.gather [hbm4b:s3+s5], $0x4000, $0x38;
	[tilespmem:$0x1A800] =	vst v63  }
0x15: {  	_ =	swait.ge [sflag:s22], $0x4000  }
0x16: {  	[sflag:s22] =	ssyncset.done $0x0  }
0x17: {  	[sflag:s22] =	ssyncadd.s32 $0xFFFFC000  }
0x18: {  	[spmem:s6] =	stream.linear.scatter [tilespmem:s21], [sflag:$0x2], $0x4000, $0x38;
	[tilespmem:$0x1A800] =	vst v63  }
0x19: {  	_ =	swait.ge [sflag:s22], $0x4000  }
0x1a: {  	[sflag:s22] =	ssyncset.done $0x0  }
0x1b: {  	[sflag:s22] =	ssyncadd.s32 $0xFFFFC000  }
0x1c: {  	[spmem:s7] =	stream.linear.scatter [tilespmem:s21], [sflag:$0x2], $0x4000, $0x38;
	[tilespmem:$0x1A800] =	vst v63  }
0x1d: {  	_ =	swait.ge [sflag:s22], $0x4000  }
0x1e: {  	[sflag:s22] =	ssyncset.done $0x0  }
0x1f: {  	[sflag:s22] =	ssyncadd.s32 $0xFFFFC000  }
0x20: {  	[spmem:s8] =	stream.linear.scatter [tilespmem:s21], [sflag:$0x2], $0x4000, $0x38;
	[tilespmem:$0x1A800] =	vst v63  }
0x21: {  	_ =	swait.ge [sflag:s22], $0x4000  }
0x22: {  	[sflag:s22] =	ssyncset.done $0x0  }
0x23: {  	[sflag:s22] =	ssyncadd.s32 $0xFFFFC000  }
0x24: {  	[spmem:s9] =	stream.linear.scatter [tilespmem:s21], [sflag:$0x2], $0x4000, $0x38;
	[tilespmem:$0x1A800] =	vst v63  }
0x25: {  	_ =	swait.ge [sflag:s22], $0x4000  }
0x26: {  	[sflag:s22] =	ssyncset.done $0x0  }
0x27: {  	[sflag:s22] =	ssyncadd.s32 $0xFFFFC000  }
0x28: {  	[spmem:s10] =	stream.linear.scatter [tilespmem:s21], [sflag:$0x2], $0x4000, $0x38;
	[tilespmem:$0x1A800] =	vst v63  }
0x29: {  	_ =	swait.ge [sflag:s22], $0x4000  }
0x2a: {  	[sflag:s22] =	ssyncset.done $0x0  }
0x2b: {  	[sflag:s22] =	ssyncadd.s32 $0xFFFFC000  }
0x2c: {  	[bflag:$0x0] =	sbarrier.arrive $0xFFFF  }
0x2d: {  	[tilespmem:s5], [sflag:$0x2] =	stream.linear.gather [hbm4b:s11+s5], $0x1400, $0x38;
	[tilespmem:$0x1A800] =	vst v63  }
0x2e: {  	_ =	swait.ge [sflag:s22], $0x1400  }
0x2f: {  	[sflag:s22] =	ssyncset.done $0x0  }
0x30: {  	[sflag:s22] =	ssyncadd.s32 $0xFFFFEC00  }
0x31: {  	[tilespmem:s23], [sflag:$0x2] =	stream.linear.gather [hbm4b:s12+s5], $0x1400, $0x38;
	[tilespmem:$0x1A800] =	vst v63  }
0x32: {  	_ =	swait.ge [sflag:s22], $0x1400  }
0x33: {  	[sflag:s22] =	ssyncset.done $0x0  }
0x34: {  	s28 =	simm.s32 $0x0;
	[sflag:s22] =	ssyncadd.s32 $0xFFFFEC00  }
0x35: {  	[tilespmem:s21], [sflag:$0x1] =	stream.indirect.gather [hbm4b:s1+s24], $0x80, s28, s24, $0xb8;
	[tilespmem:$0x1A800] =	vst v63  }
0x36: {  	_ =	swait.ge [sflag:s25], $0x4000  }
0x37: {  	[sflag:s25] =	ssyncset.done $0x0  }
0x38: {  	s28 =	simm.s32 $0x1400;
	[sflag:s25] =	ssyncadd.s32 $0xFFFFC000  }
0x39: {  	[spmem:s4] =	stream.indirect.scatter.add.f32 [tilespmem:s21], [sflag:$0x2], $0x80, s28, s24, $0xb8;
	[tilespmem:$0x1A800] =	vst v63  }
0x3a: {  	_ =	swait.ge [sflag:s22], $0x4000  }
0x3b: {  	s29 =	simm.s32 $0x400;
	s28 =	simm.s32 $0x200;
	[sflag:s22] =	ssyncset.done $0x0  }
.LBB2_2:
0x3c: {  	s30 =	sshra.s32 s28, $0x2  }
0x3d: {  	[sflag:s22] =	ssyncadd.s32 $0xFFFFC000;
	s28 =	smov.u32 s29;
	s31 =	sadd.s32 $0x200, s29  }
0x3e: {  	[tilespmem:s21], [sflag:$0x1] =	stream.indirect.gather [hbm4b:s1+s24], $0x80, s30, s24, $0xb8;
	[tilespmem:$0x1A800] =	vst v63  }
0x3f: {  	p0 =	sne.s32 s29, $0x4E00;
	_ =	swait.ge [sflag:s25], $0x4000  }
.Ltmp0:
0x40: {  	[sflag:s25] =	ssyncset.done $0x0;
	(pc) =	sbr.rel @p0 .LBB2_2-.Ltmp0, $4  }
0x41: {  	s29 =	sadd.s32 $0x1400, s30;
	[sflag:s25] =	ssyncadd.s32 $0xFFFFC000  }
0x42: {  	[spmem:s4] =	stream.indirect.scatter.add.f32 [tilespmem:s21], [sflag:$0x2], $0x80, s29, s24, $0xb8;
	[tilespmem:$0x1A800] =	vst v63  }
0x43: {  	_ =	swait.ge [sflag:s22], $0x4000  }
0x44: {  	s29 =	smov.u32 s31;
	[sflag:s22] =	ssyncset.done $0x0  }
0x45: {  	s28 =	sshra.s32 s28, $0x2;
	[sflag:s22] =	ssyncadd.s32 $0xFFFFC000  }
0x46: {  	[tilespmem:s21], [sflag:$0x1] =	stream.indirect.gather [hbm4b:s1+s24], $0x80, s28, s24, $0xb8;
	[tilespmem:$0x1A800] =	vst v63  }
0x47: {  	_ =	swait.ge [sflag:s25], $0x4000  }
0x48: {  	[sflag:s25] =	ssyncset.done $0x0  }
0x49: {  	s28 =	sadd.s32 $0x1400, s28;
	[sflag:s25] =	ssyncadd.s32 $0xFFFFC000  }
0x4a: {  	[spmem:s4] =	stream.indirect.scatter.add.f32 [tilespmem:s21], [sflag:$0x2], $0x80, s28, s24, $0xb8;
	[tilespmem:$0x1A800] =	vst v63  }
0x4b: {  	_ =	swait.ge [sflag:s22], $0x4000  }
0x4c: {  	[sflag:s22] =	ssyncset.done $0x0  }
0x4d: {  	s28 =	simm.s32 $0x0;
	[sflag:s22] =	ssyncadd.s32 $0xFFFFC000  }
0x4e: {  	[tilespmem:s28], [sflag:$0x2] =	stream.linear.gather [hbm4b:s13+s28], $0x1400, $0x38;
	[tilespmem:$0x1A800] =	vst v63  }
0x4f: {  	_ =	swait.ge [sflag:s22], $0x1400  }
0x50: {  	[sflag:s22] =	ssyncset.done $0x0  }
0x51: {  	[sflag:s22] =	ssyncadd.s32 $0xFFFFEC00  }
0x52: {  	[tilespmem:s23], [sflag:$0x2] =	stream.linear.gather [hbm4b:s14+s28], $0x1400, $0x38;
	[tilespmem:$0x1A800] =	vst v63  }
0x53: {  	_ =	swait.ge [sflag:s22], $0x1400  }
0x54: {  	[sflag:s22] =	ssyncset.done $0x0  }
0x55: {  	s28 =	simm.s32 $0x0;
	[sflag:s22] =	ssyncadd.s32 $0xFFFFEC00  }
0x56: {  	[tilespmem:s21], [sflag:$0x1] =	stream.indirect.gather [hbm4b:s1+s24], $0x80, s28, s24, $0xb8;
	[tilespmem:$0x1A800] =	vst v63  }
0x57: {  	_ =	swait.ge [sflag:s25], $0x4000  }
0x58: {  	[sflag:s25] =	ssyncset.done $0x0  }
0x59: {  	s28 =	simm.s32 $0x1400;
	[sflag:s25] =	ssyncadd.s32 $0xFFFFC000  }
0x5a: {  	[spmem:s4] =	stream.indirect.scatter.add.f32 [tilespmem:s21], [sflag:$0x2], $0x80, s28, s24, $0xb8;
	[tilespmem:$0x1A800] =	vst v63  }
0x5b: {  	_ =	swait.ge [sflag:s22], $0x4000  }
0x5c: {  	s29 =	simm.s32 $0x400;
	s28 =	simm.s32 $0x200;
	[sflag:s22] =	ssyncset.done $0x0  }
.LBB2_4:
0x5d: {  	s30 =	sshra.s32 s28, $0x2  }
0x5e: {  	[sflag:s22] =	ssyncadd.s32 $0xFFFFC000;
	s28 =	smov.u32 s29;
	s31 =	sadd.s32 $0x200, s29  }
0x5f: {  	[tilespmem:s21], [sflag:$0x1] =	stream.indirect.gather [hbm4b:s1+s24], $0x80, s30, s24, $0xb8;
	[tilespmem:$0x1A800] =	vst v63  }
0x60: {  	p0 =	sne.s32 s29, $0x4E00;
	_ =	swait.ge [sflag:s25], $0x4000  }
.Ltmp1:
0x61: {  	[sflag:s25] =	ssyncset.done $0x0;
	(pc) =	sbr.rel @p0 .LBB2_4-.Ltmp1, $4  }
0x62: {  	s29 =	sadd.s32 $0x1400, s30;
	[sflag:s25] =	ssyncadd.s32 $0xFFFFC000  }
0x63: {  	[spmem:s4] =	stream.indirect.scatter.add.f32 [tilespmem:s21], [sflag:$0x2], $0x80, s29, s24, $0xb8;
	[tilespmem:$0x1A800] =	vst v63  }
0x64: {  	_ =	swait.ge [sflag:s22], $0x4000  }
0x65: {  	s29 =	smov.u32 s31;
	[sflag:s22] =	ssyncset.done $0x0  }
0x66: {  	s28 =	sshra.s32 s28, $0x2;
	[sflag:s22] =	ssyncadd.s32 $0xFFFFC000  }
0x67: {  	[tilespmem:s21], [sflag:$0x1] =	stream.indirect.gather [hbm4b:s1+s24], $0x80, s28, s24, $0xb8;
	[tilespmem:$0x1A800] =	vst v63  }
0x68: {  	_ =	swait.ge [sflag:s25], $0x4000  }
0x69: {  	[sflag:s25] =	ssyncset.done $0x0  }
0x6a: {  	s28 =	sadd.s32 $0x1400, s28;
	[sflag:s25] =	ssyncadd.s32 $0xFFFFC000  }
0x6b: {  	[spmem:s4] =	stream.indirect.scatter.add.f32 [tilespmem:s21], [sflag:$0x2], $0x80, s28, s24, $0xb8;
	[tilespmem:$0x1A800] =	vst v63  }
0x6c: {  	_ =	swait.ge [sflag:s22], $0x4000  }
0x6d: {  	[sflag:s22] =	ssyncset.done $0x0  }
0x6e: {  	[sflag:s22] =	ssyncadd.s32 $0xFFFFC000  }
0x6f: {  	[bflag:$0x0] =	sbarrier.arrive $0xFFFF  }
0x70: {  	[tilespmem:s21], [sflag:$0x2] =	stream.linear.gather [spmem:s6], $0x4000, $0x38;
	[tilespmem:$0x1A800] =	vst v63  }
0x71: {  	_ =	swait.ge [sflag:s22], $0x4000  }
0x72: {  	[sflag:s22] =	ssyncset.done $0x0  }
0x73: {  	[sflag:s22] =	ssyncadd.s32 $0xFFFFC000  }
0x74: {  	[hbm4b:s15+s5] =	stream.linear.scatter [tilespmem:s21], [sflag:$0x2], $0x4000, $0x38;
	[tilespmem:$0x1A800] =	vst v63  }
0x75: {  	_ =	swait.ge [sflag:s22], $0x4000  }
0x76: {  	[sflag:s22] =	ssyncset.done $0x0  }
0x77: {  	[sflag:s22] =	ssyncadd.s32 $0xFFFFC000  }
0x78: {  	[tilespmem:s21], [sflag:$0x2] =	stream.linear.gather [spmem:s7], $0x4000, $0x38;
	[tilespmem:$0x1A800] =	vst v63  }
0x79: {  	_ =	swait.ge [sflag:s22], $0x4000  }
0x7a: {  	[sflag:s22] =	ssyncset.done $0x0  }
0x7b: {  	[sflag:s22] =	ssyncadd.s32 $0xFFFFC000  }
0x7c: {  	[hbm4b:s16+s5] =	stream.linear.scatter [tilespmem:s21], [sflag:$0x2], $0x4000, $0x38;
	[tilespmem:$0x1A800] =	vst v63  }
0x7d: {  	_ =	swait.ge [sflag:s22], $0x4000  }
0x7e: {  	[sflag:s22] =	ssyncset.done $0x0  }
0x7f: {  	[sflag:s22] =	ssyncadd.s32 $0xFFFFC000  }
0x80: {  	[tilespmem:s21], [sflag:$0x2] =	stream.linear.gather [spmem:s8], $0x4000, $0x38;
	[tilespmem:$0x1A800] =	vst v63  }
0x81: {  	_ =	swait.ge [sflag:s22], $0x4000  }
0x82: {  	[sflag:s22] =	ssyncset.done $0x0  }
0x83: {  	[sflag:s22] =	ssyncadd.s32 $0xFFFFC000  }
0x84: {  	[hbm4b:s17+s5] =	stream.linear.scatter [tilespmem:s21], [sflag:$0x2], $0x4000, $0x38;
	[tilespmem:$0x1A800] =	vst v63  }
0x85: {  	_ =	swait.ge [sflag:s22], $0x4000  }
0x86: {  	[sflag:s22] =	ssyncset.done $0x0  }
0x87: {  	[sflag:s22] =	ssyncadd.s32 $0xFFFFC000  }
0x88: {  	[tilespmem:s21], [sflag:$0x2] =	stream.linear.gather [spmem:s9], $0x4000, $0x38;
	[tilespmem:$0x1A800] =	vst v63  }
0x89: {  	_ =	swait.ge [sflag:s22], $0x4000  }
0x8a: {  	[sflag:s22] =	ssyncset.done $0x0  }
0x8b: {  	[sflag:s22] =	ssyncadd.s32 $0xFFFFC000  }
0x8c: {  	[hbm4b:s18+s5] =	stream.linear.scatter [tilespmem:s21], [sflag:$0x2], $0x4000, $0x38;
	[tilespmem:$0x1A800] =	vst v63  }
0x8d: {  	_ =	swait.ge [sflag:s22], $0x4000  }
0x8e: {  	[sflag:s22] =	ssyncset.done $0x0  }
0x8f: {  	[sflag:s22] =	ssyncadd.s32 $0xFFFFC000  }
0x90: {  	[tilespmem:s21], [sflag:$0x2] =	stream.linear.gather [spmem:s10], $0x4000, $0x38;
	[tilespmem:$0x1A800] =	vst v63  }
0x91: {  	s26 =	sadd.s32 $0x1, s26;
	_ =	swait.ge [sflag:s22], $0x4000  }
0x92: {  	p0 =	sne.s32 s26, s20;
	[sflag:s22] =	ssyncset.done $0x0  }
.Ltmp2:
0x93: {  	[sflag:s22] =	ssyncadd.s32 $0xFFFFC000;
	(pc) =	sbr.rel @p0 .LBB2_1-.Ltmp2, $4  }
0x94: {  	[hbm4b:s19+s5] =	stream.linear.scatter [tilespmem:s21], [sflag:$0x2], $0x4000, $0x38;
	[tilespmem:$0x1A800] =	vst v63  }
0x95: {  	_ =	swait.ge [sflag:s22], $0x4000  }
0x96: {  	[sflag:s22] =	ssyncset.done $0x0  }
0x97: {  	[sflag:s22] =	ssyncadd.s32 $0xFFFFC000  }
0x98: {  	_ =	sfence.sel $0x180000  }
0x99: {  	[bflag:$0x0] =	sbarrier.arrive $0xFFFF  }
0x9a: {  	p0 =	sne.s32 s0, $0x0;
	_ =	strace $0x9000004D  }
0x9b: {  	s0 =	sadd.s32 @!p0 $0x100000, s2;
	[bflag:$0x2] =	sbarrier.arrive $0xFFFF  }
0x9c: {  	[sflag:s0] =	ssyncadd.tile.s32 @!p0 $0x1;
	_ =	shalt  }
.Lfunc_end2:
_tile_overlayer_lowered:
.L_overlay_start_2:
0x9d: {  	(tag) =	ssettag $0x2  }
0x9e: {  	s0 =	rddreg [dreg:$0x0];
	s2 =	stileid.u32  }
0x9f: {  	s1 =	rddreg [dreg:$0x1];
	p0 =	sne.s32 s2, $0x0  }
0xa0: {  	s3 =	rddreg [dreg:$0x2];
	[bflag:$0x3] =	sbarrier.arrive $0xFFFF;
	s2 =	simm.s32 @!p0 $0x1C02  }
0xa1: {  	[timem:s3], [sflag:s2] =	dma.local @!p0 [hbm:s0], s1  }
0xa2: {  	s0 =	simm.s32 @!p0 $0x2  }
0xa3: {  	_ =	swait.ge @!p0 [sflag:s0], s1  }
0xa4: {  	s1 =	ssub.s32 @!p0 $0x0, s1;
	[sflag:s0] =	ssyncset.done @!p0 $0x0  }
0xa5: {  	[sflag:s0] =	ssyncadd.s32 @!p0 s1  }
0xa6: {  	[bflag:$0x3] =	sbarrier.arrive $0xFFFF  }
0xa7: {  	_ =	shalt  }

</sc_bundles>
